<compile_context>
chip_gen: v7x
topology: tpu7x:2x2x1
jax: 0.10.2.dev20260603
libtpu: 0.0.44.dev20260713+nightly
codegen_flags: <defaults>
</compile_context>

<pallas_src>
import jax
import jax.numpy as jnp
from jax import lax
from jax.experimental import pallas as pl
from jax.experimental.pallas import tpu as pltpu
from jax.experimental.pallas import tpu_sc as plsc

_NC = 2
_NS = 16
_L = 16

_N_WEIGHTS = 100000
_PAD_W = 100352
_B, _T, _F = 4096, 200, 8
_BT = _B // 128
_TI = _T // 8
_CH_TI = 5
_N_CHUNKS = _TI // _CH_TI
_CH_T = _CH_TI * 8
_CH_GROUPS = _CH_T * 128 // _L


def _softmax_body(lw_ref, out_ref):
    v = lw_ref[...]
    m = jnp.max(v)
    e = jnp.exp(v - m)
    out_ref[...] = e * (1.0 / jnp.sum(e))


def _softmax_tc(lw_pad):
    return pl.pallas_call(
        _softmax_body,
        out_shape=jax.ShapeDtypeStruct((_PAD_W // 128, 128), jnp.float32),
    )(lw_pad)


def _body(xv_hbm, w_hbm, out_hbm, wtab, stab, xbufs, obufs, sem_t, sems_x,
          sems_o):
    c = lax.axis_index("c")
    s = lax.axis_index("s")
    w = c * _NS + s

    cp_x = [None, None]
    cp_x[0] = pltpu.async_copy(
        xv_hbm.at[pl.ds(0, _CH_T), w, 0, :], xbufs[0], sems_x[0]
    )

    @pl.when(s == 0)
    def _stage():
        pltpu.async_copy(w_hbm, stab, sem_t).wait()

    plsc.subcore_barrier()
    pltpu.async_copy(stab, wtab, sem_t).wait()

    cp_o = [None, None]
    for i in range(_N_CHUNKS):
        cur = i % 2
        nxt = 1 - cur
        if i + 1 < _N_CHUNKS:
            cp_x[nxt] = pltpu.async_copy(
                xv_hbm.at[pl.ds((i + 1) * _CH_T, _CH_T), w, 0, :],
                xbufs[nxt],
                sems_x[nxt],
            )
        cp_x[cur].wait()
        if cp_o[cur] is not None:
            cp_o[cur].wait()
        xbuf = xbufs[cur]
        obuf = obufs[cur]

        def grp(j, _):
            row = j // 8
            col = (j % 8) * _L
            idxv = xbuf[row, pl.ds(col, _L)].astype(jnp.int32)
            g = plsc.load_gather(wtab, [idxv])
            obuf[j // 64, (j // 8) % 8, pl.ds(col, _L)] = g
            return 0

        lax.fori_loop(0, _CH_GROUPS, grp, 0, unroll=8)
        cp_o[cur] = pltpu.async_copy(
            obuf, out_hbm.at[pl.ds(i * _CH_TI, _CH_TI), w, :, :], sems_o[cur]
        )
    for cp in cp_o:
        if cp is not None:
            cp.wait()


@jax.jit
def kernel(x, logit_weights):
    lw_pad = jnp.pad(
        logit_weights, (0, _PAD_W - _N_WEIGHTS), constant_values=-jnp.inf
    ).reshape(_PAD_W // 128, 128)
    wts = _softmax_tc(lw_pad).reshape(_PAD_W)

    xv = x.transpose(1, 0, 2).reshape(_T, _BT, 128, _F).transpose(0, 1, 3, 2)

    mesh = plsc.VectorSubcoreMesh(core_axis_name="c", subcore_axis_name="s")
    sc = pl.kernel(
        _body,
        out_type=jax.ShapeDtypeStruct((_TI, _BT, 8, 128), jnp.float32),
        mesh=mesh,
        scratch_types=[
            pltpu.VMEM((_PAD_W,), jnp.float32),
            pltpu.VMEM_SHARED((_PAD_W,), jnp.float32),
            [pltpu.VMEM((_CH_T, 128), jnp.float32) for _ in range(2)],
            [pltpu.VMEM((_CH_TI, 8, 128), jnp.float32) for _ in range(2)],
            pltpu.SemaphoreType.DMA,
            [pltpu.SemaphoreType.DMA for _ in range(2)],
            [pltpu.SemaphoreType.DMA for _ in range(2)],
        ],
        compiler_params=pltpu.CompilerParams(needs_layout_passes=False),
    )
    res = sc(xv, wts)
    return res.transpose(1, 3, 0, 2).reshape(_B, _T)

# --- scband reference (transcript-rebuilt; emitter-appended) ---
"""Pipeline reference for scband-weight-estimation-model-678604832871 (READ-ONLY COPY).

The authoritative reference and input builder live on the scoring server;
editing this copy changes nothing except your own understanding.
"""

import jax, jax.numpy as jnp
import numpy as np

N_WEIGHTS = 100000
FEATURE_INDEX = 0

def setup_inputs(seed: int = 0) -> dict:
    key = jax.random.key(seed)
    k1, k2 = jax.random.split(key)
    # x: float tensor whose feature 0 encodes an integer index in [0, N_WEIGHTS)
    x = jax.random.randint(k1, (4096, 200, 8), 0, N_WEIGHTS).astype(jnp.float32)
    # learned parameter: logit_weights (torch init is zeros; use small noise so softmax/grads are non-degenerate)
    logit_weights = jax.random.normal(k2, (N_WEIGHTS,), dtype=jnp.float32) * 0.02
    return {"x": x, "logit_weights": logit_weights}

def reference(x, logit_weights):
    # weights = softmax(logit_weights)
    w = jax.nn.softmax(logit_weights, axis=-1)
    # weight_idxs = x[..., feature_index].long()  -> shape x.shape[:-1]
    weight_idxs = x[..., FEATURE_INDEX].astype(jnp.int32)
    # torch.gather(weights.expand(*idx.shape[:-1], -1), -1, idx) == w[idx]
    x_weights = jnp.take(w, weight_idxs, axis=0)
    return x_weights

if __name__ == "__main__":
    import jax
    _d = setup_inputs()
    print(jax.jit(kernel)(*tuple(_d.values())))

</pallas_src>

<mosaic_0001>
#map = affine_map<(d0, d1) -> (0, 0, 0, 0)>
#map1 = affine_map<(d0, d1) -> (0)>
module attributes {stable_mosaic.version = 14 : i64} {
  func.func @_body(%arg0: i32, %arg1: i32, %arg2: memref<200x32x8x128xf32, #tpu.memory_space<hbm>>, %arg3: memref<100352xf32, #tpu.memory_space<hbm>>, %arg4: memref<25x32x8x128xf32, #tpu.memory_space<hbm>>, %arg5: memref<100352xf32, #tpu.memory_space<vmem>>, %arg6: memref<100352xf32, #tpu.memory_space<vmem_shared>>, %arg7: memref<40x128xf32, #tpu.memory_space<vmem>>, %arg8: memref<40x128xf32, #tpu.memory_space<vmem>>, %arg9: memref<5x8x128xf32, #tpu.memory_space<vmem>>, %arg10: memref<5x8x128xf32, #tpu.memory_space<vmem>>, %arg11: memref<!tpu.dma_semaphore, #tpu.memory_space<semaphore_mem>>, %arg12: memref<!tpu.dma_semaphore, #tpu.memory_space<semaphore_mem>>, %arg13: memref<!tpu.dma_semaphore, #tpu.memory_space<semaphore_mem>>, %arg14: memref<!tpu.dma_semaphore, #tpu.memory_space<semaphore_mem>>, %arg15: memref<!tpu.dma_semaphore, #tpu.memory_space<semaphore_mem>>) attributes {dimension_semantics = [#tpu.dimension_semantics<core_parallel>, #tpu.dimension_semantics<subcore_parallel>], iteration_bounds = array<i64: 2, 16>, scalar_prefetch = 0 : i64, scratch_operands = 11 : i64, tpu.core_type = #tpu.core_type<sc_vector_subcore>, window_params = [{transform_indices = #map}, {transform_indices = #map1}, {transform_indices = #map}]} {
    %mul3A = arith.constant 16 : i32
    %mul3A_0 = arith.muli %arg0, %mul3A : i32
    %add3A = arith.addi %mul3A_0, %arg1 : i32
    %dma_start3A = arith.constant 0 : i32
    %dma_start3A_1 = arith.constant 0 : i32
    %dma_start3A_2 = arith.constant 0 : i32
    %dma_start3A_3 = tpu.memref_slice %arg2[%dma_start3A_1, %add3A, %dma_start3A, %dma_start3A_2] : memref<200x32x8x128xf32, #tpu.memory_space<hbm>> -> memref<40x1x1x128xf32, #tpu.memory_space<hbm>>
    %dma_start3A_4 = tpu.memref_squeeze %dma_start3A_3 : memref<40x1x1x128xf32, #tpu.memory_space<hbm>> -> memref<40x128xf32, #tpu.memory_space<hbm>>
    %dma_start3A_5 = arith.constant 0 : i32
    %dma_start3A_6 = arith.constant 0 : i32
    %dma_start3A_7 = tpu.memref_slice %arg2[%dma_start3A_5, %add3A, %dma_start3A, %dma_start3A_6] : memref<200x32x8x128xf32, #tpu.memory_space<hbm>> -> memref<40x1x1x128xf32, #tpu.memory_space<hbm>>
    %dma_start3A_8 = tpu.memref_squeeze %dma_start3A_7 : memref<40x1x1x128xf32, #tpu.memory_space<hbm>> -> memref<40x128xf32, #tpu.memory_space<hbm>>
    tpu.enqueue_dma source(%dma_start3A_8 : memref<40x128xf32, #tpu.memory_space<hbm>>) target(%arg7 : memref<40x128xf32, #tpu.memory_space<vmem>>) target_semaphore(%arg12 : memref<!tpu.dma_semaphore, #tpu.memory_space<semaphore_mem>>)
    %eq3A = arith.constant 0 : i32
    %eq3A_9 = arith.cmpi eq, %arg1, %eq3A : i32
    %convert_element_type3A = arith.extui %eq3A_9 : i1 to i32
    %cond3A = arith.constant 0 : i32
    %cond3A_10 = arith.cmpi ne, %convert_element_type3A, %cond3A : i32
    scf.if %cond3A_10 {
      tpu.enqueue_dma source(%arg3 : memref<100352xf32, #tpu.memory_space<hbm>>) target(%arg6 : memref<100352xf32, #tpu.memory_space<vmem_shared>>) target_semaphore(%arg11 : memref<!tpu.dma_semaphore, #tpu.memory_space<semaphore_mem>>)
      tpu.wait_dma2 semaphore(%arg11 : memref<!tpu.dma_semaphore, #tpu.memory_space<semaphore_mem>>) src(%arg3 : memref<100352xf32, #tpu.memory_space<hbm>>) dst(%arg6 : memref<100352xf32, #tpu.memory_space<vmem_shared>>)
    } else {
    }
    %barrier3A = arith.constant 0 : index
    tpu.barrier barrier_id(%barrier3A)
    tpu.enqueue_dma source(%arg6 : memref<100352xf32, #tpu.memory_space<vmem_shared>>) target(%arg5 : memref<100352xf32, #tpu.memory_space<vmem>>) target_semaphore(%arg11 : memref<!tpu.dma_semaphore, #tpu.memory_space<semaphore_mem>>)
    tpu.wait_dma2 semaphore(%arg11 : memref<!tpu.dma_semaphore, #tpu.memory_space<semaphore_mem>>) src(%arg6 : memref<100352xf32, #tpu.memory_space<vmem_shared>>) dst(%arg5 : memref<100352xf32, #tpu.memory_space<vmem>>)
    %dma_start3A_11 = arith.constant 0 : i32
    %dma_start3A_12 = arith.constant 40 : i32
    %dma_start3A_13 = arith.constant 0 : i32
    %dma_start3A_14 = tpu.memref_slice %arg2[%dma_start3A_12, %add3A, %dma_start3A_11, %dma_start3A_13] : memref<200x32x8x128xf32, #tpu.memory_space<hbm>> -> memref<40x1x1x128xf32, #tpu.memory_space<hbm>>
    %dma_start3A_15 = tpu.memref_squeeze %dma_start3A_14 : memref<40x1x1x128xf32, #tpu.memory_space<hbm>> -> memref<40x128xf32, #tpu.memory_space<hbm>>
    %dma_start3A_16 = arith.constant 40 : i32
    %dma_start3A_17 = arith.constant 0 : i32
    %dma_start3A_18 = tpu.memref_slice %arg2[%dma_start3A_16, %add3A, %dma_start3A_11, %dma_start3A_17] : memref<200x32x8x128xf32, #tpu.memory_space<hbm>> -> memref<40x1x1x128xf32, #tpu.memory_space<hbm>>
    %dma_start3A_19 = tpu.memref_squeeze %dma_start3A_18 : memref<40x1x1x128xf32, #tpu.memory_space<hbm>> -> memref<40x128xf32, #tpu.memory_space<hbm>>
    tpu.enqueue_dma source(%dma_start3A_19 : memref<40x128xf32, #tpu.memory_space<hbm>>) target(%arg8 : memref<40x128xf32, #tpu.memory_space<vmem>>) target_semaphore(%arg13 : memref<!tpu.dma_semaphore, #tpu.memory_space<semaphore_mem>>)
    %dma_wait3A = arith.constant 0 : i32
    %dma_wait3A_20 = arith.constant 0 : i32
    %dma_wait3A_21 = arith.constant 0 : i32
    %dma_wait3A_22 = tpu.memref_slice %arg2[%dma_wait3A_20, %add3A, %dma_wait3A, %dma_wait3A_21] : memref<200x32x8x128xf32, #tpu.memory_space<hbm>> -> memref<40x1x1x128xf32, #tpu.memory_space<hbm>>
    %dma_wait3A_23 = tpu.memref_squeeze %dma_wait3A_22 : memref<40x1x1x128xf32, #tpu.memory_space<hbm>> -> memref<40x128xf32, #tpu.memory_space<hbm>>
    %dma_wait3A_24 = arith.constant 0 : i32
    %dma_wait3A_25 = arith.constant 0 : i32
    %dma_wait3A_26 = tpu.memref_slice %arg2[%dma_wait3A_24, %add3A, %dma_wait3A, %dma_wait3A_25] : memref<200x32x8x128xf32, #tpu.memory_space<hbm>> -> memref<40x1x1x128xf32, #tpu.memory_space<hbm>>
    %dma_wait3A_27 = tpu.memref_squeeze %dma_wait3A_26 : memref<40x1x1x128xf32, #tpu.memory_space<hbm>> -> memref<40x128xf32, #tpu.memory_space<hbm>>
    tpu.wait_dma2 semaphore(%arg12 : memref<!tpu.dma_semaphore, #tpu.memory_space<semaphore_mem>>) src(%dma_wait3A_27 : memref<40x128xf32, #tpu.memory_space<hbm>>) dst(%arg7 : memref<40x128xf32, #tpu.memory_space<vmem>>)
    %scan3A = arith.constant 0 : i32
    %scan3A_28 = arith.constant 0 : i32
    %scan3A_29 = arith.constant 320 : i32
    %scan3A_30 = arith.addi %scan3A_28, %scan3A_29 : i32
    %scan3A_31 = arith.constant 8 : i32
    %scan3A_32 = scf.for %scan3A_225 = %scan3A_28 to %scan3A_30 step %scan3A_31 iter_args(%scan3A_226 = %scan3A) -> (i32)  : i32 {
      %jit3A = arith.constant 8 : i32
      %div3A = arith.divsi %scan3A_225, %jit3A : i32
      %sign3A = arith.constant 0 : i32
      %sign3A_227 = arith.cmpi sgt, %scan3A_225, %sign3A : i32
      %sign3A_228 = arith.extui %sign3A_227 : i1 to i32
      %sign3A_229 = arith.constant 0 : i32
      %sign3A_230 = arith.cmpi slt, %scan3A_225, %sign3A_229 : i32
      %sign3A_231 = arith.extui %sign3A_230 : i1 to i32
      %sign3A_232 = arith.subi %sign3A_228, %sign3A_231 : i32
      %sign3A_233 = arith.constant 0 : i32
      %sign3A_234 = arith.cmpi sgt, %jit3A, %sign3A_233 : i32
      %sign3A_235 = arith.extui %sign3A_234 : i1 to i32
      %sign3A_236 = arith.constant 0 : i32
      %sign3A_237 = arith.cmpi slt, %jit3A, %sign3A_236 : i32
      %sign3A_238 = arith.extui %sign3A_237 : i1 to i32
      %sign3A_239 = arith.subi %sign3A_235, %sign3A_238 : i32
      %ne3A = arith.cmpi ne, %sign3A_232, %sign3A_239 : i32
      %rem3A = arith.remsi %scan3A_225, %jit3A : i32
      %ne3A_240 = arith.constant 0 : i32
      %ne3A_241 = arith.cmpi ne, %rem3A, %ne3A_240 : i32
      %and3A = arith.andi %ne3A, %ne3A_241 : i1
      %sub3A = arith.constant 1 : i32
      %sub3A_242 = arith.subi %div3A, %sub3A : i32
      %select_n3A = arith.select %and3A, %sub3A_242, %div3A : i32
      %jit3A_243 = arith.constant 8 : i32
      %eq3A_244 = arith.constant 0 : i32
      %eq3A_245 = arith.cmpi eq, %jit3A_243, %eq3A_244 : i32
      %jit3A_246 = arith.constant 1 : i32
      %select_n3A_247 = arith.select %eq3A_245, %jit3A_246, %jit3A_243 : i32
      %rem3A_248 = arith.remsi %scan3A_225, %select_n3A_247 : i32
      %ne3A_249 = arith.constant 0 : i32
      %ne3A_250 = arith.cmpi ne, %rem3A_248, %ne3A_249 : i32
      %lt3A = arith.constant 0 : i32
      %lt3A_251 = arith.cmpi slt, %rem3A_248, %lt3A : i32
      %lt3A_252 = arith.constant 0 : i32
      %lt3A_253 = arith.cmpi slt, %select_n3A_247, %lt3A_252 : i32
      %ne3A_254 = arith.xori %lt3A_251, %lt3A_253 : i1
      %and3A_255 = arith.andi %ne3A_254, %ne3A_250 : i1
      %add3A_256 = arith.addi %rem3A_248, %select_n3A_247 : i32
      %select_n3A_257 = arith.select %and3A_255, %add3A_256, %rem3A_248 : i32
      %mul3A_258 = arith.constant 16 : i32
      %mul3A_259 = arith.muli %select_n3A_257, %mul3A_258 : i32
      %get3A = arith.index_cast %select_n3A : i32 to index
      %get3A_260 = arith.index_cast %mul3A_259 : i32 to index
      %get3A_261 = tpu.vector_load %arg7[%get3A, %get3A_260] {strides = array<i32>} : memref<40x128xf32, #tpu.memory_space<vmem>>, vector<16xf32>,
      %convert_element_type3A_262 = arith.fptosi %get3A_261 : vector<16xf32> to vector<16xi32>
      %gather3A = tpu.vector_load_idx %arg5[%convert_element_type3A_262] : memref<100352xf32, #tpu.memory_space<vmem>>[vector<16xi32>], vector<16xf32>,
      %jit3A_263 = arith.constant 64 : i32
      %div3A_264 = arith.divsi %scan3A_225, %jit3A_263 : i32
      %sign3A_265 = arith.constant 0 : i32
      %sign3A_266 = arith.cmpi sgt, %scan3A_225, %sign3A_265 : i32
      %sign3A_267 = arith.extui %sign3A_266 : i1 to i32
      %sign3A_268 = arith.constant 0 : i32
      %sign3A_269 = arith.cmpi slt, %scan3A_225, %sign3A_268 : i32
      %sign3A_270 = arith.extui %sign3A_269 : i1 to i32
      %sign3A_271 = arith.subi %sign3A_267, %sign3A_270 : i32
      %sign3A_272 = arith.constant 0 : i32
      %sign3A_273 = arith.cmpi sgt, %jit3A_263, %sign3A_272 : i32
      %sign3A_274 = arith.extui %sign3A_273 : i1 to i32
      %sign3A_275 = arith.constant 0 : i32
      %sign3A_276 = arith.cmpi slt, %jit3A_263, %sign3A_275 : i32
      %sign3A_277 = arith.extui %sign3A_276 : i1 to i32
      %sign3A_278 = arith.subi %sign3A_274, %sign3A_277 : i32
      %ne3A_279 = arith.cmpi ne, %sign3A_271, %sign3A_278 : i32
      %rem3A_280 = arith.remsi %scan3A_225, %jit3A_263 : i32
      %ne3A_281 = arith.constant 0 : i32
      %ne3A_282 = arith.cmpi ne, %rem3A_280, %ne3A_281 : i32
      %and3A_283 = arith.andi %ne3A_279, %ne3A_282 : i1
      %sub3A_284 = arith.constant 1 : i32
      %sub3A_285 = arith.subi %div3A_264, %sub3A_284 : i32
      %select_n3A_286 = arith.select %and3A_283, %sub3A_285, %div3A_264 : i32
      %jit3A_287 = arith.constant 8 : i32
      %div3A_288 = arith.divsi %scan3A_225, %jit3A_287 : i32
      %sign3A_289 = arith.constant 0 : i32
      %sign3A_290 = arith.cmpi sgt, %scan3A_225, %sign3A_289 : i32
      %sign3A_291 = arith.extui %sign3A_290 : i1 to i32
      %sign3A_292 = arith.constant 0 : i32
      %sign3A_293 = arith.cmpi slt, %scan3A_225, %sign3A_292 : i32
      %sign3A_294 = arith.extui %sign3A_293 : i1 to i32
      %sign3A_295 = arith.subi %sign3A_291, %sign3A_294 : i32
      %sign3A_296 = arith.constant 0 : i32
      %sign3A_297 = arith.cmpi sgt, %jit3A_287, %sign3A_296 : i32
      %sign3A_298 = arith.extui %sign3A_297 : i1 to i32
      %sign3A_299 = arith.constant 0 : i32
      %sign3A_300 = arith.cmpi slt, %jit3A_287, %sign3A_299 : i32
      %sign3A_301 = arith.extui %sign3A_300 : i1 to i32
      %sign3A_302 = arith.subi %sign3A_298, %sign3A_301 : i32
      %ne3A_303 = arith.cmpi ne, %sign3A_295, %sign3A_302 : i32
      %rem3A_304 = arith.remsi %scan3A_225, %jit3A_287 : i32
      %ne3A_305 = arith.constant 0 : i32
      %ne3A_306 = arith.cmpi ne, %rem3A_304, %ne3A_305 : i32
      %and3A_307 = arith.andi %ne3A_303, %ne3A_306 : i1
      %sub3A_308 = arith.constant 1 : i32
      %sub3A_309 = arith.subi %div3A_288, %sub3A_308 : i32
      %select_n3A_310 = arith.select %and3A_307, %sub3A_309, %div3A_288 : i32
      %jit3A_311 = arith.constant 8 : i32
      %eq3A_312 = arith.constant 0 : i32
      %eq3A_313 = arith.cmpi eq, %jit3A_311, %eq3A_312 : i32
      %jit3A_314 = arith.constant 1 : i32
      %select_n3A_315 = arith.select %eq3A_313, %jit3A_314, %jit3A_311 : i32
      %rem3A_316 = arith.remsi %select_n3A_310, %select_n3A_315 : i32
      %ne3A_317 = arith.constant 0 : i32
      %ne3A_318 = arith.cmpi ne, %rem3A_316, %ne3A_317 : i32
      %lt3A_319 = arith.constant 0 : i32
      %lt3A_320 = arith.cmpi slt, %rem3A_316, %lt3A_319 : i32
      %lt3A_321 = arith.constant 0 : i32
      %lt3A_322 = arith.cmpi slt, %select_n3A_315, %lt3A_321 : i32
      %ne3A_323 = arith.xori %lt3A_320, %lt3A_322 : i1
      %and3A_324 = arith.andi %ne3A_323, %ne3A_318 : i1
      %add3A_325 = arith.addi %rem3A_316, %select_n3A_315 : i32
      %select_n3A_326 = arith.select %and3A_324, %add3A_325, %rem3A_316 : i32
      %swap3A = arith.index_cast %select_n3A_286 : i32 to index
      %swap3A_327 = arith.index_cast %select_n3A_326 : i32 to index
      %swap3A_328 = arith.index_cast %mul3A_259 : i32 to index
      %swap3A_329 = tpu.vector_load %arg9[%swap3A, %swap3A_327, %swap3A_328] {strides = array<i32>} : memref<5x8x128xf32, #tpu.memory_space<vmem>>, vector<16xf32>,
      tpu.vector_store %arg9[%swap3A, %swap3A_327, %swap3A_328], %gather3A {strides = array<i32>} : memref<5x8x128xf32, #tpu.memory_space<vmem>>, vector<16xf32>,
      %scan3A_330 = arith.constant 0 : i32
      %scan3A_331 = arith.constant 1 : i32
      %scan3A_332 = arith.addi %scan3A_225, %scan3A_331 : i32
      %jit3A_333 = arith.constant 8 : i32
      %div3A_334 = arith.divsi %scan3A_332, %jit3A_333 : i32
      %sign3A_335 = arith.constant 0 : i32
      %sign3A_336 = arith.cmpi sgt, %scan3A_332, %sign3A_335 : i32
      %sign3A_337 = arith.extui %sign3A_336 : i1 to i32
      %sign3A_338 = arith.constant 0 : i32
      %sign3A_339 = arith.cmpi slt, %scan3A_332, %sign3A_338 : i32
      %sign3A_340 = arith.extui %sign3A_339 : i1 to i32
      %sign3A_341 = arith.subi %sign3A_337, %sign3A_340 : i32
      %sign3A_342 = arith.constant 0 : i32
      %sign3A_343 = arith.cmpi sgt, %jit3A_333, %sign3A_342 : i32
      %sign3A_344 = arith.extui %sign3A_343 : i1 to i32
      %sign3A_345 = arith.constant 0 : i32
      %sign3A_346 = arith.cmpi slt, %jit3A_333, %sign3A_345 : i32
      %sign3A_347 = arith.extui %sign3A_346 : i1 to i32
      %sign3A_348 = arith.subi %sign3A_344, %sign3A_347 : i32
      %ne3A_349 = arith.cmpi ne, %sign3A_341, %sign3A_348 : i32
      %rem3A_350 = arith.remsi %scan3A_332, %jit3A_333 : i32
      %ne3A_351 = arith.constant 0 : i32
      %ne3A_352 = arith.cmpi ne, %rem3A_350, %ne3A_351 : i32
      %and3A_353 = arith.andi %ne3A_349, %ne3A_352 : i1
      %sub3A_354 = arith.constant 1 : i32
      %sub3A_355 = arith.subi %div3A_334, %sub3A_354 : i32
      %select_n3A_356 = arith.select %and3A_353, %sub3A_355, %div3A_334 : i32
      %jit3A_357 = arith.constant 8 : i32
      %eq3A_358 = arith.constant 0 : i32
      %eq3A_359 = arith.cmpi eq, %jit3A_357, %eq3A_358 : i32
      %jit3A_360 = arith.constant 1 : i32
      %select_n3A_361 = arith.select %eq3A_359, %jit3A_360, %jit3A_357 : i32
      %rem3A_362 = arith.remsi %scan3A_332, %select_n3A_361 : i32
      %ne3A_363 = arith.constant 0 : i32
      %ne3A_364 = arith.cmpi ne, %rem3A_362, %ne3A_363 : i32
      %lt3A_365 = arith.constant 0 : i32
      %lt3A_366 = arith.cmpi slt, %rem3A_362, %lt3A_365 : i32
      %lt3A_367 = arith.constant 0 : i32
      %lt3A_368 = arith.cmpi slt, %select_n3A_361, %lt3A_367 : i32
      %ne3A_369 = arith.xori %lt3A_366, %lt3A_368 : i1
      %and3A_370 = arith.andi %ne3A_369, %ne3A_364 : i1
      %add3A_371 = arith.addi %rem3A_362, %select_n3A_361 : i32
      %select_n3A_372 = arith.select %and3A_370, %add3A_371, %rem3A_362 : i32
      %mul3A_373 = arith.constant 16 : i32
      %mul3A_374 = arith.muli %select_n3A_372, %mul3A_373 : i32
      %get3A_375 = arith.index_cast %select_n3A_356 : i32 to index
      %get3A_376 = arith.index_cast %mul3A_374 : i32 to index
      %get3A_377 = tpu.vector_load %arg7[%get3A_375, %get3A_376] {strides = array<i32>} : memref<40x128xf32, #tpu.memory_space<vmem>>, vector<16xf32>,
      %convert_element_type3A_378 = arith.fptosi %get3A_377 : vector<16xf32> to vector<16xi32>
      %gather3A_379 = tpu.vector_load_idx %arg5[%convert_element_type3A_378] : memref<100352xf32, #tpu.memory_space<vmem>>[vector<16xi32>], vector<16xf32>,
      %jit3A_380 = arith.constant 64 : i32
      %div3A_381 = arith.divsi %scan3A_332, %jit3A_380 : i32
      %sign3A_382 = arith.constant 0 : i32
      %sign3A_383 = arith.cmpi sgt, %scan3A_332, %sign3A_382 : i32
      %sign3A_384 = arith.extui %sign3A_383 : i1 to i32
      %sign3A_385 = arith.constant 0 : i32
      %sign3A_386 = arith.cmpi slt, %scan3A_332, %sign3A_385 : i32
      %sign3A_387 = arith.extui %sign3A_386 : i1 to i32
      %sign3A_388 = arith.subi %sign3A_384, %sign3A_387 : i32
      %sign3A_389 = arith.constant 0 : i32
      %sign3A_390 = arith.cmpi sgt, %jit3A_380, %sign3A_389 : i32
      %sign3A_391 = arith.extui %sign3A_390 : i1 to i32
      %sign3A_392 = arith.constant 0 : i32
      %sign3A_393 = arith.cmpi slt, %jit3A_380, %sign3A_392 : i32
      %sign3A_394 = arith.extui %sign3A_393 : i1 to i32
      %sign3A_395 = arith.subi %sign3A_391, %sign3A_394 : i32
      %ne3A_396 = arith.cmpi ne, %sign3A_388, %sign3A_395 : i32
      %rem3A_397 = arith.remsi %scan3A_332, %jit3A_380 : i32
      %ne3A_398 = arith.constant 0 : i32
      %ne3A_399 = arith.cmpi ne, %rem3A_397, %ne3A_398 : i32
      %and3A_400 = arith.andi %ne3A_396, %ne3A_399 : i1
      %sub3A_401 = arith.constant 1 : i32
      %sub3A_402 = arith.subi %div3A_381, %sub3A_401 : i32
      %select_n3A_403 = arith.select %and3A_400, %sub3A_402, %div3A_381 : i32
      %jit3A_404 = arith.constant 8 : i32
      %div3A_405 = arith.divsi %scan3A_332, %jit3A_404 : i32
      %sign3A_406 = arith.constant 0 : i32
      %sign3A_407 = arith.cmpi sgt, %scan3A_332, %sign3A_406 : i32
      %sign3A_408 = arith.extui %sign3A_407 : i1 to i32
      %sign3A_409 = arith.constant 0 : i32
      %sign3A_410 = arith.cmpi slt, %scan3A_332, %sign3A_409 : i32
      %sign3A_411 = arith.extui %sign3A_410 : i1 to i32
      %sign3A_412 = arith.subi %sign3A_408, %sign3A_411 : i32
      %sign3A_413 = arith.constant 0 : i32
      %sign3A_414 = arith.cmpi sgt, %jit3A_404, %sign3A_413 : i32
      %sign3A_415 = arith.extui %sign3A_414 : i1 to i32
      %sign3A_416 = arith.constant 0 : i32
      %sign3A_417 = arith.cmpi slt, %jit3A_404, %sign3A_416 : i32
      %sign3A_418 = arith.extui %sign3A_417 : i1 to i32
      %sign3A_419 = arith.subi %sign3A_415, %sign3A_418 : i32
      %ne3A_420 = arith.cmpi ne, %sign3A_412, %sign3A_419 : i32
      %rem3A_421 = arith.remsi %scan3A_332, %jit3A_404 : i32
      %ne3A_422 = arith.constant 0 : i32
      %ne3A_423 = arith.cmpi ne, %rem3A_421, %ne3A_422 : i32
      %and3A_424 = arith.andi %ne3A_420, %ne3A_423 : i1
      %sub3A_425 = arith.constant 1 : i32
      %sub3A_426 = arith.subi %div3A_405, %sub3A_425 : i32
      %select_n3A_427 = arith.select %and3A_424, %sub3A_426, %div3A_405 : i32
      %jit3A_428 = arith.constant 8 : i32
      %eq3A_429 = arith.constant 0 : i32
      %eq3A_430 = arith.cmpi eq, %jit3A_428, %eq3A_429 : i32
      %jit3A_431 = arith.constant 1 : i32
      %select_n3A_432 = arith.select %eq3A_430, %jit3A_431, %jit3A_428 : i32
      %rem3A_433 = arith.remsi %select_n3A_427, %select_n3A_432 : i32
      %ne3A_434 = arith.constant 0 : i32
      %ne3A_435 = arith.cmpi ne, %rem3A_433, %ne3A_434 : i32
      %lt3A_436 = arith.constant 0 : i32
      %lt3A_437 = arith.cmpi slt, %rem3A_433, %lt3A_436 : i32
      %lt3A_438 = arith.constant 0 : i32
      %lt3A_439 = arith.cmpi slt, %select_n3A_432, %lt3A_438 : i32
      %ne3A_440 = arith.xori %lt3A_437, %lt3A_439 : i1
      %and3A_441 = arith.andi %ne3A_440, %ne3A_435 : i1
      %add3A_442 = arith.addi %rem3A_433, %select_n3A_432 : i32
      %select_n3A_443 = arith.select %and3A_441, %add3A_442, %rem3A_433 : i32
      %swap3A_444 = arith.index_cast %select_n3A_403 : i32 to index
      %swap3A_445 = arith.index_cast %select_n3A_443 : i32 to index
      %swap3A_446 = arith.index_cast %mul3A_374 : i32 to index
      %swap3A_447 = tpu.vector_load %arg9[%swap3A_444, %swap3A_445, %swap3A_446] {strides = array<i32>} : memref<5x8x128xf32, #tpu.memory_space<vmem>>, vector<16xf32>,
      tpu.vector_store %arg9[%swap3A_444, %swap3A_445, %swap3A_446], %gather3A_379 {strides = array<i32>} : memref<5x8x128xf32, #tpu.memory_space<vmem>>, vector<16xf32>,
      %scan3A_448 = arith.constant 0 : i32
      %scan3A_449 = arith.constant 2 : i32
      %scan3A_450 = arith.addi %scan3A_225, %scan3A_449 : i32
      %jit3A_451 = arith.constant 8 : i32
      %div3A_452 = arith.divsi %scan3A_450, %jit3A_451 : i32
      %sign3A_453 = arith.constant 0 : i32
      %sign3A_454 = arith.cmpi sgt, %scan3A_450, %sign3A_453 : i32
      %sign3A_455 = arith.extui %sign3A_454 : i1 to i32
      %sign3A_456 = arith.constant 0 : i32
      %sign3A_457 = arith.cmpi slt, %scan3A_450, %sign3A_456 : i32
      %sign3A_458 = arith.extui %sign3A_457 : i1 to i32
      %sign3A_459 = arith.subi %sign3A_455, %sign3A_458 : i32
      %sign3A_460 = arith.constant 0 : i32
      %sign3A_461 = arith.cmpi sgt, %jit3A_451, %sign3A_460 : i32
      %sign3A_462 = arith.extui %sign3A_461 : i1 to i32
      %sign3A_463 = arith.constant 0 : i32
      %sign3A_464 = arith.cmpi slt, %jit3A_451, %sign3A_463 : i32
      %sign3A_465 = arith.extui %sign3A_464 : i1 to i32
      %sign3A_466 = arith.subi %sign3A_462, %sign3A_465 : i32
      %ne3A_467 = arith.cmpi ne, %sign3A_459, %sign3A_466 : i32
      %rem3A_468 = arith.remsi %scan3A_450, %jit3A_451 : i32
      %ne3A_469 = arith.constant 0 : i32
      %ne3A_470 = arith.cmpi ne, %rem3A_468, %ne3A_469 : i32
      %and3A_471 = arith.andi %ne3A_467, %ne3A_470 : i1
      %sub3A_472 = arith.constant 1 : i32
      %sub3A_473 = arith.subi %div3A_452, %sub3A_472 : i32
      %select_n3A_474 = arith.select %and3A_471, %sub3A_473, %div3A_452 : i32
      %jit3A_475 = arith.constant 8 : i32
      %eq3A_476 = arith.constant 0 : i32
      %eq3A_477 = arith.cmpi eq, %jit3A_475, %eq3A_476 : i32
      %jit3A_478 = arith.constant 1 : i32
      %select_n3A_479 = arith.select %eq3A_477, %jit3A_478, %jit3A_475 : i32
      %rem3A_480 = arith.remsi %scan3A_450, %select_n3A_479 : i32
      %ne3A_481 = arith.constant 0 : i32
      %ne3A_482 = arith.cmpi ne, %rem3A_480, %ne3A_481 : i32
      %lt3A_483 = arith.constant 0 : i32
      %lt3A_484 = arith.cmpi slt, %rem3A_480, %lt3A_483 : i32
      %lt3A_485 = arith.constant 0 : i32
      %lt3A_486 = arith.cmpi slt, %select_n3A_479, %lt3A_485 : i32
      %ne3A_487 = arith.xori %lt3A_484, %lt3A_486 : i1
      %and3A_488 = arith.andi %ne3A_487, %ne3A_482 : i1
      %add3A_489 = arith.addi %rem3A_480, %select_n3A_479 : i32
      %select_n3A_490 = arith.select %and3A_488, %add3A_489, %rem3A_480 : i32
      %mul3A_491 = arith.constant 16 : i32
      %mul3A_492 = arith.muli %select_n3A_490, %mul3A_491 : i32
      %get3A_493 = arith.index_cast %select_n3A_474 : i32 to index
      %get3A_494 = arith.index_cast %mul3A_492 : i32 to index
      %get3A_495 = tpu.vector_load %arg7[%get3A_493, %get3A_494] {strides = array<i32>} : memref<40x128xf32, #tpu.memory_space<vmem>>, vector<16xf32>,
      %convert_element_type3A_496 = arith.fptosi %get3A_495 : vector<16xf32> to vector<16xi32>
      %gather3A_497 = tpu.vector_load_idx %arg5[%convert_element_type3A_496] : memref<100352xf32, #tpu.memory_space<vmem>>[vector<16xi32>], vector<16xf32>,
      %jit3A_498 = arith.constant 64 : i32
      %div3A_499 = arith.divsi %scan3A_450, %jit3A_498 : i32
      %sign3A_500 = arith.constant 0 : i32
      %sign3A_501 = arith.cmpi sgt, %scan3A_450, %sign3A_500 : i32
      %sign3A_502 = arith.extui %sign3A_501 : i1 to i32
      %sign3A_503 = arith.constant 0 : i32
      %sign3A_504 = arith.cmpi slt, %scan3A_450, %sign3A_503 : i32
      %sign3A_505 = arith.extui %sign3A_504 : i1 to i32
      %sign3A_506 = arith.subi %sign3A_502, %sign3A_505 : i32
      %sign3A_507 = arith.constant 0 : i32
      %sign3A_508 = arith.cmpi sgt, %jit3A_498, %sign3A_507 : i32
      %sign3A_509 = arith.extui %sign3A_508 : i1 to i32
      %sign3A_510 = arith.constant 0 : i32
      %sign3A_511 = arith.cmpi slt, %jit3A_498, %sign3A_510 : i32
      %sign3A_512 = arith.extui %sign3A_511 : i1 to i32
      %sign3A_513 = arith.subi %sign3A_509, %sign3A_512 : i32
      %ne3A_514 = arith.cmpi ne, %sign3A_506, %sign3A_513 : i32
      %rem3A_515 = arith.remsi %scan3A_450, %jit3A_498 : i32
      %ne3A_516 = arith.constant 0 : i32
      %ne3A_517 = arith.cmpi ne, %rem3A_515, %ne3A_516 : i32
      %and3A_518 = arith.andi %ne3A_514, %ne3A_517 : i1
      %sub3A_519 = arith.constant 1 : i32
      %sub3A_520 = arith.subi %div3A_499, %sub3A_519 : i32
      %select_n3A_521 = arith.select %and3A_518, %sub3A_520, %div3A_499 : i32
      %jit3A_522 = arith.constant 8 : i32
      %div3A_523 = arith.divsi %scan3A_450, %jit3A_522 : i32
      %sign3A_524 = arith.constant 0 : i32
      %sign3A_525 = arith.cmpi sgt, %scan3A_450, %sign3A_524 : i32
      %sign3A_526 = arith.extui %sign3A_525 : i1 to i32
      %sign3A_527 = arith.constant 0 : i32
      %sign3A_528 = arith.cmpi slt, %scan3A_450, %sign3A_527 : i32
      %sign3A_529 = arith.extui %sign3A_528 : i1 to i32
      %sign3A_530 = arith.subi %sign3A_526, %sign3A_529 : i32
      %sign3A_531 = arith.constant 0 : i32
      %sign3A_532 = arith.cmpi sgt, %jit3A_522, %sign3A_531 : i32
      %sign3A_533 = arith.extui %sign3A_532 : i1 to i32
      %sign3A_534 = arith.constant 0 : i32
      %sign3A_535 = arith.cmpi slt, %jit3A_522, %sign3A_534 : i32
      %sign3A_536 = arith.extui %sign3A_535 : i1 to i32
      %sign3A_537 = arith.subi %sign3A_533, %sign3A_536 : i32
      %ne3A_538 = arith.cmpi ne, %sign3A_530, %sign3A_537 : i32
      %rem3A_539 = arith.remsi %scan3A_450, %jit3A_522 : i32
      %ne3A_540 = arith.constant 0 : i32
      %ne3A_541 = arith.cmpi ne, %rem3A_539, %ne3A_540 : i32
      %and3A_542 = arith.andi %ne3A_538, %ne3A_541 : i1
      %sub3A_543 = arith.constant 1 : i32
      %sub3A_544 = arith.subi %div3A_523, %sub3A_543 : i32
      %select_n3A_545 = arith.select %and3A_542, %sub3A_544, %div3A_523 : i32
      %jit3A_546 = arith.constant 8 : i32
      %eq3A_547 = arith.constant 0 : i32
      %eq3A_548 = arith.cmpi eq, %jit3A_546, %eq3A_547 : i32
      %jit3A_549 = arith.constant 1 : i32
      %select_n3A_550 = arith.select %eq3A_548, %jit3A_549, %jit3A_546 : i32
      %rem3A_551 = arith.remsi %select_n3A_545, %select_n3A_550 : i32
      %ne3A_552 = arith.constant 0 : i32
      %ne3A_553 = arith.cmpi ne, %rem3A_551, %ne3A_552 : i32
      %lt3A_554 = arith.constant 0 : i32
      %lt3A_555 = arith.cmpi slt, %rem3A_551, %lt3A_554 : i32
      %lt3A_556 = arith.constant 0 : i32
      %lt3A_557 = arith.cmpi slt, %select_n3A_550, %lt3A_556 : i32
      %ne3A_558 = arith.xori %lt3A_555, %lt3A_557 : i1
      %and3A_559 = arith.andi %ne3A_558, %ne3A_553 : i1
      %add3A_560 = arith.addi %rem3A_551, %select_n3A_550 : i32
      %select_n3A_561 = arith.select %and3A_559, %add3A_560, %rem3A_551 : i32
      %swap3A_562 = arith.index_cast %select_n3A_521 : i32 to index
      %swap3A_563 = arith.index_cast %select_n3A_561 : i32 to index
      %swap3A_564 = arith.index_cast %mul3A_492 : i32 to index
      %swap3A_565 = tpu.vector_load %arg9[%swap3A_562, %swap3A_563, %swap3A_564] {strides = array<i32>} : memref<5x8x128xf32, #tpu.memory_space<vmem>>, vector<16xf32>,
      tpu.vector_store %arg9[%swap3A_562, %swap3A_563, %swap3A_564], %gather3A_497 {strides = array<i32>} : memref<5x8x128xf32, #tpu.memory_space<vmem>>, vector<16xf32>,
      %scan3A_566 = arith.constant 0 : i32
      %scan3A_567 = arith.constant 3 : i32
      %scan3A_568 = arith.addi %scan3A_225, %scan3A_567 : i32
      %jit3A_569 = arith.constant 8 : i32
      %div3A_570 = arith.divsi %scan3A_568, %jit3A_569 : i32
      %sign3A_571 = arith.constant 0 : i32
      %sign3A_572 = arith.cmpi sgt, %scan3A_568, %sign3A_571 : i32
      %sign3A_573 = arith.extui %sign3A_572 : i1 to i32
      %sign3A_574 = arith.constant 0 : i32
      %sign3A_575 = arith.cmpi slt, %scan3A_568, %sign3A_574 : i32
      %sign3A_576 = arith.extui %sign3A_575 : i1 to i32
      %sign3A_577 = arith.subi %sign3A_573, %sign3A_576 : i32
      %sign3A_578 = arith.constant 0 : i32
      %sign3A_579 = arith.cmpi sgt, %jit3A_569, %sign3A_578 : i32
      %sign3A_580 = arith.extui %sign3A_579 : i1 to i32
      %sign3A_581 = arith.constant 0 : i32
      %sign3A_582 = arith.cmpi slt, %jit3A_569, %sign3A_581 : i32
      %sign3A_583 = arith.extui %sign3A_582 : i1 to i32
      %sign3A_584 = arith.subi %sign3A_580, %sign3A_583 : i32
      %ne3A_585 = arith.cmpi ne, %sign3A_577, %sign3A_584 : i32
      %rem3A_586 = arith.remsi %scan3A_568, %jit3A_569 : i32
      %ne3A_587 = arith.constant 0 : i32
      %ne3A_588 = arith.cmpi ne, %rem3A_586, %ne3A_587 : i32
      %and3A_589 = arith.andi %ne3A_585, %ne3A_588 : i1
      %sub3A_590 = arith.constant 1 : i32
      %sub3A_591 = arith.subi %div3A_570, %sub3A_590 : i32
      %select_n3A_592 = arith.select %and3A_589, %sub3A_591, %div3A_570 : i32
      %jit3A_593 = arith.constant 8 : i32
      %eq3A_594 = arith.constant 0 : i32
      %eq3A_595 = arith.cmpi eq, %jit3A_593, %eq3A_594 : i32
      %jit3A_596 = arith.constant 1 : i32
      %select_n3A_597 = arith.select %eq3A_595, %jit3A_596, %jit3A_593 : i32
      %rem3A_598 = arith.remsi %scan3A_568, %select_n3A_597 : i32
      %ne3A_599 = arith.constant 0 : i32
      %ne3A_600 = arith.cmpi ne, %rem3A_598, %ne3A_599 : i32
      %lt3A_601 = arith.constant 0 : i32
      %lt3A_602 = arith.cmpi slt, %rem3A_598, %lt3A_601 : i32
      %lt3A_603 = arith.constant 0 : i32
      %lt3A_604 = arith.cmpi slt, %select_n3A_597, %lt3A_603 : i32
      %ne3A_605 = arith.xori %lt3A_602, %lt3A_604 : i1
      %and3A_606 = arith.andi %ne3A_605, %ne3A_600 : i1
      %add3A_607 = arith.addi %rem3A_598, %select_n3A_597 : i32
      %select_n3A_608 = arith.select %and3A_606, %add3A_607, %rem3A_598 : i32
      %mul3A_609 = arith.constant 16 : i32
      %mul3A_610 = arith.muli %select_n3A_608, %mul3A_609 : i32
      %get3A_611 = arith.index_cast %select_n3A_592 : i32 to index
      %get3A_612 = arith.index_cast %mul3A_610 : i32 to index
      %get3A_613 = tpu.vector_load %arg7[%get3A_611, %get3A_612] {strides = array<i32>} : memref<40x128xf32, #tpu.memory_space<vmem>>, vector<16xf32>,
      %convert_element_type3A_614 = arith.fptosi %get3A_613 : vector<16xf32> to vector<16xi32>
      %gather3A_615 = tpu.vector_load_idx %arg5[%convert_element_type3A_614] : memref<100352xf32, #tpu.memory_space<vmem>>[vector<16xi32>], vector<16xf32>,
      %jit3A_616 = arith.constant 64 : i32
      %div3A_617 = arith.divsi %scan3A_568, %jit3A_616 : i32
      %sign3A_618 = arith.constant 0 : i32
      %sign3A_619 = arith.cmpi sgt, %scan3A_568, %sign3A_618 : i32
      %sign3A_620 = arith.extui %sign3A_619 : i1 to i32
      %sign3A_621 = arith.constant 0 : i32
      %sign3A_622 = arith.cmpi slt, %scan3A_568, %sign3A_621 : i32
      %sign3A_623 = arith.extui %sign3A_622 : i1 to i32
      %sign3A_624 = arith.subi %sign3A_620, %sign3A_623 : i32
      %sign3A_625 = arith.constant 0 : i32
      %sign3A_626 = arith.cmpi sgt, %jit3A_616, %sign3A_625 : i32
      %sign3A_627 = arith.extui %sign3A_626 : i1 to i32
      %sign3A_628 = arith.constant 0 : i32
      %sign3A_629 = arith.cmpi slt, %jit3A_616, %sign3A_628 : i32
      %sign3A_630 = arith.extui %sign3A_629 : i1 to i32
      %sign3A_631 = arith.subi %sign3A_627, %sign3A_630 : i32
      %ne3A_632 = arith.cmpi ne, %sign3A_624, %sign3A_631 : i32
      %rem3A_633 = arith.remsi %scan3A_568, %jit3A_616 : i32
      %ne3A_634 = arith.constant 0 : i32
      %ne3A_635 = arith.cmpi ne, %rem3A_633, %ne3A_634 : i32
      %and3A_636 = arith.andi %ne3A_632, %ne3A_635 : i1
      %sub3A_637 = arith.constant 1 : i32
      %sub3A_638 = arith.subi %div3A_617, %sub3A_637 : i32
      %select_n3A_639 = arith.select %and3A_636, %sub3A_638, %div3A_617 : i32
      %jit3A_640 = arith.constant 8 : i32
      %div3A_641 = arith.divsi %scan3A_568, %jit3A_640 : i32
      %sign3A_642 = arith.constant 0 : i32
      %sign3A_643 = arith.cmpi sgt, %scan3A_568, %sign3A_642 : i32
      %sign3A_644 = arith.extui %sign3A_643 : i1 to i32
      %sign3A_645 = arith.constant 0 : i32
      %sign3A_646 = arith.cmpi slt, %scan3A_568, %sign3A_645 : i32
      %sign3A_647 = arith.extui %sign3A_646 : i1 to i32
      %sign3A_648 = arith.subi %sign3A_644, %sign3A_647 : i32
      %sign3A_649 = arith.constant 0 : i32
      %sign3A_650 = arith.cmpi sgt, %jit3A_640, %sign3A_649 : i32
      %sign3A_651 = arith.extui %sign3A_650 : i1 to i32
      %sign3A_652 = arith.constant 0 : i32
      %sign3A_653 = arith.cmpi slt, %jit3A_640, %sign3A_652 : i32
      %sign3A_654 = arith.extui %sign3A_653 : i1 to i32
      %sign3A_655 = arith.subi %sign3A_651, %sign3A_654 : i32
      %ne3A_656 = arith.cmpi ne, %sign3A_648, %sign3A_655 : i32
      %rem3A_657 = arith.remsi %scan3A_568, %jit3A_640 : i32
      %ne3A_658 = arith.constant 0 : i32
      %ne3A_659 = arith.cmpi ne, %rem3A_657, %ne3A_658 : i32
      %and3A_660 = arith.andi %ne3A_656, %ne3A_659 : i1
      %sub3A_661 = arith.constant 1 : i32
      %sub3A_662 = arith.subi %div3A_641, %sub3A_661 : i32
      %select_n3A_663 = arith.select %and3A_660, %sub3A_662, %div3A_641 : i32
      %jit3A_664 = arith.constant 8 : i32
      %eq3A_665 = arith.constant 0 : i32
      %eq3A_666 = arith.cmpi eq, %jit3A_664, %eq3A_665 : i32
      %jit3A_667 = arith.constant 1 : i32
      %select_n3A_668 = arith.select %eq3A_666, %jit3A_667, %jit3A_664 : i32
      %rem3A_669 = arith.remsi %select_n3A_663, %select_n3A_668 : i32
      %ne3A_670 = arith.constant 0 : i32
      %ne3A_671 = arith.cmpi ne, %rem3A_669, %ne3A_670 : i32
      %lt3A_672 = arith.constant 0 : i32
      %lt3A_673 = arith.cmpi slt, %rem3A_669, %lt3A_672 : i32
      %lt3A_674 = arith.constant 0 : i32
      %lt3A_675 = arith.cmpi slt, %select_n3A_668, %lt3A_674 : i32
      %ne3A_676 = arith.xori %lt3A_673, %lt3A_675 : i1
      %and3A_677 = arith.andi %ne3A_676, %ne3A_671 : i1
      %add3A_678 = arith.addi %rem3A_669, %select_n3A_668 : i32
      %select_n3A_679 = arith.select %and3A_677, %add3A_678, %rem3A_669 : i32
      %swap3A_680 = arith.index_cast %select_n3A_639 : i32 to index
      %swap3A_681 = arith.index_cast %select_n3A_679 : i32 to index
      %swap3A_682 = arith.index_cast %mul3A_610 : i32 to index
      %swap3A_683 = tpu.vector_load %arg9[%swap3A_680, %swap3A_681, %swap3A_682] {strides = array<i32>} : memref<5x8x128xf32, #tpu.memory_space<vmem>>, vector<16xf32>,
      tpu.vector_store %arg9[%swap3A_680, %swap3A_681, %swap3A_682], %gather3A_615 {strides = array<i32>} : memref<5x8x128xf32, #tpu.memory_space<vmem>>, vector<16xf32>,
      %scan3A_684 = arith.constant 0 : i32
      %scan3A_685 = arith.constant 4 : i32
      %scan3A_686 = arith.addi %scan3A_225, %scan3A_685 : i32
      %jit3A_687 = arith.constant 8 : i32
      %div3A_688 = arith.divsi %scan3A_686, %jit3A_687 : i32
      %sign3A_689 = arith.constant 0 : i32
      %sign3A_690 = arith.cmpi sgt, %scan3A_686, %sign3A_689 : i32
      %sign3A_691 = arith.extui %sign3A_690 : i1 to i32
      %sign3A_692 = arith.constant 0 : i32
      %sign3A_693 = arith.cmpi slt, %scan3A_686, %sign3A_692 : i32
      %sign3A_694 = arith.extui %sign3A_693 : i1 to i32
      %sign3A_695 = arith.subi %sign3A_691, %sign3A_694 : i32
      %sign3A_696 = arith.constant 0 : i32
      %sign3A_697 = arith.cmpi sgt, %jit3A_687, %sign3A_696 : i32
      %sign3A_698 = arith.extui %sign3A_697 : i1 to i32
      %sign3A_699 = arith.constant 0 : i32
      %sign3A_700 = arith.cmpi slt, %jit3A_687, %sign3A_699 : i32
      %sign3A_701 = arith.extui %sign3A_700 : i1 to i32
      %sign3A_702 = arith.subi %sign3A_698, %sign3A_701 : i32
      %ne3A_703 = arith.cmpi ne, %sign3A_695, %sign3A_702 : i32
      %rem3A_704 = arith.remsi %scan3A_686, %jit3A_687 : i32
      %ne3A_705 = arith.constant 0 : i32
      %ne3A_706 = arith.cmpi ne, %rem3A_704, %ne3A_705 : i32
      %and3A_707 = arith.andi %ne3A_703, %ne3A_706 : i1
      %sub3A_708 = arith.constant 1 : i32
      %sub3A_709 = arith.subi %div3A_688, %sub3A_708 : i32
      %select_n3A_710 = arith.select %and3A_707, %sub3A_709, %div3A_688 : i32
      %jit3A_711 = arith.constant 8 : i32
      %eq3A_712 = arith.constant 0 : i32
      %eq3A_713 = arith.cmpi eq, %jit3A_711, %eq3A_712 : i32
      %jit3A_714 = arith.constant 1 : i32
      %select_n3A_715 = arith.select %eq3A_713, %jit3A_714, %jit3A_711 : i32
      %rem3A_716 = arith.remsi %scan3A_686, %select_n3A_715 : i32
      %ne3A_717 = arith.constant 0 : i32
      %ne3A_718 = arith.cmpi ne, %rem3A_716, %ne3A_717 : i32
      %lt3A_719 = arith.constant 0 : i32
      %lt3A_720 = arith.cmpi slt, %rem3A_716, %lt3A_719 : i32
      %lt3A_721 = arith.constant 0 : i32
      %lt3A_722 = arith.cmpi slt, %select_n3A_715, %lt3A_721 : i32
      %ne3A_723 = arith.xori %lt3A_720, %lt3A_722 : i1
      %and3A_724 = arith.andi %ne3A_723, %ne3A_718 : i1
      %add3A_725 = arith.addi %rem3A_716, %select_n3A_715 : i32
      %select_n3A_726 = arith.select %and3A_724, %add3A_725, %rem3A_716 : i32
      %mul3A_727 = arith.constant 16 : i32
      %mul3A_728 = arith.muli %select_n3A_726, %mul3A_727 : i32
      %get3A_729 = arith.index_cast %select_n3A_710 : i32 to index
      %get3A_730 = arith.index_cast %mul3A_728 : i32 to index
      %get3A_731 = tpu.vector_load %arg7[%get3A_729, %get3A_730] {strides = array<i32>} : memref<40x128xf32, #tpu.memory_space<vmem>>, vector<16xf32>,
      %convert_element_type3A_732 = arith.fptosi %get3A_731 : vector<16xf32> to vector<16xi32>
      %gather3A_733 = tpu.vector_load_idx %arg5[%convert_element_type3A_732] : memref<100352xf32, #tpu.memory_space<vmem>>[vector<16xi32>], vector<16xf32>,
      %jit3A_734 = arith.constant 64 : i32
      %div3A_735 = arith.divsi %scan3A_686, %jit3A_734 : i32
      %sign3A_736 = arith.constant 0 : i32
      %sign3A_737 = arith.cmpi sgt, %scan3A_686, %sign3A_736 : i32
      %sign3A_738 = arith.extui %sign3A_737 : i1 to i32
      %sign3A_739 = arith.constant 0 : i32
      %sign3A_740 = arith.cmpi slt, %scan3A_686, %sign3A_739 : i32
      %sign3A_741 = arith.extui %sign3A_740 : i1 to i32
      %sign3A_742 = arith.subi %sign3A_738, %sign3A_741 : i32
      %sign3A_743 = arith.constant 0 : i32
      %sign3A_744 = arith.cmpi sgt, %jit3A_734, %sign3A_743 : i32
      %sign3A_745 = arith.extui %sign3A_744 : i1 to i32
      %sign3A_746 = arith.constant 0 : i32
      %sign3A_747 = arith.cmpi slt, %jit3A_734, %sign3A_746 : i32
      %sign3A_748 = arith.extui %sign3A_747 : i1 to i32
      %sign3A_749 = arith.subi %sign3A_745, %sign3A_748 : i32
      %ne3A_750 = arith.cmpi ne, %sign3A_742, %sign3A_749 : i32
      %rem3A_751 = arith.remsi %scan3A_686, %jit3A_734 : i32
      %ne3A_752 = arith.constant 0 : i32
      %ne3A_753 = arith.cmpi ne, %rem3A_751, %ne3A_752 : i32
      %and3A_754 = arith.andi %ne3A_750, %ne3A_753 : i1
      %sub3A_755 = arith.constant 1 : i32
      %sub3A_756 = arith.subi %div3A_735, %sub3A_755 : i32
      %select_n3A_757 = arith.select %and3A_754, %sub3A_756, %div3A_735 : i32
      %jit3A_758 = arith.constant 8 : i32
      %div3A_759 = arith.divsi %scan3A_686, %jit3A_758 : i32
      %sign3A_760 = arith.constant 0 : i32
      %sign3A_761 = arith.cmpi sgt, %scan3A_686, %sign3A_760 : i32
      %sign3A_762 = arith.extui %sign3A_761 : i1 to i32
      %sign3A_763 = arith.constant 0 : i32
      %sign3A_764 = arith.cmpi slt, %scan3A_686, %sign3A_763 : i32
      %sign3A_765 = arith.extui %sign3A_764 : i1 to i32
      %sign3A_766 = arith.subi %sign3A_762, %sign3A_765 : i32
      %sign3A_767 = arith.constant 0 : i32
      %sign3A_768 = arith.cmpi sgt, %jit3A_758, %sign3A_767 : i32
      %sign3A_769 = arith.extui %sign3A_768 : i1 to i32
      %sign3A_770 = arith.constant 0 : i32
      %sign3A_771 = arith.cmpi slt, %jit3A_758, %sign3A_770 : i32
      %sign3A_772 = arith.extui %sign3A_771 : i1 to i32
      %sign3A_773 = arith.subi %sign3A_769, %sign3A_772 : i32
      %ne3A_774 = arith.cmpi ne, %sign3A_766, %sign3A_773 : i32
      %rem3A_775 = arith.remsi %scan3A_686, %jit3A_758 : i32
      %ne3A_776 = arith.constant 0 : i32
      %ne3A_777 = arith.cmpi ne, %rem3A_775, %ne3A_776 : i32
      %and3A_778 = arith.andi %ne3A_774, %ne3A_777 : i1
      %sub3A_779 = arith.constant 1 : i32
      %sub3A_780 = arith.subi %div3A_759, %sub3A_779 : i32
      %select_n3A_781 = arith.select %and3A_778, %sub3A_780, %div3A_759 : i32
      %jit3A_782 = arith.constant 8 : i32
      %eq3A_783 = arith.constant 0 : i32
      %eq3A_784 = arith.cmpi eq, %jit3A_782, %eq3A_783 : i32
      %jit3A_785 = arith.constant 1 : i32
      %select_n3A_786 = arith.select %eq3A_784, %jit3A_785, %jit3A_782 : i32
      %rem3A_787 = arith.remsi %select_n3A_781, %select_n3A_786 : i32
      %ne3A_788 = arith.constant 0 : i32
      %ne3A_789 = arith.cmpi ne, %rem3A_787, %ne3A_788 : i32
      %lt3A_790 = arith.constant 0 : i32
      %lt3A_791 = arith.cmpi slt, %rem3A_787, %lt3A_790 : i32
      %lt3A_792 = arith.constant 0 : i32
      %lt3A_793 = arith.cmpi slt, %select_n3A_786, %lt3A_792 : i32
      %ne3A_794 = arith.xori %lt3A_791, %lt3A_793 : i1
      %and3A_795 = arith.andi %ne3A_794, %ne3A_789 : i1
      %add3A_796 = arith.addi %rem3A_787, %select_n3A_786 : i32
      %select_n3A_797 = arith.select %and3A_795, %add3A_796, %rem3A_787 : i32
      %swap3A_798 = arith.index_cast %select_n3A_757 : i32 to index
      %swap3A_799 = arith.index_cast %select_n3A_797 : i32 to index
      %swap3A_800 = arith.index_cast %mul3A_728 : i32 to index
      %swap3A_801 = tpu.vector_load %arg9[%swap3A_798, %swap3A_799, %swap3A_800] {strides = array<i32>} : memref<5x8x128xf32, #tpu.memory_space<vmem>>, vector<16xf32>,
      tpu.vector_store %arg9[%swap3A_798, %swap3A_799, %swap3A_800], %gather3A_733 {strides = array<i32>} : memref<5x8x128xf32, #tpu.memory_space<vmem>>, vector<16xf32>,
      %scan3A_802 = arith.constant 0 : i32
      %scan3A_803 = arith.constant 5 : i32
      %scan3A_804 = arith.addi %scan3A_225, %scan3A_803 : i32
      %jit3A_805 = arith.constant 8 : i32
      %div3A_806 = arith.divsi %scan3A_804, %jit3A_805 : i32
      %sign3A_807 = arith.constant 0 : i32
      %sign3A_808 = arith.cmpi sgt, %scan3A_804, %sign3A_807 : i32
      %sign3A_809 = arith.extui %sign3A_808 : i1 to i32
      %sign3A_810 = arith.constant 0 : i32
      %sign3A_811 = arith.cmpi slt, %scan3A_804, %sign3A_810 : i32
      %sign3A_812 = arith.extui %sign3A_811 : i1 to i32
      %sign3A_813 = arith.subi %sign3A_809, %sign3A_812 : i32
      %sign3A_814 = arith.constant 0 : i32
      %sign3A_815 = arith.cmpi sgt, %jit3A_805, %sign3A_814 : i32
      %sign3A_816 = arith.extui %sign3A_815 : i1 to i32
      %sign3A_817 = arith.constant 0 : i32
      %sign3A_818 = arith.cmpi slt, %jit3A_805, %sign3A_817 : i32
      %sign3A_819 = arith.extui %sign3A_818 : i1 to i32
      %sign3A_820 = arith.subi %sign3A_816, %sign3A_819 : i32
      %ne3A_821 = arith.cmpi ne, %sign3A_813, %sign3A_820 : i32
      %rem3A_822 = arith.remsi %scan3A_804, %jit3A_805 : i32
      %ne3A_823 = arith.constant 0 : i32
      %ne3A_824 = arith.cmpi ne, %rem3A_822, %ne3A_823 : i32
      %and3A_825 = arith.andi %ne3A_821, %ne3A_824 : i1
      %sub3A_826 = arith.constant 1 : i32
      %sub3A_827 = arith.subi %div3A_806, %sub3A_826 : i32
      %select_n3A_828 = arith.select %and3A_825, %sub3A_827, %div3A_806 : i32
      %jit3A_829 = arith.constant 8 : i32
      %eq3A_830 = arith.constant 0 : i32
      %eq3A_831 = arith.cmpi eq, %jit3A_829, %eq3A_830 : i32
      %jit3A_832 = arith.constant 1 : i32
      %select_n3A_833 = arith.select %eq3A_831, %jit3A_832, %jit3A_829 : i32
      %rem3A_834 = arith.remsi %scan3A_804, %select_n3A_833 : i32
      %ne3A_835 = arith.constant 0 : i32
      %ne3A_836 = arith.cmpi ne, %rem3A_834, %ne3A_835 : i32
      %lt3A_837 = arith.constant 0 : i32
      %lt3A_838 = arith.cmpi slt, %rem3A_834, %lt3A_837 : i32
      %lt3A_839 = arith.constant 0 : i32
      %lt3A_840 = arith.cmpi slt, %select_n3A_833, %lt3A_839 : i32
      %ne3A_841 = arith.xori %lt3A_838, %lt3A_840 : i1
      %and3A_842 = arith.andi %ne3A_841, %ne3A_836 : i1
      %add3A_843 = arith.addi %rem3A_834, %select_n3A_833 : i32
      %select_n3A_844 = arith.select %and3A_842, %add3A_843, %rem3A_834 : i32
      %mul3A_845 = arith.constant 16 : i32
      %mul3A_846 = arith.muli %select_n3A_844, %mul3A_845 : i32
      %get3A_847 = arith.index_cast %select_n3A_828 : i32 to index
      %get3A_848 = arith.index_cast %mul3A_846 : i32 to index
      %get3A_849 = tpu.vector_load %arg7[%get3A_847, %get3A_848] {strides = array<i32>} : memref<40x128xf32, #tpu.memory_space<vmem>>, vector<16xf32>,
      %convert_element_type3A_850 = arith.fptosi %get3A_849 : vector<16xf32> to vector<16xi32>
      %gather3A_851 = tpu.vector_load_idx %arg5[%convert_element_type3A_850] : memref<100352xf32, #tpu.memory_space<vmem>>[vector<16xi32>], vector<16xf32>,
      %jit3A_852 = arith.constant 64 : i32
      %div3A_853 = arith.divsi %scan3A_804, %jit3A_852 : i32
      %sign3A_854 = arith.constant 0 : i32
      %sign3A_855 = arith.cmpi sgt, %scan3A_804, %sign3A_854 : i32
      %sign3A_856 = arith.extui %sign3A_855 : i1 to i32
      %sign3A_857 = arith.constant 0 : i32
      %sign3A_858 = arith.cmpi slt, %scan3A_804, %sign3A_857 : i32
      %sign3A_859 = arith.extui %sign3A_858 : i1 to i32
      %sign3A_860 = arith.subi %sign3A_856, %sign3A_859 : i32
      %sign3A_861 = arith.constant 0 : i32
      %sign3A_862 = arith.cmpi sgt, %jit3A_852, %sign3A_861 : i32
      %sign3A_863 = arith.extui %sign3A_862 : i1 to i32
      %sign3A_864 = arith.constant 0 : i32
      %sign3A_865 = arith.cmpi slt, %jit3A_852, %sign3A_864 : i32
      %sign3A_866 = arith.extui %sign3A_865 : i1 to i32
      %sign3A_867 = arith.subi %sign3A_863, %sign3A_866 : i32
      %ne3A_868 = arith.cmpi ne, %sign3A_860, %sign3A_867 : i32
      %rem3A_869 = arith.remsi %scan3A_804, %jit3A_852 : i32
      %ne3A_870 = arith.constant 0 : i32
      %ne3A_871 = arith.cmpi ne, %rem3A_869, %ne3A_870 : i32
      %and3A_872 = arith.andi %ne3A_868, %ne3A_871 : i1
      %sub3A_873 = arith.constant 1 : i32
      %sub3A_874 = arith.subi %div3A_853, %sub3A_873 : i32
      %select_n3A_875 = arith.select %and3A_872, %sub3A_874, %div3A_853 : i32
      %jit3A_876 = arith.constant 8 : i32
      %div3A_877 = arith.divsi %scan3A_804, %jit3A_876 : i32
      %sign3A_878 = arith.constant 0 : i32
      %sign3A_879 = arith.cmpi sgt, %scan3A_804, %sign3A_878 : i32
      %sign3A_880 = arith.extui %sign3A_879 : i1 to i32
      %sign3A_881 = arith.constant 0 : i32
      %sign3A_882 = arith.cmpi slt, %scan3A_804, %sign3A_881 : i32
      %sign3A_883 = arith.extui %sign3A_882 : i1 to i32
      %sign3A_884 = arith.subi %sign3A_880, %sign3A_883 : i32
      %sign3A_885 = arith.constant 0 : i32
      %sign3A_886 = arith.cmpi sgt, %jit3A_876, %sign3A_885 : i32
      %sign3A_887 = arith.extui %sign3A_886 : i1 to i32
      %sign3A_888 = arith.constant 0 : i32
      %sign3A_889 = arith.cmpi slt, %jit3A_876, %sign3A_888 : i32
      %sign3A_890 = arith.extui %sign3A_889 : i1 to i32
      %sign3A_891 = arith.subi %sign3A_887, %sign3A_890 : i32
      %ne3A_892 = arith.cmpi ne, %sign3A_884, %sign3A_891 : i32
      %rem3A_893 = arith.remsi %scan3A_804, %jit3A_876 : i32
      %ne3A_894 = arith.constant 0 : i32
      %ne3A_895 = arith.cmpi ne, %rem3A_893, %ne3A_894 : i32
      %and3A_896 = arith.andi %ne3A_892, %ne3A_895 : i1
      %sub3A_897 = arith.constant 1 : i32
      %sub3A_898 = arith.subi %div3A_877, %sub3A_897 : i32
      %select_n3A_899 = arith.select %and3A_896, %sub3A_898, %div3A_877 : i32
      %jit3A_900 = arith.constant 8 : i32
      %eq3A_901 = arith.constant 0 : i32
      %eq3A_902 = arith.cmpi eq, %jit3A_900, %eq3A_901 : i32
      %jit3A_903 = arith.constant 1 : i32
      %select_n3A_904 = arith.select %eq3A_902, %jit3A_903, %jit3A_900 : i32
      %rem3A_905 = arith.remsi %select_n3A_899, %select_n3A_904 : i32
      %ne3A_906 = arith.constant 0 : i32
      %ne3A_907 = arith.cmpi ne, %rem3A_905, %ne3A_906 : i32
      %lt3A_908 = arith.constant 0 : i32
      %lt3A_909 = arith.cmpi slt, %rem3A_905, %lt3A_908 : i32
      %lt3A_910 = arith.constant 0 : i32
      %lt3A_911 = arith.cmpi slt, %select_n3A_904, %lt3A_910 : i32
      %ne3A_912 = arith.xori %lt3A_909, %lt3A_911 : i1
      %and3A_913 = arith.andi %ne3A_912, %ne3A_907 : i1
      %add3A_914 = arith.addi %rem3A_905, %select_n3A_904 : i32
      %select_n3A_915 = arith.select %and3A_913, %add3A_914, %rem3A_905 : i32
      %swap3A_916 = arith.index_cast %select_n3A_875 : i32 to index
      %swap3A_917 = arith.index_cast %select_n3A_915 : i32 to index
      %swap3A_918 = arith.index_cast %mul3A_846 : i32 to index
      %swap3A_919 = tpu.vector_load %arg9[%swap3A_916, %swap3A_917, %swap3A_918] {strides = array<i32>} : memref<5x8x128xf32, #tpu.memory_space<vmem>>, vector<16xf32>,
      tpu.vector_store %arg9[%swap3A_916, %swap3A_917, %swap3A_918], %gather3A_851 {strides = array<i32>} : memref<5x8x128xf32, #tpu.memory_space<vmem>>, vector<16xf32>,
      %scan3A_920 = arith.constant 0 : i32
      %scan3A_921 = arith.constant 6 : i32
      %scan3A_922 = arith.addi %scan3A_225, %scan3A_921 : i32
      %jit3A_923 = arith.constant 8 : i32
      %div3A_924 = arith.divsi %scan3A_922, %jit3A_923 : i32
      %sign3A_925 = arith.constant 0 : i32
      %sign3A_926 = arith.cmpi sgt, %scan3A_922, %sign3A_925 : i32
      %sign3A_927 = arith.extui %sign3A_926 : i1 to i32
      %sign3A_928 = arith.constant 0 : i32
      %sign3A_929 = arith.cmpi slt, %scan3A_922, %sign3A_928 : i32
      %sign3A_930 = arith.extui %sign3A_929 : i1 to i32
      %sign3A_931 = arith.subi %sign3A_927, %sign3A_930 : i32
      %sign3A_932 = arith.constant 0 : i32
      %sign3A_933 = arith.cmpi sgt, %jit3A_923, %sign3A_932 : i32
      %sign3A_934 = arith.extui %sign3A_933 : i1 to i32
      %sign3A_935 = arith.constant 0 : i32
      %sign3A_936 = arith.cmpi slt, %jit3A_923, %sign3A_935 : i32
      %sign3A_937 = arith.extui %sign3A_936 : i1 to i32
      %sign3A_938 = arith.subi %sign3A_934, %sign3A_937 : i32
      %ne3A_939 = arith.cmpi ne, %sign3A_931, %sign3A_938 : i32
      %rem3A_940 = arith.remsi %scan3A_922, %jit3A_923 : i32
      %ne3A_941 = arith.constant 0 : i32
      %ne3A_942 = arith.cmpi ne, %rem3A_940, %ne3A_941 : i32
      %and3A_943 = arith.andi %ne3A_939, %ne3A_942 : i1
      %sub3A_944 = arith.constant 1 : i32
      %sub3A_945 = arith.subi %div3A_924, %sub3A_944 : i32
      %select_n3A_946 = arith.select %and3A_943, %sub3A_945, %div3A_924 : i32
      %jit3A_947 = arith.constant 8 : i32
      %eq3A_948 = arith.constant 0 : i32
      %eq3A_949 = arith.cmpi eq, %jit3A_947, %eq3A_948 : i32
      %jit3A_950 = arith.constant 1 : i32
      %select_n3A_951 = arith.select %eq3A_949, %jit3A_950, %jit3A_947 : i32
      %rem3A_952 = arith.remsi %scan3A_922, %select_n3A_951 : i32
      %ne3A_953 = arith.constant 0 : i32
      %ne3A_954 = arith.cmpi ne, %rem3A_952, %ne3A_953 : i32
      %lt3A_955 = arith.constant 0 : i32
      %lt3A_956 = arith.cmpi slt, %rem3A_952, %lt3A_955 : i32
      %lt3A_957 = arith.constant 0 : i32
      %lt3A_958 = arith.cmpi slt, %select_n3A_951, %lt3A_957 : i32
      %ne3A_959 = arith.xori %lt3A_956, %lt3A_958 : i1
      %and3A_960 = arith.andi %ne3A_959, %ne3A_954 : i1
      %add3A_961 = arith.addi %rem3A_952, %select_n3A_951 : i32
      %select_n3A_962 = arith.select %and3A_960, %add3A_961, %rem3A_952 : i32
      %mul3A_963 = arith.constant 16 : i32
      %mul3A_964 = arith.muli %select_n3A_962, %mul3A_963 : i32
      %get3A_965 = arith.index_cast %select_n3A_946 : i32 to index
      %get3A_966 = arith.index_cast %mul3A_964 : i32 to index
      %get3A_967 = tpu.vector_load %arg7[%get3A_965, %get3A_966] {strides = array<i32>} : memref<40x128xf32, #tpu.memory_space<vmem>>, vector<16xf32>,
      %convert_element_type3A_968 = arith.fptosi %get3A_967 : vector<16xf32> to vector<16xi32>
      %gather3A_969 = tpu.vector_load_idx %arg5[%convert_element_type3A_968] : memref<100352xf32, #tpu.memory_space<vmem>>[vector<16xi32>], vector<16xf32>,
      %jit3A_970 = arith.constant 64 : i32
      %div3A_971 = arith.divsi %scan3A_922, %jit3A_970 : i32
      %sign3A_972 = arith.constant 0 : i32
      %sign3A_973 = arith.cmpi sgt, %scan3A_922, %sign3A_972 : i32
      %sign3A_974 = arith.extui %sign3A_973 : i1 to i32
      %sign3A_975 = arith.constant 0 : i32
      %sign3A_976 = arith.cmpi slt, %scan3A_922, %sign3A_975 : i32
      %sign3A_977 = arith.extui %sign3A_976 : i1 to i32
      %sign3A_978 = arith.subi %sign3A_974, %sign3A_977 : i32
      %sign3A_979 = arith.constant 0 : i32
      %sign3A_980 = arith.cmpi sgt, %jit3A_970, %sign3A_979 : i32
      %sign3A_981 = arith.extui %sign3A_980 : i1 to i32
      %sign3A_982 = arith.constant 0 : i32
      %sign3A_983 = arith.cmpi slt, %jit3A_970, %sign3A_982 : i32
      %sign3A_984 = arith.extui %sign3A_983 : i1 to i32
      %sign3A_985 = arith.subi %sign3A_981, %sign3A_984 : i32
      %ne3A_986 = arith.cmpi ne, %sign3A_978, %sign3A_985 : i32
      %rem3A_987 = arith.remsi %scan3A_922, %jit3A_970 : i32
      %ne3A_988 = arith.constant 0 : i32
      %ne3A_989 = arith.cmpi ne, %rem3A_987, %ne3A_988 : i32
      %and3A_990 = arith.andi %ne3A_986, %ne3A_989 : i1
      %sub3A_991 = arith.constant 1 : i32
      %sub3A_992 = arith.subi %div3A_971, %sub3A_991 : i32
      %select_n3A_993 = arith.select %and3A_990, %sub3A_992, %div3A_971 : i32
      %jit3A_994 = arith.constant 8 : i32
      %div3A_995 = arith.divsi %scan3A_922, %jit3A_994 : i32
      %sign3A_996 = arith.constant 0 : i32
      %sign3A_997 = arith.cmpi sgt, %scan3A_922, %sign3A_996 : i32
      %sign3A_998 = arith.extui %sign3A_997 : i1 to i32
      %sign3A_999 = arith.constant 0 : i32
      %sign3A_1000 = arith.cmpi slt, %scan3A_922, %sign3A_999 : i32
      %sign3A_1001 = arith.extui %sign3A_1000 : i1 to i32
      %sign3A_1002 = arith.subi %sign3A_998, %sign3A_1001 : i32
      %sign3A_1003 = arith.constant 0 : i32
      %sign3A_1004 = arith.cmpi sgt, %jit3A_994, %sign3A_1003 : i32
      %sign3A_1005 = arith.extui %sign3A_1004 : i1 to i32
      %sign3A_1006 = arith.constant 0 : i32
      %sign3A_1007 = arith.cmpi slt, %jit3A_994, %sign3A_1006 : i32
      %sign3A_1008 = arith.extui %sign3A_1007 : i1 to i32
      %sign3A_1009 = arith.subi %sign3A_1005, %sign3A_1008 : i32
      %ne3A_1010 = arith.cmpi ne, %sign3A_1002, %sign3A_1009 : i32
      %rem3A_1011 = arith.remsi %scan3A_922, %jit3A_994 : i32
      %ne3A_1012 = arith.constant 0 : i32
      %ne3A_1013 = arith.cmpi ne, %rem3A_1011, %ne3A_1012 : i32
      %and3A_1014 = arith.andi %ne3A_1010, %ne3A_1013 : i1
      %sub3A_1015 = arith.constant 1 : i32
      %sub3A_1016 = arith.subi %div3A_995, %sub3A_1015 : i32
      %select_n3A_1017 = arith.select %and3A_1014, %sub3A_1016, %div3A_995 : i32
      %jit3A_1018 = arith.constant 8 : i32
      %eq3A_1019 = arith.constant 0 : i32
      %eq3A_1020 = arith.cmpi eq, %jit3A_1018, %eq3A_1019 : i32
      %jit3A_1021 = arith.constant 1 : i32
      %select_n3A_1022 = arith.select %eq3A_1020, %jit3A_1021, %jit3A_1018 : i32
      %rem3A_1023 = arith.remsi %select_n3A_1017, %select_n3A_1022 : i32
      %ne3A_1024 = arith.constant 0 : i32
      %ne3A_1025 = arith.cmpi ne, %rem3A_1023, %ne3A_1024 : i32
      %lt3A_1026 = arith.constant 0 : i32
      %lt3A_1027 = arith.cmpi slt, %rem3A_1023, %lt3A_1026 : i32
      %lt3A_1028 = arith.constant 0 : i32
      %lt3A_1029 = arith.cmpi slt, %select_n3A_1022, %lt3A_1028 : i32
      %ne3A_1030 = arith.xori %lt3A_1027, %lt3A_1029 : i1
      %and3A_1031 = arith.andi %ne3A_1030, %ne3A_1025 : i1
      %add3A_1032 = arith.addi %rem3A_1023, %select_n3A_1022 : i32
      %select_n3A_1033 = arith.select %and3A_1031, %add3A_1032, %rem3A_1023 : i32
      %swap3A_1034 = arith.index_cast %select_n3A_993 : i32 to index
      %swap3A_1035 = arith.index_cast %select_n3A_1033 : i32 to index
      %swap3A_1036 = arith.index_cast %mul3A_964 : i32 to index
      %swap3A_1037 = tpu.vector_load %arg9[%swap3A_1034, %swap3A_1035, %swap3A_1036] {strides = array<i32>} : memref<5x8x128xf32, #tpu.memory_space<vmem>>, vector<16xf32>,
      tpu.vector_store %arg9[%swap3A_1034, %swap3A_1035, %swap3A_1036], %gather3A_969 {strides = array<i32>} : memref<5x8x128xf32, #tpu.memory_space<vmem>>, vector<16xf32>,
      %scan3A_1038 = arith.constant 0 : i32
      %scan3A_1039 = arith.constant 7 : i32
      %scan3A_1040 = arith.addi %scan3A_225, %scan3A_1039 : i32
      %jit3A_1041 = arith.constant 8 : i32
      %div3A_1042 = arith.divsi %scan3A_1040, %jit3A_1041 : i32
      %sign3A_1043 = arith.constant 0 : i32
      %sign3A_1044 = arith.cmpi sgt, %scan3A_1040, %sign3A_1043 : i32
      %sign3A_1045 = arith.extui %sign3A_1044 : i1 to i32
      %sign3A_1046 = arith.constant 0 : i32
      %sign3A_1047 = arith.cmpi slt, %scan3A_1040, %sign3A_1046 : i32
      %sign3A_1048 = arith.extui %sign3A_1047 : i1 to i32
      %sign3A_1049 = arith.subi %sign3A_1045, %sign3A_1048 : i32
      %sign3A_1050 = arith.constant 0 : i32
      %sign3A_1051 = arith.cmpi sgt, %jit3A_1041, %sign3A_1050 : i32
      %sign3A_1052 = arith.extui %sign3A_1051 : i1 to i32
      %sign3A_1053 = arith.constant 0 : i32
      %sign3A_1054 = arith.cmpi slt, %jit3A_1041, %sign3A_1053 : i32
      %sign3A_1055 = arith.extui %sign3A_1054 : i1 to i32
      %sign3A_1056 = arith.subi %sign3A_1052, %sign3A_1055 : i32
      %ne3A_1057 = arith.cmpi ne, %sign3A_1049, %sign3A_1056 : i32
      %rem3A_1058 = arith.remsi %scan3A_1040, %jit3A_1041 : i32
      %ne3A_1059 = arith.constant 0 : i32
      %ne3A_1060 = arith.cmpi ne, %rem3A_1058, %ne3A_1059 : i32
      %and3A_1061 = arith.andi %ne3A_1057, %ne3A_1060 : i1
      %sub3A_1062 = arith.constant 1 : i32
      %sub3A_1063 = arith.subi %div3A_1042, %sub3A_1062 : i32
      %select_n3A_1064 = arith.select %and3A_1061, %sub3A_1063, %div3A_1042 : i32
      %jit3A_1065 = arith.constant 8 : i32
      %eq3A_1066 = arith.constant 0 : i32
      %eq3A_1067 = arith.cmpi eq, %jit3A_1065, %eq3A_1066 : i32
      %jit3A_1068 = arith.constant 1 : i32
      %select_n3A_1069 = arith.select %eq3A_1067, %jit3A_1068, %jit3A_1065 : i32
      %rem3A_1070 = arith.remsi %scan3A_1040, %select_n3A_1069 : i32
      %ne3A_1071 = arith.constant 0 : i32
      %ne3A_1072 = arith.cmpi ne, %rem3A_1070, %ne3A_1071 : i32
      %lt3A_1073 = arith.constant 0 : i32
      %lt3A_1074 = arith.cmpi slt, %rem3A_1070, %lt3A_1073 : i32
      %lt3A_1075 = arith.constant 0 : i32
      %lt3A_1076 = arith.cmpi slt, %select_n3A_1069, %lt3A_1075 : i32
      %ne3A_1077 = arith.xori %lt3A_1074, %lt3A_1076 : i1
      %and3A_1078 = arith.andi %ne3A_1077, %ne3A_1072 : i1
      %add3A_1079 = arith.addi %rem3A_1070, %select_n3A_1069 : i32
      %select_n3A_1080 = arith.select %and3A_1078, %add3A_1079, %rem3A_1070 : i32
      %mul3A_1081 = arith.constant 16 : i32
      %mul3A_1082 = arith.muli %select_n3A_1080, %mul3A_1081 : i32
      %get3A_1083 = arith.index_cast %select_n3A_1064 : i32 to index
      %get3A_1084 = arith.index_cast %mul3A_1082 : i32 to index
      %get3A_1085 = tpu.vector_load %arg7[%get3A_1083, %get3A_1084] {strides = array<i32>} : memref<40x128xf32, #tpu.memory_space<vmem>>, vector<16xf32>,
      %convert_element_type3A_1086 = arith.fptosi %get3A_1085 : vector<16xf32> to vector<16xi32>
      %gather3A_1087 = tpu.vector_load_idx %arg5[%convert_element_type3A_1086] : memref<100352xf32, #tpu.memory_space<vmem>>[vector<16xi32>], vector<16xf32>,
      %jit3A_1088 = arith.constant 64 : i32
      %div3A_1089 = arith.divsi %scan3A_1040, %jit3A_1088 : i32
      %sign3A_1090 = arith.constant 0 : i32
      %sign3A_1091 = arith.cmpi sgt, %scan3A_1040, %sign3A_1090 : i32
      %sign3A_1092 = arith.extui %sign3A_1091 : i1 to i32
      %sign3A_1093 = arith.constant 0 : i32
      %sign3A_1094 = arith.cmpi slt, %scan3A_1040, %sign3A_1093 : i32
      %sign3A_1095 = arith.extui %sign3A_1094 : i1 to i32
      %sign3A_1096 = arith.subi %sign3A_1092, %sign3A_1095 : i32
      %sign3A_1097 = arith.constant 0 : i32
      %sign3A_1098 = arith.cmpi sgt, %jit3A_1088, %sign3A_1097 : i32
      %sign3A_1099 = arith.extui %sign3A_1098 : i1 to i32
      %sign3A_1100 = arith.constant 0 : i32
      %sign3A_1101 = arith.cmpi slt, %jit3A_1088, %sign3A_1100 : i32
      %sign3A_1102 = arith.extui %sign3A_1101 : i1 to i32
      %sign3A_1103 = arith.subi %sign3A_1099, %sign3A_1102 : i32
      %ne3A_1104 = arith.cmpi ne, %sign3A_1096, %sign3A_1103 : i32
      %rem3A_1105 = arith.remsi %scan3A_1040, %jit3A_1088 : i32
      %ne3A_1106 = arith.constant 0 : i32
      %ne3A_1107 = arith.cmpi ne, %rem3A_1105, %ne3A_1106 : i32
      %and3A_1108 = arith.andi %ne3A_1104, %ne3A_1107 : i1
      %sub3A_1109 = arith.constant 1 : i32
      %sub3A_1110 = arith.subi %div3A_1089, %sub3A_1109 : i32
      %select_n3A_1111 = arith.select %and3A_1108, %sub3A_1110, %div3A_1089 : i32
      %jit3A_1112 = arith.constant 8 : i32
      %div3A_1113 = arith.divsi %scan3A_1040, %jit3A_1112 : i32
      %sign3A_1114 = arith.constant 0 : i32
      %sign3A_1115 = arith.cmpi sgt, %scan3A_1040, %sign3A_1114 : i32
      %sign3A_1116 = arith.extui %sign3A_1115 : i1 to i32
      %sign3A_1117 = arith.constant 0 : i32
      %sign3A_1118 = arith.cmpi slt, %scan3A_1040, %sign3A_1117 : i32
      %sign3A_1119 = arith.extui %sign3A_1118 : i1 to i32
      %sign3A_1120 = arith.subi %sign3A_1116, %sign3A_1119 : i32
      %sign3A_1121 = arith.constant 0 : i32
      %sign3A_1122 = arith.cmpi sgt, %jit3A_1112, %sign3A_1121 : i32
      %sign3A_1123 = arith.extui %sign3A_1122 : i1 to i32
      %sign3A_1124 = arith.constant 0 : i32
      %sign3A_1125 = arith.cmpi slt, %jit3A_1112, %sign3A_1124 : i32
      %sign3A_1126 = arith.extui %sign3A_1125 : i1 to i32
      %sign3A_1127 = arith.subi %sign3A_1123, %sign3A_1126 : i32
      %ne3A_1128 = arith.cmpi ne, %sign3A_1120, %sign3A_1127 : i32
      %rem3A_1129 = arith.remsi %scan3A_1040, %jit3A_1112 : i32
      %ne3A_1130 = arith.constant 0 : i32
      %ne3A_1131 = arith.cmpi ne, %rem3A_1129, %ne3A_1130 : i32
      %and3A_1132 = arith.andi %ne3A_1128, %ne3A_1131 : i1
      %sub3A_1133 = arith.constant 1 : i32
      %sub3A_1134 = arith.subi %div3A_1113, %sub3A_1133 : i32
      %select_n3A_1135 = arith.select %and3A_1132, %sub3A_1134, %div3A_1113 : i32
      %jit3A_1136 = arith.constant 8 : i32
      %eq3A_1137 = arith.constant 0 : i32
      %eq3A_1138 = arith.cmpi eq, %jit3A_1136, %eq3A_1137 : i32
      %jit3A_1139 = arith.constant 1 : i32
      %select_n3A_1140 = arith.select %eq3A_1138, %jit3A_1139, %jit3A_1136 : i32
      %rem3A_1141 = arith.remsi %select_n3A_1135, %select_n3A_1140 : i32
      %ne3A_1142 = arith.constant 0 : i32
      %ne3A_1143 = arith.cmpi ne, %rem3A_1141, %ne3A_1142 : i32
      %lt3A_1144 = arith.constant 0 : i32
      %lt3A_1145 = arith.cmpi slt, %rem3A_1141, %lt3A_1144 : i32
      %lt3A_1146 = arith.constant 0 : i32
      %lt3A_1147 = arith.cmpi slt, %select_n3A_1140, %lt3A_1146 : i32
      %ne3A_1148 = arith.xori %lt3A_1145, %lt3A_1147 : i1
      %and3A_1149 = arith.andi %ne3A_1148, %ne3A_1143 : i1
      %add3A_1150 = arith.addi %rem3A_1141, %select_n3A_1140 : i32
      %select_n3A_1151 = arith.select %and3A_1149, %add3A_1150, %rem3A_1141 : i32
      %swap3A_1152 = arith.index_cast %select_n3A_1111 : i32 to index
      %swap3A_1153 = arith.index_cast %select_n3A_1151 : i32 to index
      %swap3A_1154 = arith.index_cast %mul3A_1082 : i32 to index
      %swap3A_1155 = tpu.vector_load %arg9[%swap3A_1152, %swap3A_1153, %swap3A_1154] {strides = array<i32>} : memref<5x8x128xf32, #tpu.memory_space<vmem>>, vector<16xf32>,
      tpu.vector_store %arg9[%swap3A_1152, %swap3A_1153, %swap3A_1154], %gather3A_1087 {strides = array<i32>} : memref<5x8x128xf32, #tpu.memory_space<vmem>>, vector<16xf32>,
      %scan3A_1156 = arith.constant 0 : i32
      scf.yield %scan3A_1156 : i32
    }
    %scan3A_33 = arith.constant 320 : i32
    %dma_start3A_34 = arith.constant 0 : i32
    %dma_start3A_35 = arith.constant 0 : i32
    %dma_start3A_36 = arith.constant 0 : i32
    %dma_start3A_37 = tpu.memref_slice %arg4[%dma_start3A_34, %add3A, %dma_start3A_35, %dma_start3A_36] : memref<25x32x8x128xf32, #tpu.memory_space<hbm>> -> memref<5x1x8x128xf32, #tpu.memory_space<hbm>>
    %dma_start3A_38 = tpu.memref_squeeze %dma_start3A_37 : memref<5x1x8x128xf32, #tpu.memory_space<hbm>> -> memref<5x8x128xf32, #tpu.memory_space<hbm>>
    %dma_start3A_39 = arith.constant 0 : i32
    %dma_start3A_40 = arith.constant 0 : i32
    %dma_start3A_41 = arith.constant 0 : i32
    %dma_start3A_42 = tpu.memref_slice %arg4[%dma_start3A_39, %add3A, %dma_start3A_40, %dma_start3A_41] : memref<25x32x8x128xf32, #tpu.memory_space<hbm>> -> memref<5x1x8x128xf32, #tpu.memory_space<hbm>>
    %dma_start3A_43 = tpu.memref_squeeze %dma_start3A_42 : memref<5x1x8x128xf32, #tpu.memory_space<hbm>> -> memref<5x8x128xf32, #tpu.memory_space<hbm>>
    tpu.enqueue_dma source(%arg9 : memref<5x8x128xf32, #tpu.memory_space<vmem>>) target(%dma_start3A_43 : memref<5x8x128xf32, #tpu.memory_space<hbm>>) target_semaphore(%arg14 : memref<!tpu.dma_semaphore, #tpu.memory_space<semaphore_mem>>)
    %dma_start3A_44 = arith.constant 0 : i32
    %dma_start3A_45 = arith.constant 80 : i32
    %dma_start3A_46 = arith.constant 0 : i32
    %dma_start3A_47 = tpu.memref_slice %arg2[%dma_start3A_45, %add3A, %dma_start3A_44, %dma_start3A_46] : memref<200x32x8x128xf32, #tpu.memory_space<hbm>> -> memref<40x1x1x128xf32, #tpu.memory_space<hbm>>
    %dma_start3A_48 = tpu.memref_squeeze %dma_start3A_47 : memref<40x1x1x128xf32, #tpu.memory_space<hbm>> -> memref<40x128xf32, #tpu.memory_space<hbm>>
    %dma_start3A_49 = arith.constant 80 : i32
    %dma_start3A_50 = arith.constant 0 : i32
    %dma_start3A_51 = tpu.memref_slice %arg2[%dma_start3A_49, %add3A, %dma_start3A_44, %dma_start3A_50] : memref<200x32x8x128xf32, #tpu.memory_space<hbm>> -> memref<40x1x1x128xf32, #tpu.memory_space<hbm>>
    %dma_start3A_52 = tpu.memref_squeeze %dma_start3A_51 : memref<40x1x1x128xf32, #tpu.memory_space<hbm>> -> memref<40x128xf32, #tpu.memory_space<hbm>>
    tpu.enqueue_dma source(%dma_start3A_52 : memref<40x128xf32, #tpu.memory_space<hbm>>) target(%arg7 : memref<40x128xf32, #tpu.memory_space<vmem>>) target_semaphore(%arg12 : memref<!tpu.dma_semaphore, #tpu.memory_space<semaphore_mem>>)
    %dma_wait3A_53 = arith.constant 0 : i32
    %dma_wait3A_54 = arith.constant 40 : i32
    %dma_wait3A_55 = arith.constant 0 : i32
    %dma_wait3A_56 = tpu.memref_slice %arg2[%dma_wait3A_54, %add3A, %dma_wait3A_53, %dma_wait3A_55] : memref<200x32x8x128xf32, #tpu.memory_space<hbm>> -> memref<40x1x1x128xf32, #tpu.memory_space<hbm>>
    %dma_wait3A_57 = tpu.memref_squeeze %dma_wait3A_56 : memref<40x1x1x128xf32, #tpu.memory_space<hbm>> -> memref<40x128xf32, #tpu.memory_space<hbm>>
    %dma_wait3A_58 = arith.constant 40 : i32
    %dma_wait3A_59 = arith.constant 0 : i32
    %dma_wait3A_60 = tpu.memref_slice %arg2[%dma_wait3A_58, %add3A, %dma_wait3A_53, %dma_wait3A_59] : memref<200x32x8x128xf32, #tpu.memory_space<hbm>> -> memref<40x1x1x128xf32, #tpu.memory_space<hbm>>
    %dma_wait3A_61 = tpu.memref_squeeze %dma_wait3A_60 : memref<40x1x1x128xf32, #tpu.memory_space<hbm>> -> memref<40x128xf32, #tpu.memory_space<hbm>>
    tpu.wait_dma2 semaphore(%arg13 : memref<!tpu.dma_semaphore, #tpu.memory_space<semaphore_mem>>) src(%dma_wait3A_61 : memref<40x128xf32, #tpu.memory_space<hbm>>) dst(%arg8 : memref<40x128xf32, #tpu.memory_space<vmem>>)
    %scan3A_62 = arith.constant 0 : i32
    %scan3A_63 = arith.constant 0 : i32
    %scan3A_64 = arith.constant 320 : i32
    %scan3A_65 = arith.addi %scan3A_63, %scan3A_64 : i32
    %scan3A_66 = arith.constant 8 : i32
    %scan3A_67 = scf.for %scan3A_225 = %scan3A_63 to %scan3A_65 step %scan3A_66 iter_args(%scan3A_226 = %scan3A_62) -> (i32)  : i32 {
      %jit3A = arith.constant 8 : i32
      %div3A = arith.divsi %scan3A_225, %jit3A : i32
      %sign3A = arith.constant 0 : i32
      %sign3A_227 = arith.cmpi sgt, %scan3A_225, %sign3A : i32
      %sign3A_228 = arith.extui %sign3A_227 : i1 to i32
      %sign3A_229 = arith.constant 0 : i32
      %sign3A_230 = arith.cmpi slt, %scan3A_225, %sign3A_229 : i32
      %sign3A_231 = arith.extui %sign3A_230 : i1 to i32
      %sign3A_232 = arith.subi %sign3A_228, %sign3A_231 : i32
      %sign3A_233 = arith.constant 0 : i32
      %sign3A_234 = arith.cmpi sgt, %jit3A, %sign3A_233 : i32
      %sign3A_235 = arith.extui %sign3A_234 : i1 to i32
      %sign3A_236 = arith.constant 0 : i32
      %sign3A_237 = arith.cmpi slt, %jit3A, %sign3A_236 : i32
      %sign3A_238 = arith.extui %sign3A_237 : i1 to i32
      %sign3A_239 = arith.subi %sign3A_235, %sign3A_238 : i32
      %ne3A = arith.cmpi ne, %sign3A_232, %sign3A_239 : i32
      %rem3A = arith.remsi %scan3A_225, %jit3A : i32
      %ne3A_240 = arith.constant 0 : i32
      %ne3A_241 = arith.cmpi ne, %rem3A, %ne3A_240 : i32
      %and3A = arith.andi %ne3A, %ne3A_241 : i1
      %sub3A = arith.constant 1 : i32
      %sub3A_242 = arith.subi %div3A, %sub3A : i32
      %select_n3A = arith.select %and3A, %sub3A_242, %div3A : i32
      %jit3A_243 = arith.constant 8 : i32
      %eq3A_244 = arith.constant 0 : i32
      %eq3A_245 = arith.cmpi eq, %jit3A_243, %eq3A_244 : i32
      %jit3A_246 = arith.constant 1 : i32
      %select_n3A_247 = arith.select %eq3A_245, %jit3A_246, %jit3A_243 : i32
      %rem3A_248 = arith.remsi %scan3A_225, %select_n3A_247 : i32
      %ne3A_249 = arith.constant 0 : i32
      %ne3A_250 = arith.cmpi ne, %rem3A_248, %ne3A_249 : i32
      %lt3A = arith.constant 0 : i32
      %lt3A_251 = arith.cmpi slt, %rem3A_248, %lt3A : i32
      %lt3A_252 = arith.constant 0 : i32
      %lt3A_253 = arith.cmpi slt, %select_n3A_247, %lt3A_252 : i32
      %ne3A_254 = arith.xori %lt3A_251, %lt3A_253 : i1
      %and3A_255 = arith.andi %ne3A_254, %ne3A_250 : i1
      %add3A_256 = arith.addi %rem3A_248, %select_n3A_247 : i32
      %select_n3A_257 = arith.select %and3A_255, %add3A_256, %rem3A_248 : i32
      %mul3A_258 = arith.constant 16 : i32
      %mul3A_259 = arith.muli %select_n3A_257, %mul3A_258 : i32
      %get3A = arith.index_cast %select_n3A : i32 to index
      %get3A_260 = arith.index_cast %mul3A_259 : i32 to index
      %get3A_261 = tpu.vector_load %arg8[%get3A, %get3A_260] {strides = array<i32>} : memref<40x128xf32, #tpu.memory_space<vmem>>, vector<16xf32>,
      %convert_element_type3A_262 = arith.fptosi %get3A_261 : vector<16xf32> to vector<16xi32>
      %gather3A = tpu.vector_load_idx %arg5[%convert_element_type3A_262] : memref<100352xf32, #tpu.memory_space<vmem>>[vector<16xi32>], vector<16xf32>,
      %jit3A_263 = arith.constant 64 : i32
      %div3A_264 = arith.divsi %scan3A_225, %jit3A_263 : i32
      %sign3A_265 = arith.constant 0 : i32
      %sign3A_266 = arith.cmpi sgt, %scan3A_225, %sign3A_265 : i32
      %sign3A_267 = arith.extui %sign3A_266 : i1 to i32
      %sign3A_268 = arith.constant 0 : i32
      %sign3A_269 = arith.cmpi slt, %scan3A_225, %sign3A_268 : i32
      %sign3A_270 = arith.extui %sign3A_269 : i1 to i32
      %sign3A_271 = arith.subi %sign3A_267, %sign3A_270 : i32
      %sign3A_272 = arith.constant 0 : i32
      %sign3A_273 = arith.cmpi sgt, %jit3A_263, %sign3A_272 : i32
      %sign3A_274 = arith.extui %sign3A_273 : i1 to i32
      %sign3A_275 = arith.constant 0 : i32
      %sign3A_276 = arith.cmpi slt, %jit3A_263, %sign3A_275 : i32
      %sign3A_277 = arith.extui %sign3A_276 : i1 to i32
      %sign3A_278 = arith.subi %sign3A_274, %sign3A_277 : i32
      %ne3A_279 = arith.cmpi ne, %sign3A_271, %sign3A_278 : i32
      %rem3A_280 = arith.remsi %scan3A_225, %jit3A_263 : i32
      %ne3A_281 = arith.constant 0 : i32
      %ne3A_282 = arith.cmpi ne, %rem3A_280, %ne3A_281 : i32
      %and3A_283 = arith.andi %ne3A_279, %ne3A_282 : i1
      %sub3A_284 = arith.constant 1 : i32
      %sub3A_285 = arith.subi %div3A_264, %sub3A_284 : i32
      %select_n3A_286 = arith.select %and3A_283, %sub3A_285, %div3A_264 : i32
      %jit3A_287 = arith.constant 8 : i32
      %div3A_288 = arith.divsi %scan3A_225, %jit3A_287 : i32
      %sign3A_289 = arith.constant 0 : i32
      %sign3A_290 = arith.cmpi sgt, %scan3A_225, %sign3A_289 : i32
      %sign3A_291 = arith.extui %sign3A_290 : i1 to i32
      %sign3A_292 = arith.constant 0 : i32
      %sign3A_293 = arith.cmpi slt, %scan3A_225, %sign3A_292 : i32
      %sign3A_294 = arith.extui %sign3A_293 : i1 to i32
      %sign3A_295 = arith.subi %sign3A_291, %sign3A_294 : i32
      %sign3A_296 = arith.constant 0 : i32
      %sign3A_297 = arith.cmpi sgt, %jit3A_287, %sign3A_296 : i32
      %sign3A_298 = arith.extui %sign3A_297 : i1 to i32
      %sign3A_299 = arith.constant 0 : i32
      %sign3A_300 = arith.cmpi slt, %jit3A_287, %sign3A_299 : i32
      %sign3A_301 = arith.extui %sign3A_300 : i1 to i32
      %sign3A_302 = arith.subi %sign3A_298, %sign3A_301 : i32
      %ne3A_303 = arith.cmpi ne, %sign3A_295, %sign3A_302 : i32
      %rem3A_304 = arith.remsi %scan3A_225, %jit3A_287 : i32
      %ne3A_305 = arith.constant 0 : i32
      %ne3A_306 = arith.cmpi ne, %rem3A_304, %ne3A_305 : i32
      %and3A_307 = arith.andi %ne3A_303, %ne3A_306 : i1
      %sub3A_308 = arith.constant 1 : i32
      %sub3A_309 = arith.subi %div3A_288, %sub3A_308 : i32
      %select_n3A_310 = arith.select %and3A_307, %sub3A_309, %div3A_288 : i32
      %jit3A_311 = arith.constant 8 : i32
      %eq3A_312 = arith.constant 0 : i32
      %eq3A_313 = arith.cmpi eq, %jit3A_311, %eq3A_312 : i32
      %jit3A_314 = arith.constant 1 : i32
      %select_n3A_315 = arith.select %eq3A_313, %jit3A_314, %jit3A_311 : i32
      %rem3A_316 = arith.remsi %select_n3A_310, %select_n3A_315 : i32
      %ne3A_317 = arith.constant 0 : i32
      %ne3A_318 = arith.cmpi ne, %rem3A_316, %ne3A_317 : i32
      %lt3A_319 = arith.constant 0 : i32
      %lt3A_320 = arith.cmpi slt, %rem3A_316, %lt3A_319 : i32
      %lt3A_321 = arith.constant 0 : i32
      %lt3A_322 = arith.cmpi slt, %select_n3A_315, %lt3A_321 : i32
      %ne3A_323 = arith.xori %lt3A_320, %lt3A_322 : i1
      %and3A_324 = arith.andi %ne3A_323, %ne3A_318 : i1
      %add3A_325 = arith.addi %rem3A_316, %select_n3A_315 : i32
      %select_n3A_326 = arith.select %and3A_324, %add3A_325, %rem3A_316 : i32
      %swap3A = arith.index_cast %select_n3A_286 : i32 to index
      %swap3A_327 = arith.index_cast %select_n3A_326 : i32 to index
      %swap3A_328 = arith.index_cast %mul3A_259 : i32 to index
      %swap3A_329 = tpu.vector_load %arg10[%swap3A, %swap3A_327, %swap3A_328] {strides = array<i32>} : memref<5x8x128xf32, #tpu.memory_space<vmem>>, vector<16xf32>,
      tpu.vector_store %arg10[%swap3A, %swap3A_327, %swap3A_328], %gather3A {strides = array<i32>} : memref<5x8x128xf32, #tpu.memory_space<vmem>>, vector<16xf32>,
      %scan3A_330 = arith.constant 0 : i32
      %scan3A_331 = arith.constant 1 : i32
      %scan3A_332 = arith.addi %scan3A_225, %scan3A_331 : i32
      %jit3A_333 = arith.constant 8 : i32
      %div3A_334 = arith.divsi %scan3A_332, %jit3A_333 : i32
      %sign3A_335 = arith.constant 0 : i32
      %sign3A_336 = arith.cmpi sgt, %scan3A_332, %sign3A_335 : i32
      %sign3A_337 = arith.extui %sign3A_336 : i1 to i32
      %sign3A_338 = arith.constant 0 : i32
      %sign3A_339 = arith.cmpi slt, %scan3A_332, %sign3A_338 : i32
      %sign3A_340 = arith.extui %sign3A_339 : i1 to i32
      %sign3A_341 = arith.subi %sign3A_337, %sign3A_340 : i32
      %sign3A_342 = arith.constant 0 : i32
      %sign3A_343 = arith.cmpi sgt, %jit3A_333, %sign3A_342 : i32
      %sign3A_344 = arith.extui %sign3A_343 : i1 to i32
      %sign3A_345 = arith.constant 0 : i32
      %sign3A_346 = arith.cmpi slt, %jit3A_333, %sign3A_345 : i32
      %sign3A_347 = arith.extui %sign3A_346 : i1 to i32
      %sign3A_348 = arith.subi %sign3A_344, %sign3A_347 : i32
      %ne3A_349 = arith.cmpi ne, %sign3A_341, %sign3A_348 : i32
      %rem3A_350 = arith.remsi %scan3A_332, %jit3A_333 : i32
      %ne3A_351 = arith.constant 0 : i32
      %ne3A_352 = arith.cmpi ne, %rem3A_350, %ne3A_351 : i32
      %and3A_353 = arith.andi %ne3A_349, %ne3A_352 : i1
      %sub3A_354 = arith.constant 1 : i32
      %sub3A_355 = arith.subi %div3A_334, %sub3A_354 : i32
      %select_n3A_356 = arith.select %and3A_353, %sub3A_355, %div3A_334 : i32
      %jit3A_357 = arith.constant 8 : i32
      %eq3A_358 = arith.constant 0 : i32
      %eq3A_359 = arith.cmpi eq, %jit3A_357, %eq3A_358 : i32
      %jit3A_360 = arith.constant 1 : i32
      %select_n3A_361 = arith.select %eq3A_359, %jit3A_360, %jit3A_357 : i32
      %rem3A_362 = arith.remsi %scan3A_332, %select_n3A_361 : i32
      %ne3A_363 = arith.constant 0 : i32
      %ne3A_364 = arith.cmpi ne, %rem3A_362, %ne3A_363 : i32
      %lt3A_365 = arith.constant 0 : i32
      %lt3A_366 = arith.cmpi slt, %rem3A_362, %lt3A_365 : i32
      %lt3A_367 = arith.constant 0 : i32
      %lt3A_368 = arith.cmpi slt, %select_n3A_361, %lt3A_367 : i32
      %ne3A_369 = arith.xori %lt3A_366, %lt3A_368 : i1
      %and3A_370 = arith.andi %ne3A_369, %ne3A_364 : i1
      %add3A_371 = arith.addi %rem3A_362, %select_n3A_361 : i32
      %select_n3A_372 = arith.select %and3A_370, %add3A_371, %rem3A_362 : i32
      %mul3A_373 = arith.constant 16 : i32
      %mul3A_374 = arith.muli %select_n3A_372, %mul3A_373 : i32
      %get3A_375 = arith.index_cast %select_n3A_356 : i32 to index
      %get3A_376 = arith.index_cast %mul3A_374 : i32 to index
      %get3A_377 = tpu.vector_load %arg8[%get3A_375, %get3A_376] {strides = array<i32>} : memref<40x128xf32, #tpu.memory_space<vmem>>, vector<16xf32>,
      %convert_element_type3A_378 = arith.fptosi %get3A_377 : vector<16xf32> to vector<16xi32>
      %gather3A_379 = tpu.vector_load_idx %arg5[%convert_element_type3A_378] : memref<100352xf32, #tpu.memory_space<vmem>>[vector<16xi32>], vector<16xf32>,
      %jit3A_380 = arith.constant 64 : i32
      %div3A_381 = arith.divsi %scan3A_332, %jit3A_380 : i32
      %sign3A_382 = arith.constant 0 : i32
      %sign3A_383 = arith.cmpi sgt, %scan3A_332, %sign3A_382 : i32
      %sign3A_384 = arith.extui %sign3A_383 : i1 to i32
      %sign3A_385 = arith.constant 0 : i32
      %sign3A_386 = arith.cmpi slt, %scan3A_332, %sign3A_385 : i32
      %sign3A_387 = arith.extui %sign3A_386 : i1 to i32
      %sign3A_388 = arith.subi %sign3A_384, %sign3A_387 : i32
      %sign3A_389 = arith.constant 0 : i32
      %sign3A_390 = arith.cmpi sgt, %jit3A_380, %sign3A_389 : i32
      %sign3A_391 = arith.extui %sign3A_390 : i1 to i32
      %sign3A_392 = arith.constant 0 : i32
      %sign3A_393 = arith.cmpi slt, %jit3A_380, %sign3A_392 : i32
      %sign3A_394 = arith.extui %sign3A_393 : i1 to i32
      %sign3A_395 = arith.subi %sign3A_391, %sign3A_394 : i32
      %ne3A_396 = arith.cmpi ne, %sign3A_388, %sign3A_395 : i32
      %rem3A_397 = arith.remsi %scan3A_332, %jit3A_380 : i32
      %ne3A_398 = arith.constant 0 : i32
      %ne3A_399 = arith.cmpi ne, %rem3A_397, %ne3A_398 : i32
      %and3A_400 = arith.andi %ne3A_396, %ne3A_399 : i1
      %sub3A_401 = arith.constant 1 : i32
      %sub3A_402 = arith.subi %div3A_381, %sub3A_401 : i32
      %select_n3A_403 = arith.select %and3A_400, %sub3A_402, %div3A_381 : i32
      %jit3A_404 = arith.constant 8 : i32
      %div3A_405 = arith.divsi %scan3A_332, %jit3A_404 : i32
      %sign3A_406 = arith.constant 0 : i32
      %sign3A_407 = arith.cmpi sgt, %scan3A_332, %sign3A_406 : i32
      %sign3A_408 = arith.extui %sign3A_407 : i1 to i32
      %sign3A_409 = arith.constant 0 : i32
      %sign3A_410 = arith.cmpi slt, %scan3A_332, %sign3A_409 : i32
      %sign3A_411 = arith.extui %sign3A_410 : i1 to i32
      %sign3A_412 = arith.subi %sign3A_408, %sign3A_411 : i32
      %sign3A_413 = arith.constant 0 : i32
      %sign3A_414 = arith.cmpi sgt, %jit3A_404, %sign3A_413 : i32
      %sign3A_415 = arith.extui %sign3A_414 : i1 to i32
      %sign3A_416 = arith.constant 0 : i32
      %sign3A_417 = arith.cmpi slt, %jit3A_404, %sign3A_416 : i32
      %sign3A_418 = arith.extui %sign3A_417 : i1 to i32
      %sign3A_419 = arith.subi %sign3A_415, %sign3A_418 : i32
      %ne3A_420 = arith.cmpi ne, %sign3A_412, %sign3A_419 : i32
      %rem3A_421 = arith.remsi %scan3A_332, %jit3A_404 : i32
      %ne3A_422 = arith.constant 0 : i32
      %ne3A_423 = arith.cmpi ne, %rem3A_421, %ne3A_422 : i32
      %and3A_424 = arith.andi %ne3A_420, %ne3A_423 : i1
      %sub3A_425 = arith.constant 1 : i32
      %sub3A_426 = arith.subi %div3A_405, %sub3A_425 : i32
      %select_n3A_427 = arith.select %and3A_424, %sub3A_426, %div3A_405 : i32
      %jit3A_428 = arith.constant 8 : i32
      %eq3A_429 = arith.constant 0 : i32
      %eq3A_430 = arith.cmpi eq, %jit3A_428, %eq3A_429 : i32
      %jit3A_431 = arith.constant 1 : i32
      %select_n3A_432 = arith.select %eq3A_430, %jit3A_431, %jit3A_428 : i32
      %rem3A_433 = arith.remsi %select_n3A_427, %select_n3A_432 : i32
      %ne3A_434 = arith.constant 0 : i32
      %ne3A_435 = arith.cmpi ne, %rem3A_433, %ne3A_434 : i32
      %lt3A_436 = arith.constant 0 : i32
      %lt3A_437 = arith.cmpi slt, %rem3A_433, %lt3A_436 : i32
      %lt3A_438 = arith.constant 0 : i32
      %lt3A_439 = arith.cmpi slt, %select_n3A_432, %lt3A_438 : i32
      %ne3A_440 = arith.xori %lt3A_437, %lt3A_439 : i1
      %and3A_441 = arith.andi %ne3A_440, %ne3A_435 : i1
      %add3A_442 = arith.addi %rem3A_433, %select_n3A_432 : i32
      %select_n3A_443 = arith.select %and3A_441, %add3A_442, %rem3A_433 : i32
      %swap3A_444 = arith.index_cast %select_n3A_403 : i32 to index
      %swap3A_445 = arith.index_cast %select_n3A_443 : i32 to index
      %swap3A_446 = arith.index_cast %mul3A_374 : i32 to index
      %swap3A_447 = tpu.vector_load %arg10[%swap3A_444, %swap3A_445, %swap3A_446] {strides = array<i32>} : memref<5x8x128xf32, #tpu.memory_space<vmem>>, vector<16xf32>,
      tpu.vector_store %arg10[%swap3A_444, %swap3A_445, %swap3A_446], %gather3A_379 {strides = array<i32>} : memref<5x8x128xf32, #tpu.memory_space<vmem>>, vector<16xf32>,
      %scan3A_448 = arith.constant 0 : i32
      %scan3A_449 = arith.constant 2 : i32
      %scan3A_450 = arith.addi %scan3A_225, %scan3A_449 : i32
      %jit3A_451 = arith.constant 8 : i32
      %div3A_452 = arith.divsi %scan3A_450, %jit3A_451 : i32
      %sign3A_453 = arith.constant 0 : i32
      %sign3A_454 = arith.cmpi sgt, %scan3A_450, %sign3A_453 : i32
      %sign3A_455 = arith.extui %sign3A_454 : i1 to i32
      %sign3A_456 = arith.constant 0 : i32
      %sign3A_457 = arith.cmpi slt, %scan3A_450, %sign3A_456 : i32
      %sign3A_458 = arith.extui %sign3A_457 : i1 to i32
      %sign3A_459 = arith.subi %sign3A_455, %sign3A_458 : i32
      %sign3A_460 = arith.constant 0 : i32
      %sign3A_461 = arith.cmpi sgt, %jit3A_451, %sign3A_460 : i32
      %sign3A_462 = arith.extui %sign3A_461 : i1 to i32
      %sign3A_463 = arith.constant 0 : i32
      %sign3A_464 = arith.cmpi slt, %jit3A_451, %sign3A_463 : i32
      %sign3A_465 = arith.extui %sign3A_464 : i1 to i32
      %sign3A_466 = arith.subi %sign3A_462, %sign3A_465 : i32
      %ne3A_467 = arith.cmpi ne, %sign3A_459, %sign3A_466 : i32
      %rem3A_468 = arith.remsi %scan3A_450, %jit3A_451 : i32
      %ne3A_469 = arith.constant 0 : i32
      %ne3A_470 = arith.cmpi ne, %rem3A_468, %ne3A_469 : i32
      %and3A_471 = arith.andi %ne3A_467, %ne3A_470 : i1
      %sub3A_472 = arith.constant 1 : i32
      %sub3A_473 = arith.subi %div3A_452, %sub3A_472 : i32
      %select_n3A_474 = arith.select %and3A_471, %sub3A_473, %div3A_452 : i32
      %jit3A_475 = arith.constant 8 : i32
      %eq3A_476 = arith.constant 0 : i32
      %eq3A_477 = arith.cmpi eq, %jit3A_475, %eq3A_476 : i32
      %jit3A_478 = arith.constant 1 : i32
      %select_n3A_479 = arith.select %eq3A_477, %jit3A_478, %jit3A_475 : i32
      %rem3A_480 = arith.remsi %scan3A_450, %select_n3A_479 : i32
      %ne3A_481 = arith.constant 0 : i32
      %ne3A_482 = arith.cmpi ne, %rem3A_480, %ne3A_481 : i32
      %lt3A_483 = arith.constant 0 : i32
      %lt3A_484 = arith.cmpi slt, %rem3A_480, %lt3A_483 : i32
      %lt3A_485 = arith.constant 0 : i32
      %lt3A_486 = arith.cmpi slt, %select_n3A_479, %lt3A_485 : i32
      %ne3A_487 = arith.xori %lt3A_484, %lt3A_486 : i1
      %and3A_488 = arith.andi %ne3A_487, %ne3A_482 : i1
      %add3A_489 = arith.addi %rem3A_480, %select_n3A_479 : i32
      %select_n3A_490 = arith.select %and3A_488, %add3A_489, %rem3A_480 : i32
      %mul3A_491 = arith.constant 16 : i32
      %mul3A_492 = arith.muli %select_n3A_490, %mul3A_491 : i32
      %get3A_493 = arith.index_cast %select_n3A_474 : i32 to index
      %get3A_494 = arith.index_cast %mul3A_492 : i32 to index
      %get3A_495 = tpu.vector_load %arg8[%get3A_493, %get3A_494] {strides = array<i32>} : memref<40x128xf32, #tpu.memory_space<vmem>>, vector<16xf32>,
      %convert_element_type3A_496 = arith.fptosi %get3A_495 : vector<16xf32> to vector<16xi32>
      %gather3A_497 = tpu.vector_load_idx %arg5[%convert_element_type3A_496] : memref<100352xf32, #tpu.memory_space<vmem>>[vector<16xi32>], vector<16xf32>,
      %jit3A_498 = arith.constant 64 : i32
      %div3A_499 = arith.divsi %scan3A_450, %jit3A_498 : i32
      %sign3A_500 = arith.constant 0 : i32
      %sign3A_501 = arith.cmpi sgt, %scan3A_450, %sign3A_500 : i32
      %sign3A_502 = arith.extui %sign3A_501 : i1 to i32
      %sign3A_503 = arith.constant 0 : i32
      %sign3A_504 = arith.cmpi slt, %scan3A_450, %sign3A_503 : i32
      %sign3A_505 = arith.extui %sign3A_504 : i1 to i32
      %sign3A_506 = arith.subi %sign3A_502, %sign3A_505 : i32
      %sign3A_507 = arith.constant 0 : i32
      %sign3A_508 = arith.cmpi sgt, %jit3A_498, %sign3A_507 : i32
      %sign3A_509 = arith.extui %sign3A_508 : i1 to i32
      %sign3A_510 = arith.constant 0 : i32
      %sign3A_511 = arith.cmpi slt, %jit3A_498, %sign3A_510 : i32
      %sign3A_512 = arith.extui %sign3A_511 : i1 to i32
      %sign3A_513 = arith.subi %sign3A_509, %sign3A_512 : i32
      %ne3A_514 = arith.cmpi ne, %sign3A_506, %sign3A_513 : i32
      %rem3A_515 = arith.remsi %scan3A_450, %jit3A_498 : i32
      %ne3A_516 = arith.constant 0 : i32
      %ne3A_517 = arith.cmpi ne, %rem3A_515, %ne3A_516 : i32
      %and3A_518 = arith.andi %ne3A_514, %ne3A_517 : i1
      %sub3A_519 = arith.constant 1 : i32
      %sub3A_520 = arith.subi %div3A_499, %sub3A_519 : i32
      %select_n3A_521 = arith.select %and3A_518, %sub3A_520, %div3A_499 : i32
      %jit3A_522 = arith.constant 8 : i32
      %div3A_523 = arith.divsi %scan3A_450, %jit3A_522 : i32
      %sign3A_524 = arith.constant 0 : i32
      %sign3A_525 = arith.cmpi sgt, %scan3A_450, %sign3A_524 : i32
      %sign3A_526 = arith.extui %sign3A_525 : i1 to i32
      %sign3A_527 = arith.constant 0 : i32
      %sign3A_528 = arith.cmpi slt, %scan3A_450, %sign3A_527 : i32
      %sign3A_529 = arith.extui %sign3A_528 : i1 to i32
      %sign3A_530 = arith.subi %sign3A_526, %sign3A_529 : i32
      %sign3A_531 = arith.constant 0 : i32
      %sign3A_532 = arith.cmpi sgt, %jit3A_522, %sign3A_531 : i32
      %sign3A_533 = arith.extui %sign3A_532 : i1 to i32
      %sign3A_534 = arith.constant 0 : i32
      %sign3A_535 = arith.cmpi slt, %jit3A_522, %sign3A_534 : i32
      %sign3A_536 = arith.extui %sign3A_535 : i1 to i32
      %sign3A_537 = arith.subi %sign3A_533, %sign3A_536 : i32
      %ne3A_538 = arith.cmpi ne, %sign3A_530, %sign3A_537 : i32
      %rem3A_539 = arith.remsi %scan3A_450, %jit3A_522 : i32
      %ne3A_540 = arith.constant 0 : i32
      %ne3A_541 = arith.cmpi ne, %rem3A_539, %ne3A_540 : i32
      %and3A_542 = arith.andi %ne3A_538, %ne3A_541 : i1
      %sub3A_543 = arith.constant 1 : i32
      %sub3A_544 = arith.subi %div3A_523, %sub3A_543 : i32
      %select_n3A_545 = arith.select %and3A_542, %sub3A_544, %div3A_523 : i32
      %jit3A_546 = arith.constant 8 : i32
      %eq3A_547 = arith.constant 0 : i32
      %eq3A_548 = arith.cmpi eq, %jit3A_546, %eq3A_547 : i32
      %jit3A_549 = arith.constant 1 : i32
      %select_n3A_550 = arith.select %eq3A_548, %jit3A_549, %jit3A_546 : i32
      %rem3A_551 = arith.remsi %select_n3A_545, %select_n3A_550 : i32
      %ne3A_552 = arith.constant 0 : i32
      %ne3A_553 = arith.cmpi ne, %rem3A_551, %ne3A_552 : i32
      %lt3A_554 = arith.constant 0 : i32
      %lt3A_555 = arith.cmpi slt, %rem3A_551, %lt3A_554 : i32
      %lt3A_556 = arith.constant 0 : i32
      %lt3A_557 = arith.cmpi slt, %select_n3A_550, %lt3A_556 : i32
      %ne3A_558 = arith.xori %lt3A_555, %lt3A_557 : i1
      %and3A_559 = arith.andi %ne3A_558, %ne3A_553 : i1
      %add3A_560 = arith.addi %rem3A_551, %select_n3A_550 : i32
      %select_n3A_561 = arith.select %and3A_559, %add3A_560, %rem3A_551 : i32
      %swap3A_562 = arith.index_cast %select_n3A_521 : i32 to index
      %swap3A_563 = arith.index_cast %select_n3A_561 : i32 to index
      %swap3A_564 = arith.index_cast %mul3A_492 : i32 to index
      %swap3A_565 = tpu.vector_load %arg10[%swap3A_562, %swap3A_563, %swap3A_564] {strides = array<i32>} : memref<5x8x128xf32, #tpu.memory_space<vmem>>, vector<16xf32>,
      tpu.vector_store %arg10[%swap3A_562, %swap3A_563, %swap3A_564], %gather3A_497 {strides = array<i32>} : memref<5x8x128xf32, #tpu.memory_space<vmem>>, vector<16xf32>,
      %scan3A_566 = arith.constant 0 : i32
      %scan3A_567 = arith.constant 3 : i32
      %scan3A_568 = arith.addi %scan3A_225, %scan3A_567 : i32
      %jit3A_569 = arith.constant 8 : i32
      %div3A_570 = arith.divsi %scan3A_568, %jit3A_569 : i32
      %sign3A_571 = arith.constant 0 : i32
      %sign3A_572 = arith.cmpi sgt, %scan3A_568, %sign3A_571 : i32
      %sign3A_573 = arith.extui %sign3A_572 : i1 to i32
      %sign3A_574 = arith.constant 0 : i32
      %sign3A_575 = arith.cmpi slt, %scan3A_568, %sign3A_574 : i32
      %sign3A_576 = arith.extui %sign3A_575 : i1 to i32
      %sign3A_577 = arith.subi %sign3A_573, %sign3A_576 : i32
      %sign3A_578 = arith.constant 0 : i32
      %sign3A_579 = arith.cmpi sgt, %jit3A_569, %sign3A_578 : i32
      %sign3A_580 = arith.extui %sign3A_579 : i1 to i32
      %sign3A_581 = arith.constant 0 : i32
      %sign3A_582 = arith.cmpi slt, %jit3A_569, %sign3A_581 : i32
      %sign3A_583 = arith.extui %sign3A_582 : i1 to i32
      %sign3A_584 = arith.subi %sign3A_580, %sign3A_583 : i32
      %ne3A_585 = arith.cmpi ne, %sign3A_577, %sign3A_584 : i32
      %rem3A_586 = arith.remsi %scan3A_568, %jit3A_569 : i32
      %ne3A_587 = arith.constant 0 : i32
      %ne3A_588 = arith.cmpi ne, %rem3A_586, %ne3A_587 : i32
      %and3A_589 = arith.andi %ne3A_585, %ne3A_588 : i1
      %sub3A_590 = arith.constant 1 : i32
      %sub3A_591 = arith.subi %div3A_570, %sub3A_590 : i32
      %select_n3A_592 = arith.select %and3A_589, %sub3A_591, %div3A_570 : i32
      %jit3A_593 = arith.constant 8 : i32
      %eq3A_594 = arith.constant 0 : i32
      %eq3A_595 = arith.cmpi eq, %jit3A_593, %eq3A_594 : i32
      %jit3A_596 = arith.constant 1 : i32
      %select_n3A_597 = arith.select %eq3A_595, %jit3A_596, %jit3A_593 : i32
      %rem3A_598 = arith.remsi %scan3A_568, %select_n3A_597 : i32
      %ne3A_599 = arith.constant 0 : i32
      %ne3A_600 = arith.cmpi ne, %rem3A_598, %ne3A_599 : i32
      %lt3A_601 = arith.constant 0 : i32
      %lt3A_602 = arith.cmpi slt, %rem3A_598, %lt3A_601 : i32
      %lt3A_603 = arith.constant 0 : i32
      %lt3A_604 = arith.cmpi slt, %select_n3A_597, %lt3A_603 : i32
      %ne3A_605 = arith.xori %lt3A_602, %lt3A_604 : i1
      %and3A_606 = arith.andi %ne3A_605, %ne3A_600 : i1
      %add3A_607 = arith.addi %rem3A_598, %select_n3A_597 : i32
      %select_n3A_608 = arith.select %and3A_606, %add3A_607, %rem3A_598 : i32
      %mul3A_609 = arith.constant 16 : i32
      %mul3A_610 = arith.muli %select_n3A_608, %mul3A_609 : i32
      %get3A_611 = arith.index_cast %select_n3A_592 : i32 to index
      %get3A_612 = arith.index_cast %mul3A_610 : i32 to index
      %get3A_613 = tpu.vector_load %arg8[%get3A_611, %get3A_612] {strides = array<i32>} : memref<40x128xf32, #tpu.memory_space<vmem>>, vector<16xf32>,
      %convert_element_type3A_614 = arith.fptosi %get3A_613 : vector<16xf32> to vector<16xi32>
      %gather3A_615 = tpu.vector_load_idx %arg5[%convert_element_type3A_614] : memref<100352xf32, #tpu.memory_space<vmem>>[vector<16xi32>], vector<16xf32>,
      %jit3A_616 = arith.constant 64 : i32
      %div3A_617 = arith.divsi %scan3A_568, %jit3A_616 : i32
      %sign3A_618 = arith.constant 0 : i32
      %sign3A_619 = arith.cmpi sgt, %scan3A_568, %sign3A_618 : i32
      %sign3A_620 = arith.extui %sign3A_619 : i1 to i32
      %sign3A_621 = arith.constant 0 : i32
      %sign3A_622 = arith.cmpi slt, %scan3A_568, %sign3A_621 : i32
      %sign3A_623 = arith.extui %sign3A_622 : i1 to i32
      %sign3A_624 = arith.subi %sign3A_620, %sign3A_623 : i32
      %sign3A_625 = arith.constant 0 : i32
      %sign3A_626 = arith.cmpi sgt, %jit3A_616, %sign3A_625 : i32
      %sign3A_627 = arith.extui %sign3A_626 : i1 to i32
      %sign3A_628 = arith.constant 0 : i32
      %sign3A_629 = arith.cmpi slt, %jit3A_616, %sign3A_628 : i32
      %sign3A_630 = arith.extui %sign3A_629 : i1 to i32
      %sign3A_631 = arith.subi %sign3A_627, %sign3A_630 : i32
      %ne3A_632 = arith.cmpi ne, %sign3A_624, %sign3A_631 : i32
      %rem3A_633 = arith.remsi %scan3A_568, %jit3A_616 : i32
      %ne3A_634 = arith.constant 0 : i32
      %ne3A_635 = arith.cmpi ne, %rem3A_633, %ne3A_634 : i32
      %and3A_636 = arith.andi %ne3A_632, %ne3A_635 : i1
      %sub3A_637 = arith.constant 1 : i32
      %sub3A_638 = arith.subi %div3A_617, %sub3A_637 : i32
      %select_n3A_639 = arith.select %and3A_636, %sub3A_638, %div3A_617 : i32
      %jit3A_640 = arith.constant 8 : i32
      %div3A_641 = arith.divsi %scan3A_568, %jit3A_640 : i32
      %sign3A_642 = arith.constant 0 : i32
      %sign3A_643 = arith.cmpi sgt, %scan3A_568, %sign3A_642 : i32
      %sign3A_644 = arith.extui %sign3A_643 : i1 to i32
      %sign3A_645 = arith.constant 0 : i32
      %sign3A_646 = arith.cmpi slt, %scan3A_568, %sign3A_645 : i32
      %sign3A_647 = arith.extui %sign3A_646 : i1 to i32
      %sign3A_648 = arith.subi %sign3A_644, %sign3A_647 : i32
      %sign3A_649 = arith.constant 0 : i32
      %sign3A_650 = arith.cmpi sgt, %jit3A_640, %sign3A_649 : i32
      %sign3A_651 = arith.extui %sign3A_650 : i1 to i32
      %sign3A_652 = arith.constant 0 : i32
      %sign3A_653 = arith.cmpi slt, %jit3A_640, %sign3A_652 : i32
      %sign3A_654 = arith.extui %sign3A_653 : i1 to i32
      %sign3A_655 = arith.subi %sign3A_651, %sign3A_654 : i32
      %ne3A_656 = arith.cmpi ne, %sign3A_648, %sign3A_655 : i32
      %rem3A_657 = arith.remsi %scan3A_568, %jit3A_640 : i32
      %ne3A_658 = arith.constant 0 : i32
      %ne3A_659 = arith.cmpi ne, %rem3A_657, %ne3A_658 : i32
      %and3A_660 = arith.andi %ne3A_656, %ne3A_659 : i1
      %sub3A_661 = arith.constant 1 : i32
      %sub3A_662 = arith.subi %div3A_641, %sub3A_661 : i32
      %select_n3A_663 = arith.select %and3A_660, %sub3A_662, %div3A_641 : i32
      %jit3A_664 = arith.constant 8 : i32
      %eq3A_665 = arith.constant 0 : i32
      %eq3A_666 = arith.cmpi eq, %jit3A_664, %eq3A_665 : i32
      %jit3A_667 = arith.constant 1 : i32
      %select_n3A_668 = arith.select %eq3A_666, %jit3A_667, %jit3A_664 : i32
      %rem3A_669 = arith.remsi %select_n3A_663, %select_n3A_668 : i32
      %ne3A_670 = arith.constant 0 : i32
      %ne3A_671 = arith.cmpi ne, %rem3A_669, %ne3A_670 : i32
      %lt3A_672 = arith.constant 0 : i32
      %lt3A_673 = arith.cmpi slt, %rem3A_669, %lt3A_672 : i32
      %lt3A_674 = arith.constant 0 : i32
      %lt3A_675 = arith.cmpi slt, %select_n3A_668, %lt3A_674 : i32
      %ne3A_676 = arith.xori %lt3A_673, %lt3A_675 : i1
      %and3A_677 = arith.andi %ne3A_676, %ne3A_671 : i1
      %add3A_678 = arith.addi %rem3A_669, %select_n3A_668 : i32
      %select_n3A_679 = arith.select %and3A_677, %add3A_678, %rem3A_669 : i32
      %swap3A_680 = arith.index_cast %select_n3A_639 : i32 to index
      %swap3A_681 = arith.index_cast %select_n3A_679 : i32 to index
      %swap3A_682 = arith.index_cast %mul3A_610 : i32 to index
      %swap3A_683 = tpu.vector_load %arg10[%swap3A_680, %swap3A_681, %swap3A_682] {strides = array<i32>} : memref<5x8x128xf32, #tpu.memory_space<vmem>>, vector<16xf32>,
      tpu.vector_store %arg10[%swap3A_680, %swap3A_681, %swap3A_682], %gather3A_615 {strides = array<i32>} : memref<5x8x128xf32, #tpu.memory_space<vmem>>, vector<16xf32>,
      %scan3A_684 = arith.constant 0 : i32
      %scan3A_685 = arith.constant 4 : i32
      %scan3A_686 = arith.addi %scan3A_225, %scan3A_685 : i32
      %jit3A_687 = arith.constant 8 : i32
      %div3A_688 = arith.divsi %scan3A_686, %jit3A_687 : i32
      %sign3A_689 = arith.constant 0 : i32
      %sign3A_690 = arith.cmpi sgt, %scan3A_686, %sign3A_689 : i32
      %sign3A_691 = arith.extui %sign3A_690 : i1 to i32
      %sign3A_692 = arith.constant 0 : i32
      %sign3A_693 = arith.cmpi slt, %scan3A_686, %sign3A_692 : i32
      %sign3A_694 = arith.extui %sign3A_693 : i1 to i32
      %sign3A_695 = arith.subi %sign3A_691, %sign3A_694 : i32
      %sign3A_696 = arith.constant 0 : i32
      %sign3A_697 = arith.cmpi sgt, %jit3A_687, %sign3A_696 : i32
      %sign3A_698 = arith.extui %sign3A_697 : i1 to i32
      %sign3A_699 = arith.constant 0 : i32
      %sign3A_700 = arith.cmpi slt, %jit3A_687, %sign3A_699 : i32
      %sign3A_701 = arith.extui %sign3A_700 : i1 to i32
      %sign3A_702 = arith.subi %sign3A_698, %sign3A_701 : i32
      %ne3A_703 = arith.cmpi ne, %sign3A_695, %sign3A_702 : i32
      %rem3A_704 = arith.remsi %scan3A_686, %jit3A_687 : i32
      %ne3A_705 = arith.constant 0 : i32
      %ne3A_706 = arith.cmpi ne, %rem3A_704, %ne3A_705 : i32
      %and3A_707 = arith.andi %ne3A_703, %ne3A_706 : i1
      %sub3A_708 = arith.constant 1 : i32
      %sub3A_709 = arith.subi %div3A_688, %sub3A_708 : i32
      %select_n3A_710 = arith.select %and3A_707, %sub3A_709, %div3A_688 : i32
      %jit3A_711 = arith.constant 8 : i32
      %eq3A_712 = arith.constant 0 : i32
      %eq3A_713 = arith.cmpi eq, %jit3A_711, %eq3A_712 : i32
      %jit3A_714 = arith.constant 1 : i32
      %select_n3A_715 = arith.select %eq3A_713, %jit3A_714, %jit3A_711 : i32
      %rem3A_716 = arith.remsi %scan3A_686, %select_n3A_715 : i32
      %ne3A_717 = arith.constant 0 : i32
      %ne3A_718 = arith.cmpi ne, %rem3A_716, %ne3A_717 : i32
      %lt3A_719 = arith.constant 0 : i32
      %lt3A_720 = arith.cmpi slt, %rem3A_716, %lt3A_719 : i32
      %lt3A_721 = arith.constant 0 : i32
      %lt3A_722 = arith.cmpi slt, %select_n3A_715, %lt3A_721 : i32
      %ne3A_723 = arith.xori %lt3A_720, %lt3A_722 : i1
      %and3A_724 = arith.andi %ne3A_723, %ne3A_718 : i1
      %add3A_725 = arith.addi %rem3A_716, %select_n3A_715 : i32
      %select_n3A_726 = arith.select %and3A_724, %add3A_725, %rem3A_716 : i32
      %mul3A_727 = arith.constant 16 : i32
      %mul3A_728 = arith.muli %select_n3A_726, %mul3A_727 : i32
      %get3A_729 = arith.index_cast %select_n3A_710 : i32 to index
      %get3A_730 = arith.index_cast %mul3A_728 : i32 to index
      %get3A_731 = tpu.vector_load %arg8[%get3A_729, %get3A_730] {strides = array<i32>} : memref<40x128xf32, #tpu.memory_space<vmem>>, vector<16xf32>,
      %convert_element_type3A_732 = arith.fptosi %get3A_731 : vector<16xf32> to vector<16xi32>
      %gather3A_733 = tpu.vector_load_idx %arg5[%convert_element_type3A_732] : memref<100352xf32, #tpu.memory_space<vmem>>[vector<16xi32>], vector<16xf32>,
      %jit3A_734 = arith.constant 64 : i32
      %div3A_735 = arith.divsi %scan3A_686, %jit3A_734 : i32
      %sign3A_736 = arith.constant 0 : i32
      %sign3A_737 = arith.cmpi sgt, %scan3A_686, %sign3A_736 : i32
      %sign3A_738 = arith.extui %sign3A_737 : i1 to i32
      %sign3A_739 = arith.constant 0 : i32
      %sign3A_740 = arith.cmpi slt, %scan3A_686, %sign3A_739 : i32
      %sign3A_741 = arith.extui %sign3A_740 : i1 to i32
      %sign3A_742 = arith.subi %sign3A_738, %sign3A_741 : i32
      %sign3A_743 = arith.constant 0 : i32
      %sign3A_744 = arith.cmpi sgt, %jit3A_734, %sign3A_743 : i32
      %sign3A_745 = arith.extui %sign3A_744 : i1 to i32
      %sign3A_746 = arith.constant 0 : i32
      %sign3A_747 = arith.cmpi slt, %jit3A_734, %sign3A_746 : i32
      %sign3A_748 = arith.extui %sign3A_747 : i1 to i32
      %sign3A_749 = arith.subi %sign3A_745, %sign3A_748 : i32
      %ne3A_750 = arith.cmpi ne, %sign3A_742, %sign3A_749 : i32
      %rem3A_751 = arith.remsi %scan3A_686, %jit3A_734 : i32
      %ne3A_752 = arith.constant 0 : i32
      %ne3A_753 = arith.cmpi ne, %rem3A_751, %ne3A_752 : i32
      %and3A_754 = arith.andi %ne3A_750, %ne3A_753 : i1
      %sub3A_755 = arith.constant 1 : i32
      %sub3A_756 = arith.subi %div3A_735, %sub3A_755 : i32
      %select_n3A_757 = arith.select %and3A_754, %sub3A_756, %div3A_735 : i32
      %jit3A_758 = arith.constant 8 : i32
      %div3A_759 = arith.divsi %scan3A_686, %jit3A_758 : i32
      %sign3A_760 = arith.constant 0 : i32
      %sign3A_761 = arith.cmpi sgt, %scan3A_686, %sign3A_760 : i32
      %sign3A_762 = arith.extui %sign3A_761 : i1 to i32
      %sign3A_763 = arith.constant 0 : i32
      %sign3A_764 = arith.cmpi slt, %scan3A_686, %sign3A_763 : i32
      %sign3A_765 = arith.extui %sign3A_764 : i1 to i32
      %sign3A_766 = arith.subi %sign3A_762, %sign3A_765 : i32
      %sign3A_767 = arith.constant 0 : i32
      %sign3A_768 = arith.cmpi sgt, %jit3A_758, %sign3A_767 : i32
      %sign3A_769 = arith.extui %sign3A_768 : i1 to i32
      %sign3A_770 = arith.constant 0 : i32
      %sign3A_771 = arith.cmpi slt, %jit3A_758, %sign3A_770 : i32
      %sign3A_772 = arith.extui %sign3A_771 : i1 to i32
      %sign3A_773 = arith.subi %sign3A_769, %sign3A_772 : i32
      %ne3A_774 = arith.cmpi ne, %sign3A_766, %sign3A_773 : i32
      %rem3A_775 = arith.remsi %scan3A_686, %jit3A_758 : i32
      %ne3A_776 = arith.constant 0 : i32
      %ne3A_777 = arith.cmpi ne, %rem3A_775, %ne3A_776 : i32
      %and3A_778 = arith.andi %ne3A_774, %ne3A_777 : i1
      %sub3A_779 = arith.constant 1 : i32
      %sub3A_780 = arith.subi %div3A_759, %sub3A_779 : i32
      %select_n3A_781 = arith.select %and3A_778, %sub3A_780, %div3A_759 : i32
      %jit3A_782 = arith.constant 8 : i32
      %eq3A_783 = arith.constant 0 : i32
      %eq3A_784 = arith.cmpi eq, %jit3A_782, %eq3A_783 : i32
      %jit3A_785 = arith.constant 1 : i32
      %select_n3A_786 = arith.select %eq3A_784, %jit3A_785, %jit3A_782 : i32
      %rem3A_787 = arith.remsi %select_n3A_781, %select_n3A_786 : i32
      %ne3A_788 = arith.constant 0 : i32
      %ne3A_789 = arith.cmpi ne, %rem3A_787, %ne3A_788 : i32
      %lt3A_790 = arith.constant 0 : i32
      %lt3A_791 = arith.cmpi slt, %rem3A_787, %lt3A_790 : i32
      %lt3A_792 = arith.constant 0 : i32
      %lt3A_793 = arith.cmpi slt, %select_n3A_786, %lt3A_792 : i32
      %ne3A_794 = arith.xori %lt3A_791, %lt3A_793 : i1
      %and3A_795 = arith.andi %ne3A_794, %ne3A_789 : i1
      %add3A_796 = arith.addi %rem3A_787, %select_n3A_786 : i32
      %select_n3A_797 = arith.select %and3A_795, %add3A_796, %rem3A_787 : i32
      %swap3A_798 = arith.index_cast %select_n3A_757 : i32 to index
      %swap3A_799 = arith.index_cast %select_n3A_797 : i32 to index
      %swap3A_800 = arith.index_cast %mul3A_728 : i32 to index
      %swap3A_801 = tpu.vector_load %arg10[%swap3A_798, %swap3A_799, %swap3A_800] {strides = array<i32>} : memref<5x8x128xf32, #tpu.memory_space<vmem>>, vector<16xf32>,
      tpu.vector_store %arg10[%swap3A_798, %swap3A_799, %swap3A_800], %gather3A_733 {strides = array<i32>} : memref<5x8x128xf32, #tpu.memory_space<vmem>>, vector<16xf32>,
      %scan3A_802 = arith.constant 0 : i32
      %scan3A_803 = arith.constant 5 : i32
      %scan3A_804 = arith.addi %scan3A_225, %scan3A_803 : i32
      %jit3A_805 = arith.constant 8 : i32
      %div3A_806 = arith.divsi %scan3A_804, %jit3A_805 : i32
      %sign3A_807 = arith.constant 0 : i32
      %sign3A_808 = arith.cmpi sgt, %scan3A_804, %sign3A_807 : i32
      %sign3A_809 = arith.extui %sign3A_808 : i1 to i32
      %sign3A_810 = arith.constant 0 : i32
      %sign3A_811 = arith.cmpi slt, %scan3A_804, %sign3A_810 : i32
      %sign3A_812 = arith.extui %sign3A_811 : i1 to i32
      %sign3A_813 = arith.subi %sign3A_809, %sign3A_812 : i32
      %sign3A_814 = arith.constant 0 : i32
      %sign3A_815 = arith.cmpi sgt, %jit3A_805, %sign3A_814 : i32
      %sign3A_816 = arith.extui %sign3A_815 : i1 to i32
      %sign3A_817 = arith.constant 0 : i32
      %sign3A_818 = arith.cmpi slt, %jit3A_805, %sign3A_817 : i32
      %sign3A_819 = arith.extui %sign3A_818 : i1 to i32
      %sign3A_820 = arith.subi %sign3A_816, %sign3A_819 : i32
      %ne3A_821 = arith.cmpi ne, %sign3A_813, %sign3A_820 : i32
      %rem3A_822 = arith.remsi %scan3A_804, %jit3A_805 : i32
      %ne3A_823 = arith.constant 0 : i32
      %ne3A_824 = arith.cmpi ne, %rem3A_822, %ne3A_823 : i32
      %and3A_825 = arith.andi %ne3A_821, %ne3A_824 : i1
      %sub3A_826 = arith.constant 1 : i32
      %sub3A_827 = arith.subi %div3A_806, %sub3A_826 : i32
      %select_n3A_828 = arith.select %and3A_825, %sub3A_827, %div3A_806 : i32
      %jit3A_829 = arith.constant 8 : i32
      %eq3A_830 = arith.constant 0 : i32
      %eq3A_831 = arith.cmpi eq, %jit3A_829, %eq3A_830 : i32
      %jit3A_832 = arith.constant 1 : i32
      %select_n3A_833 = arith.select %eq3A_831, %jit3A_832, %jit3A_829 : i32
      %rem3A_834 = arith.remsi %scan3A_804, %select_n3A_833 : i32
      %ne3A_835 = arith.constant 0 : i32
      %ne3A_836 = arith.cmpi ne, %rem3A_834, %ne3A_835 : i32
      %lt3A_837 = arith.constant 0 : i32
      %lt3A_838 = arith.cmpi slt, %rem3A_834, %lt3A_837 : i32
      %lt3A_839 = arith.constant 0 : i32
      %lt3A_840 = arith.cmpi slt, %select_n3A_833, %lt3A_839 : i32
      %ne3A_841 = arith.xori %lt3A_838, %lt3A_840 : i1
      %and3A_842 = arith.andi %ne3A_841, %ne3A_836 : i1
      %add3A_843 = arith.addi %rem3A_834, %select_n3A_833 : i32
      %select_n3A_844 = arith.select %and3A_842, %add3A_843, %rem3A_834 : i32
      %mul3A_845 = arith.constant 16 : i32
      %mul3A_846 = arith.muli %select_n3A_844, %mul3A_845 : i32
      %get3A_847 = arith.index_cast %select_n3A_828 : i32 to index
      %get3A_848 = arith.index_cast %mul3A_846 : i32 to index
      %get3A_849 = tpu.vector_load %arg8[%get3A_847, %get3A_848] {strides = array<i32>} : memref<40x128xf32, #tpu.memory_space<vmem>>, vector<16xf32>,
      %convert_element_type3A_850 = arith.fptosi %get3A_849 : vector<16xf32> to vector<16xi32>
      %gather3A_851 = tpu.vector_load_idx %arg5[%convert_element_type3A_850] : memref<100352xf32, #tpu.memory_space<vmem>>[vector<16xi32>], vector<16xf32>,
      %jit3A_852 = arith.constant 64 : i32
      %div3A_853 = arith.divsi %scan3A_804, %jit3A_852 : i32
      %sign3A_854 = arith.constant 0 : i32
      %sign3A_855 = arith.cmpi sgt, %scan3A_804, %sign3A_854 : i32
      %sign3A_856 = arith.extui %sign3A_855 : i1 to i32
      %sign3A_857 = arith.constant 0 : i32
      %sign3A_858 = arith.cmpi slt, %scan3A_804, %sign3A_857 : i32
      %sign3A_859 = arith.extui %sign3A_858 : i1 to i32
      %sign3A_860 = arith.subi %sign3A_856, %sign3A_859 : i32
      %sign3A_861 = arith.constant 0 : i32
      %sign3A_862 = arith.cmpi sgt, %jit3A_852, %sign3A_861 : i32
      %sign3A_863 = arith.extui %sign3A_862 : i1 to i32
      %sign3A_864 = arith.constant 0 : i32
      %sign3A_865 = arith.cmpi slt, %jit3A_852, %sign3A_864 : i32
      %sign3A_866 = arith.extui %sign3A_865 : i1 to i32
      %sign3A_867 = arith.subi %sign3A_863, %sign3A_866 : i32
      %ne3A_868 = arith.cmpi ne, %sign3A_860, %sign3A_867 : i32
      %rem3A_869 = arith.remsi %scan3A_804, %jit3A_852 : i32
      %ne3A_870 = arith.constant 0 : i32
      %ne3A_871 = arith.cmpi ne, %rem3A_869, %ne3A_870 : i32
      %and3A_872 = arith.andi %ne3A_868, %ne3A_871 : i1
      %sub3A_873 = arith.constant 1 : i32
      %sub3A_874 = arith.subi %div3A_853, %sub3A_873 : i32
      %select_n3A_875 = arith.select %and3A_872, %sub3A_874, %div3A_853 : i32
      %jit3A_876 = arith.constant 8 : i32
      %div3A_877 = arith.divsi %scan3A_804, %jit3A_876 : i32
      %sign3A_878 = arith.constant 0 : i32
      %sign3A_879 = arith.cmpi sgt, %scan3A_804, %sign3A_878 : i32
      %sign3A_880 = arith.extui %sign3A_879 : i1 to i32
      %sign3A_881 = arith.constant 0 : i32
      %sign3A_882 = arith.cmpi slt, %scan3A_804, %sign3A_881 : i32
      %sign3A_883 = arith.extui %sign3A_882 : i1 to i32
      %sign3A_884 = arith.subi %sign3A_880, %sign3A_883 : i32
      %sign3A_885 = arith.constant 0 : i32
      %sign3A_886 = arith.cmpi sgt, %jit3A_876, %sign3A_885 : i32
      %sign3A_887 = arith.extui %sign3A_886 : i1 to i32
      %sign3A_888 = arith.constant 0 : i32
      %sign3A_889 = arith.cmpi slt, %jit3A_876, %sign3A_888 : i32
      %sign3A_890 = arith.extui %sign3A_889 : i1 to i32
      %sign3A_891 = arith.subi %sign3A_887, %sign3A_890 : i32
      %ne3A_892 = arith.cmpi ne, %sign3A_884, %sign3A_891 : i32
      %rem3A_893 = arith.remsi %scan3A_804, %jit3A_876 : i32
      %ne3A_894 = arith.constant 0 : i32
      %ne3A_895 = arith.cmpi ne, %rem3A_893, %ne3A_894 : i32
      %and3A_896 = arith.andi %ne3A_892, %ne3A_895 : i1
      %sub3A_897 = arith.constant 1 : i32
      %sub3A_898 = arith.subi %div3A_877, %sub3A_897 : i32
      %select_n3A_899 = arith.select %and3A_896, %sub3A_898, %div3A_877 : i32
      %jit3A_900 = arith.constant 8 : i32
      %eq3A_901 = arith.constant 0 : i32
      %eq3A_902 = arith.cmpi eq, %jit3A_900, %eq3A_901 : i32
      %jit3A_903 = arith.constant 1 : i32
      %select_n3A_904 = arith.select %eq3A_902, %jit3A_903, %jit3A_900 : i32
      %rem3A_905 = arith.remsi %select_n3A_899, %select_n3A_904 : i32
      %ne3A_906 = arith.constant 0 : i32
      %ne3A_907 = arith.cmpi ne, %rem3A_905, %ne3A_906 : i32
      %lt3A_908 = arith.constant 0 : i32
      %lt3A_909 = arith.cmpi slt, %rem3A_905, %lt3A_908 : i32
      %lt3A_910 = arith.constant 0 : i32
      %lt3A_911 = arith.cmpi slt, %select_n3A_904, %lt3A_910 : i32
      %ne3A_912 = arith.xori %lt3A_909, %lt3A_911 : i1
      %and3A_913 = arith.andi %ne3A_912, %ne3A_907 : i1
      %add3A_914 = arith.addi %rem3A_905, %select_n3A_904 : i32
      %select_n3A_915 = arith.select %and3A_913, %add3A_914, %rem3A_905 : i32
      %swap3A_916 = arith.index_cast %select_n3A_875 : i32 to index
      %swap3A_917 = arith.index_cast %select_n3A_915 : i32 to index
      %swap3A_918 = arith.index_cast %mul3A_846 : i32 to index
      %swap3A_919 = tpu.vector_load %arg10[%swap3A_916, %swap3A_917, %swap3A_918] {strides = array<i32>} : memref<5x8x128xf32, #tpu.memory_space<vmem>>, vector<16xf32>,
      tpu.vector_store %arg10[%swap3A_916, %swap3A_917, %swap3A_918], %gather3A_851 {strides = array<i32>} : memref<5x8x128xf32, #tpu.memory_space<vmem>>, vector<16xf32>,
      %scan3A_920 = arith.constant 0 : i32
      %scan3A_921 = arith.constant 6 : i32
      %scan3A_922 = arith.addi %scan3A_225, %scan3A_921 : i32
      %jit3A_923 = arith.constant 8 : i32
      %div3A_924 = arith.divsi %scan3A_922, %jit3A_923 : i32
      %sign3A_925 = arith.constant 0 : i32
      %sign3A_926 = arith.cmpi sgt, %scan3A_922, %sign3A_925 : i32
      %sign3A_927 = arith.extui %sign3A_926 : i1 to i32
      %sign3A_928 = arith.constant 0 : i32
      %sign3A_929 = arith.cmpi slt, %scan3A_922, %sign3A_928 : i32
      %sign3A_930 = arith.extui %sign3A_929 : i1 to i32
      %sign3A_931 = arith.subi %sign3A_927, %sign3A_930 : i32
      %sign3A_932 = arith.constant 0 : i32
      %sign3A_933 = arith.cmpi sgt, %jit3A_923, %sign3A_932 : i32
      %sign3A_934 = arith.extui %sign3A_933 : i1 to i32
      %sign3A_935 = arith.constant 0 : i32
      %sign3A_936 = arith.cmpi slt, %jit3A_923, %sign3A_935 : i32
      %sign3A_937 = arith.extui %sign3A_936 : i1 to i32
      %sign3A_938 = arith.subi %sign3A_934, %sign3A_937 : i32
      %ne3A_939 = arith.cmpi ne, %sign3A_931, %sign3A_938 : i32
      %rem3A_940 = arith.remsi %scan3A_922, %jit3A_923 : i32
      %ne3A_941 = arith.constant 0 : i32
      %ne3A_942 = arith.cmpi ne, %rem3A_940, %ne3A_941 : i32
      %and3A_943 = arith.andi %ne3A_939, %ne3A_942 : i1
      %sub3A_944 = arith.constant 1 : i32
      %sub3A_945 = arith.subi %div3A_924, %sub3A_944 : i32
      %select_n3A_946 = arith.select %and3A_943, %sub3A_945, %div3A_924 : i32
      %jit3A_947 = arith.constant 8 : i32
      %eq3A_948 = arith.constant 0 : i32
      %eq3A_949 = arith.cmpi eq, %jit3A_947, %eq3A_948 : i32
      %jit3A_950 = arith.constant 1 : i32
      %select_n3A_951 = arith.select %eq3A_949, %jit3A_950, %jit3A_947 : i32
      %rem3A_952 = arith.remsi %scan3A_922, %select_n3A_951 : i32
      %ne3A_953 = arith.constant 0 : i32
      %ne3A_954 = arith.cmpi ne, %rem3A_952, %ne3A_953 : i32
      %lt3A_955 = arith.constant 0 : i32
      %lt3A_956 = arith.cmpi slt, %rem3A_952, %lt3A_955 : i32
      %lt3A_957 = arith.constant 0 : i32
      %lt3A_958 = arith.cmpi slt, %select_n3A_951, %lt3A_957 : i32
      %ne3A_959 = arith.xori %lt3A_956, %lt3A_958 : i1
      %and3A_960 = arith.andi %ne3A_959, %ne3A_954 : i1
      %add3A_961 = arith.addi %rem3A_952, %select_n3A_951 : i32
      %select_n3A_962 = arith.select %and3A_960, %add3A_961, %rem3A_952 : i32
      %mul3A_963 = arith.constant 16 : i32
      %mul3A_964 = arith.muli %select_n3A_962, %mul3A_963 : i32
      %get3A_965 = arith.index_cast %select_n3A_946 : i32 to index
      %get3A_966 = arith.index_cast %mul3A_964 : i32 to index
      %get3A_967 = tpu.vector_load %arg8[%get3A_965, %get3A_966] {strides = array<i32>} : memref<40x128xf32, #tpu.memory_space<vmem>>, vector<16xf32>,
      %convert_element_type3A_968 = arith.fptosi %get3A_967 : vector<16xf32> to vector<16xi32>
      %gather3A_969 = tpu.vector_load_idx %arg5[%convert_element_type3A_968] : memref<100352xf32, #tpu.memory_space<vmem>>[vector<16xi32>], vector<16xf32>,
      %jit3A_970 = arith.constant 64 : i32
      %div3A_971 = arith.divsi %scan3A_922, %jit3A_970 : i32
      %sign3A_972 = arith.constant 0 : i32
      %sign3A_973 = arith.cmpi sgt, %scan3A_922, %sign3A_972 : i32
      %sign3A_974 = arith.extui %sign3A_973 : i1 to i32
      %sign3A_975 = arith.constant 0 : i32
      %sign3A_976 = arith.cmpi slt, %scan3A_922, %sign3A_975 : i32
      %sign3A_977 = arith.extui %sign3A_976 : i1 to i32
      %sign3A_978 = arith.subi %sign3A_974, %sign3A_977 : i32
      %sign3A_979 = arith.constant 0 : i32
      %sign3A_980 = arith.cmpi sgt, %jit3A_970, %sign3A_979 : i32
      %sign3A_981 = arith.extui %sign3A_980 : i1 to i32
      %sign3A_982 = arith.constant 0 : i32
      %sign3A_983 = arith.cmpi slt, %jit3A_970, %sign3A_982 : i32
      %sign3A_984 = arith.extui %sign3A_983 : i1 to i32
      %sign3A_985 = arith.subi %sign3A_981, %sign3A_984 : i32
      %ne3A_986 = arith.cmpi ne, %sign3A_978, %sign3A_985 : i32
      %rem3A_987 = arith.remsi %scan3A_922, %jit3A_970 : i32
      %ne3A_988 = arith.constant 0 : i32
      %ne3A_989 = arith.cmpi ne, %rem3A_987, %ne3A_988 : i32
      %and3A_990 = arith.andi %ne3A_986, %ne3A_989 : i1
      %sub3A_991 = arith.constant 1 : i32
      %sub3A_992 = arith.subi %div3A_971, %sub3A_991 : i32
      %select_n3A_993 = arith.select %and3A_990, %sub3A_992, %div3A_971 : i32
      %jit3A_994 = arith.constant 8 : i32
      %div3A_995 = arith.divsi %scan3A_922, %jit3A_994 : i32
      %sign3A_996 = arith.constant 0 : i32
      %sign3A_997 = arith.cmpi sgt, %scan3A_922, %sign3A_996 : i32
      %sign3A_998 = arith.extui %sign3A_997 : i1 to i32
      %sign3A_999 = arith.constant 0 : i32
      %sign3A_1000 = arith.cmpi slt, %scan3A_922, %sign3A_999 : i32
      %sign3A_1001 = arith.extui %sign3A_1000 : i1 to i32
      %sign3A_1002 = arith.subi %sign3A_998, %sign3A_1001 : i32
      %sign3A_1003 = arith.constant 0 : i32
      %sign3A_1004 = arith.cmpi sgt, %jit3A_994, %sign3A_1003 : i32
      %sign3A_1005 = arith.extui %sign3A_1004 : i1 to i32
      %sign3A_1006 = arith.constant 0 : i32
      %sign3A_1007 = arith.cmpi slt, %jit3A_994, %sign3A_1006 : i32
      %sign3A_1008 = arith.extui %sign3A_1007 : i1 to i32
      %sign3A_1009 = arith.subi %sign3A_1005, %sign3A_1008 : i32
      %ne3A_1010 = arith.cmpi ne, %sign3A_1002, %sign3A_1009 : i32
      %rem3A_1011 = arith.remsi %scan3A_922, %jit3A_994 : i32
      %ne3A_1012 = arith.constant 0 : i32
      %ne3A_1013 = arith.cmpi ne, %rem3A_1011, %ne3A_1012 : i32
      %and3A_1014 = arith.andi %ne3A_1010, %ne3A_1013 : i1
      %sub3A_1015 = arith.constant 1 : i32
      %sub3A_1016 = arith.subi %div3A_995, %sub3A_1015 : i32
      %select_n3A_1017 = arith.select %and3A_1014, %sub3A_1016, %div3A_995 : i32
      %jit3A_1018 = arith.constant 8 : i32
      %eq3A_1019 = arith.constant 0 : i32
      %eq3A_1020 = arith.cmpi eq, %jit3A_1018, %eq3A_1019 : i32
      %jit3A_1021 = arith.constant 1 : i32
      %select_n3A_1022 = arith.select %eq3A_1020, %jit3A_1021, %jit3A_1018 : i32
      %rem3A_1023 = arith.remsi %select_n3A_1017, %select_n3A_1022 : i32
      %ne3A_1024 = arith.constant 0 : i32
      %ne3A_1025 = arith.cmpi ne, %rem3A_1023, %ne3A_1024 : i32
      %lt3A_1026 = arith.constant 0 : i32
      %lt3A_1027 = arith.cmpi slt, %rem3A_1023, %lt3A_1026 : i32
      %lt3A_1028 = arith.constant 0 : i32
      %lt3A_1029 = arith.cmpi slt, %select_n3A_1022, %lt3A_1028 : i32
      %ne3A_1030 = arith.xori %lt3A_1027, %lt3A_1029 : i1
      %and3A_1031 = arith.andi %ne3A_1030, %ne3A_1025 : i1
      %add3A_1032 = arith.addi %rem3A_1023, %select_n3A_1022 : i32
      %select_n3A_1033 = arith.select %and3A_1031, %add3A_1032, %rem3A_1023 : i32
      %swap3A_1034 = arith.index_cast %select_n3A_993 : i32 to index
      %swap3A_1035 = arith.index_cast %select_n3A_1033 : i32 to index
      %swap3A_1036 = arith.index_cast %mul3A_964 : i32 to index
      %swap3A_1037 = tpu.vector_load %arg10[%swap3A_1034, %swap3A_1035, %swap3A_1036] {strides = array<i32>} : memref<5x8x128xf32, #tpu.memory_space<vmem>>, vector<16xf32>,
      tpu.vector_store %arg10[%swap3A_1034, %swap3A_1035, %swap3A_1036], %gather3A_969 {strides = array<i32>} : memref<5x8x128xf32, #tpu.memory_space<vmem>>, vector<16xf32>,
      %scan3A_1038 = arith.constant 0 : i32
      %scan3A_1039 = arith.constant 7 : i32
      %scan3A_1040 = arith.addi %scan3A_225, %scan3A_1039 : i32
      %jit3A_1041 = arith.constant 8 : i32
      %div3A_1042 = arith.divsi %scan3A_1040, %jit3A_1041 : i32
      %sign3A_1043 = arith.constant 0 : i32
      %sign3A_1044 = arith.cmpi sgt, %scan3A_1040, %sign3A_1043 : i32
      %sign3A_1045 = arith.extui %sign3A_1044 : i1 to i32
      %sign3A_1046 = arith.constant 0 : i32
      %sign3A_1047 = arith.cmpi slt, %scan3A_1040, %sign3A_1046 : i32
      %sign3A_1048 = arith.extui %sign3A_1047 : i1 to i32
      %sign3A_1049 = arith.subi %sign3A_1045, %sign3A_1048 : i32
      %sign3A_1050 = arith.constant 0 : i32
      %sign3A_1051 = arith.cmpi sgt, %jit3A_1041, %sign3A_1050 : i32
      %sign3A_1052 = arith.extui %sign3A_1051 : i1 to i32
      %sign3A_1053 = arith.constant 0 : i32
      %sign3A_1054 = arith.cmpi slt, %jit3A_1041, %sign3A_1053 : i32
      %sign3A_1055 = arith.extui %sign3A_1054 : i1 to i32
      %sign3A_1056 = arith.subi %sign3A_1052, %sign3A_1055 : i32
      %ne3A_1057 = arith.cmpi ne, %sign3A_1049, %sign3A_1056 : i32
      %rem3A_1058 = arith.remsi %scan3A_1040, %jit3A_1041 : i32
      %ne3A_1059 = arith.constant 0 : i32
      %ne3A_1060 = arith.cmpi ne, %rem3A_1058, %ne3A_1059 : i32
      %and3A_1061 = arith.andi %ne3A_1057, %ne3A_1060 : i1
      %sub3A_1062 = arith.constant 1 : i32
      %sub3A_1063 = arith.subi %div3A_1042, %sub3A_1062 : i32
      %select_n3A_1064 = arith.select %and3A_1061, %sub3A_1063, %div3A_1042 : i32
      %jit3A_1065 = arith.constant 8 : i32
      %eq3A_1066 = arith.constant 0 : i32
      %eq3A_1067 = arith.cmpi eq, %jit3A_1065, %eq3A_1066 : i32
      %jit3A_1068 = arith.constant 1 : i32
      %select_n3A_1069 = arith.select %eq3A_1067, %jit3A_1068, %jit3A_1065 : i32
      %rem3A_1070 = arith.remsi %scan3A_1040, %select_n3A_1069 : i32
      %ne3A_1071 = arith.constant 0 : i32
      %ne3A_1072 = arith.cmpi ne, %rem3A_1070, %ne3A_1071 : i32
      %lt3A_1073 = arith.constant 0 : i32
      %lt3A_1074 = arith.cmpi slt, %rem3A_1070, %lt3A_1073 : i32
      %lt3A_1075 = arith.constant 0 : i32
      %lt3A_1076 = arith.cmpi slt, %select_n3A_1069, %lt3A_1075 : i32
      %ne3A_1077 = arith.xori %lt3A_1074, %lt3A_1076 : i1
      %and3A_1078 = arith.andi %ne3A_1077, %ne3A_1072 : i1
      %add3A_1079 = arith.addi %rem3A_1070, %select_n3A_1069 : i32
      %select_n3A_1080 = arith.select %and3A_1078, %add3A_1079, %rem3A_1070 : i32
      %mul3A_1081 = arith.constant 16 : i32
      %mul3A_1082 = arith.muli %select_n3A_1080, %mul3A_1081 : i32
      %get3A_1083 = arith.index_cast %select_n3A_1064 : i32 to index
      %get3A_1084 = arith.index_cast %mul3A_1082 : i32 to index
      %get3A_1085 = tpu.vector_load %arg8[%get3A_1083, %get3A_1084] {strides = array<i32>} : memref<40x128xf32, #tpu.memory_space<vmem>>, vector<16xf32>,
      %convert_element_type3A_1086 = arith.fptosi %get3A_1085 : vector<16xf32> to vector<16xi32>
      %gather3A_1087 = tpu.vector_load_idx %arg5[%convert_element_type3A_1086] : memref<100352xf32, #tpu.memory_space<vmem>>[vector<16xi32>], vector<16xf32>,
      %jit3A_1088 = arith.constant 64 : i32
      %div3A_1089 = arith.divsi %scan3A_1040, %jit3A_1088 : i32
      %sign3A_1090 = arith.constant 0 : i32
      %sign3A_1091 = arith.cmpi sgt, %scan3A_1040, %sign3A_1090 : i32
      %sign3A_1092 = arith.extui %sign3A_1091 : i1 to i32
      %sign3A_1093 = arith.constant 0 : i32
      %sign3A_1094 = arith.cmpi slt, %scan3A_1040, %sign3A_1093 : i32
      %sign3A_1095 = arith.extui %sign3A_1094 : i1 to i32
      %sign3A_1096 = arith.subi %sign3A_1092, %sign3A_1095 : i32
      %sign3A_1097 = arith.constant 0 : i32
      %sign3A_1098 = arith.cmpi sgt, %jit3A_1088, %sign3A_1097 : i32
      %sign3A_1099 = arith.extui %sign3A_1098 : i1 to i32
      %sign3A_1100 = arith.constant 0 : i32
      %sign3A_1101 = arith.cmpi slt, %jit3A_1088, %sign3A_1100 : i32
      %sign3A_1102 = arith.extui %sign3A_1101 : i1 to i32
      %sign3A_1103 = arith.subi %sign3A_1099, %sign3A_1102 : i32
      %ne3A_1104 = arith.cmpi ne, %sign3A_1096, %sign3A_1103 : i32
      %rem3A_1105 = arith.remsi %scan3A_1040, %jit3A_1088 : i32
      %ne3A_1106 = arith.constant 0 : i32
      %ne3A_1107 = arith.cmpi ne, %rem3A_1105, %ne3A_1106 : i32
      %and3A_1108 = arith.andi %ne3A_1104, %ne3A_1107 : i1
      %sub3A_1109 = arith.constant 1 : i32
      %sub3A_1110 = arith.subi %div3A_1089, %sub3A_1109 : i32
      %select_n3A_1111 = arith.select %and3A_1108, %sub3A_1110, %div3A_1089 : i32
      %jit3A_1112 = arith.constant 8 : i32
      %div3A_1113 = arith.divsi %scan3A_1040, %jit3A_1112 : i32
      %sign3A_1114 = arith.constant 0 : i32
      %sign3A_1115 = arith.cmpi sgt, %scan3A_1040, %sign3A_1114 : i32
      %sign3A_1116 = arith.extui %sign3A_1115 : i1 to i32
      %sign3A_1117 = arith.constant 0 : i32
      %sign3A_1118 = arith.cmpi slt, %scan3A_1040, %sign3A_1117 : i32
      %sign3A_1119 = arith.extui %sign3A_1118 : i1 to i32
      %sign3A_1120 = arith.subi %sign3A_1116, %sign3A_1119 : i32
      %sign3A_1121 = arith.constant 0 : i32
      %sign3A_1122 = arith.cmpi sgt, %jit3A_1112, %sign3A_1121 : i32
      %sign3A_1123 = arith.extui %sign3A_1122 : i1 to i32
      %sign3A_1124 = arith.constant 0 : i32
      %sign3A_1125 = arith.cmpi slt, %jit3A_1112, %sign3A_1124 : i32
      %sign3A_1126 = arith.extui %sign3A_1125 : i1 to i32
      %sign3A_1127 = arith.subi %sign3A_1123, %sign3A_1126 : i32
      %ne3A_1128 = arith.cmpi ne, %sign3A_1120, %sign3A_1127 : i32
      %rem3A_1129 = arith.remsi %scan3A_1040, %jit3A_1112 : i32
      %ne3A_1130 = arith.constant 0 : i32
      %ne3A_1131 = arith.cmpi ne, %rem3A_1129, %ne3A_1130 : i32
      %and3A_1132 = arith.andi %ne3A_1128, %ne3A_1131 : i1
      %sub3A_1133 = arith.constant 1 : i32
      %sub3A_1134 = arith.subi %div3A_1113, %sub3A_1133 : i32
      %select_n3A_1135 = arith.select %and3A_1132, %sub3A_1134, %div3A_1113 : i32
      %jit3A_1136 = arith.constant 8 : i32
      %eq3A_1137 = arith.constant 0 : i32
      %eq3A_1138 = arith.cmpi eq, %jit3A_1136, %eq3A_1137 : i32
      %jit3A_1139 = arith.constant 1 : i32
      %select_n3A_1140 = arith.select %eq3A_1138, %jit3A_1139, %jit3A_1136 : i32
      %rem3A_1141 = arith.remsi %select_n3A_1135, %select_n3A_1140 : i32
      %ne3A_1142 = arith.constant 0 : i32
      %ne3A_1143 = arith.cmpi ne, %rem3A_1141, %ne3A_1142 : i32
      %lt3A_1144 = arith.constant 0 : i32
      %lt3A_1145 = arith.cmpi slt, %rem3A_1141, %lt3A_1144 : i32
      %lt3A_1146 = arith.constant 0 : i32
      %lt3A_1147 = arith.cmpi slt, %select_n3A_1140, %lt3A_1146 : i32
      %ne3A_1148 = arith.xori %lt3A_1145, %lt3A_1147 : i1
      %and3A_1149 = arith.andi %ne3A_1148, %ne3A_1143 : i1
      %add3A_1150 = arith.addi %rem3A_1141, %select_n3A_1140 : i32
      %select_n3A_1151 = arith.select %and3A_1149, %add3A_1150, %rem3A_1141 : i32
      %swap3A_1152 = arith.index_cast %select_n3A_1111 : i32 to index
      %swap3A_1153 = arith.index_cast %select_n3A_1151 : i32 to index
      %swap3A_1154 = arith.index_cast %mul3A_1082 : i32 to index
      %swap3A_1155 = tpu.vector_load %arg10[%swap3A_1152, %swap3A_1153, %swap3A_1154] {strides = array<i32>} : memref<5x8x128xf32, #tpu.memory_space<vmem>>, vector<16xf32>,
      tpu.vector_store %arg10[%swap3A_1152, %swap3A_1153, %swap3A_1154], %gather3A_1087 {strides = array<i32>} : memref<5x8x128xf32, #tpu.memory_space<vmem>>, vector<16xf32>,
      %scan3A_1156 = arith.constant 0 : i32
      scf.yield %scan3A_1156 : i32
    }
    %scan3A_68 = arith.constant 320 : i32
    %dma_start3A_69 = arith.constant 5 : i32
    %dma_start3A_70 = arith.constant 0 : i32
    %dma_start3A_71 = arith.constant 0 : i32
    %dma_start3A_72 = tpu.memref_slice %arg4[%dma_start3A_69, %add3A, %dma_start3A_70, %dma_start3A_71] : memref<25x32x8x128xf32, #tpu.memory_space<hbm>> -> memref<5x1x8x128xf32, #tpu.memory_space<hbm>>
    %dma_start3A_73 = tpu.memref_squeeze %dma_start3A_72 : memref<5x1x8x128xf32, #tpu.memory_space<hbm>> -> memref<5x8x128xf32, #tpu.memory_space<hbm>>
    %dma_start3A_74 = arith.constant 5 : i32
    %dma_start3A_75 = arith.constant 0 : i32
    %dma_start3A_76 = arith.constant 0 : i32
    %dma_start3A_77 = tpu.memref_slice %arg4[%dma_start3A_74, %add3A, %dma_start3A_75, %dma_start3A_76] : memref<25x32x8x128xf32, #tpu.memory_space<hbm>> -> memref<5x1x8x128xf32, #tpu.memory_space<hbm>>
    %dma_start3A_78 = tpu.memref_squeeze %dma_start3A_77 : memref<5x1x8x128xf32, #tpu.memory_space<hbm>> -> memref<5x8x128xf32, #tpu.memory_space<hbm>>
    tpu.enqueue_dma source(%arg10 : memref<5x8x128xf32, #tpu.memory_space<vmem>>) target(%dma_start3A_78 : memref<5x8x128xf32, #tpu.memory_space<hbm>>) target_semaphore(%arg15 : memref<!tpu.dma_semaphore, #tpu.memory_space<semaphore_mem>>)
    %dma_start3A_79 = arith.constant 0 : i32
    %dma_start3A_80 = arith.constant 120 : i32
    %dma_start3A_81 = arith.constant 0 : i32
    %dma_start3A_82 = tpu.memref_slice %arg2[%dma_start3A_80, %add3A, %dma_start3A_79, %dma_start3A_81] : memref<200x32x8x128xf32, #tpu.memory_space<hbm>> -> memref<40x1x1x128xf32, #tpu.memory_space<hbm>>
    %dma_start3A_83 = tpu.memref_squeeze %dma_start3A_82 : memref<40x1x1x128xf32, #tpu.memory_space<hbm>> -> memref<40x128xf32, #tpu.memory_space<hbm>>
    %dma_start3A_84 = arith.constant 120 : i32
    %dma_start3A_85 = arith.constant 0 : i32
    %dma_start3A_86 = tpu.memref_slice %arg2[%dma_start3A_84, %add3A, %dma_start3A_79, %dma_start3A_85] : memref<200x32x8x128xf32, #tpu.memory_space<hbm>> -> memref<40x1x1x128xf32, #tpu.memory_space<hbm>>
    %dma_start3A_87 = tpu.memref_squeeze %dma_start3A_86 : memref<40x1x1x128xf32, #tpu.memory_space<hbm>> -> memref<40x128xf32, #tpu.memory_space<hbm>>
    tpu.enqueue_dma source(%dma_start3A_87 : memref<40x128xf32, #tpu.memory_space<hbm>>) target(%arg8 : memref<40x128xf32, #tpu.memory_space<vmem>>) target_semaphore(%arg13 : memref<!tpu.dma_semaphore, #tpu.memory_space<semaphore_mem>>)
    %dma_wait3A_88 = arith.constant 0 : i32
    %dma_wait3A_89 = arith.constant 80 : i32
    %dma_wait3A_90 = arith.constant 0 : i32
    %dma_wait3A_91 = tpu.memref_slice %arg2[%dma_wait3A_89, %add3A, %dma_wait3A_88, %dma_wait3A_90] : memref<200x32x8x128xf32, #tpu.memory_space<hbm>> -> memref<40x1x1x128xf32, #tpu.memory_space<hbm>>
    %dma_wait3A_92 = tpu.memref_squeeze %dma_wait3A_91 : memref<40x1x1x128xf32, #tpu.memory_space<hbm>> -> memref<40x128xf32, #tpu.memory_space<hbm>>
    %dma_wait3A_93 = arith.constant 80 : i32
    %dma_wait3A_94 = arith.constant 0 : i32
    %dma_wait3A_95 = tpu.memref_slice %arg2[%dma_wait3A_93, %add3A, %dma_wait3A_88, %dma_wait3A_94] : memref<200x32x8x128xf32, #tpu.memory_space<hbm>> -> memref<40x1x1x128xf32, #tpu.memory_space<hbm>>
    %dma_wait3A_96 = tpu.memref_squeeze %dma_wait3A_95 : memref<40x1x1x128xf32, #tpu.memory_space<hbm>> -> memref<40x128xf32, #tpu.memory_space<hbm>>
    tpu.wait_dma2 semaphore(%arg12 : memref<!tpu.dma_semaphore, #tpu.memory_space<semaphore_mem>>) src(%dma_wait3A_96 : memref<40x128xf32, #tpu.memory_space<hbm>>) dst(%arg7 : memref<40x128xf32, #tpu.memory_space<vmem>>)
    %dma_wait3A_97 = arith.constant 0 : i32
    %dma_wait3A_98 = arith.constant 0 : i32
    %dma_wait3A_99 = arith.constant 0 : i32
    %dma_wait3A_100 = tpu.memref_slice %arg4[%dma_wait3A_97, %add3A, %dma_wait3A_98, %dma_wait3A_99] : memref<25x32x8x128xf32, #tpu.memory_space<hbm>> -> memref<5x1x8x128xf32, #tpu.memory_space<hbm>>
    %dma_wait3A_101 = tpu.memref_squeeze %dma_wait3A_100 : memref<5x1x8x128xf32, #tpu.memory_space<hbm>> -> memref<5x8x128xf32, #tpu.memory_space<hbm>>
    %dma_wait3A_102 = arith.constant 0 : i32
    %dma_wait3A_103 = arith.constant 0 : i32
    %dma_wait3A_104 = arith.constant 0 : i32
    %dma_wait3A_105 = tpu.memref_slice %arg4[%dma_wait3A_102, %add3A, %dma_wait3A_103, %dma_wait3A_104] : memref<25x32x8x128xf32, #tpu.memory_space<hbm>> -> memref<5x1x8x128xf32, #tpu.memory_space<hbm>>
    %dma_wait3A_106 = tpu.memref_squeeze %dma_wait3A_105 : memref<5x1x8x128xf32, #tpu.memory_space<hbm>> -> memref<5x8x128xf32, #tpu.memory_space<hbm>>
    tpu.wait_dma2 semaphore(%arg14 : memref<!tpu.dma_semaphore, #tpu.memory_space<semaphore_mem>>) src(%arg9 : memref<5x8x128xf32, #tpu.memory_space<vmem>>) dst(%dma_wait3A_106 : memref<5x8x128xf32, #tpu.memory_space<hbm>>)
    %scan3A_107 = arith.constant 0 : i32
    %scan3A_108 = arith.constant 0 : i32
    %scan3A_109 = arith.constant 320 : i32
    %scan3A_110 = arith.addi %scan3A_108, %scan3A_109 : i32
    %scan3A_111 = arith.constant 8 : i32
    %scan3A_112 = scf.for %scan3A_225 = %scan3A_108 to %scan3A_110 step %scan3A_111 iter_args(%scan3A_226 = %scan3A_107) -> (i32)  : i32 {
      %jit3A = arith.constant 8 : i32
      %div3A = arith.divsi %scan3A_225, %jit3A : i32
      %sign3A = arith.constant 0 : i32
      %sign3A_227 = arith.cmpi sgt, %scan3A_225, %sign3A : i32
      %sign3A_228 = arith.extui %sign3A_227 : i1 to i32
      %sign3A_229 = arith.constant 0 : i32
      %sign3A_230 = arith.cmpi slt, %scan3A_225, %sign3A_229 : i32
      %sign3A_231 = arith.extui %sign3A_230 : i1 to i32
      %sign3A_232 = arith.subi %sign3A_228, %sign3A_231 : i32
      %sign3A_233 = arith.constant 0 : i32
      %sign3A_234 = arith.cmpi sgt, %jit3A, %sign3A_233 : i32
      %sign3A_235 = arith.extui %sign3A_234 : i1 to i32
      %sign3A_236 = arith.constant 0 : i32
      %sign3A_237 = arith.cmpi slt, %jit3A, %sign3A_236 : i32
      %sign3A_238 = arith.extui %sign3A_237 : i1 to i32
      %sign3A_239 = arith.subi %sign3A_235, %sign3A_238 : i32
      %ne3A = arith.cmpi ne, %sign3A_232, %sign3A_239 : i32
      %rem3A = arith.remsi %scan3A_225, %jit3A : i32
      %ne3A_240 = arith.constant 0 : i32
      %ne3A_241 = arith.cmpi ne, %rem3A, %ne3A_240 : i32
      %and3A = arith.andi %ne3A, %ne3A_241 : i1
      %sub3A = arith.constant 1 : i32
      %sub3A_242 = arith.subi %div3A, %sub3A : i32
      %select_n3A = arith.select %and3A, %sub3A_242, %div3A : i32
      %jit3A_243 = arith.constant 8 : i32
      %eq3A_244 = arith.constant 0 : i32
      %eq3A_245 = arith.cmpi eq, %jit3A_243, %eq3A_244 : i32
      %jit3A_246 = arith.constant 1 : i32
      %select_n3A_247 = arith.select %eq3A_245, %jit3A_246, %jit3A_243 : i32
      %rem3A_248 = arith.remsi %scan3A_225, %select_n3A_247 : i32
      %ne3A_249 = arith.constant 0 : i32
      %ne3A_250 = arith.cmpi ne, %rem3A_248, %ne3A_249 : i32
      %lt3A = arith.constant 0 : i32
      %lt3A_251 = arith.cmpi slt, %rem3A_248, %lt3A : i32
      %lt3A_252 = arith.constant 0 : i32
      %lt3A_253 = arith.cmpi slt, %select_n3A_247, %lt3A_252 : i32
      %ne3A_254 = arith.xori %lt3A_251, %lt3A_253 : i1
      %and3A_255 = arith.andi %ne3A_254, %ne3A_250 : i1
      %add3A_256 = arith.addi %rem3A_248, %select_n3A_247 : i32
      %select_n3A_257 = arith.select %and3A_255, %add3A_256, %rem3A_248 : i32
      %mul3A_258 = arith.constant 16 : i32
      %mul3A_259 = arith.muli %select_n3A_257, %mul3A_258 : i32
      %get3A = arith.index_cast %select_n3A : i32 to index
      %get3A_260 = arith.index_cast %mul3A_259 : i32 to index
      %get3A_261 = tpu.vector_load %arg7[%get3A, %get3A_260] {strides = array<i32>} : memref<40x128xf32, #tpu.memory_space<vmem>>, vector<16xf32>,
      %convert_element_type3A_262 = arith.fptosi %get3A_261 : vector<16xf32> to vector<16xi32>
      %gather3A = tpu.vector_load_idx %arg5[%convert_element_type3A_262] : memref<100352xf32, #tpu.memory_space<vmem>>[vector<16xi32>], vector<16xf32>,
      %jit3A_263 = arith.constant 64 : i32
      %div3A_264 = arith.divsi %scan3A_225, %jit3A_263 : i32
      %sign3A_265 = arith.constant 0 : i32
      %sign3A_266 = arith.cmpi sgt, %scan3A_225, %sign3A_265 : i32
      %sign3A_267 = arith.extui %sign3A_266 : i1 to i32
      %sign3A_268 = arith.constant 0 : i32
      %sign3A_269 = arith.cmpi slt, %scan3A_225, %sign3A_268 : i32
      %sign3A_270 = arith.extui %sign3A_269 : i1 to i32
      %sign3A_271 = arith.subi %sign3A_267, %sign3A_270 : i32
      %sign3A_272 = arith.constant 0 : i32
      %sign3A_273 = arith.cmpi sgt, %jit3A_263, %sign3A_272 : i32
      %sign3A_274 = arith.extui %sign3A_273 : i1 to i32
      %sign3A_275 = arith.constant 0 : i32
      %sign3A_276 = arith.cmpi slt, %jit3A_263, %sign3A_275 : i32
      %sign3A_277 = arith.extui %sign3A_276 : i1 to i32
      %sign3A_278 = arith.subi %sign3A_274, %sign3A_277 : i32
      %ne3A_279 = arith.cmpi ne, %sign3A_271, %sign3A_278 : i32
      %rem3A_280 = arith.remsi %scan3A_225, %jit3A_263 : i32
      %ne3A_281 = arith.constant 0 : i32
      %ne3A_282 = arith.cmpi ne, %rem3A_280, %ne3A_281 : i32
      %and3A_283 = arith.andi %ne3A_279, %ne3A_282 : i1
      %sub3A_284 = arith.constant 1 : i32
      %sub3A_285 = arith.subi %div3A_264, %sub3A_284 : i32
      %select_n3A_286 = arith.select %and3A_283, %sub3A_285, %div3A_264 : i32
      %jit3A_287 = arith.constant 8 : i32
      %div3A_288 = arith.divsi %scan3A_225, %jit3A_287 : i32
      %sign3A_289 = arith.constant 0 : i32
      %sign3A_290 = arith.cmpi sgt, %scan3A_225, %sign3A_289 : i32
      %sign3A_291 = arith.extui %sign3A_290 : i1 to i32
      %sign3A_292 = arith.constant 0 : i32
      %sign3A_293 = arith.cmpi slt, %scan3A_225, %sign3A_292 : i32
      %sign3A_294 = arith.extui %sign3A_293 : i1 to i32
      %sign3A_295 = arith.subi %sign3A_291, %sign3A_294 : i32
      %sign3A_296 = arith.constant 0 : i32
      %sign3A_297 = arith.cmpi sgt, %jit3A_287, %sign3A_296 : i32
      %sign3A_298 = arith.extui %sign3A_297 : i1 to i32
      %sign3A_299 = arith.constant 0 : i32
      %sign3A_300 = arith.cmpi slt, %jit3A_287, %sign3A_299 : i32
      %sign3A_301 = arith.extui %sign3A_300 : i1 to i32
      %sign3A_302 = arith.subi %sign3A_298, %sign3A_301 : i32
      %ne3A_303 = arith.cmpi ne, %sign3A_295, %sign3A_302 : i32
      %rem3A_304 = arith.remsi %scan3A_225, %jit3A_287 : i32
      %ne3A_305 = arith.constant 0 : i32
      %ne3A_306 = arith.cmpi ne, %rem3A_304, %ne3A_305 : i32
      %and3A_307 = arith.andi %ne3A_303, %ne3A_306 : i1
      %sub3A_308 = arith.constant 1 : i32
      %sub3A_309 = arith.subi %div3A_288, %sub3A_308 : i32
      %select_n3A_310 = arith.select %and3A_307, %sub3A_309, %div3A_288 : i32
      %jit3A_311 = arith.constant 8 : i32
      %eq3A_312 = arith.constant 0 : i32
      %eq3A_313 = arith.cmpi eq, %jit3A_311, %eq3A_312 : i32
      %jit3A_314 = arith.constant 1 : i32
      %select_n3A_315 = arith.select %eq3A_313, %jit3A_314, %jit3A_311 : i32
      %rem3A_316 = arith.remsi %select_n3A_310, %select_n3A_315 : i32
      %ne3A_317 = arith.constant 0 : i32
      %ne3A_318 = arith.cmpi ne, %rem3A_316, %ne3A_317 : i32
      %lt3A_319 = arith.constant 0 : i32
      %lt3A_320 = arith.cmpi slt, %rem3A_316, %lt3A_319 : i32
      %lt3A_321 = arith.constant 0 : i32
      %lt3A_322 = arith.cmpi slt, %select_n3A_315, %lt3A_321 : i32
      %ne3A_323 = arith.xori %lt3A_320, %lt3A_322 : i1
      %and3A_324 = arith.andi %ne3A_323, %ne3A_318 : i1
      %add3A_325 = arith.addi %rem3A_316, %select_n3A_315 : i32
      %select_n3A_326 = arith.select %and3A_324, %add3A_325, %rem3A_316 : i32
      %swap3A = arith.index_cast %select_n3A_286 : i32 to index
      %swap3A_327 = arith.index_cast %select_n3A_326 : i32 to index
      %swap3A_328 = arith.index_cast %mul3A_259 : i32 to index
      %swap3A_329 = tpu.vector_load %arg9[%swap3A, %swap3A_327, %swap3A_328] {strides = array<i32>} : memref<5x8x128xf32, #tpu.memory_space<vmem>>, vector<16xf32>,
      tpu.vector_store %arg9[%swap3A, %swap3A_327, %swap3A_328], %gather3A {strides = array<i32>} : memref<5x8x128xf32, #tpu.memory_space<vmem>>, vector<16xf32>,
      %scan3A_330 = arith.constant 0 : i32
      %scan3A_331 = arith.constant 1 : i32
      %scan3A_332 = arith.addi %scan3A_225, %scan3A_331 : i32
      %jit3A_333 = arith.constant 8 : i32
      %div3A_334 = arith.divsi %scan3A_332, %jit3A_333 : i32
      %sign3A_335 = arith.constant 0 : i32
      %sign3A_336 = arith.cmpi sgt, %scan3A_332, %sign3A_335 : i32
      %sign3A_337 = arith.extui %sign3A_336 : i1 to i32
      %sign3A_338 = arith.constant 0 : i32
      %sign3A_339 = arith.cmpi slt, %scan3A_332, %sign3A_338 : i32
      %sign3A_340 = arith.extui %sign3A_339 : i1 to i32
      %sign3A_341 = arith.subi %sign3A_337, %sign3A_340 : i32
      %sign3A_342 = arith.constant 0 : i32
      %sign3A_343 = arith.cmpi sgt, %jit3A_333, %sign3A_342 : i32
      %sign3A_344 = arith.extui %sign3A_343 : i1 to i32
      %sign3A_345 = arith.constant 0 : i32
      %sign3A_346 = arith.cmpi slt, %jit3A_333, %sign3A_345 : i32
      %sign3A_347 = arith.extui %sign3A_346 : i1 to i32
      %sign3A_348 = arith.subi %sign3A_344, %sign3A_347 : i32
      %ne3A_349 = arith.cmpi ne, %sign3A_341, %sign3A_348 : i32
      %rem3A_350 = arith.remsi %scan3A_332, %jit3A_333 : i32
      %ne3A_351 = arith.constant 0 : i32
      %ne3A_352 = arith.cmpi ne, %rem3A_350, %ne3A_351 : i32
      %and3A_353 = arith.andi %ne3A_349, %ne3A_352 : i1
      %sub3A_354 = arith.constant 1 : i32
      %sub3A_355 = arith.subi %div3A_334, %sub3A_354 : i32
      %select_n3A_356 = arith.select %and3A_353, %sub3A_355, %div3A_334 : i32
      %jit3A_357 = arith.constant 8 : i32
      %eq3A_358 = arith.constant 0 : i32
      %eq3A_359 = arith.cmpi eq, %jit3A_357, %eq3A_358 : i32
      %jit3A_360 = arith.constant 1 : i32
      %select_n3A_361 = arith.select %eq3A_359, %jit3A_360, %jit3A_357 : i32
      %rem3A_362 = arith.remsi %scan3A_332, %select_n3A_361 : i32
      %ne3A_363 = arith.constant 0 : i32
      %ne3A_364 = arith.cmpi ne, %rem3A_362, %ne3A_363 : i32
      %lt3A_365 = arith.constant 0 : i32
      %lt3A_366 = arith.cmpi slt, %rem3A_362, %lt3A_365 : i32
      %lt3A_367 = arith.constant 0 : i32
      %lt3A_368 = arith.cmpi slt, %select_n3A_361, %lt3A_367 : i32
      %ne3A_369 = arith.xori %lt3A_366, %lt3A_368 : i1
      %and3A_370 = arith.andi %ne3A_369, %ne3A_364 : i1
      %add3A_371 = arith.addi %rem3A_362, %select_n3A_361 : i32
      %select_n3A_372 = arith.select %and3A_370, %add3A_371, %rem3A_362 : i32
      %mul3A_373 = arith.constant 16 : i32
      %mul3A_374 = arith.muli %select_n3A_372, %mul3A_373 : i32
      %get3A_375 = arith.index_cast %select_n3A_356 : i32 to index
      %get3A_376 = arith.index_cast %mul3A_374 : i32 to index
      %get3A_377 = tpu.vector_load %arg7[%get3A_375, %get3A_376] {strides = array<i32>} : memref<40x128xf32, #tpu.memory_space<vmem>>, vector<16xf32>,
      %convert_element_type3A_378 = arith.fptosi %get3A_377 : vector<16xf32> to vector<16xi32>
      %gather3A_379 = tpu.vector_load_idx %arg5[%convert_element_type3A_378] : memref<100352xf32, #tpu.memory_space<vmem>>[vector<16xi32>], vector<16xf32>,
      %jit3A_380 = arith.constant 64 : i32
      %div3A_381 = arith.divsi %scan3A_332, %jit3A_380 : i32
      %sign3A_382 = arith.constant 0 : i32
      %sign3A_383 = arith.cmpi sgt, %scan3A_332, %sign3A_382 : i32
      %sign3A_384 = arith.extui %sign3A_383 : i1 to i32
      %sign3A_385 = arith.constant 0 : i32
      %sign3A_386 = arith.cmpi slt, %scan3A_332, %sign3A_385 : i32
      %sign3A_387 = arith.extui %sign3A_386 : i1 to i32
      %sign3A_388 = arith.subi %sign3A_384, %sign3A_387 : i32
      %sign3A_389 = arith.constant 0 : i32
      %sign3A_390 = arith.cmpi sgt, %jit3A_380, %sign3A_389 : i32
      %sign3A_391 = arith.extui %sign3A_390 : i1 to i32
      %sign3A_392 = arith.constant 0 : i32
      %sign3A_393 = arith.cmpi slt, %jit3A_380, %sign3A_392 : i32
      %sign3A_394 = arith.extui %sign3A_393 : i1 to i32
      %sign3A_395 = arith.subi %sign3A_391, %sign3A_394 : i32
      %ne3A_396 = arith.cmpi ne, %sign3A_388, %sign3A_395 : i32
      %rem3A_397 = arith.remsi %scan3A_332, %jit3A_380 : i32
      %ne3A_398 = arith.constant 0 : i32
      %ne3A_399 = arith.cmpi ne, %rem3A_397, %ne3A_398 : i32
      %and3A_400 = arith.andi %ne3A_396, %ne3A_399 : i1
      %sub3A_401 = arith.constant 1 : i32
      %sub3A_402 = arith.subi %div3A_381, %sub3A_401 : i32
      %select_n3A_403 = arith.select %and3A_400, %sub3A_402, %div3A_381 : i32
      %jit3A_404 = arith.constant 8 : i32
      %div3A_405 = arith.divsi %scan3A_332, %jit3A_404 : i32
      %sign3A_406 = arith.constant 0 : i32
      %sign3A_407 = arith.cmpi sgt, %scan3A_332, %sign3A_406 : i32
      %sign3A_408 = arith.extui %sign3A_407 : i1 to i32
      %sign3A_409 = arith.constant 0 : i32
      %sign3A_410 = arith.cmpi slt, %scan3A_332, %sign3A_409 : i32
      %sign3A_411 = arith.extui %sign3A_410 : i1 to i32
      %sign3A_412 = arith.subi %sign3A_408, %sign3A_411 : i32
      %sign3A_413 = arith.constant 0 : i32
      %sign3A_414 = arith.cmpi sgt, %jit3A_404, %sign3A_413 : i32
      %sign3A_415 = arith.extui %sign3A_414 : i1 to i32
      %sign3A_416 = arith.constant 0 : i32
      %sign3A_417 = arith.cmpi slt, %jit3A_404, %sign3A_416 : i32
      %sign3A_418 = arith.extui %sign3A_417 : i1 to i32
      %sign3A_419 = arith.subi %sign3A_415, %sign3A_418 : i32
      %ne3A_420 = arith.cmpi ne, %sign3A_412, %sign3A_419 : i32
      %rem3A_421 = arith.remsi %scan3A_332, %jit3A_404 : i32
      %ne3A_422 = arith.constant 0 : i32
      %ne3A_423 = arith.cmpi ne, %rem3A_421, %ne3A_422 : i32
      %and3A_424 = arith.andi %ne3A_420, %ne3A_423 : i1
      %sub3A_425 = arith.constant 1 : i32
      %sub3A_426 = arith.subi %div3A_405, %sub3A_425 : i32
      %select_n3A_427 = arith.select %and3A_424, %sub3A_426, %div3A_405 : i32
      %jit3A_428 = arith.constant 8 : i32
      %eq3A_429 = arith.constant 0 : i32
      %eq3A_430 = arith.cmpi eq, %jit3A_428, %eq3A_429 : i32
      %jit3A_431 = arith.constant 1 : i32
      %select_n3A_432 = arith.select %eq3A_430, %jit3A_431, %jit3A_428 : i32
      %rem3A_433 = arith.remsi %select_n3A_427, %select_n3A_432 : i32
      %ne3A_434 = arith.constant 0 : i32
      %ne3A_435 = arith.cmpi ne, %rem3A_433, %ne3A_434 : i32
      %lt3A_436 = arith.constant 0 : i32
      %lt3A_437 = arith.cmpi slt, %rem3A_433, %lt3A_436 : i32
      %lt3A_438 = arith.constant 0 : i32
      %lt3A_439 = arith.cmpi slt, %select_n3A_432, %lt3A_438 : i32
      %ne3A_440 = arith.xori %lt3A_437, %lt3A_439 : i1
      %and3A_441 = arith.andi %ne3A_440, %ne3A_435 : i1
      %add3A_442 = arith.addi %rem3A_433, %select_n3A_432 : i32
      %select_n3A_443 = arith.select %and3A_441, %add3A_442, %rem3A_433 : i32
      %swap3A_444 = arith.index_cast %select_n3A_403 : i32 to index
      %swap3A_445 = arith.index_cast %select_n3A_443 : i32 to index
      %swap3A_446 = arith.index_cast %mul3A_374 : i32 to index
      %swap3A_447 = tpu.vector_load %arg9[%swap3A_444, %swap3A_445, %swap3A_446] {strides = array<i32>} : memref<5x8x128xf32, #tpu.memory_space<vmem>>, vector<16xf32>,
      tpu.vector_store %arg9[%swap3A_444, %swap3A_445, %swap3A_446], %gather3A_379 {strides = array<i32>} : memref<5x8x128xf32, #tpu.memory_space<vmem>>, vector<16xf32>,
      %scan3A_448 = arith.constant 0 : i32
      %scan3A_449 = arith.constant 2 : i32
      %scan3A_450 = arith.addi %scan3A_225, %scan3A_449 : i32
      %jit3A_451 = arith.constant 8 : i32
      %div3A_452 = arith.divsi %scan3A_450, %jit3A_451 : i32
      %sign3A_453 = arith.constant 0 : i32
      %sign3A_454 = arith.cmpi sgt, %scan3A_450, %sign3A_453 : i32
      %sign3A_455 = arith.extui %sign3A_454 : i1 to i32
      %sign3A_456 = arith.constant 0 : i32
      %sign3A_457 = arith.cmpi slt, %scan3A_450, %sign3A_456 : i32
      %sign3A_458 = arith.extui %sign3A_457 : i1 to i32
      %sign3A_459 = arith.subi %sign3A_455, %sign3A_458 : i32
      %sign3A_460 = arith.constant 0 : i32
      %sign3A_461 = arith.cmpi sgt, %jit3A_451, %sign3A_460 : i32
      %sign3A_462 = arith.extui %sign3A_461 : i1 to i32
      %sign3A_463 = arith.constant 0 : i32
      %sign3A_464 = arith.cmpi slt, %jit3A_451, %sign3A_463 : i32
      %sign3A_465 = arith.extui %sign3A_464 : i1 to i32
      %sign3A_466 = arith.subi %sign3A_462, %sign3A_465 : i32
      %ne3A_467 = arith.cmpi ne, %sign3A_459, %sign3A_466 : i32
      %rem3A_468 = arith.remsi %scan3A_450, %jit3A_451 : i32
      %ne3A_469 = arith.constant 0 : i32
      %ne3A_470 = arith.cmpi ne, %rem3A_468, %ne3A_469 : i32
      %and3A_471 = arith.andi %ne3A_467, %ne3A_470 : i1
      %sub3A_472 = arith.constant 1 : i32
      %sub3A_473 = arith.subi %div3A_452, %sub3A_472 : i32
      %select_n3A_474 = arith.select %and3A_471, %sub3A_473, %div3A_452 : i32
      %jit3A_475 = arith.constant 8 : i32
      %eq3A_476 = arith.constant 0 : i32
      %eq3A_477 = arith.cmpi eq, %jit3A_475, %eq3A_476 : i32
      %jit3A_478 = arith.constant 1 : i32
      %select_n3A_479 = arith.select %eq3A_477, %jit3A_478, %jit3A_475 : i32
      %rem3A_480 = arith.remsi %scan3A_450, %select_n3A_479 : i32
      %ne3A_481 = arith.constant 0 : i32
      %ne3A_482 = arith.cmpi ne, %rem3A_480, %ne3A_481 : i32
      %lt3A_483 = arith.constant 0 : i32
      %lt3A_484 = arith.cmpi slt, %rem3A_480, %lt3A_483 : i32
      %lt3A_485 = arith.constant 0 : i32
      %lt3A_486 = arith.cmpi slt, %select_n3A_479, %lt3A_485 : i32
      %ne3A_487 = arith.xori %lt3A_484, %lt3A_486 : i1
      %and3A_488 = arith.andi %ne3A_487, %ne3A_482 : i1
      %add3A_489 = arith.addi %rem3A_480, %select_n3A_479 : i32
      %select_n3A_490 = arith.select %and3A_488, %add3A_489, %rem3A_480 : i32
      %mul3A_491 = arith.constant 16 : i32
      %mul3A_492 = arith.muli %select_n3A_490, %mul3A_491 : i32
      %get3A_493 = arith.index_cast %select_n3A_474 : i32 to index
      %get3A_494 = arith.index_cast %mul3A_492 : i32 to index
      %get3A_495 = tpu.vector_load %arg7[%get3A_493, %get3A_494] {strides = array<i32>} : memref<40x128xf32, #tpu.memory_space<vmem>>, vector<16xf32>,
      %convert_element_type3A_496 = arith.fptosi %get3A_495 : vector<16xf32> to vector<16xi32>
      %gather3A_497 = tpu.vector_load_idx %arg5[%convert_element_type3A_496] : memref<100352xf32, #tpu.memory_space<vmem>>[vector<16xi32>], vector<16xf32>,
      %jit3A_498 = arith.constant 64 : i32
      %div3A_499 = arith.divsi %scan3A_450, %jit3A_498 : i32
      %sign3A_500 = arith.constant 0 : i32
      %sign3A_501 = arith.cmpi sgt, %scan3A_450, %sign3A_500 : i32
      %sign3A_502 = arith.extui %sign3A_501 : i1 to i32
      %sign3A_503 = arith.constant 0 : i32
      %sign3A_504 = arith.cmpi slt, %scan3A_450, %sign3A_503 : i32
      %sign3A_505 = arith.extui %sign3A_504 : i1 to i32
      %sign3A_506 = arith.subi %sign3A_502, %sign3A_505 : i32
      %sign3A_507 = arith.constant 0 : i32
      %sign3A_508 = arith.cmpi sgt, %jit3A_498, %sign3A_507 : i32
      %sign3A_509 = arith.extui %sign3A_508 : i1 to i32
      %sign3A_510 = arith.constant 0 : i32
      %sign3A_511 = arith.cmpi slt, %jit3A_498, %sign3A_510 : i32
      %sign3A_512 = arith.extui %sign3A_511 : i1 to i32
      %sign3A_513 = arith.subi %sign3A_509, %sign3A_512 : i32
      %ne3A_514 = arith.cmpi ne, %sign3A_506, %sign3A_513 : i32
      %rem3A_515 = arith.remsi %scan3A_450, %jit3A_498 : i32
      %ne3A_516 = arith.constant 0 : i32
      %ne3A_517 = arith.cmpi ne, %rem3A_515, %ne3A_516 : i32
      %and3A_518 = arith.andi %ne3A_514, %ne3A_517 : i1
      %sub3A_519 = arith.constant 1 : i32
      %sub3A_520 = arith.subi %div3A_499, %sub3A_519 : i32
      %select_n3A_521 = arith.select %and3A_518, %sub3A_520, %div3A_499 : i32
      %jit3A_522 = arith.constant 8 : i32
      %div3A_523 = arith.divsi %scan3A_450, %jit3A_522 : i32
      %sign3A_524 = arith.constant 0 : i32
      %sign3A_525 = arith.cmpi sgt, %scan3A_450, %sign3A_524 : i32
      %sign3A_526 = arith.extui %sign3A_525 : i1 to i32
      %sign3A_527 = arith.constant 0 : i32
      %sign3A_528 = arith.cmpi slt, %scan3A_450, %sign3A_527 : i32
      %sign3A_529 = arith.extui %sign3A_528 : i1 to i32
      %sign3A_530 = arith.subi %sign3A_526, %sign3A_529 : i32
      %sign3A_531 = arith.constant 0 : i32
      %sign3A_532 = arith.cmpi sgt, %jit3A_522, %sign3A_531 : i32
      %sign3A_533 = arith.extui %sign3A_532 : i1 to i32
      %sign3A_534 = arith.constant 0 : i32
      %sign3A_535 = arith.cmpi slt, %jit3A_522, %sign3A_534 : i32
      %sign3A_536 = arith.extui %sign3A_535 : i1 to i32
      %sign3A_537 = arith.subi %sign3A_533, %sign3A_536 : i32
      %ne3A_538 = arith.cmpi ne, %sign3A_530, %sign3A_537 : i32
      %rem3A_539 = arith.remsi %scan3A_450, %jit3A_522 : i32
      %ne3A_540 = arith.constant 0 : i32
      %ne3A_541 = arith.cmpi ne, %rem3A_539, %ne3A_540 : i32
      %and3A_542 = arith.andi %ne3A_538, %ne3A_541 : i1
      %sub3A_543 = arith.constant 1 : i32
      %sub3A_544 = arith.subi %div3A_523, %sub3A_543 : i32
      %select_n3A_545 = arith.select %and3A_542, %sub3A_544, %div3A_523 : i32
      %jit3A_546 = arith.constant 8 : i32
      %eq3A_547 = arith.constant 0 : i32
      %eq3A_548 = arith.cmpi eq, %jit3A_546, %eq3A_547 : i32
      %jit3A_549 = arith.constant 1 : i32
      %select_n3A_550 = arith.select %eq3A_548, %jit3A_549, %jit3A_546 : i32
      %rem3A_551 = arith.remsi %select_n3A_545, %select_n3A_550 : i32
      %ne3A_552 = arith.constant 0 : i32
      %ne3A_553 = arith.cmpi ne, %rem3A_551, %ne3A_552 : i32
      %lt3A_554 = arith.constant 0 : i32
      %lt3A_555 = arith.cmpi slt, %rem3A_551, %lt3A_554 : i32
      %lt3A_556 = arith.constant 0 : i32
      %lt3A_557 = arith.cmpi slt, %select_n3A_550, %lt3A_556 : i32
      %ne3A_558 = arith.xori %lt3A_555, %lt3A_557 : i1
      %and3A_559 = arith.andi %ne3A_558, %ne3A_553 : i1
      %add3A_560 = arith.addi %rem3A_551, %select_n3A_550 : i32
      %select_n3A_561 = arith.select %and3A_559, %add3A_560, %rem3A_551 : i32
      %swap3A_562 = arith.index_cast %select_n3A_521 : i32 to index
      %swap3A_563 = arith.index_cast %select_n3A_561 : i32 to index
      %swap3A_564 = arith.index_cast %mul3A_492 : i32 to index
      %swap3A_565 = tpu.vector_load %arg9[%swap3A_562, %swap3A_563, %swap3A_564] {strides = array<i32>} : memref<5x8x128xf32, #tpu.memory_space<vmem>>, vector<16xf32>,
      tpu.vector_store %arg9[%swap3A_562, %swap3A_563, %swap3A_564], %gather3A_497 {strides = array<i32>} : memref<5x8x128xf32, #tpu.memory_space<vmem>>, vector<16xf32>,
      %scan3A_566 = arith.constant 0 : i32
      %scan3A_567 = arith.constant 3 : i32
      %scan3A_568 = arith.addi %scan3A_225, %scan3A_567 : i32
      %jit3A_569 = arith.constant 8 : i32
      %div3A_570 = arith.divsi %scan3A_568, %jit3A_569 : i32
      %sign3A_571 = arith.constant 0 : i32
      %sign3A_572 = arith.cmpi sgt, %scan3A_568, %sign3A_571 : i32
      %sign3A_573 = arith.extui %sign3A_572 : i1 to i32
      %sign3A_574 = arith.constant 0 : i32
      %sign3A_575 = arith.cmpi slt, %scan3A_568, %sign3A_574 : i32
      %sign3A_576 = arith.extui %sign3A_575 : i1 to i32
      %sign3A_577 = arith.subi %sign3A_573, %sign3A_576 : i32
      %sign3A_578 = arith.constant 0 : i32
      %sign3A_579 = arith.cmpi sgt, %jit3A_569, %sign3A_578 : i32
      %sign3A_580 = arith.extui %sign3A_579 : i1 to i32
      %sign3A_581 = arith.constant 0 : i32
      %sign3A_582 = arith.cmpi slt, %jit3A_569, %sign3A_581 : i32
      %sign3A_583 = arith.extui %sign3A_582 : i1 to i32
      %sign3A_584 = arith.subi %sign3A_580, %sign3A_583 : i32
      %ne3A_585 = arith.cmpi ne, %sign3A_577, %sign3A_584 : i32
      %rem3A_586 = arith.remsi %scan3A_568, %jit3A_569 : i32
      %ne3A_587 = arith.constant 0 : i32
      %ne3A_588 = arith.cmpi ne, %rem3A_586, %ne3A_587 : i32
      %and3A_589 = arith.andi %ne3A_585, %ne3A_588 : i1
      %sub3A_590 = arith.constant 1 : i32
      %sub3A_591 = arith.subi %div3A_570, %sub3A_590 : i32
      %select_n3A_592 = arith.select %and3A_589, %sub3A_591, %div3A_570 : i32
      %jit3A_593 = arith.constant 8 : i32
      %eq3A_594 = arith.constant 0 : i32
      %eq3A_595 = arith.cmpi eq, %jit3A_593, %eq3A_594 : i32
      %jit3A_596 = arith.constant 1 : i32
      %select_n3A_597 = arith.select %eq3A_595, %jit3A_596, %jit3A_593 : i32
      %rem3A_598 = arith.remsi %scan3A_568, %select_n3A_597 : i32
      %ne3A_599 = arith.constant 0 : i32
      %ne3A_600 = arith.cmpi ne, %rem3A_598, %ne3A_599 : i32
      %lt3A_601 = arith.constant 0 : i32
      %lt3A_602 = arith.cmpi slt, %rem3A_598, %lt3A_601 : i32
      %lt3A_603 = arith.constant 0 : i32
      %lt3A_604 = arith.cmpi slt, %select_n3A_597, %lt3A_603 : i32
      %ne3A_605 = arith.xori %lt3A_602, %lt3A_604 : i1
      %and3A_606 = arith.andi %ne3A_605, %ne3A_600 : i1
      %add3A_607 = arith.addi %rem3A_598, %select_n3A_597 : i32
      %select_n3A_608 = arith.select %and3A_606, %add3A_607, %rem3A_598 : i32
      %mul3A_609 = arith.constant 16 : i32
      %mul3A_610 = arith.muli %select_n3A_608, %mul3A_609 : i32
      %get3A_611 = arith.index_cast %select_n3A_592 : i32 to index
      %get3A_612 = arith.index_cast %mul3A_610 : i32 to index
      %get3A_613 = tpu.vector_load %arg7[%get3A_611, %get3A_612] {strides = array<i32>} : memref<40x128xf32, #tpu.memory_space<vmem>>, vector<16xf32>,
      %convert_element_type3A_614 = arith.fptosi %get3A_613 : vector<16xf32> to vector<16xi32>
      %gather3A_615 = tpu.vector_load_idx %arg5[%convert_element_type3A_614] : memref<100352xf32, #tpu.memory_space<vmem>>[vector<16xi32>], vector<16xf32>,
      %jit3A_616 = arith.constant 64 : i32
      %div3A_617 = arith.divsi %scan3A_568, %jit3A_616 : i32
      %sign3A_618 = arith.constant 0 : i32
      %sign3A_619 = arith.cmpi sgt, %scan3A_568, %sign3A_618 : i32
      %sign3A_620 = arith.extui %sign3A_619 : i1 to i32
      %sign3A_621 = arith.constant 0 : i32
      %sign3A_622 = arith.cmpi slt, %scan3A_568, %sign3A_621 : i32
      %sign3A_623 = arith.extui %sign3A_622 : i1 to i32
      %sign3A_624 = arith.subi %sign3A_620, %sign3A_623 : i32
      %sign3A_625 = arith.constant 0 : i32
      %sign3A_626 = arith.cmpi sgt, %jit3A_616, %sign3A_625 : i32
      %sign3A_627 = arith.extui %sign3A_626 : i1 to i32
      %sign3A_628 = arith.constant 0 : i32
      %sign3A_629 = arith.cmpi slt, %jit3A_616, %sign3A_628 : i32
      %sign3A_630 = arith.extui %sign3A_629 : i1 to i32
      %sign3A_631 = arith.subi %sign3A_627, %sign3A_630 : i32
      %ne3A_632 = arith.cmpi ne, %sign3A_624, %sign3A_631 : i32
      %rem3A_633 = arith.remsi %scan3A_568, %jit3A_616 : i32
      %ne3A_634 = arith.constant 0 : i32
      %ne3A_635 = arith.cmpi ne, %rem3A_633, %ne3A_634 : i32
      %and3A_636 = arith.andi %ne3A_632, %ne3A_635 : i1
      %sub3A_637 = arith.constant 1 : i32
      %sub3A_638 = arith.subi %div3A_617, %sub3A_637 : i32
      %select_n3A_639 = arith.select %and3A_636, %sub3A_638, %div3A_617 : i32
      %jit3A_640 = arith.constant 8 : i32
      %div3A_641 = arith.divsi %scan3A_568, %jit3A_640 : i32
      %sign3A_642 = arith.constant 0 : i32
      %sign3A_643 = arith.cmpi sgt, %scan3A_568, %sign3A_642 : i32
      %sign3A_644 = arith.extui %sign3A_643 : i1 to i32
      %sign3A_645 = arith.constant 0 : i32
      %sign3A_646 = arith.cmpi slt, %scan3A_568, %sign3A_645 : i32
      %sign3A_647 = arith.extui %sign3A_646 : i1 to i32
      %sign3A_648 = arith.subi %sign3A_644, %sign3A_647 : i32
      %sign3A_649 = arith.constant 0 : i32
      %sign3A_650 = arith.cmpi sgt, %jit3A_640, %sign3A_649 : i32
      %sign3A_651 = arith.extui %sign3A_650 : i1 to i32
      %sign3A_652 = arith.constant 0 : i32
      %sign3A_653 = arith.cmpi slt, %jit3A_640, %sign3A_652 : i32
      %sign3A_654 = arith.extui %sign3A_653 : i1 to i32
      %sign3A_655 = arith.subi %sign3A_651, %sign3A_654 : i32
      %ne3A_656 = arith.cmpi ne, %sign3A_648, %sign3A_655 : i32
      %rem3A_657 = arith.remsi %scan3A_568, %jit3A_640 : i32
      %ne3A_658 = arith.constant 0 : i32
      %ne3A_659 = arith.cmpi ne, %rem3A_657, %ne3A_658 : i32
      %and3A_660 = arith.andi %ne3A_656, %ne3A_659 : i1
      %sub3A_661 = arith.constant 1 : i32
      %sub3A_662 = arith.subi %div3A_641, %sub3A_661 : i32
      %select_n3A_663 = arith.select %and3A_660, %sub3A_662, %div3A_641 : i32
      %jit3A_664 = arith.constant 8 : i32
      %eq3A_665 = arith.constant 0 : i32
      %eq3A_666 = arith.cmpi eq, %jit3A_664, %eq3A_665 : i32
      %jit3A_667 = arith.constant 1 : i32
      %select_n3A_668 = arith.select %eq3A_666, %jit3A_667, %jit3A_664 : i32
      %rem3A_669 = arith.remsi %select_n3A_663, %select_n3A_668 : i32
      %ne3A_670 = arith.constant 0 : i32
      %ne3A_671 = arith.cmpi ne, %rem3A_669, %ne3A_670 : i32
      %lt3A_672 = arith.constant 0 : i32
      %lt3A_673 = arith.cmpi slt, %rem3A_669, %lt3A_672 : i32
      %lt3A_674 = arith.constant 0 : i32
      %lt3A_675 = arith.cmpi slt, %select_n3A_668, %lt3A_674 : i32
      %ne3A_676 = arith.xori %lt3A_673, %lt3A_675 : i1
      %and3A_677 = arith.andi %ne3A_676, %ne3A_671 : i1
      %add3A_678 = arith.addi %rem3A_669, %select_n3A_668 : i32
      %select_n3A_679 = arith.select %and3A_677, %add3A_678, %rem3A_669 : i32
      %swap3A_680 = arith.index_cast %select_n3A_639 : i32 to index
      %swap3A_681 = arith.index_cast %select_n3A_679 : i32 to index
      %swap3A_682 = arith.index_cast %mul3A_610 : i32 to index
      %swap3A_683 = tpu.vector_load %arg9[%swap3A_680, %swap3A_681, %swap3A_682] {strides = array<i32>} : memref<5x8x128xf32, #tpu.memory_space<vmem>>, vector<16xf32>,
      tpu.vector_store %arg9[%swap3A_680, %swap3A_681, %swap3A_682], %gather3A_615 {strides = array<i32>} : memref<5x8x128xf32, #tpu.memory_space<vmem>>, vector<16xf32>,
      %scan3A_684 = arith.constant 0 : i32
      %scan3A_685 = arith.constant 4 : i32
      %scan3A_686 = arith.addi %scan3A_225, %scan3A_685 : i32
      %jit3A_687 = arith.constant 8 : i32
      %div3A_688 = arith.divsi %scan3A_686, %jit3A_687 : i32
      %sign3A_689 = arith.constant 0 : i32
      %sign3A_690 = arith.cmpi sgt, %scan3A_686, %sign3A_689 : i32
      %sign3A_691 = arith.extui %sign3A_690 : i1 to i32
      %sign3A_692 = arith.constant 0 : i32
      %sign3A_693 = arith.cmpi slt, %scan3A_686, %sign3A_692 : i32
      %sign3A_694 = arith.extui %sign3A_693 : i1 to i32
      %sign3A_695 = arith.subi %sign3A_691, %sign3A_694 : i32
      %sign3A_696 = arith.constant 0 : i32
      %sign3A_697 = arith.cmpi sgt, %jit3A_687, %sign3A_696 : i32
      %sign3A_698 = arith.extui %sign3A_697 : i1 to i32
      %sign3A_699 = arith.constant 0 : i32
      %sign3A_700 = arith.cmpi slt, %jit3A_687, %sign3A_699 : i32
      %sign3A_701 = arith.extui %sign3A_700 : i1 to i32
      %sign3A_702 = arith.subi %sign3A_698, %sign3A_701 : i32
      %ne3A_703 = arith.cmpi ne, %sign3A_695, %sign3A_702 : i32
      %rem3A_704 = arith.remsi %scan3A_686, %jit3A_687 : i32
      %ne3A_705 = arith.constant 0 : i32
      %ne3A_706 = arith.cmpi ne, %rem3A_704, %ne3A_705 : i32
      %and3A_707 = arith.andi %ne3A_703, %ne3A_706 : i1
      %sub3A_708 = arith.constant 1 : i32
      %sub3A_709 = arith.subi %div3A_688, %sub3A_708 : i32
      %select_n3A_710 = arith.select %and3A_707, %sub3A_709, %div3A_688 : i32
      %jit3A_711 = arith.constant 8 : i32
      %eq3A_712 = arith.constant 0 : i32
      %eq3A_713 = arith.cmpi eq, %jit3A_711, %eq3A_712 : i32
      %jit3A_714 = arith.constant 1 : i32
      %select_n3A_715 = arith.select %eq3A_713, %jit3A_714, %jit3A_711 : i32
      %rem3A_716 = arith.remsi %scan3A_686, %select_n3A_715 : i32
      %ne3A_717 = arith.constant 0 : i32
      %ne3A_718 = arith.cmpi ne, %rem3A_716, %ne3A_717 : i32
      %lt3A_719 = arith.constant 0 : i32
      %lt3A_720 = arith.cmpi slt, %rem3A_716, %lt3A_719 : i32
      %lt3A_721 = arith.constant 0 : i32
      %lt3A_722 = arith.cmpi slt, %select_n3A_715, %lt3A_721 : i32
      %ne3A_723 = arith.xori %lt3A_720, %lt3A_722 : i1
      %and3A_724 = arith.andi %ne3A_723, %ne3A_718 : i1
      %add3A_725 = arith.addi %rem3A_716, %select_n3A_715 : i32
      %select_n3A_726 = arith.select %and3A_724, %add3A_725, %rem3A_716 : i32
      %mul3A_727 = arith.constant 16 : i32
      %mul3A_728 = arith.muli %select_n3A_726, %mul3A_727 : i32
      %get3A_729 = arith.index_cast %select_n3A_710 : i32 to index
      %get3A_730 = arith.index_cast %mul3A_728 : i32 to index
      %get3A_731 = tpu.vector_load %arg7[%get3A_729, %get3A_730] {strides = array<i32>} : memref<40x128xf32, #tpu.memory_space<vmem>>, vector<16xf32>,
      %convert_element_type3A_732 = arith.fptosi %get3A_731 : vector<16xf32> to vector<16xi32>
      %gather3A_733 = tpu.vector_load_idx %arg5[%convert_element_type3A_732] : memref<100352xf32, #tpu.memory_space<vmem>>[vector<16xi32>], vector<16xf32>,
      %jit3A_734 = arith.constant 64 : i32
      %div3A_735 = arith.divsi %scan3A_686, %jit3A_734 : i32
      %sign3A_736 = arith.constant 0 : i32
      %sign3A_737 = arith.cmpi sgt, %scan3A_686, %sign3A_736 : i32
      %sign3A_738 = arith.extui %sign3A_737 : i1 to i32
      %sign3A_739 = arith.constant 0 : i32
      %sign3A_740 = arith.cmpi slt, %scan3A_686, %sign3A_739 : i32
      %sign3A_741 = arith.extui %sign3A_740 : i1 to i32
      %sign3A_742 = arith.subi %sign3A_738, %sign3A_741 : i32
      %sign3A_743 = arith.constant 0 : i32
      %sign3A_744 = arith.cmpi sgt, %jit3A_734, %sign3A_743 : i32
      %sign3A_745 = arith.extui %sign3A_744 : i1 to i32
      %sign3A_746 = arith.constant 0 : i32
      %sign3A_747 = arith.cmpi slt, %jit3A_734, %sign3A_746 : i32
      %sign3A_748 = arith.extui %sign3A_747 : i1 to i32
      %sign3A_749 = arith.subi %sign3A_745, %sign3A_748 : i32
      %ne3A_750 = arith.cmpi ne, %sign3A_742, %sign3A_749 : i32
      %rem3A_751 = arith.remsi %scan3A_686, %jit3A_734 : i32
      %ne3A_752 = arith.constant 0 : i32
      %ne3A_753 = arith.cmpi ne, %rem3A_751, %ne3A_752 : i32
      %and3A_754 = arith.andi %ne3A_750, %ne3A_753 : i1
      %sub3A_755 = arith.constant 1 : i32
      %sub3A_756 = arith.subi %div3A_735, %sub3A_755 : i32
      %select_n3A_757 = arith.select %and3A_754, %sub3A_756, %div3A_735 : i32
      %jit3A_758 = arith.constant 8 : i32
      %div3A_759 = arith.divsi %scan3A_686, %jit3A_758 : i32
      %sign3A_760 = arith.constant 0 : i32
      %sign3A_761 = arith.cmpi sgt, %scan3A_686, %sign3A_760 : i32
      %sign3A_762 = arith.extui %sign3A_761 : i1 to i32
      %sign3A_763 = arith.constant 0 : i32
      %sign3A_764 = arith.cmpi slt, %scan3A_686, %sign3A_763 : i32
      %sign3A_765 = arith.extui %sign3A_764 : i1 to i32
      %sign3A_766 = arith.subi %sign3A_762, %sign3A_765 : i32
      %sign3A_767 = arith.constant 0 : i32
      %sign3A_768 = arith.cmpi sgt, %jit3A_758, %sign3A_767 : i32
      %sign3A_769 = arith.extui %sign3A_768 : i1 to i32
      %sign3A_770 = arith.constant 0 : i32
      %sign3A_771 = arith.cmpi slt, %jit3A_758, %sign3A_770 : i32
      %sign3A_772 = arith.extui %sign3A_771 : i1 to i32
      %sign3A_773 = arith.subi %sign3A_769, %sign3A_772 : i32
      %ne3A_774 = arith.cmpi ne, %sign3A_766, %sign3A_773 : i32
      %rem3A_775 = arith.remsi %scan3A_686, %jit3A_758 : i32
      %ne3A_776 = arith.constant 0 : i32
      %ne3A_777 = arith.cmpi ne, %rem3A_775, %ne3A_776 : i32
      %and3A_778 = arith.andi %ne3A_774, %ne3A_777 : i1
      %sub3A_779 = arith.constant 1 : i32
      %sub3A_780 = arith.subi %div3A_759, %sub3A_779 : i32
      %select_n3A_781 = arith.select %and3A_778, %sub3A_780, %div3A_759 : i32
      %jit3A_782 = arith.constant 8 : i32
      %eq3A_783 = arith.constant 0 : i32
      %eq3A_784 = arith.cmpi eq, %jit3A_782, %eq3A_783 : i32
      %jit3A_785 = arith.constant 1 : i32
      %select_n3A_786 = arith.select %eq3A_784, %jit3A_785, %jit3A_782 : i32
      %rem3A_787 = arith.remsi %select_n3A_781, %select_n3A_786 : i32
      %ne3A_788 = arith.constant 0 : i32
      %ne3A_789 = arith.cmpi ne, %rem3A_787, %ne3A_788 : i32
      %lt3A_790 = arith.constant 0 : i32
      %lt3A_791 = arith.cmpi slt, %rem3A_787, %lt3A_790 : i32
      %lt3A_792 = arith.constant 0 : i32
      %lt3A_793 = arith.cmpi slt, %select_n3A_786, %lt3A_792 : i32
      %ne3A_794 = arith.xori %lt3A_791, %lt3A_793 : i1
      %and3A_795 = arith.andi %ne3A_794, %ne3A_789 : i1
      %add3A_796 = arith.addi %rem3A_787, %select_n3A_786 : i32
      %select_n3A_797 = arith.select %and3A_795, %add3A_796, %rem3A_787 : i32
      %swap3A_798 = arith.index_cast %select_n3A_757 : i32 to index
      %swap3A_799 = arith.index_cast %select_n3A_797 : i32 to index
      %swap3A_800 = arith.index_cast %mul3A_728 : i32 to index
      %swap3A_801 = tpu.vector_load %arg9[%swap3A_798, %swap3A_799, %swap3A_800] {strides = array<i32>} : memref<5x8x128xf32, #tpu.memory_space<vmem>>, vector<16xf32>,
      tpu.vector_store %arg9[%swap3A_798, %swap3A_799, %swap3A_800], %gather3A_733 {strides = array<i32>} : memref<5x8x128xf32, #tpu.memory_space<vmem>>, vector<16xf32>,
      %scan3A_802 = arith.constant 0 : i32
      %scan3A_803 = arith.constant 5 : i32
      %scan3A_804 = arith.addi %scan3A_225, %scan3A_803 : i32
      %jit3A_805 = arith.constant 8 : i32
      %div3A_806 = arith.divsi %scan3A_804, %jit3A_805 : i32
      %sign3A_807 = arith.constant 0 : i32
      %sign3A_808 = arith.cmpi sgt, %scan3A_804, %sign3A_807 : i32
      %sign3A_809 = arith.extui %sign3A_808 : i1 to i32
      %sign3A_810 = arith.constant 0 : i32
      %sign3A_811 = arith.cmpi slt, %scan3A_804, %sign3A_810 : i32
      %sign3A_812 = arith.extui %sign3A_811 : i1 to i32
      %sign3A_813 = arith.subi %sign3A_809, %sign3A_812 : i32
      %sign3A_814 = arith.constant 0 : i32
      %sign3A_815 = arith.cmpi sgt, %jit3A_805, %sign3A_814 : i32
      %sign3A_816 = arith.extui %sign3A_815 : i1 to i32
      %sign3A_817 = arith.constant 0 : i32
      %sign3A_818 = arith.cmpi slt, %jit3A_805, %sign3A_817 : i32
      %sign3A_819 = arith.extui %sign3A_818 : i1 to i32
      %sign3A_820 = arith.subi %sign3A_816, %sign3A_819 : i32
      %ne3A_821 = arith.cmpi ne, %sign3A_813, %sign3A_820 : i32
      %rem3A_822 = arith.remsi %scan3A_804, %jit3A_805 : i32
      %ne3A_823 = arith.constant 0 : i32
      %ne3A_824 = arith.cmpi ne, %rem3A_822, %ne3A_823 : i32
      %and3A_825 = arith.andi %ne3A_821, %ne3A_824 : i1
      %sub3A_826 = arith.constant 1 : i32
      %sub3A_827 = arith.subi %div3A_806, %sub3A_826 : i32
      %select_n3A_828 = arith.select %and3A_825, %sub3A_827, %div3A_806 : i32
      %jit3A_829 = arith.constant 8 : i32
      %eq3A_830 = arith.constant 0 : i32
      %eq3A_831 = arith.cmpi eq, %jit3A_829, %eq3A_830 : i32
      %jit3A_832 = arith.constant 1 : i32
      %select_n3A_833 = arith.select %eq3A_831, %jit3A_832, %jit3A_829 : i32
      %rem3A_834 = arith.remsi %scan3A_804, %select_n3A_833 : i32
      %ne3A_835 = arith.constant 0 : i32
      %ne3A_836 = arith.cmpi ne, %rem3A_834, %ne3A_835 : i32
      %lt3A_837 = arith.constant 0 : i32
      %lt3A_838 = arith.cmpi slt, %rem3A_834, %lt3A_837 : i32
      %lt3A_839 = arith.constant 0 : i32
      %lt3A_840 = arith.cmpi slt, %select_n3A_833, %lt3A_839 : i32
      %ne3A_841 = arith.xori %lt3A_838, %lt3A_840 : i1
      %and3A_842 = arith.andi %ne3A_841, %ne3A_836 : i1
      %add3A_843 = arith.addi %rem3A_834, %select_n3A_833 : i32
      %select_n3A_844 = arith.select %and3A_842, %add3A_843, %rem3A_834 : i32
      %mul3A_845 = arith.constant 16 : i32
      %mul3A_846 = arith.muli %select_n3A_844, %mul3A_845 : i32
      %get3A_847 = arith.index_cast %select_n3A_828 : i32 to index
      %get3A_848 = arith.index_cast %mul3A_846 : i32 to index
      %get3A_849 = tpu.vector_load %arg7[%get3A_847, %get3A_848] {strides = array<i32>} : memref<40x128xf32, #tpu.memory_space<vmem>>, vector<16xf32>,
      %convert_element_type3A_850 = arith.fptosi %get3A_849 : vector<16xf32> to vector<16xi32>
      %gather3A_851 = tpu.vector_load_idx %arg5[%convert_element_type3A_850] : memref<100352xf32, #tpu.memory_space<vmem>>[vector<16xi32>], vector<16xf32>,
      %jit3A_852 = arith.constant 64 : i32
      %div3A_853 = arith.divsi %scan3A_804, %jit3A_852 : i32
      %sign3A_854 = arith.constant 0 : i32
      %sign3A_855 = arith.cmpi sgt, %scan3A_804, %sign3A_854 : i32
      %sign3A_856 = arith.extui %sign3A_855 : i1 to i32
      %sign3A_857 = arith.constant 0 : i32
      %sign3A_858 = arith.cmpi slt, %scan3A_804, %sign3A_857 : i32
      %sign3A_859 = arith.extui %sign3A_858 : i1 to i32
      %sign3A_860 = arith.subi %sign3A_856, %sign3A_859 : i32
      %sign3A_861 = arith.constant 0 : i32
      %sign3A_862 = arith.cmpi sgt, %jit3A_852, %sign3A_861 : i32
      %sign3A_863 = arith.extui %sign3A_862 : i1 to i32
      %sign3A_864 = arith.constant 0 : i32
      %sign3A_865 = arith.cmpi slt, %jit3A_852, %sign3A_864 : i32
      %sign3A_866 = arith.extui %sign3A_865 : i1 to i32
      %sign3A_867 = arith.subi %sign3A_863, %sign3A_866 : i32
      %ne3A_868 = arith.cmpi ne, %sign3A_860, %sign3A_867 : i32
      %rem3A_869 = arith.remsi %scan3A_804, %jit3A_852 : i32
      %ne3A_870 = arith.constant 0 : i32
      %ne3A_871 = arith.cmpi ne, %rem3A_869, %ne3A_870 : i32
      %and3A_872 = arith.andi %ne3A_868, %ne3A_871 : i1
      %sub3A_873 = arith.constant 1 : i32
      %sub3A_874 = arith.subi %div3A_853, %sub3A_873 : i32
      %select_n3A_875 = arith.select %and3A_872, %sub3A_874, %div3A_853 : i32
      %jit3A_876 = arith.constant 8 : i32
      %div3A_877 = arith.divsi %scan3A_804, %jit3A_876 : i32
      %sign3A_878 = arith.constant 0 : i32
      %sign3A_879 = arith.cmpi sgt, %scan3A_804, %sign3A_878 : i32
      %sign3A_880 = arith.extui %sign3A_879 : i1 to i32
      %sign3A_881 = arith.constant 0 : i32
      %sign3A_882 = arith.cmpi slt, %scan3A_804, %sign3A_881 : i32
      %sign3A_883 = arith.extui %sign3A_882 : i1 to i32
      %sign3A_884 = arith.subi %sign3A_880, %sign3A_883 : i32
      %sign3A_885 = arith.constant 0 : i32
      %sign3A_886 = arith.cmpi sgt, %jit3A_876, %sign3A_885 : i32
      %sign3A_887 = arith.extui %sign3A_886 : i1 to i32
      %sign3A_888 = arith.constant 0 : i32
      %sign3A_889 = arith.cmpi slt, %jit3A_876, %sign3A_888 : i32
      %sign3A_890 = arith.extui %sign3A_889 : i1 to i32
      %sign3A_891 = arith.subi %sign3A_887, %sign3A_890 : i32
      %ne3A_892 = arith.cmpi ne, %sign3A_884, %sign3A_891 : i32
      %rem3A_893 = arith.remsi %scan3A_804, %jit3A_876 : i32
      %ne3A_894 = arith.constant 0 : i32
      %ne3A_895 = arith.cmpi ne, %rem3A_893, %ne3A_894 : i32
      %and3A_896 = arith.andi %ne3A_892, %ne3A_895 : i1
      %sub3A_897 = arith.constant 1 : i32
      %sub3A_898 = arith.subi %div3A_877, %sub3A_897 : i32
      %select_n3A_899 = arith.select %and3A_896, %sub3A_898, %div3A_877 : i32
      %jit3A_900 = arith.constant 8 : i32
      %eq3A_901 = arith.constant 0 : i32
      %eq3A_902 = arith.cmpi eq, %jit3A_900, %eq3A_901 : i32
      %jit3A_903 = arith.constant 1 : i32
      %select_n3A_904 = arith.select %eq3A_902, %jit3A_903, %jit3A_900 : i32
      %rem3A_905 = arith.remsi %select_n3A_899, %select_n3A_904 : i32
      %ne3A_906 = arith.constant 0 : i32
      %ne3A_907 = arith.cmpi ne, %rem3A_905, %ne3A_906 : i32
      %lt3A_908 = arith.constant 0 : i32
      %lt3A_909 = arith.cmpi slt, %rem3A_905, %lt3A_908 : i32
      %lt3A_910 = arith.constant 0 : i32
      %lt3A_911 = arith.cmpi slt, %select_n3A_904, %lt3A_910 : i32
      %ne3A_912 = arith.xori %lt3A_909, %lt3A_911 : i1
      %and3A_913 = arith.andi %ne3A_912, %ne3A_907 : i1
      %add3A_914 = arith.addi %rem3A_905, %select_n3A_904 : i32
      %select_n3A_915 = arith.select %and3A_913, %add3A_914, %rem3A_905 : i32
      %swap3A_916 = arith.index_cast %select_n3A_875 : i32 to index
      %swap3A_917 = arith.index_cast %select_n3A_915 : i32 to index
      %swap3A_918 = arith.index_cast %mul3A_846 : i32 to index
      %swap3A_919 = tpu.vector_load %arg9[%swap3A_916, %swap3A_917, %swap3A_918] {strides = array<i32>} : memref<5x8x128xf32, #tpu.memory_space<vmem>>, vector<16xf32>,
      tpu.vector_store %arg9[%swap3A_916, %swap3A_917, %swap3A_918], %gather3A_851 {strides = array<i32>} : memref<5x8x128xf32, #tpu.memory_space<vmem>>, vector<16xf32>,
      %scan3A_920 = arith.constant 0 : i32
      %scan3A_921 = arith.constant 6 : i32
      %scan3A_922 = arith.addi %scan3A_225, %scan3A_921 : i32
      %jit3A_923 = arith.constant 8 : i32
      %div3A_924 = arith.divsi %scan3A_922, %jit3A_923 : i32
      %sign3A_925 = arith.constant 0 : i32
      %sign3A_926 = arith.cmpi sgt, %scan3A_922, %sign3A_925 : i32
      %sign3A_927 = arith.extui %sign3A_926 : i1 to i32
      %sign3A_928 = arith.constant 0 : i32
      %sign3A_929 = arith.cmpi slt, %scan3A_922, %sign3A_928 : i32
      %sign3A_930 = arith.extui %sign3A_929 : i1 to i32
      %sign3A_931 = arith.subi %sign3A_927, %sign3A_930 : i32
      %sign3A_932 = arith.constant 0 : i32
      %sign3A_933 = arith.cmpi sgt, %jit3A_923, %sign3A_932 : i32
      %sign3A_934 = arith.extui %sign3A_933 : i1 to i32
      %sign3A_935 = arith.constant 0 : i32
      %sign3A_936 = arith.cmpi slt, %jit3A_923, %sign3A_935 : i32
      %sign3A_937 = arith.extui %sign3A_936 : i1 to i32
      %sign3A_938 = arith.subi %sign3A_934, %sign3A_937 : i32
      %ne3A_939 = arith.cmpi ne, %sign3A_931, %sign3A_938 : i32
      %rem3A_940 = arith.remsi %scan3A_922, %jit3A_923 : i32
      %ne3A_941 = arith.constant 0 : i32
      %ne3A_942 = arith.cmpi ne, %rem3A_940, %ne3A_941 : i32
      %and3A_943 = arith.andi %ne3A_939, %ne3A_942 : i1
      %sub3A_944 = arith.constant 1 : i32
      %sub3A_945 = arith.subi %div3A_924, %sub3A_944 : i32
      %select_n3A_946 = arith.select %and3A_943, %sub3A_945, %div3A_924 : i32
      %jit3A_947 = arith.constant 8 : i32
      %eq3A_948 = arith.constant 0 : i32
      %eq3A_949 = arith.cmpi eq, %jit3A_947, %eq3A_948 : i32
      %jit3A_950 = arith.constant 1 : i32
      %select_n3A_951 = arith.select %eq3A_949, %jit3A_950, %jit3A_947 : i32
      %rem3A_952 = arith.remsi %scan3A_922, %select_n3A_951 : i32
      %ne3A_953 = arith.constant 0 : i32
      %ne3A_954 = arith.cmpi ne, %rem3A_952, %ne3A_953 : i32
      %lt3A_955 = arith.constant 0 : i32
      %lt3A_956 = arith.cmpi slt, %rem3A_952, %lt3A_955 : i32
      %lt3A_957 = arith.constant 0 : i32
      %lt3A_958 = arith.cmpi slt, %select_n3A_951, %lt3A_957 : i32
      %ne3A_959 = arith.xori %lt3A_956, %lt3A_958 : i1
      %and3A_960 = arith.andi %ne3A_959, %ne3A_954 : i1
      %add3A_961 = arith.addi %rem3A_952, %select_n3A_951 : i32
      %select_n3A_962 = arith.select %and3A_960, %add3A_961, %rem3A_952 : i32
      %mul3A_963 = arith.constant 16 : i32
      %mul3A_964 = arith.muli %select_n3A_962, %mul3A_963 : i32
      %get3A_965 = arith.index_cast %select_n3A_946 : i32 to index
      %get3A_966 = arith.index_cast %mul3A_964 : i32 to index
      %get3A_967 = tpu.vector_load %arg7[%get3A_965, %get3A_966] {strides = array<i32>} : memref<40x128xf32, #tpu.memory_space<vmem>>, vector<16xf32>,
      %convert_element_type3A_968 = arith.fptosi %get3A_967 : vector<16xf32> to vector<16xi32>
      %gather3A_969 = tpu.vector_load_idx %arg5[%convert_element_type3A_968] : memref<100352xf32, #tpu.memory_space<vmem>>[vector<16xi32>], vector<16xf32>,
      %jit3A_970 = arith.constant 64 : i32
      %div3A_971 = arith.divsi %scan3A_922, %jit3A_970 : i32
      %sign3A_972 = arith.constant 0 : i32
      %sign3A_973 = arith.cmpi sgt, %scan3A_922, %sign3A_972 : i32
      %sign3A_974 = arith.extui %sign3A_973 : i1 to i32
      %sign3A_975 = arith.constant 0 : i32
      %sign3A_976 = arith.cmpi slt, %scan3A_922, %sign3A_975 : i32
      %sign3A_977 = arith.extui %sign3A_976 : i1 to i32
      %sign3A_978 = arith.subi %sign3A_974, %sign3A_977 : i32
      %sign3A_979 = arith.constant 0 : i32
      %sign3A_980 = arith.cmpi sgt, %jit3A_970, %sign3A_979 : i32
      %sign3A_981 = arith.extui %sign3A_980 : i1 to i32
      %sign3A_982 = arith.constant 0 : i32
      %sign3A_983 = arith.cmpi slt, %jit3A_970, %sign3A_982 : i32
      %sign3A_984 = arith.extui %sign3A_983 : i1 to i32
      %sign3A_985 = arith.subi %sign3A_981, %sign3A_984 : i32
      %ne3A_986 = arith.cmpi ne, %sign3A_978, %sign3A_985 : i32
      %rem3A_987 = arith.remsi %scan3A_922, %jit3A_970 : i32
      %ne3A_988 = arith.constant 0 : i32
      %ne3A_989 = arith.cmpi ne, %rem3A_987, %ne3A_988 : i32
      %and3A_990 = arith.andi %ne3A_986, %ne3A_989 : i1
      %sub3A_991 = arith.constant 1 : i32
      %sub3A_992 = arith.subi %div3A_971, %sub3A_991 : i32
      %select_n3A_993 = arith.select %and3A_990, %sub3A_992, %div3A_971 : i32
      %jit3A_994 = arith.constant 8 : i32
      %div3A_995 = arith.divsi %scan3A_922, %jit3A_994 : i32
      %sign3A_996 = arith.constant 0 : i32
      %sign3A_997 = arith.cmpi sgt, %scan3A_922, %sign3A_996 : i32
      %sign3A_998 = arith.extui %sign3A_997 : i1 to i32
      %sign3A_999 = arith.constant 0 : i32
      %sign3A_1000 = arith.cmpi slt, %scan3A_922, %sign3A_999 : i32
      %sign3A_1001 = arith.extui %sign3A_1000 : i1 to i32
      %sign3A_1002 = arith.subi %sign3A_998, %sign3A_1001 : i32
      %sign3A_1003 = arith.constant 0 : i32
      %sign3A_1004 = arith.cmpi sgt, %jit3A_994, %sign3A_1003 : i32
      %sign3A_1005 = arith.extui %sign3A_1004 : i1 to i32
      %sign3A_1006 = arith.constant 0 : i32
      %sign3A_1007 = arith.cmpi slt, %jit3A_994, %sign3A_1006 : i32
      %sign3A_1008 = arith.extui %sign3A_1007 : i1 to i32
      %sign3A_1009 = arith.subi %sign3A_1005, %sign3A_1008 : i32
      %ne3A_1010 = arith.cmpi ne, %sign3A_1002, %sign3A_1009 : i32
      %rem3A_1011 = arith.remsi %scan3A_922, %jit3A_994 : i32
      %ne3A_1012 = arith.constant 0 : i32
      %ne3A_1013 = arith.cmpi ne, %rem3A_1011, %ne3A_1012 : i32
      %and3A_1014 = arith.andi %ne3A_1010, %ne3A_1013 : i1
      %sub3A_1015 = arith.constant 1 : i32
      %sub3A_1016 = arith.subi %div3A_995, %sub3A_1015 : i32
      %select_n3A_1017 = arith.select %and3A_1014, %sub3A_1016, %div3A_995 : i32
      %jit3A_1018 = arith.constant 8 : i32
      %eq3A_1019 = arith.constant 0 : i32
      %eq3A_1020 = arith.cmpi eq, %jit3A_1018, %eq3A_1019 : i32
      %jit3A_1021 = arith.constant 1 : i32
      %select_n3A_1022 = arith.select %eq3A_1020, %jit3A_1021, %jit3A_1018 : i32
      %rem3A_1023 = arith.remsi %select_n3A_1017, %select_n3A_1022 : i32
      %ne3A_1024 = arith.constant 0 : i32
      %ne3A_1025 = arith.cmpi ne, %rem3A_1023, %ne3A_1024 : i32
      %lt3A_1026 = arith.constant 0 : i32
      %lt3A_1027 = arith.cmpi slt, %rem3A_1023, %lt3A_1026 : i32
      %lt3A_1028 = arith.constant 0 : i32
      %lt3A_1029 = arith.cmpi slt, %select_n3A_1022, %lt3A_1028 : i32
      %ne3A_1030 = arith.xori %lt3A_1027, %lt3A_1029 : i1
      %and3A_1031 = arith.andi %ne3A_1030, %ne3A_1025 : i1
      %add3A_1032 = arith.addi %rem3A_1023, %select_n3A_1022 : i32
      %select_n3A_1033 = arith.select %and3A_1031, %add3A_1032, %rem3A_1023 : i32
      %swap3A_1034 = arith.index_cast %select_n3A_993 : i32 to index
      %swap3A_1035 = arith.index_cast %select_n3A_1033 : i32 to index
      %swap3A_1036 = arith.index_cast %mul3A_964 : i32 to index
      %swap3A_1037 = tpu.vector_load %arg9[%swap3A_1034, %swap3A_1035, %swap3A_1036] {strides = array<i32>} : memref<5x8x128xf32, #tpu.memory_space<vmem>>, vector<16xf32>,
      tpu.vector_store %arg9[%swap3A_1034, %swap3A_1035, %swap3A_1036], %gather3A_969 {strides = array<i32>} : memref<5x8x128xf32, #tpu.memory_space<vmem>>, vector<16xf32>,
      %scan3A_1038 = arith.constant 0 : i32
      %scan3A_1039 = arith.constant 7 : i32
      %scan3A_1040 = arith.addi %scan3A_225, %scan3A_1039 : i32
      %jit3A_1041 = arith.constant 8 : i32
      %div3A_1042 = arith.divsi %scan3A_1040, %jit3A_1041 : i32
      %sign3A_1043 = arith.constant 0 : i32
      %sign3A_1044 = arith.cmpi sgt, %scan3A_1040, %sign3A_1043 : i32
      %sign3A_1045 = arith.extui %sign3A_1044 : i1 to i32
      %sign3A_1046 = arith.constant 0 : i32
      %sign3A_1047 = arith.cmpi slt, %scan3A_1040, %sign3A_1046 : i32
      %sign3A_1048 = arith.extui %sign3A_1047 : i1 to i32
      %sign3A_1049 = arith.subi %sign3A_1045, %sign3A_1048 : i32
      %sign3A_1050 = arith.constant 0 : i32
      %sign3A_1051 = arith.cmpi sgt, %jit3A_1041, %sign3A_1050 : i32
      %sign3A_1052 = arith.extui %sign3A_1051 : i1 to i32
      %sign3A_1053 = arith.constant 0 : i32
      %sign3A_1054 = arith.cmpi slt, %jit3A_1041, %sign3A_1053 : i32
      %sign3A_1055 = arith.extui %sign3A_1054 : i1 to i32
      %sign3A_1056 = arith.subi %sign3A_1052, %sign3A_1055 : i32
      %ne3A_1057 = arith.cmpi ne, %sign3A_1049, %sign3A_1056 : i32
      %rem3A_1058 = arith.remsi %scan3A_1040, %jit3A_1041 : i32
      %ne3A_1059 = arith.constant 0 : i32
      %ne3A_1060 = arith.cmpi ne, %rem3A_1058, %ne3A_1059 : i32
      %and3A_1061 = arith.andi %ne3A_1057, %ne3A_1060 : i1
      %sub3A_1062 = arith.constant 1 : i32
      %sub3A_1063 = arith.subi %div3A_1042, %sub3A_1062 : i32
      %select_n3A_1064 = arith.select %and3A_1061, %sub3A_1063, %div3A_1042 : i32
      %jit3A_1065 = arith.constant 8 : i32
      %eq3A_1066 = arith.constant 0 : i32
      %eq3A_1067 = arith.cmpi eq, %jit3A_1065, %eq3A_1066 : i32
      %jit3A_1068 = arith.constant 1 : i32
      %select_n3A_1069 = arith.select %eq3A_1067, %jit3A_1068, %jit3A_1065 : i32
      %rem3A_1070 = arith.remsi %scan3A_1040, %select_n3A_1069 : i32
      %ne3A_1071 = arith.constant 0 : i32
      %ne3A_1072 = arith.cmpi ne, %rem3A_1070, %ne3A_1071 : i32
      %lt3A_1073 = arith.constant 0 : i32
      %lt3A_1074 = arith.cmpi slt, %rem3A_1070, %lt3A_1073 : i32
      %lt3A_1075 = arith.constant 0 : i32
      %lt3A_1076 = arith.cmpi slt, %select_n3A_1069, %lt3A_1075 : i32
      %ne3A_1077 = arith.xori %lt3A_1074, %lt3A_1076 : i1
      %and3A_1078 = arith.andi %ne3A_1077, %ne3A_1072 : i1
      %add3A_1079 = arith.addi %rem3A_1070, %select_n3A_1069 : i32
      %select_n3A_1080 = arith.select %and3A_1078, %add3A_1079, %rem3A_1070 : i32
      %mul3A_1081 = arith.constant 16 : i32
      %mul3A_1082 = arith.muli %select_n3A_1080, %mul3A_1081 : i32
      %get3A_1083 = arith.index_cast %select_n3A_1064 : i32 to index
      %get3A_1084 = arith.index_cast %mul3A_1082 : i32 to index
      %get3A_1085 = tpu.vector_load %arg7[%get3A_1083, %get3A_1084] {strides = array<i32>} : memref<40x128xf32, #tpu.memory_space<vmem>>, vector<16xf32>,
      %convert_element_type3A_1086 = arith.fptosi %get3A_1085 : vector<16xf32> to vector<16xi32>
      %gather3A_1087 = tpu.vector_load_idx %arg5[%convert_element_type3A_1086] : memref<100352xf32, #tpu.memory_space<vmem>>[vector<16xi32>], vector<16xf32>,
      %jit3A_1088 = arith.constant 64 : i32
      %div3A_1089 = arith.divsi %scan3A_1040, %jit3A_1088 : i32
      %sign3A_1090 = arith.constant 0 : i32
      %sign3A_1091 = arith.cmpi sgt, %scan3A_1040, %sign3A_1090 : i32
      %sign3A_1092 = arith.extui %sign3A_1091 : i1 to i32
      %sign3A_1093 = arith.constant 0 : i32
      %sign3A_1094 = arith.cmpi slt, %scan3A_1040, %sign3A_1093 : i32
      %sign3A_1095 = arith.extui %sign3A_1094 : i1 to i32
      %sign3A_1096 = arith.subi %sign3A_1092, %sign3A_1095 : i32
      %sign3A_1097 = arith.constant 0 : i32
      %sign3A_1098 = arith.cmpi sgt, %jit3A_1088, %sign3A_1097 : i32
      %sign3A_1099 = arith.extui %sign3A_1098 : i1 to i32
      %sign3A_1100 = arith.constant 0 : i32
      %sign3A_1101 = arith.cmpi slt, %jit3A_1088, %sign3A_1100 : i32
      %sign3A_1102 = arith.extui %sign3A_1101 : i1 to i32
      %sign3A_1103 = arith.subi %sign3A_1099, %sign3A_1102 : i32
      %ne3A_1104 = arith.cmpi ne, %sign3A_1096, %sign3A_1103 : i32
      %rem3A_1105 = arith.remsi %scan3A_1040, %jit3A_1088 : i32
      %ne3A_1106 = arith.constant 0 : i32
      %ne3A_1107 = arith.cmpi ne, %rem3A_1105, %ne3A_1106 : i32
      %and3A_1108 = arith.andi %ne3A_1104, %ne3A_1107 : i1
      %sub3A_1109 = arith.constant 1 : i32
      %sub3A_1110 = arith.subi %div3A_1089, %sub3A_1109 : i32
      %select_n3A_1111 = arith.select %and3A_1108, %sub3A_1110, %div3A_1089 : i32
      %jit3A_1112 = arith.constant 8 : i32
      %div3A_1113 = arith.divsi %scan3A_1040, %jit3A_1112 : i32
      %sign3A_1114 = arith.constant 0 : i32
      %sign3A_1115 = arith.cmpi sgt, %scan3A_1040, %sign3A_1114 : i32
      %sign3A_1116 = arith.extui %sign3A_1115 : i1 to i32
      %sign3A_1117 = arith.constant 0 : i32
      %sign3A_1118 = arith.cmpi slt, %scan3A_1040, %sign3A_1117 : i32
      %sign3A_1119 = arith.extui %sign3A_1118 : i1 to i32
      %sign3A_1120 = arith.subi %sign3A_1116, %sign3A_1119 : i32
      %sign3A_1121 = arith.constant 0 : i32
      %sign3A_1122 = arith.cmpi sgt, %jit3A_1112, %sign3A_1121 : i32
      %sign3A_1123 = arith.extui %sign3A_1122 : i1 to i32
      %sign3A_1124 = arith.constant 0 : i32
      %sign3A_1125 = arith.cmpi slt, %jit3A_1112, %sign3A_1124 : i32
      %sign3A_1126 = arith.extui %sign3A_1125 : i1 to i32
      %sign3A_1127 = arith.subi %sign3A_1123, %sign3A_1126 : i32
      %ne3A_1128 = arith.cmpi ne, %sign3A_1120, %sign3A_1127 : i32
      %rem3A_1129 = arith.remsi %scan3A_1040, %jit3A_1112 : i32
      %ne3A_1130 = arith.constant 0 : i32
      %ne3A_1131 = arith.cmpi ne, %rem3A_1129, %ne3A_1130 : i32
      %and3A_1132 = arith.andi %ne3A_1128, %ne3A_1131 : i1
      %sub3A_1133 = arith.constant 1 : i32
      %sub3A_1134 = arith.subi %div3A_1113, %sub3A_1133 : i32
      %select_n3A_1135 = arith.select %and3A_1132, %sub3A_1134, %div3A_1113 : i32
      %jit3A_1136 = arith.constant 8 : i32
      %eq3A_1137 = arith.constant 0 : i32
      %eq3A_1138 = arith.cmpi eq, %jit3A_1136, %eq3A_1137 : i32
      %jit3A_1139 = arith.constant 1 : i32
      %select_n3A_1140 = arith.select %eq3A_1138, %jit3A_1139, %jit3A_1136 : i32
      %rem3A_1141 = arith.remsi %select_n3A_1135, %select_n3A_1140 : i32
      %ne3A_1142 = arith.constant 0 : i32
      %ne3A_1143 = arith.cmpi ne, %rem3A_1141, %ne3A_1142 : i32
      %lt3A_1144 = arith.constant 0 : i32
      %lt3A_1145 = arith.cmpi slt, %rem3A_1141, %lt3A_1144 : i32
      %lt3A_1146 = arith.constant 0 : i32
      %lt3A_1147 = arith.cmpi slt, %select_n3A_1140, %lt3A_1146 : i32
      %ne3A_1148 = arith.xori %lt3A_1145, %lt3A_1147 : i1
      %and3A_1149 = arith.andi %ne3A_1148, %ne3A_1143 : i1
      %add3A_1150 = arith.addi %rem3A_1141, %select_n3A_1140 : i32
      %select_n3A_1151 = arith.select %and3A_1149, %add3A_1150, %rem3A_1141 : i32
      %swap3A_1152 = arith.index_cast %select_n3A_1111 : i32 to index
      %swap3A_1153 = arith.index_cast %select_n3A_1151 : i32 to index
      %swap3A_1154 = arith.index_cast %mul3A_1082 : i32 to index
      %swap3A_1155 = tpu.vector_load %arg9[%swap3A_1152, %swap3A_1153, %swap3A_1154] {strides = array<i32>} : memref<5x8x128xf32, #tpu.memory_space<vmem>>, vector<16xf32>,
      tpu.vector_store %arg9[%swap3A_1152, %swap3A_1153, %swap3A_1154], %gather3A_1087 {strides = array<i32>} : memref<5x8x128xf32, #tpu.memory_space<vmem>>, vector<16xf32>,
      %scan3A_1156 = arith.constant 0 : i32
      scf.yield %scan3A_1156 : i32
    }
    %scan3A_113 = arith.constant 320 : i32
    %dma_start3A_114 = arith.constant 10 : i32
    %dma_start3A_115 = arith.constant 0 : i32
    %dma_start3A_116 = arith.constant 0 : i32
    %dma_start3A_117 = tpu.memref_slice %arg4[%dma_start3A_114, %add3A, %dma_start3A_115, %dma_start3A_116] : memref<25x32x8x128xf32, #tpu.memory_space<hbm>> -> memref<5x1x8x128xf32, #tpu.memory_space<hbm>>
    %dma_start3A_118 = tpu.memref_squeeze %dma_start3A_117 : memref<5x1x8x128xf32, #tpu.memory_space<hbm>> -> memref<5x8x128xf32, #tpu.memory_space<hbm>>
    %dma_start3A_119 = arith.constant 10 : i32
    %dma_start3A_120 = arith.constant 0 : i32
    %dma_start3A_121 = arith.constant 0 : i32
    %dma_start3A_122 = tpu.memref_slice %arg4[%dma_start3A_119, %add3A, %dma_start3A_120, %dma_start3A_121] : memref<25x32x8x128xf32, #tpu.memory_space<hbm>> -> memref<5x1x8x128xf32, #tpu.memory_space<hbm>>
    %dma_start3A_123 = tpu.memref_squeeze %dma_start3A_122 : memref<5x1x8x128xf32, #tpu.memory_space<hbm>> -> memref<5x8x128xf32, #tpu.memory_space<hbm>>
    tpu.enqueue_dma source(%arg9 : memref<5x8x128xf32, #tpu.memory_space<vmem>>) target(%dma_start3A_123 : memref<5x8x128xf32, #tpu.memory_space<hbm>>) target_semaphore(%arg14 : memref<!tpu.dma_semaphore, #tpu.memory_space<semaphore_mem>>)
    %dma_start3A_124 = arith.constant 0 : i32
    %dma_start3A_125 = arith.constant 160 : i32
    %dma_start3A_126 = arith.constant 0 : i32
    %dma_start3A_127 = tpu.memref_slice %arg2[%dma_start3A_125, %add3A, %dma_start3A_124, %dma_start3A_126] : memref<200x32x8x128xf32, #tpu.memory_space<hbm>> -> memref<40x1x1x128xf32, #tpu.memory_space<hbm>>
    %dma_start3A_128 = tpu.memref_squeeze %dma_start3A_127 : memref<40x1x1x128xf32, #tpu.memory_space<hbm>> -> memref<40x128xf32, #tpu.memory_space<hbm>>
    %dma_start3A_129 = arith.constant 160 : i32
    %dma_start3A_130 = arith.constant 0 : i32
    %dma_start3A_131 = tpu.memref_slice %arg2[%dma_start3A_129, %add3A, %dma_start3A_124, %dma_start3A_130] : memref<200x32x8x128xf32, #tpu.memory_space<hbm>> -> memref<40x1x1x128xf32, #tpu.memory_space<hbm>>
    %dma_start3A_132 = tpu.memref_squeeze %dma_start3A_131 : memref<40x1x1x128xf32, #tpu.memory_space<hbm>> -> memref<40x128xf32, #tpu.memory_space<hbm>>
    tpu.enqueue_dma source(%dma_start3A_132 : memref<40x128xf32, #tpu.memory_space<hbm>>) target(%arg7 : memref<40x128xf32, #tpu.memory_space<vmem>>) target_semaphore(%arg12 : memref<!tpu.dma_semaphore, #tpu.memory_space<semaphore_mem>>)
    %dma_wait3A_133 = arith.constant 0 : i32
    %dma_wait3A_134 = arith.constant 120 : i32
    %dma_wait3A_135 = arith.constant 0 : i32
    %dma_wait3A_136 = tpu.memref_slice %arg2[%dma_wait3A_134, %add3A, %dma_wait3A_133, %dma_wait3A_135] : memref<200x32x8x128xf32, #tpu.memory_space<hbm>> -> memref<40x1x1x128xf32, #tpu.memory_space<hbm>>
    %dma_wait3A_137 = tpu.memref_squeeze %dma_wait3A_136 : memref<40x1x1x128xf32, #tpu.memory_space<hbm>> -> memref<40x128xf32, #tpu.memory_space<hbm>>
    %dma_wait3A_138 = arith.constant 120 : i32
    %dma_wait3A_139 = arith.constant 0 : i32
    %dma_wait3A_140 = tpu.memref_slice %arg2[%dma_wait3A_138, %add3A, %dma_wait3A_133, %dma_wait3A_139] : memref<200x32x8x128xf32, #tpu.memory_space<hbm>> -> memref<40x1x1x128xf32, #tpu.memory_space<hbm>>
    %dma_wait3A_141 = tpu.memref_squeeze %dma_wait3A_140 : memref<40x1x1x128xf32, #tpu.memory_space<hbm>> -> memref<40x128xf32, #tpu.memory_space<hbm>>
    tpu.wait_dma2 semaphore(%arg13 : memref<!tpu.dma_semaphore, #tpu.memory_space<semaphore_mem>>) src(%dma_wait3A_141 : memref<40x128xf32, #tpu.memory_space<hbm>>) dst(%arg8 : memref<40x128xf32, #tpu.memory_space<vmem>>)
    %dma_wait3A_142 = arith.constant 5 : i32
    %dma_wait3A_143 = arith.constant 0 : i32
    %dma_wait3A_144 = arith.constant 0 : i32
    %dma_wait3A_145 = tpu.memref_slice %arg4[%dma_wait3A_142, %add3A, %dma_wait3A_143, %dma_wait3A_144] : memref<25x32x8x128xf32, #tpu.memory_space<hbm>> -> memref<5x1x8x128xf32, #tpu.memory_space<hbm>>
    %dma_wait3A_146 = tpu.memref_squeeze %dma_wait3A_145 : memref<5x1x8x128xf32, #tpu.memory_space<hbm>> -> memref<5x8x128xf32, #tpu.memory_space<hbm>>
    %dma_wait3A_147 = arith.constant 5 : i32
    %dma_wait3A_148 = arith.constant 0 : i32
    %dma_wait3A_149 = arith.constant 0 : i32
    %dma_wait3A_150 = tpu.memref_slice %arg4[%dma_wait3A_147, %add3A, %dma_wait3A_148, %dma_wait3A_149] : memref<25x32x8x128xf32, #tpu.memory_space<hbm>> -> memref<5x1x8x128xf32, #tpu.memory_space<hbm>>
    %dma_wait3A_151 = tpu.memref_squeeze %dma_wait3A_150 : memref<5x1x8x128xf32, #tpu.memory_space<hbm>> -> memref<5x8x128xf32, #tpu.memory_space<hbm>>
    tpu.wait_dma2 semaphore(%arg15 : memref<!tpu.dma_semaphore, #tpu.memory_space<semaphore_mem>>) src(%arg10 : memref<5x8x128xf32, #tpu.memory_space<vmem>>) dst(%dma_wait3A_151 : memref<5x8x128xf32, #tpu.memory_space<hbm>>)
    %scan3A_152 = arith.constant 0 : i32
    %scan3A_153 = arith.constant 0 : i32
    %scan3A_154 = arith.constant 320 : i32
    %scan3A_155 = arith.addi %scan3A_153, %scan3A_154 : i32
    %scan3A_156 = arith.constant 8 : i32
    %scan3A_157 = scf.for %scan3A_225 = %scan3A_153 to %scan3A_155 step %scan3A_156 iter_args(%scan3A_226 = %scan3A_152) -> (i32)  : i32 {
      %jit3A = arith.constant 8 : i32
      %div3A = arith.divsi %scan3A_225, %jit3A : i32
      %sign3A = arith.constant 0 : i32
      %sign3A_227 = arith.cmpi sgt, %scan3A_225, %sign3A : i32
      %sign3A_228 = arith.extui %sign3A_227 : i1 to i32
      %sign3A_229 = arith.constant 0 : i32
      %sign3A_230 = arith.cmpi slt, %scan3A_225, %sign3A_229 : i32
      %sign3A_231 = arith.extui %sign3A_230 : i1 to i32
      %sign3A_232 = arith.subi %sign3A_228, %sign3A_231 : i32
      %sign3A_233 = arith.constant 0 : i32
      %sign3A_234 = arith.cmpi sgt, %jit3A, %sign3A_233 : i32
      %sign3A_235 = arith.extui %sign3A_234 : i1 to i32
      %sign3A_236 = arith.constant 0 : i32
      %sign3A_237 = arith.cmpi slt, %jit3A, %sign3A_236 : i32
      %sign3A_238 = arith.extui %sign3A_237 : i1 to i32
      %sign3A_239 = arith.subi %sign3A_235, %sign3A_238 : i32
      %ne3A = arith.cmpi ne, %sign3A_232, %sign3A_239 : i32
      %rem3A = arith.remsi %scan3A_225, %jit3A : i32
      %ne3A_240 = arith.constant 0 : i32
      %ne3A_241 = arith.cmpi ne, %rem3A, %ne3A_240 : i32
      %and3A = arith.andi %ne3A, %ne3A_241 : i1
      %sub3A = arith.constant 1 : i32
      %sub3A_242 = arith.subi %div3A, %sub3A : i32
      %select_n3A = arith.select %and3A, %sub3A_242, %div3A : i32
      %jit3A_243 = arith.constant 8 : i32
      %eq3A_244 = arith.constant 0 : i32
      %eq3A_245 = arith.cmpi eq, %jit3A_243, %eq3A_244 : i32
      %jit3A_246 = arith.constant 1 : i32
      %select_n3A_247 = arith.select %eq3A_245, %jit3A_246, %jit3A_243 : i32
      %rem3A_248 = arith.remsi %scan3A_225, %select_n3A_247 : i32
      %ne3A_249 = arith.constant 0 : i32
      %ne3A_250 = arith.cmpi ne, %rem3A_248, %ne3A_249 : i32
      %lt3A = arith.constant 0 : i32
      %lt3A_251 = arith.cmpi slt, %rem3A_248, %lt3A : i32
      %lt3A_252 = arith.constant 0 : i32
      %lt3A_253 = arith.cmpi slt, %select_n3A_247, %lt3A_252 : i32
      %ne3A_254 = arith.xori %lt3A_251, %lt3A_253 : i1
      %and3A_255 = arith.andi %ne3A_254, %ne3A_250 : i1
      %add3A_256 = arith.addi %rem3A_248, %select_n3A_247 : i32
      %select_n3A_257 = arith.select %and3A_255, %add3A_256, %rem3A_248 : i32
      %mul3A_258 = arith.constant 16 : i32
      %mul3A_259 = arith.muli %select_n3A_257, %mul3A_258 : i32
      %get3A = arith.index_cast %select_n3A : i32 to index
      %get3A_260 = arith.index_cast %mul3A_259 : i32 to index
      %get3A_261 = tpu.vector_load %arg8[%get3A, %get3A_260] {strides = array<i32>} : memref<40x128xf32, #tpu.memory_space<vmem>>, vector<16xf32>,
      %convert_element_type3A_262 = arith.fptosi %get3A_261 : vector<16xf32> to vector<16xi32>
      %gather3A = tpu.vector_load_idx %arg5[%convert_element_type3A_262] : memref<100352xf32, #tpu.memory_space<vmem>>[vector<16xi32>], vector<16xf32>,
      %jit3A_263 = arith.constant 64 : i32
      %div3A_264 = arith.divsi %scan3A_225, %jit3A_263 : i32
      %sign3A_265 = arith.constant 0 : i32
      %sign3A_266 = arith.cmpi sgt, %scan3A_225, %sign3A_265 : i32
      %sign3A_267 = arith.extui %sign3A_266 : i1 to i32
      %sign3A_268 = arith.constant 0 : i32
      %sign3A_269 = arith.cmpi slt, %scan3A_225, %sign3A_268 : i32
      %sign3A_270 = arith.extui %sign3A_269 : i1 to i32
      %sign3A_271 = arith.subi %sign3A_267, %sign3A_270 : i32
      %sign3A_272 = arith.constant 0 : i32
      %sign3A_273 = arith.cmpi sgt, %jit3A_263, %sign3A_272 : i32
      %sign3A_274 = arith.extui %sign3A_273 : i1 to i32
      %sign3A_275 = arith.constant 0 : i32
      %sign3A_276 = arith.cmpi slt, %jit3A_263, %sign3A_275 : i32
      %sign3A_277 = arith.extui %sign3A_276 : i1 to i32
      %sign3A_278 = arith.subi %sign3A_274, %sign3A_277 : i32
      %ne3A_279 = arith.cmpi ne, %sign3A_271, %sign3A_278 : i32
      %rem3A_280 = arith.remsi %scan3A_225, %jit3A_263 : i32
      %ne3A_281 = arith.constant 0 : i32
      %ne3A_282 = arith.cmpi ne, %rem3A_280, %ne3A_281 : i32
      %and3A_283 = arith.andi %ne3A_279, %ne3A_282 : i1
      %sub3A_284 = arith.constant 1 : i32
      %sub3A_285 = arith.subi %div3A_264, %sub3A_284 : i32
      %select_n3A_286 = arith.select %and3A_283, %sub3A_285, %div3A_264 : i32
      %jit3A_287 = arith.constant 8 : i32
      %div3A_288 = arith.divsi %scan3A_225, %jit3A_287 : i32
      %sign3A_289 = arith.constant 0 : i32
      %sign3A_290 = arith.cmpi sgt, %scan3A_225, %sign3A_289 : i32
      %sign3A_291 = arith.extui %sign3A_290 : i1 to i32
      %sign3A_292 = arith.constant 0 : i32
      %sign3A_293 = arith.cmpi slt, %scan3A_225, %sign3A_292 : i32
      %sign3A_294 = arith.extui %sign3A_293 : i1 to i32
      %sign3A_295 = arith.subi %sign3A_291, %sign3A_294 : i32
      %sign3A_296 = arith.constant 0 : i32
      %sign3A_297 = arith.cmpi sgt, %jit3A_287, %sign3A_296 : i32
      %sign3A_298 = arith.extui %sign3A_297 : i1 to i32
      %sign3A_299 = arith.constant 0 : i32
      %sign3A_300 = arith.cmpi slt, %jit3A_287, %sign3A_299 : i32
      %sign3A_301 = arith.extui %sign3A_300 : i1 to i32
      %sign3A_302 = arith.subi %sign3A_298, %sign3A_301 : i32
      %ne3A_303 = arith.cmpi ne, %sign3A_295, %sign3A_302 : i32
      %rem3A_304 = arith.remsi %scan3A_225, %jit3A_287 : i32
      %ne3A_305 = arith.constant 0 : i32
      %ne3A_306 = arith.cmpi ne, %rem3A_304, %ne3A_305 : i32
      %and3A_307 = arith.andi %ne3A_303, %ne3A_306 : i1
      %sub3A_308 = arith.constant 1 : i32
      %sub3A_309 = arith.subi %div3A_288, %sub3A_308 : i32
      %select_n3A_310 = arith.select %and3A_307, %sub3A_309, %div3A_288 : i32
      %jit3A_311 = arith.constant 8 : i32
      %eq3A_312 = arith.constant 0 : i32
      %eq3A_313 = arith.cmpi eq, %jit3A_311, %eq3A_312 : i32
      %jit3A_314 = arith.constant 1 : i32
      %select_n3A_315 = arith.select %eq3A_313, %jit3A_314, %jit3A_311 : i32
      %rem3A_316 = arith.remsi %select_n3A_310, %select_n3A_315 : i32
      %ne3A_317 = arith.constant 0 : i32
      %ne3A_318 = arith.cmpi ne, %rem3A_316, %ne3A_317 : i32
      %lt3A_319 = arith.constant 0 : i32
      %lt3A_320 = arith.cmpi slt, %rem3A_316, %lt3A_319 : i32
      %lt3A_321 = arith.constant 0 : i32
      %lt3A_322 = arith.cmpi slt, %select_n3A_315, %lt3A_321 : i32
      %ne3A_323 = arith.xori %lt3A_320, %lt3A_322 : i1
      %and3A_324 = arith.andi %ne3A_323, %ne3A_318 : i1
      %add3A_325 = arith.addi %rem3A_316, %select_n3A_315 : i32
      %select_n3A_326 = arith.select %and3A_324, %add3A_325, %rem3A_316 : i32
      %swap3A = arith.index_cast %select_n3A_286 : i32 to index
      %swap3A_327 = arith.index_cast %select_n3A_326 : i32 to index
      %swap3A_328 = arith.index_cast %mul3A_259 : i32 to index
      %swap3A_329 = tpu.vector_load %arg10[%swap3A, %swap3A_327, %swap3A_328] {strides = array<i32>} : memref<5x8x128xf32, #tpu.memory_space<vmem>>, vector<16xf32>,
      tpu.vector_store %arg10[%swap3A, %swap3A_327, %swap3A_328], %gather3A {strides = array<i32>} : memref<5x8x128xf32, #tpu.memory_space<vmem>>, vector<16xf32>,
      %scan3A_330 = arith.constant 0 : i32
      %scan3A_331 = arith.constant 1 : i32
      %scan3A_332 = arith.addi %scan3A_225, %scan3A_331 : i32
      %jit3A_333 = arith.constant 8 : i32
      %div3A_334 = arith.divsi %scan3A_332, %jit3A_333 : i32
      %sign3A_335 = arith.constant 0 : i32
      %sign3A_336 = arith.cmpi sgt, %scan3A_332, %sign3A_335 : i32
      %sign3A_337 = arith.extui %sign3A_336 : i1 to i32
      %sign3A_338 = arith.constant 0 : i32
      %sign3A_339 = arith.cmpi slt, %scan3A_332, %sign3A_338 : i32
      %sign3A_340 = arith.extui %sign3A_339 : i1 to i32
      %sign3A_341 = arith.subi %sign3A_337, %sign3A_340 : i32
      %sign3A_342 = arith.constant 0 : i32
      %sign3A_343 = arith.cmpi sgt, %jit3A_333, %sign3A_342 : i32
      %sign3A_344 = arith.extui %sign3A_343 : i1 to i32
      %sign3A_345 = arith.constant 0 : i32
      %sign3A_346 = arith.cmpi slt, %jit3A_333, %sign3A_345 : i32
      %sign3A_347 = arith.extui %sign3A_346 : i1 to i32
      %sign3A_348 = arith.subi %sign3A_344, %sign3A_347 : i32
      %ne3A_349 = arith.cmpi ne, %sign3A_341, %sign3A_348 : i32
      %rem3A_350 = arith.remsi %scan3A_332, %jit3A_333 : i32
      %ne3A_351 = arith.constant 0 : i32
      %ne3A_352 = arith.cmpi ne, %rem3A_350, %ne3A_351 : i32
      %and3A_353 = arith.andi %ne3A_349, %ne3A_352 : i1
      %sub3A_354 = arith.constant 1 : i32
      %sub3A_355 = arith.subi %div3A_334, %sub3A_354 : i32
      %select_n3A_356 = arith.select %and3A_353, %sub3A_355, %div3A_334 : i32
      %jit3A_357 = arith.constant 8 : i32
      %eq3A_358 = arith.constant 0 : i32
      %eq3A_359 = arith.cmpi eq, %jit3A_357, %eq3A_358 : i32
      %jit3A_360 = arith.constant 1 : i32
      %select_n3A_361 = arith.select %eq3A_359, %jit3A_360, %jit3A_357 : i32
      %rem3A_362 = arith.remsi %scan3A_332, %select_n3A_361 : i32
      %ne3A_363 = arith.constant 0 : i32
      %ne3A_364 = arith.cmpi ne, %rem3A_362, %ne3A_363 : i32
      %lt3A_365 = arith.constant 0 : i32
      %lt3A_366 = arith.cmpi slt, %rem3A_362, %lt3A_365 : i32
      %lt3A_367 = arith.constant 0 : i32
      %lt3A_368 = arith.cmpi slt, %select_n3A_361, %lt3A_367 : i32
      %ne3A_369 = arith.xori %lt3A_366, %lt3A_368 : i1
      %and3A_370 = arith.andi %ne3A_369, %ne3A_364 : i1
      %add3A_371 = arith.addi %rem3A_362, %select_n3A_361 : i32
      %select_n3A_372 = arith.select %and3A_370, %add3A_371, %rem3A_362 : i32
      %mul3A_373 = arith.constant 16 : i32
      %mul3A_374 = arith.muli %select_n3A_372, %mul3A_373 : i32
      %get3A_375 = arith.index_cast %select_n3A_356 : i32 to index
      %get3A_376 = arith.index_cast %mul3A_374 : i32 to index
      %get3A_377 = tpu.vector_load %arg8[%get3A_375, %get3A_376] {strides = array<i32>} : memref<40x128xf32, #tpu.memory_space<vmem>>, vector<16xf32>,
      %convert_element_type3A_378 = arith.fptosi %get3A_377 : vector<16xf32> to vector<16xi32>
      %gather3A_379 = tpu.vector_load_idx %arg5[%convert_element_type3A_378] : memref<100352xf32, #tpu.memory_space<vmem>>[vector<16xi32>], vector<16xf32>,
      %jit3A_380 = arith.constant 64 : i32
      %div3A_381 = arith.divsi %scan3A_332, %jit3A_380 : i32
      %sign3A_382 = arith.constant 0 : i32
      %sign3A_383 = arith.cmpi sgt, %scan3A_332, %sign3A_382 : i32
      %sign3A_384 = arith.extui %sign3A_383 : i1 to i32
      %sign3A_385 = arith.constant 0 : i32
      %sign3A_386 = arith.cmpi slt, %scan3A_332, %sign3A_385 : i32
      %sign3A_387 = arith.extui %sign3A_386 : i1 to i32
      %sign3A_388 = arith.subi %sign3A_384, %sign3A_387 : i32
      %sign3A_389 = arith.constant 0 : i32
      %sign3A_390 = arith.cmpi sgt, %jit3A_380, %sign3A_389 : i32
      %sign3A_391 = arith.extui %sign3A_390 : i1 to i32
      %sign3A_392 = arith.constant 0 : i32
      %sign3A_393 = arith.cmpi slt, %jit3A_380, %sign3A_392 : i32
      %sign3A_394 = arith.extui %sign3A_393 : i1 to i32
      %sign3A_395 = arith.subi %sign3A_391, %sign3A_394 : i32
      %ne3A_396 = arith.cmpi ne, %sign3A_388, %sign3A_395 : i32
      %rem3A_397 = arith.remsi %scan3A_332, %jit3A_380 : i32
      %ne3A_398 = arith.constant 0 : i32
      %ne3A_399 = arith.cmpi ne, %rem3A_397, %ne3A_398 : i32
      %and3A_400 = arith.andi %ne3A_396, %ne3A_399 : i1
      %sub3A_401 = arith.constant 1 : i32
      %sub3A_402 = arith.subi %div3A_381, %sub3A_401 : i32
      %select_n3A_403 = arith.select %and3A_400, %sub3A_402, %div3A_381 : i32
      %jit3A_404 = arith.constant 8 : i32
      %div3A_405 = arith.divsi %scan3A_332, %jit3A_404 : i32
      %sign3A_406 = arith.constant 0 : i32
      %sign3A_407 = arith.cmpi sgt, %scan3A_332, %sign3A_406 : i32
      %sign3A_408 = arith.extui %sign3A_407 : i1 to i32
      %sign3A_409 = arith.constant 0 : i32
      %sign3A_410 = arith.cmpi slt, %scan3A_332, %sign3A_409 : i32
      %sign3A_411 = arith.extui %sign3A_410 : i1 to i32
      %sign3A_412 = arith.subi %sign3A_408, %sign3A_411 : i32
      %sign3A_413 = arith.constant 0 : i32
      %sign3A_414 = arith.cmpi sgt, %jit3A_404, %sign3A_413 : i32
      %sign3A_415 = arith.extui %sign3A_414 : i1 to i32
      %sign3A_416 = arith.constant 0 : i32
      %sign3A_417 = arith.cmpi slt, %jit3A_404, %sign3A_416 : i32
      %sign3A_418 = arith.extui %sign3A_417 : i1 to i32
      %sign3A_419 = arith.subi %sign3A_415, %sign3A_418 : i32
      %ne3A_420 = arith.cmpi ne, %sign3A_412, %sign3A_419 : i32
      %rem3A_421 = arith.remsi %scan3A_332, %jit3A_404 : i32
      %ne3A_422 = arith.constant 0 : i32
      %ne3A_423 = arith.cmpi ne, %rem3A_421, %ne3A_422 : i32
      %and3A_424 = arith.andi %ne3A_420, %ne3A_423 : i1
      %sub3A_425 = arith.constant 1 : i32
      %sub3A_426 = arith.subi %div3A_405, %sub3A_425 : i32
      %select_n3A_427 = arith.select %and3A_424, %sub3A_426, %div3A_405 : i32
      %jit3A_428 = arith.constant 8 : i32
      %eq3A_429 = arith.constant 0 : i32
      %eq3A_430 = arith.cmpi eq, %jit3A_428, %eq3A_429 : i32
      %jit3A_431 = arith.constant 1 : i32
      %select_n3A_432 = arith.select %eq3A_430, %jit3A_431, %jit3A_428 : i32
      %rem3A_433 = arith.remsi %select_n3A_427, %select_n3A_432 : i32
      %ne3A_434 = arith.constant 0 : i32
      %ne3A_435 = arith.cmpi ne, %rem3A_433, %ne3A_434 : i32
      %lt3A_436 = arith.constant 0 : i32
      %lt3A_437 = arith.cmpi slt, %rem3A_433, %lt3A_436 : i32
      %lt3A_438 = arith.constant 0 : i32
      %lt3A_439 = arith.cmpi slt, %select_n3A_432, %lt3A_438 : i32
      %ne3A_440 = arith.xori %lt3A_437, %lt3A_439 : i1
      %and3A_441 = arith.andi %ne3A_440, %ne3A_435 : i1
      %add3A_442 = arith.addi %rem3A_433, %select_n3A_432 : i32
      %select_n3A_443 = arith.select %and3A_441, %add3A_442, %rem3A_433 : i32
      %swap3A_444 = arith.index_cast %select_n3A_403 : i32 to index
      %swap3A_445 = arith.index_cast %select_n3A_443 : i32 to index
      %swap3A_446 = arith.index_cast %mul3A_374 : i32 to index
      %swap3A_447 = tpu.vector_load %arg10[%swap3A_444, %swap3A_445, %swap3A_446] {strides = array<i32>} : memref<5x8x128xf32, #tpu.memory_space<vmem>>, vector<16xf32>,
      tpu.vector_store %arg10[%swap3A_444, %swap3A_445, %swap3A_446], %gather3A_379 {strides = array<i32>} : memref<5x8x128xf32, #tpu.memory_space<vmem>>, vector<16xf32>,
      %scan3A_448 = arith.constant 0 : i32
      %scan3A_449 = arith.constant 2 : i32
      %scan3A_450 = arith.addi %scan3A_225, %scan3A_449 : i32
      %jit3A_451 = arith.constant 8 : i32
      %div3A_452 = arith.divsi %scan3A_450, %jit3A_451 : i32
      %sign3A_453 = arith.constant 0 : i32
      %sign3A_454 = arith.cmpi sgt, %scan3A_450, %sign3A_453 : i32
      %sign3A_455 = arith.extui %sign3A_454 : i1 to i32
      %sign3A_456 = arith.constant 0 : i32
      %sign3A_457 = arith.cmpi slt, %scan3A_450, %sign3A_456 : i32
      %sign3A_458 = arith.extui %sign3A_457 : i1 to i32
      %sign3A_459 = arith.subi %sign3A_455, %sign3A_458 : i32
      %sign3A_460 = arith.constant 0 : i32
      %sign3A_461 = arith.cmpi sgt, %jit3A_451, %sign3A_460 : i32
      %sign3A_462 = arith.extui %sign3A_461 : i1 to i32
      %sign3A_463 = arith.constant 0 : i32
      %sign3A_464 = arith.cmpi slt, %jit3A_451, %sign3A_463 : i32
      %sign3A_465 = arith.extui %sign3A_464 : i1 to i32
      %sign3A_466 = arith.subi %sign3A_462, %sign3A_465 : i32
      %ne3A_467 = arith.cmpi ne, %sign3A_459, %sign3A_466 : i32
      %rem3A_468 = arith.remsi %scan3A_450, %jit3A_451 : i32
      %ne3A_469 = arith.constant 0 : i32
      %ne3A_470 = arith.cmpi ne, %rem3A_468, %ne3A_469 : i32
      %and3A_471 = arith.andi %ne3A_467, %ne3A_470 : i1
      %sub3A_472 = arith.constant 1 : i32
      %sub3A_473 = arith.subi %div3A_452, %sub3A_472 : i32
      %select_n3A_474 = arith.select %and3A_471, %sub3A_473, %div3A_452 : i32
      %jit3A_475 = arith.constant 8 : i32
      %eq3A_476 = arith.constant 0 : i32
      %eq3A_477 = arith.cmpi eq, %jit3A_475, %eq3A_476 : i32
      %jit3A_478 = arith.constant 1 : i32
      %select_n3A_479 = arith.select %eq3A_477, %jit3A_478, %jit3A_475 : i32
      %rem3A_480 = arith.remsi %scan3A_450, %select_n3A_479 : i32
      %ne3A_481 = arith.constant 0 : i32
      %ne3A_482 = arith.cmpi ne, %rem3A_480, %ne3A_481 : i32
      %lt3A_483 = arith.constant 0 : i32
      %lt3A_484 = arith.cmpi slt, %rem3A_480, %lt3A_483 : i32
      %lt3A_485 = arith.constant 0 : i32
      %lt3A_486 = arith.cmpi slt, %select_n3A_479, %lt3A_485 : i32
      %ne3A_487 = arith.xori %lt3A_484, %lt3A_486 : i1
      %and3A_488 = arith.andi %ne3A_487, %ne3A_482 : i1
      %add3A_489 = arith.addi %rem3A_480, %select_n3A_479 : i32
      %select_n3A_490 = arith.select %and3A_488, %add3A_489, %rem3A_480 : i32
      %mul3A_491 = arith.constant 16 : i32
      %mul3A_492 = arith.muli %select_n3A_490, %mul3A_491 : i32
      %get3A_493 = arith.index_cast %select_n3A_474 : i32 to index
      %get3A_494 = arith.index_cast %mul3A_492 : i32 to index
      %get3A_495 = tpu.vector_load %arg8[%get3A_493, %get3A_494] {strides = array<i32>} : memref<40x128xf32, #tpu.memory_space<vmem>>, vector<16xf32>,
      %convert_element_type3A_496 = arith.fptosi %get3A_495 : vector<16xf32> to vector<16xi32>
      %gather3A_497 = tpu.vector_load_idx %arg5[%convert_element_type3A_496] : memref<100352xf32, #tpu.memory_space<vmem>>[vector<16xi32>], vector<16xf32>,
      %jit3A_498 = arith.constant 64 : i32
      %div3A_499 = arith.divsi %scan3A_450, %jit3A_498 : i32
      %sign3A_500 = arith.constant 0 : i32
      %sign3A_501 = arith.cmpi sgt, %scan3A_450, %sign3A_500 : i32
      %sign3A_502 = arith.extui %sign3A_501 : i1 to i32
      %sign3A_503 = arith.constant 0 : i32
      %sign3A_504 = arith.cmpi slt, %scan3A_450, %sign3A_503 : i32
      %sign3A_505 = arith.extui %sign3A_504 : i1 to i32
      %sign3A_506 = arith.subi %sign3A_502, %sign3A_505 : i32
      %sign3A_507 = arith.constant 0 : i32
      %sign3A_508 = arith.cmpi sgt, %jit3A_498, %sign3A_507 : i32
      %sign3A_509 = arith.extui %sign3A_508 : i1 to i32
      %sign3A_510 = arith.constant 0 : i32
      %sign3A_511 = arith.cmpi slt, %jit3A_498, %sign3A_510 : i32
      %sign3A_512 = arith.extui %sign3A_511 : i1 to i32
      %sign3A_513 = arith.subi %sign3A_509, %sign3A_512 : i32
      %ne3A_514 = arith.cmpi ne, %sign3A_506, %sign3A_513 : i32
      %rem3A_515 = arith.remsi %scan3A_450, %jit3A_498 : i32
      %ne3A_516 = arith.constant 0 : i32
      %ne3A_517 = arith.cmpi ne, %rem3A_515, %ne3A_516 : i32
      %and3A_518 = arith.andi %ne3A_514, %ne3A_517 : i1
      %sub3A_519 = arith.constant 1 : i32
      %sub3A_520 = arith.subi %div3A_499, %sub3A_519 : i32
      %select_n3A_521 = arith.select %and3A_518, %sub3A_520, %div3A_499 : i32
      %jit3A_522 = arith.constant 8 : i32
      %div3A_523 = arith.divsi %scan3A_450, %jit3A_522 : i32
      %sign3A_524 = arith.constant 0 : i32
      %sign3A_525 = arith.cmpi sgt, %scan3A_450, %sign3A_524 : i32
      %sign3A_526 = arith.extui %sign3A_525 : i1 to i32
      %sign3A_527 = arith.constant 0 : i32
      %sign3A_528 = arith.cmpi slt, %scan3A_450, %sign3A_527 : i32
      %sign3A_529 = arith.extui %sign3A_528 : i1 to i32
      %sign3A_530 = arith.subi %sign3A_526, %sign3A_529 : i32
      %sign3A_531 = arith.constant 0 : i32
      %sign3A_532 = arith.cmpi sgt, %jit3A_522, %sign3A_531 : i32
      %sign3A_533 = arith.extui %sign3A_532 : i1 to i32
      %sign3A_534 = arith.constant 0 : i32
      %sign3A_535 = arith.cmpi slt, %jit3A_522, %sign3A_534 : i32
      %sign3A_536 = arith.extui %sign3A_535 : i1 to i32
      %sign3A_537 = arith.subi %sign3A_533, %sign3A_536 : i32
      %ne3A_538 = arith.cmpi ne, %sign3A_530, %sign3A_537 : i32
      %rem3A_539 = arith.remsi %scan3A_450, %jit3A_522 : i32
      %ne3A_540 = arith.constant 0 : i32
      %ne3A_541 = arith.cmpi ne, %rem3A_539, %ne3A_540 : i32
      %and3A_542 = arith.andi %ne3A_538, %ne3A_541 : i1
      %sub3A_543 = arith.constant 1 : i32
      %sub3A_544 = arith.subi %div3A_523, %sub3A_543 : i32
      %select_n3A_545 = arith.select %and3A_542, %sub3A_544, %div3A_523 : i32
      %jit3A_546 = arith.constant 8 : i32
      %eq3A_547 = arith.constant 0 : i32
      %eq3A_548 = arith.cmpi eq, %jit3A_546, %eq3A_547 : i32
      %jit3A_549 = arith.constant 1 : i32
      %select_n3A_550 = arith.select %eq3A_548, %jit3A_549, %jit3A_546 : i32
      %rem3A_551 = arith.remsi %select_n3A_545, %select_n3A_550 : i32
      %ne3A_552 = arith.constant 0 : i32
      %ne3A_553 = arith.cmpi ne, %rem3A_551, %ne3A_552 : i32
      %lt3A_554 = arith.constant 0 : i32
      %lt3A_555 = arith.cmpi slt, %rem3A_551, %lt3A_554 : i32
      %lt3A_556 = arith.constant 0 : i32
      %lt3A_557 = arith.cmpi slt, %select_n3A_550, %lt3A_556 : i32
      %ne3A_558 = arith.xori %lt3A_555, %lt3A_557 : i1
      %and3A_559 = arith.andi %ne3A_558, %ne3A_553 : i1
      %add3A_560 = arith.addi %rem3A_551, %select_n3A_550 : i32
      %select_n3A_561 = arith.select %and3A_559, %add3A_560, %rem3A_551 : i32
      %swap3A_562 = arith.index_cast %select_n3A_521 : i32 to index
      %swap3A_563 = arith.index_cast %select_n3A_561 : i32 to index
      %swap3A_564 = arith.index_cast %mul3A_492 : i32 to index
      %swap3A_565 = tpu.vector_load %arg10[%swap3A_562, %swap3A_563, %swap3A_564] {strides = array<i32>} : memref<5x8x128xf32, #tpu.memory_space<vmem>>, vector<16xf32>,
      tpu.vector_store %arg10[%swap3A_562, %swap3A_563, %swap3A_564], %gather3A_497 {strides = array<i32>} : memref<5x8x128xf32, #tpu.memory_space<vmem>>, vector<16xf32>,
      %scan3A_566 = arith.constant 0 : i32
      %scan3A_567 = arith.constant 3 : i32
      %scan3A_568 = arith.addi %scan3A_225, %scan3A_567 : i32
      %jit3A_569 = arith.constant 8 : i32
      %div3A_570 = arith.divsi %scan3A_568, %jit3A_569 : i32
      %sign3A_571 = arith.constant 0 : i32
      %sign3A_572 = arith.cmpi sgt, %scan3A_568, %sign3A_571 : i32
      %sign3A_573 = arith.extui %sign3A_572 : i1 to i32
      %sign3A_574 = arith.constant 0 : i32
      %sign3A_575 = arith.cmpi slt, %scan3A_568, %sign3A_574 : i32
      %sign3A_576 = arith.extui %sign3A_575 : i1 to i32
      %sign3A_577 = arith.subi %sign3A_573, %sign3A_576 : i32
      %sign3A_578 = arith.constant 0 : i32
      %sign3A_579 = arith.cmpi sgt, %jit3A_569, %sign3A_578 : i32
      %sign3A_580 = arith.extui %sign3A_579 : i1 to i32
      %sign3A_581 = arith.constant 0 : i32
      %sign3A_582 = arith.cmpi slt, %jit3A_569, %sign3A_581 : i32
      %sign3A_583 = arith.extui %sign3A_582 : i1 to i32
      %sign3A_584 = arith.subi %sign3A_580, %sign3A_583 : i32
      %ne3A_585 = arith.cmpi ne, %sign3A_577, %sign3A_584 : i32
      %rem3A_586 = arith.remsi %scan3A_568, %jit3A_569 : i32
      %ne3A_587 = arith.constant 0 : i32
      %ne3A_588 = arith.cmpi ne, %rem3A_586, %ne3A_587 : i32
      %and3A_589 = arith.andi %ne3A_585, %ne3A_588 : i1
      %sub3A_590 = arith.constant 1 : i32
      %sub3A_591 = arith.subi %div3A_570, %sub3A_590 : i32
      %select_n3A_592 = arith.select %and3A_589, %sub3A_591, %div3A_570 : i32
      %jit3A_593 = arith.constant 8 : i32
      %eq3A_594 = arith.constant 0 : i32
      %eq3A_595 = arith.cmpi eq, %jit3A_593, %eq3A_594 : i32
      %jit3A_596 = arith.constant 1 : i32
      %select_n3A_597 = arith.select %eq3A_595, %jit3A_596, %jit3A_593 : i32
      %rem3A_598 = arith.remsi %scan3A_568, %select_n3A_597 : i32
      %ne3A_599 = arith.constant 0 : i32
      %ne3A_600 = arith.cmpi ne, %rem3A_598, %ne3A_599 : i32
      %lt3A_601 = arith.constant 0 : i32
      %lt3A_602 = arith.cmpi slt, %rem3A_598, %lt3A_601 : i32
      %lt3A_603 = arith.constant 0 : i32
      %lt3A_604 = arith.cmpi slt, %select_n3A_597, %lt3A_603 : i32
      %ne3A_605 = arith.xori %lt3A_602, %lt3A_604 : i1
      %and3A_606 = arith.andi %ne3A_605, %ne3A_600 : i1
      %add3A_607 = arith.addi %rem3A_598, %select_n3A_597 : i32
      %select_n3A_608 = arith.select %and3A_606, %add3A_607, %rem3A_598 : i32
      %mul3A_609 = arith.constant 16 : i32
      %mul3A_610 = arith.muli %select_n3A_608, %mul3A_609 : i32
      %get3A_611 = arith.index_cast %select_n3A_592 : i32 to index
      %get3A_612 = arith.index_cast %mul3A_610 : i32 to index
      %get3A_613 = tpu.vector_load %arg8[%get3A_611, %get3A_612] {strides = array<i32>} : memref<40x128xf32, #tpu.memory_space<vmem>>, vector<16xf32>,
      %convert_element_type3A_614 = arith.fptosi %get3A_613 : vector<16xf32> to vector<16xi32>
      %gather3A_615 = tpu.vector_load_idx %arg5[%convert_element_type3A_614] : memref<100352xf32, #tpu.memory_space<vmem>>[vector<16xi32>], vector<16xf32>,
      %jit3A_616 = arith.constant 64 : i32
      %div3A_617 = arith.divsi %scan3A_568, %jit3A_616 : i32
      %sign3A_618 = arith.constant 0 : i32
      %sign3A_619 = arith.cmpi sgt, %scan3A_568, %sign3A_618 : i32
      %sign3A_620 = arith.extui %sign3A_619 : i1 to i32
      %sign3A_621 = arith.constant 0 : i32
      %sign3A_622 = arith.cmpi slt, %scan3A_568, %sign3A_621 : i32
      %sign3A_623 = arith.extui %sign3A_622 : i1 to i32
      %sign3A_624 = arith.subi %sign3A_620, %sign3A_623 : i32
      %sign3A_625 = arith.constant 0 : i32
      %sign3A_626 = arith.cmpi sgt, %jit3A_616, %sign3A_625 : i32
      %sign3A_627 = arith.extui %sign3A_626 : i1 to i32
      %sign3A_628 = arith.constant 0 : i32
      %sign3A_629 = arith.cmpi slt, %jit3A_616, %sign3A_628 : i32
      %sign3A_630 = arith.extui %sign3A_629 : i1 to i32
      %sign3A_631 = arith.subi %sign3A_627, %sign3A_630 : i32
      %ne3A_632 = arith.cmpi ne, %sign3A_624, %sign3A_631 : i32
      %rem3A_633 = arith.remsi %scan3A_568, %jit3A_616 : i32
      %ne3A_634 = arith.constant 0 : i32
      %ne3A_635 = arith.cmpi ne, %rem3A_633, %ne3A_634 : i32
      %and3A_636 = arith.andi %ne3A_632, %ne3A_635 : i1
      %sub3A_637 = arith.constant 1 : i32
      %sub3A_638 = arith.subi %div3A_617, %sub3A_637 : i32
      %select_n3A_639 = arith.select %and3A_636, %sub3A_638, %div3A_617 : i32
      %jit3A_640 = arith.constant 8 : i32
      %div3A_641 = arith.divsi %scan3A_568, %jit3A_640 : i32
      %sign3A_642 = arith.constant 0 : i32
      %sign3A_643 = arith.cmpi sgt, %scan3A_568, %sign3A_642 : i32
      %sign3A_644 = arith.extui %sign3A_643 : i1 to i32
      %sign3A_645 = arith.constant 0 : i32
      %sign3A_646 = arith.cmpi slt, %scan3A_568, %sign3A_645 : i32
      %sign3A_647 = arith.extui %sign3A_646 : i1 to i32
      %sign3A_648 = arith.subi %sign3A_644, %sign3A_647 : i32
      %sign3A_649 = arith.constant 0 : i32
      %sign3A_650 = arith.cmpi sgt, %jit3A_640, %sign3A_649 : i32
      %sign3A_651 = arith.extui %sign3A_650 : i1 to i32
      %sign3A_652 = arith.constant 0 : i32
      %sign3A_653 = arith.cmpi slt, %jit3A_640, %sign3A_652 : i32
      %sign3A_654 = arith.extui %sign3A_653 : i1 to i32
      %sign3A_655 = arith.subi %sign3A_651, %sign3A_654 : i32
      %ne3A_656 = arith.cmpi ne, %sign3A_648, %sign3A_655 : i32
      %rem3A_657 = arith.remsi %scan3A_568, %jit3A_640 : i32
      %ne3A_658 = arith.constant 0 : i32
      %ne3A_659 = arith.cmpi ne, %rem3A_657, %ne3A_658 : i32
      %and3A_660 = arith.andi %ne3A_656, %ne3A_659 : i1
      %sub3A_661 = arith.constant 1 : i32
      %sub3A_662 = arith.subi %div3A_641, %sub3A_661 : i32
      %select_n3A_663 = arith.select %and3A_660, %sub3A_662, %div3A_641 : i32
      %jit3A_664 = arith.constant 8 : i32
      %eq3A_665 = arith.constant 0 : i32
      %eq3A_666 = arith.cmpi eq, %jit3A_664, %eq3A_665 : i32
      %jit3A_667 = arith.constant 1 : i32
      %select_n3A_668 = arith.select %eq3A_666, %jit3A_667, %jit3A_664 : i32
      %rem3A_669 = arith.remsi %select_n3A_663, %select_n3A_668 : i32
      %ne3A_670 = arith.constant 0 : i32
      %ne3A_671 = arith.cmpi ne, %rem3A_669, %ne3A_670 : i32
      %lt3A_672 = arith.constant 0 : i32
      %lt3A_673 = arith.cmpi slt, %rem3A_669, %lt3A_672 : i32
      %lt3A_674 = arith.constant 0 : i32
      %lt3A_675 = arith.cmpi slt, %select_n3A_668, %lt3A_674 : i32
      %ne3A_676 = arith.xori %lt3A_673, %lt3A_675 : i1
      %and3A_677 = arith.andi %ne3A_676, %ne3A_671 : i1
      %add3A_678 = arith.addi %rem3A_669, %select_n3A_668 : i32
      %select_n3A_679 = arith.select %and3A_677, %add3A_678, %rem3A_669 : i32
      %swap3A_680 = arith.index_cast %select_n3A_639 : i32 to index
      %swap3A_681 = arith.index_cast %select_n3A_679 : i32 to index
      %swap3A_682 = arith.index_cast %mul3A_610 : i32 to index
      %swap3A_683 = tpu.vector_load %arg10[%swap3A_680, %swap3A_681, %swap3A_682] {strides = array<i32>} : memref<5x8x128xf32, #tpu.memory_space<vmem>>, vector<16xf32>,
      tpu.vector_store %arg10[%swap3A_680, %swap3A_681, %swap3A_682], %gather3A_615 {strides = array<i32>} : memref<5x8x128xf32, #tpu.memory_space<vmem>>, vector<16xf32>,
      %scan3A_684 = arith.constant 0 : i32
      %scan3A_685 = arith.constant 4 : i32
      %scan3A_686 = arith.addi %scan3A_225, %scan3A_685 : i32
      %jit3A_687 = arith.constant 8 : i32
      %div3A_688 = arith.divsi %scan3A_686, %jit3A_687 : i32
      %sign3A_689 = arith.constant 0 : i32
      %sign3A_690 = arith.cmpi sgt, %scan3A_686, %sign3A_689 : i32
      %sign3A_691 = arith.extui %sign3A_690 : i1 to i32
      %sign3A_692 = arith.constant 0 : i32
      %sign3A_693 = arith.cmpi slt, %scan3A_686, %sign3A_692 : i32
      %sign3A_694 = arith.extui %sign3A_693 : i1 to i32
      %sign3A_695 = arith.subi %sign3A_691, %sign3A_694 : i32
      %sign3A_696 = arith.constant 0 : i32
      %sign3A_697 = arith.cmpi sgt, %jit3A_687, %sign3A_696 : i32
      %sign3A_698 = arith.extui %sign3A_697 : i1 to i32
      %sign3A_699 = arith.constant 0 : i32
      %sign3A_700 = arith.cmpi slt, %jit3A_687, %sign3A_699 : i32
      %sign3A_701 = arith.extui %sign3A_700 : i1 to i32
      %sign3A_702 = arith.subi %sign3A_698, %sign3A_701 : i32
      %ne3A_703 = arith.cmpi ne, %sign3A_695, %sign3A_702 : i32
      %rem3A_704 = arith.remsi %scan3A_686, %jit3A_687 : i32
      %ne3A_705 = arith.constant 0 : i32
      %ne3A_706 = arith.cmpi ne, %rem3A_704, %ne3A_705 : i32
      %and3A_707 = arith.andi %ne3A_703, %ne3A_706 : i1
      %sub3A_708 = arith.constant 1 : i32
      %sub3A_709 = arith.subi %div3A_688, %sub3A_708 : i32
      %select_n3A_710 = arith.select %and3A_707, %sub3A_709, %div3A_688 : i32
      %jit3A_711 = arith.constant 8 : i32
      %eq3A_712 = arith.constant 0 : i32
      %eq3A_713 = arith.cmpi eq, %jit3A_711, %eq3A_712 : i32
      %jit3A_714 = arith.constant 1 : i32
      %select_n3A_715 = arith.select %eq3A_713, %jit3A_714, %jit3A_711 : i32
      %rem3A_716 = arith.remsi %scan3A_686, %select_n3A_715 : i32
      %ne3A_717 = arith.constant 0 : i32
      %ne3A_718 = arith.cmpi ne, %rem3A_716, %ne3A_717 : i32
      %lt3A_719 = arith.constant 0 : i32
      %lt3A_720 = arith.cmpi slt, %rem3A_716, %lt3A_719 : i32
      %lt3A_721 = arith.constant 0 : i32
      %lt3A_722 = arith.cmpi slt, %select_n3A_715, %lt3A_721 : i32
      %ne3A_723 = arith.xori %lt3A_720, %lt3A_722 : i1
      %and3A_724 = arith.andi %ne3A_723, %ne3A_718 : i1
      %add3A_725 = arith.addi %rem3A_716, %select_n3A_715 : i32
      %select_n3A_726 = arith.select %and3A_724, %add3A_725, %rem3A_716 : i32
      %mul3A_727 = arith.constant 16 : i32
      %mul3A_728 = arith.muli %select_n3A_726, %mul3A_727 : i32
      %get3A_729 = arith.index_cast %select_n3A_710 : i32 to index
      %get3A_730 = arith.index_cast %mul3A_728 : i32 to index
      %get3A_731 = tpu.vector_load %arg8[%get3A_729, %get3A_730] {strides = array<i32>} : memref<40x128xf32, #tpu.memory_space<vmem>>, vector<16xf32>,
      %convert_element_type3A_732 = arith.fptosi %get3A_731 : vector<16xf32> to vector<16xi32>
      %gather3A_733 = tpu.vector_load_idx %arg5[%convert_element_type3A_732] : memref<100352xf32, #tpu.memory_space<vmem>>[vector<16xi32>], vector<16xf32>,
      %jit3A_734 = arith.constant 64 : i32
      %div3A_735 = arith.divsi %scan3A_686, %jit3A_734 : i32
      %sign3A_736 = arith.constant 0 : i32
      %sign3A_737 = arith.cmpi sgt, %scan3A_686, %sign3A_736 : i32
      %sign3A_738 = arith.extui %sign3A_737 : i1 to i32
      %sign3A_739 = arith.constant 0 : i32
      %sign3A_740 = arith.cmpi slt, %scan3A_686, %sign3A_739 : i32
      %sign3A_741 = arith.extui %sign3A_740 : i1 to i32
      %sign3A_742 = arith.subi %sign3A_738, %sign3A_741 : i32
      %sign3A_743 = arith.constant 0 : i32
      %sign3A_744 = arith.cmpi sgt, %jit3A_734, %sign3A_743 : i32
      %sign3A_745 = arith.extui %sign3A_744 : i1 to i32
      %sign3A_746 = arith.constant 0 : i32
      %sign3A_747 = arith.cmpi slt, %jit3A_734, %sign3A_746 : i32
      %sign3A_748 = arith.extui %sign3A_747 : i1 to i32
      %sign3A_749 = arith.subi %sign3A_745, %sign3A_748 : i32
      %ne3A_750 = arith.cmpi ne, %sign3A_742, %sign3A_749 : i32
      %rem3A_751 = arith.remsi %scan3A_686, %jit3A_734 : i32
      %ne3A_752 = arith.constant 0 : i32
      %ne3A_753 = arith.cmpi ne, %rem3A_751, %ne3A_752 : i32
      %and3A_754 = arith.andi %ne3A_750, %ne3A_753 : i1
      %sub3A_755 = arith.constant 1 : i32
      %sub3A_756 = arith.subi %div3A_735, %sub3A_755 : i32
      %select_n3A_757 = arith.select %and3A_754, %sub3A_756, %div3A_735 : i32
      %jit3A_758 = arith.constant 8 : i32
      %div3A_759 = arith.divsi %scan3A_686, %jit3A_758 : i32
      %sign3A_760 = arith.constant 0 : i32
      %sign3A_761 = arith.cmpi sgt, %scan3A_686, %sign3A_760 : i32
      %sign3A_762 = arith.extui %sign3A_761 : i1 to i32
      %sign3A_763 = arith.constant 0 : i32
      %sign3A_764 = arith.cmpi slt, %scan3A_686, %sign3A_763 : i32
      %sign3A_765 = arith.extui %sign3A_764 : i1 to i32
      %sign3A_766 = arith.subi %sign3A_762, %sign3A_765 : i32
      %sign3A_767 = arith.constant 0 : i32
      %sign3A_768 = arith.cmpi sgt, %jit3A_758, %sign3A_767 : i32
      %sign3A_769 = arith.extui %sign3A_768 : i1 to i32
      %sign3A_770 = arith.constant 0 : i32
      %sign3A_771 = arith.cmpi slt, %jit3A_758, %sign3A_770 : i32
      %sign3A_772 = arith.extui %sign3A_771 : i1 to i32
      %sign3A_773 = arith.subi %sign3A_769, %sign3A_772 : i32
      %ne3A_774 = arith.cmpi ne, %sign3A_766, %sign3A_773 : i32
      %rem3A_775 = arith.remsi %scan3A_686, %jit3A_758 : i32
      %ne3A_776 = arith.constant 0 : i32
      %ne3A_777 = arith.cmpi ne, %rem3A_775, %ne3A_776 : i32
      %and3A_778 = arith.andi %ne3A_774, %ne3A_777 : i1
      %sub3A_779 = arith.constant 1 : i32
      %sub3A_780 = arith.subi %div3A_759, %sub3A_779 : i32
      %select_n3A_781 = arith.select %and3A_778, %sub3A_780, %div3A_759 : i32
      %jit3A_782 = arith.constant 8 : i32
      %eq3A_783 = arith.constant 0 : i32
      %eq3A_784 = arith.cmpi eq, %jit3A_782, %eq3A_783 : i32
      %jit3A_785 = arith.constant 1 : i32
      %select_n3A_786 = arith.select %eq3A_784, %jit3A_785, %jit3A_782 : i32
      %rem3A_787 = arith.remsi %select_n3A_781, %select_n3A_786 : i32
      %ne3A_788 = arith.constant 0 : i32
      %ne3A_789 = arith.cmpi ne, %rem3A_787, %ne3A_788 : i32
      %lt3A_790 = arith.constant 0 : i32
      %lt3A_791 = arith.cmpi slt, %rem3A_787, %lt3A_790 : i32
      %lt3A_792 = arith.constant 0 : i32
      %lt3A_793 = arith.cmpi slt, %select_n3A_786, %lt3A_792 : i32
      %ne3A_794 = arith.xori %lt3A_791, %lt3A_793 : i1
      %and3A_795 = arith.andi %ne3A_794, %ne3A_789 : i1
      %add3A_796 = arith.addi %rem3A_787, %select_n3A_786 : i32
      %select_n3A_797 = arith.select %and3A_795, %add3A_796, %rem3A_787 : i32
      %swap3A_798 = arith.index_cast %select_n3A_757 : i32 to index
      %swap3A_799 = arith.index_cast %select_n3A_797 : i32 to index
      %swap3A_800 = arith.index_cast %mul3A_728 : i32 to index
      %swap3A_801 = tpu.vector_load %arg10[%swap3A_798, %swap3A_799, %swap3A_800] {strides = array<i32>} : memref<5x8x128xf32, #tpu.memory_space<vmem>>, vector<16xf32>,
      tpu.vector_store %arg10[%swap3A_798, %swap3A_799, %swap3A_800], %gather3A_733 {strides = array<i32>} : memref<5x8x128xf32, #tpu.memory_space<vmem>>, vector<16xf32>,
      %scan3A_802 = arith.constant 0 : i32
      %scan3A_803 = arith.constant 5 : i32
      %scan3A_804 = arith.addi %scan3A_225, %scan3A_803 : i32
      %jit3A_805 = arith.constant 8 : i32
      %div3A_806 = arith.divsi %scan3A_804, %jit3A_805 : i32
      %sign3A_807 = arith.constant 0 : i32
      %sign3A_808 = arith.cmpi sgt, %scan3A_804, %sign3A_807 : i32
      %sign3A_809 = arith.extui %sign3A_808 : i1 to i32
      %sign3A_810 = arith.constant 0 : i32
      %sign3A_811 = arith.cmpi slt, %scan3A_804, %sign3A_810 : i32
      %sign3A_812 = arith.extui %sign3A_811 : i1 to i32
      %sign3A_813 = arith.subi %sign3A_809, %sign3A_812 : i32
      %sign3A_814 = arith.constant 0 : i32
      %sign3A_815 = arith.cmpi sgt, %jit3A_805, %sign3A_814 : i32
      %sign3A_816 = arith.extui %sign3A_815 : i1 to i32
      %sign3A_817 = arith.constant 0 : i32
      %sign3A_818 = arith.cmpi slt, %jit3A_805, %sign3A_817 : i32
      %sign3A_819 = arith.extui %sign3A_818 : i1 to i32
      %sign3A_820 = arith.subi %sign3A_816, %sign3A_819 : i32
      %ne3A_821 = arith.cmpi ne, %sign3A_813, %sign3A_820 : i32
      %rem3A_822 = arith.remsi %scan3A_804, %jit3A_805 : i32
      %ne3A_823 = arith.constant 0 : i32
      %ne3A_824 = arith.cmpi ne, %rem3A_822, %ne3A_823 : i32
      %and3A_825 = arith.andi %ne3A_821, %ne3A_824 : i1
      %sub3A_826 = arith.constant 1 : i32
      %sub3A_827 = arith.subi %div3A_806, %sub3A_826 : i32
      %select_n3A_828 = arith.select %and3A_825, %sub3A_827, %div3A_806 : i32
      %jit3A_829 = arith.constant 8 : i32
      %eq3A_830 = arith.constant 0 : i32
      %eq3A_831 = arith.cmpi eq, %jit3A_829, %eq3A_830 : i32
      %jit3A_832 = arith.constant 1 : i32
      %select_n3A_833 = arith.select %eq3A_831, %jit3A_832, %jit3A_829 : i32
      %rem3A_834 = arith.remsi %scan3A_804, %select_n3A_833 : i32
      %ne3A_835 = arith.constant 0 : i32
      %ne3A_836 = arith.cmpi ne, %rem3A_834, %ne3A_835 : i32
      %lt3A_837 = arith.constant 0 : i32
      %lt3A_838 = arith.cmpi slt, %rem3A_834, %lt3A_837 : i32
      %lt3A_839 = arith.constant 0 : i32
      %lt3A_840 = arith.cmpi slt, %select_n3A_833, %lt3A_839 : i32
      %ne3A_841 = arith.xori %lt3A_838, %lt3A_840 : i1
      %and3A_842 = arith.andi %ne3A_841, %ne3A_836 : i1
      %add3A_843 = arith.addi %rem3A_834, %select_n3A_833 : i32
      %select_n3A_844 = arith.select %and3A_842, %add3A_843, %rem3A_834 : i32
      %mul3A_845 = arith.constant 16 : i32
      %mul3A_846 = arith.muli %select_n3A_844, %mul3A_845 : i32
      %get3A_847 = arith.index_cast %select_n3A_828 : i32 to index
      %get3A_848 = arith.index_cast %mul3A_846 : i32 to index
      %get3A_849 = tpu.vector_load %arg8[%get3A_847, %get3A_848] {strides = array<i32>} : memref<40x128xf32, #tpu.memory_space<vmem>>, vector<16xf32>,
      %convert_element_type3A_850 = arith.fptosi %get3A_849 : vector<16xf32> to vector<16xi32>
      %gather3A_851 = tpu.vector_load_idx %arg5[%convert_element_type3A_850] : memref<100352xf32, #tpu.memory_space<vmem>>[vector<16xi32>], vector<16xf32>,
      %jit3A_852 = arith.constant 64 : i32
      %div3A_853 = arith.divsi %scan3A_804, %jit3A_852 : i32
      %sign3A_854 = arith.constant 0 : i32
      %sign3A_855 = arith.cmpi sgt, %scan3A_804, %sign3A_854 : i32
      %sign3A_856 = arith.extui %sign3A_855 : i1 to i32
      %sign3A_857 = arith.constant 0 : i32
      %sign3A_858 = arith.cmpi slt, %scan3A_804, %sign3A_857 : i32
      %sign3A_859 = arith.extui %sign3A_858 : i1 to i32
      %sign3A_860 = arith.subi %sign3A_856, %sign3A_859 : i32
      %sign3A_861 = arith.constant 0 : i32
      %sign3A_862 = arith.cmpi sgt, %jit3A_852, %sign3A_861 : i32
      %sign3A_863 = arith.extui %sign3A_862 : i1 to i32
      %sign3A_864 = arith.constant 0 : i32
      %sign3A_865 = arith.cmpi slt, %jit3A_852, %sign3A_864 : i32
      %sign3A_866 = arith.extui %sign3A_865 : i1 to i32
      %sign3A_867 = arith.subi %sign3A_863, %sign3A_866 : i32
      %ne3A_868 = arith.cmpi ne, %sign3A_860, %sign3A_867 : i32
      %rem3A_869 = arith.remsi %scan3A_804, %jit3A_852 : i32
      %ne3A_870 = arith.constant 0 : i32
      %ne3A_871 = arith.cmpi ne, %rem3A_869, %ne3A_870 : i32
      %and3A_872 = arith.andi %ne3A_868, %ne3A_871 : i1
      %sub3A_873 = arith.constant 1 : i32
      %sub3A_874 = arith.subi %div3A_853, %sub3A_873 : i32
      %select_n3A_875 = arith.select %and3A_872, %sub3A_874, %div3A_853 : i32
      %jit3A_876 = arith.constant 8 : i32
      %div3A_877 = arith.divsi %scan3A_804, %jit3A_876 : i32
      %sign3A_878 = arith.constant 0 : i32
      %sign3A_879 = arith.cmpi sgt, %scan3A_804, %sign3A_878 : i32
      %sign3A_880 = arith.extui %sign3A_879 : i1 to i32
      %sign3A_881 = arith.constant 0 : i32
      %sign3A_882 = arith.cmpi slt, %scan3A_804, %sign3A_881 : i32
      %sign3A_883 = arith.extui %sign3A_882 : i1 to i32
      %sign3A_884 = arith.subi %sign3A_880, %sign3A_883 : i32
      %sign3A_885 = arith.constant 0 : i32
      %sign3A_886 = arith.cmpi sgt, %jit3A_876, %sign3A_885 : i32
      %sign3A_887 = arith.extui %sign3A_886 : i1 to i32
      %sign3A_888 = arith.constant 0 : i32
      %sign3A_889 = arith.cmpi slt, %jit3A_876, %sign3A_888 : i32
      %sign3A_890 = arith.extui %sign3A_889 : i1 to i32
      %sign3A_891 = arith.subi %sign3A_887, %sign3A_890 : i32
      %ne3A_892 = arith.cmpi ne, %sign3A_884, %sign3A_891 : i32
      %rem3A_893 = arith.remsi %scan3A_804, %jit3A_876 : i32
      %ne3A_894 = arith.constant 0 : i32
      %ne3A_895 = arith.cmpi ne, %rem3A_893, %ne3A_894 : i32
      %and3A_896 = arith.andi %ne3A_892, %ne3A_895 : i1
      %sub3A_897 = arith.constant 1 : i32
      %sub3A_898 = arith.subi %div3A_877, %sub3A_897 : i32
      %select_n3A_899 = arith.select %and3A_896, %sub3A_898, %div3A_877 : i32
      %jit3A_900 = arith.constant 8 : i32
      %eq3A_901 = arith.constant 0 : i32
      %eq3A_902 = arith.cmpi eq, %jit3A_900, %eq3A_901 : i32
      %jit3A_903 = arith.constant 1 : i32
      %select_n3A_904 = arith.select %eq3A_902, %jit3A_903, %jit3A_900 : i32
      %rem3A_905 = arith.remsi %select_n3A_899, %select_n3A_904 : i32
      %ne3A_906 = arith.constant 0 : i32
      %ne3A_907 = arith.cmpi ne, %rem3A_905, %ne3A_906 : i32
      %lt3A_908 = arith.constant 0 : i32
      %lt3A_909 = arith.cmpi slt, %rem3A_905, %lt3A_908 : i32
      %lt3A_910 = arith.constant 0 : i32
      %lt3A_911 = arith.cmpi slt, %select_n3A_904, %lt3A_910 : i32
      %ne3A_912 = arith.xori %lt3A_909, %lt3A_911 : i1
      %and3A_913 = arith.andi %ne3A_912, %ne3A_907 : i1
      %add3A_914 = arith.addi %rem3A_905, %select_n3A_904 : i32
      %select_n3A_915 = arith.select %and3A_913, %add3A_914, %rem3A_905 : i32
      %swap3A_916 = arith.index_cast %select_n3A_875 : i32 to index
      %swap3A_917 = arith.index_cast %select_n3A_915 : i32 to index
      %swap3A_918 = arith.index_cast %mul3A_846 : i32 to index
      %swap3A_919 = tpu.vector_load %arg10[%swap3A_916, %swap3A_917, %swap3A_918] {strides = array<i32>} : memref<5x8x128xf32, #tpu.memory_space<vmem>>, vector<16xf32>,
      tpu.vector_store %arg10[%swap3A_916, %swap3A_917, %swap3A_918], %gather3A_851 {strides = array<i32>} : memref<5x8x128xf32, #tpu.memory_space<vmem>>, vector<16xf32>,
      %scan3A_920 = arith.constant 0 : i32
      %scan3A_921 = arith.constant 6 : i32
      %scan3A_922 = arith.addi %scan3A_225, %scan3A_921 : i32
      %jit3A_923 = arith.constant 8 : i32
      %div3A_924 = arith.divsi %scan3A_922, %jit3A_923 : i32
      %sign3A_925 = arith.constant 0 : i32
      %sign3A_926 = arith.cmpi sgt, %scan3A_922, %sign3A_925 : i32
      %sign3A_927 = arith.extui %sign3A_926 : i1 to i32
      %sign3A_928 = arith.constant 0 : i32
      %sign3A_929 = arith.cmpi slt, %scan3A_922, %sign3A_928 : i32
      %sign3A_930 = arith.extui %sign3A_929 : i1 to i32
      %sign3A_931 = arith.subi %sign3A_927, %sign3A_930 : i32
      %sign3A_932 = arith.constant 0 : i32
      %sign3A_933 = arith.cmpi sgt, %jit3A_923, %sign3A_932 : i32
      %sign3A_934 = arith.extui %sign3A_933 : i1 to i32
      %sign3A_935 = arith.constant 0 : i32
      %sign3A_936 = arith.cmpi slt, %jit3A_923, %sign3A_935 : i32
      %sign3A_937 = arith.extui %sign3A_936 : i1 to i32
      %sign3A_938 = arith.subi %sign3A_934, %sign3A_937 : i32
      %ne3A_939 = arith.cmpi ne, %sign3A_931, %sign3A_938 : i32
      %rem3A_940 = arith.remsi %scan3A_922, %jit3A_923 : i32
      %ne3A_941 = arith.constant 0 : i32
      %ne3A_942 = arith.cmpi ne, %rem3A_940, %ne3A_941 : i32
      %and3A_943 = arith.andi %ne3A_939, %ne3A_942 : i1
      %sub3A_944 = arith.constant 1 : i32
      %sub3A_945 = arith.subi %div3A_924, %sub3A_944 : i32
      %select_n3A_946 = arith.select %and3A_943, %sub3A_945, %div3A_924 : i32
      %jit3A_947 = arith.constant 8 : i32
      %eq3A_948 = arith.constant 0 : i32
      %eq3A_949 = arith.cmpi eq, %jit3A_947, %eq3A_948 : i32
      %jit3A_950 = arith.constant 1 : i32
      %select_n3A_951 = arith.select %eq3A_949, %jit3A_950, %jit3A_947 : i32
      %rem3A_952 = arith.remsi %scan3A_922, %select_n3A_951 : i32
      %ne3A_953 = arith.constant 0 : i32
      %ne3A_954 = arith.cmpi ne, %rem3A_952, %ne3A_953 : i32
      %lt3A_955 = arith.constant 0 : i32
      %lt3A_956 = arith.cmpi slt, %rem3A_952, %lt3A_955 : i32
      %lt3A_957 = arith.constant 0 : i32
      %lt3A_958 = arith.cmpi slt, %select_n3A_951, %lt3A_957 : i32
      %ne3A_959 = arith.xori %lt3A_956, %lt3A_958 : i1
      %and3A_960 = arith.andi %ne3A_959, %ne3A_954 : i1
      %add3A_961 = arith.addi %rem3A_952, %select_n3A_951 : i32
      %select_n3A_962 = arith.select %and3A_960, %add3A_961, %rem3A_952 : i32
      %mul3A_963 = arith.constant 16 : i32
      %mul3A_964 = arith.muli %select_n3A_962, %mul3A_963 : i32
      %get3A_965 = arith.index_cast %select_n3A_946 : i32 to index
      %get3A_966 = arith.index_cast %mul3A_964 : i32 to index
      %get3A_967 = tpu.vector_load %arg8[%get3A_965, %get3A_966] {strides = array<i32>} : memref<40x128xf32, #tpu.memory_space<vmem>>, vector<16xf32>,
      %convert_element_type3A_968 = arith.fptosi %get3A_967 : vector<16xf32> to vector<16xi32>
      %gather3A_969 = tpu.vector_load_idx %arg5[%convert_element_type3A_968] : memref<100352xf32, #tpu.memory_space<vmem>>[vector<16xi32>], vector<16xf32>,
      %jit3A_970 = arith.constant 64 : i32
      %div3A_971 = arith.divsi %scan3A_922, %jit3A_970 : i32
      %sign3A_972 = arith.constant 0 : i32
      %sign3A_973 = arith.cmpi sgt, %scan3A_922, %sign3A_972 : i32
      %sign3A_974 = arith.extui %sign3A_973 : i1 to i32
      %sign3A_975 = arith.constant 0 : i32
      %sign3A_976 = arith.cmpi slt, %scan3A_922, %sign3A_975 : i32
      %sign3A_977 = arith.extui %sign3A_976 : i1 to i32
      %sign3A_978 = arith.subi %sign3A_974, %sign3A_977 : i32
      %sign3A_979 = arith.constant 0 : i32
      %sign3A_980 = arith.cmpi sgt, %jit3A_970, %sign3A_979 : i32
      %sign3A_981 = arith.extui %sign3A_980 : i1 to i32
      %sign3A_982 = arith.constant 0 : i32
      %sign3A_983 = arith.cmpi slt, %jit3A_970, %sign3A_982 : i32
      %sign3A_984 = arith.extui %sign3A_983 : i1 to i32
      %sign3A_985 = arith.subi %sign3A_981, %sign3A_984 : i32
      %ne3A_986 = arith.cmpi ne, %sign3A_978, %sign3A_985 : i32
      %rem3A_987 = arith.remsi %scan3A_922, %jit3A_970 : i32
      %ne3A_988 = arith.constant 0 : i32
      %ne3A_989 = arith.cmpi ne, %rem3A_987, %ne3A_988 : i32
      %and3A_990 = arith.andi %ne3A_986, %ne3A_989 : i1
      %sub3A_991 = arith.constant 1 : i32
      %sub3A_992 = arith.subi %div3A_971, %sub3A_991 : i32
      %select_n3A_993 = arith.select %and3A_990, %sub3A_992, %div3A_971 : i32
      %jit3A_994 = arith.constant 8 : i32
      %div3A_995 = arith.divsi %scan3A_922, %jit3A_994 : i32
      %sign3A_996 = arith.constant 0 : i32
      %sign3A_997 = arith.cmpi sgt, %scan3A_922, %sign3A_996 : i32
      %sign3A_998 = arith.extui %sign3A_997 : i1 to i32
      %sign3A_999 = arith.constant 0 : i32
      %sign3A_1000 = arith.cmpi slt, %scan3A_922, %sign3A_999 : i32
      %sign3A_1001 = arith.extui %sign3A_1000 : i1 to i32
      %sign3A_1002 = arith.subi %sign3A_998, %sign3A_1001 : i32
      %sign3A_1003 = arith.constant 0 : i32
      %sign3A_1004 = arith.cmpi sgt, %jit3A_994, %sign3A_1003 : i32
      %sign3A_1005 = arith.extui %sign3A_1004 : i1 to i32
      %sign3A_1006 = arith.constant 0 : i32
      %sign3A_1007 = arith.cmpi slt, %jit3A_994, %sign3A_1006 : i32
      %sign3A_1008 = arith.extui %sign3A_1007 : i1 to i32
      %sign3A_1009 = arith.subi %sign3A_1005, %sign3A_1008 : i32
      %ne3A_1010 = arith.cmpi ne, %sign3A_1002, %sign3A_1009 : i32
      %rem3A_1011 = arith.remsi %scan3A_922, %jit3A_994 : i32
      %ne3A_1012 = arith.constant 0 : i32
      %ne3A_1013 = arith.cmpi ne, %rem3A_1011, %ne3A_1012 : i32
      %and3A_1014 = arith.andi %ne3A_1010, %ne3A_1013 : i1
      %sub3A_1015 = arith.constant 1 : i32
      %sub3A_1016 = arith.subi %div3A_995, %sub3A_1015 : i32
      %select_n3A_1017 = arith.select %and3A_1014, %sub3A_1016, %div3A_995 : i32
      %jit3A_1018 = arith.constant 8 : i32
      %eq3A_1019 = arith.constant 0 : i32
      %eq3A_1020 = arith.cmpi eq, %jit3A_1018, %eq3A_1019 : i32
      %jit3A_1021 = arith.constant 1 : i32
      %select_n3A_1022 = arith.select %eq3A_1020, %jit3A_1021, %jit3A_1018 : i32
      %rem3A_1023 = arith.remsi %select_n3A_1017, %select_n3A_1022 : i32
      %ne3A_1024 = arith.constant 0 : i32
      %ne3A_1025 = arith.cmpi ne, %rem3A_1023, %ne3A_1024 : i32
      %lt3A_1026 = arith.constant 0 : i32
      %lt3A_1027 = arith.cmpi slt, %rem3A_1023, %lt3A_1026 : i32
      %lt3A_1028 = arith.constant 0 : i32
      %lt3A_1029 = arith.cmpi slt, %select_n3A_1022, %lt3A_1028 : i32
      %ne3A_1030 = arith.xori %lt3A_1027, %lt3A_1029 : i1
      %and3A_1031 = arith.andi %ne3A_1030, %ne3A_1025 : i1
      %add3A_1032 = arith.addi %rem3A_1023, %select_n3A_1022 : i32
      %select_n3A_1033 = arith.select %and3A_1031, %add3A_1032, %rem3A_1023 : i32
      %swap3A_1034 = arith.index_cast %select_n3A_993 : i32 to index
      %swap3A_1035 = arith.index_cast %select_n3A_1033 : i32 to index
      %swap3A_1036 = arith.index_cast %mul3A_964 : i32 to index
      %swap3A_1037 = tpu.vector_load %arg10[%swap3A_1034, %swap3A_1035, %swap3A_1036] {strides = array<i32>} : memref<5x8x128xf32, #tpu.memory_space<vmem>>, vector<16xf32>,
      tpu.vector_store %arg10[%swap3A_1034, %swap3A_1035, %swap3A_1036], %gather3A_969 {strides = array<i32>} : memref<5x8x128xf32, #tpu.memory_space<vmem>>, vector<16xf32>,
      %scan3A_1038 = arith.constant 0 : i32
      %scan3A_1039 = arith.constant 7 : i32
      %scan3A_1040 = arith.addi %scan3A_225, %scan3A_1039 : i32
      %jit3A_1041 = arith.constant 8 : i32
      %div3A_1042 = arith.divsi %scan3A_1040, %jit3A_1041 : i32
      %sign3A_1043 = arith.constant 0 : i32
      %sign3A_1044 = arith.cmpi sgt, %scan3A_1040, %sign3A_1043 : i32
      %sign3A_1045 = arith.extui %sign3A_1044 : i1 to i32
      %sign3A_1046 = arith.constant 0 : i32
      %sign3A_1047 = arith.cmpi slt, %scan3A_1040, %sign3A_1046 : i32
      %sign3A_1048 = arith.extui %sign3A_1047 : i1 to i32
      %sign3A_1049 = arith.subi %sign3A_1045, %sign3A_1048 : i32
      %sign3A_1050 = arith.constant 0 : i32
      %sign3A_1051 = arith.cmpi sgt, %jit3A_1041, %sign3A_1050 : i32
      %sign3A_1052 = arith.extui %sign3A_1051 : i1 to i32
      %sign3A_1053 = arith.constant 0 : i32
      %sign3A_1054 = arith.cmpi slt, %jit3A_1041, %sign3A_1053 : i32
      %sign3A_1055 = arith.extui %sign3A_1054 : i1 to i32
      %sign3A_1056 = arith.subi %sign3A_1052, %sign3A_1055 : i32
      %ne3A_1057 = arith.cmpi ne, %sign3A_1049, %sign3A_1056 : i32
      %rem3A_1058 = arith.remsi %scan3A_1040, %jit3A_1041 : i32
      %ne3A_1059 = arith.constant 0 : i32
      %ne3A_1060 = arith.cmpi ne, %rem3A_1058, %ne3A_1059 : i32
      %and3A_1061 = arith.andi %ne3A_1057, %ne3A_1060 : i1
      %sub3A_1062 = arith.constant 1 : i32
      %sub3A_1063 = arith.subi %div3A_1042, %sub3A_1062 : i32
      %select_n3A_1064 = arith.select %and3A_1061, %sub3A_1063, %div3A_1042 : i32
      %jit3A_1065 = arith.constant 8 : i32
      %eq3A_1066 = arith.constant 0 : i32
      %eq3A_1067 = arith.cmpi eq, %jit3A_1065, %eq3A_1066 : i32
      %jit3A_1068 = arith.constant 1 : i32
      %select_n3A_1069 = arith.select %eq3A_1067, %jit3A_1068, %jit3A_1065 : i32
      %rem3A_1070 = arith.remsi %scan3A_1040, %select_n3A_1069 : i32
      %ne3A_1071 = arith.constant 0 : i32
      %ne3A_1072 = arith.cmpi ne, %rem3A_1070, %ne3A_1071 : i32
      %lt3A_1073 = arith.constant 0 : i32
      %lt3A_1074 = arith.cmpi slt, %rem3A_1070, %lt3A_1073 : i32
      %lt3A_1075 = arith.constant 0 : i32
      %lt3A_1076 = arith.cmpi slt, %select_n3A_1069, %lt3A_1075 : i32
      %ne3A_1077 = arith.xori %lt3A_1074, %lt3A_1076 : i1
      %and3A_1078 = arith.andi %ne3A_1077, %ne3A_1072 : i1
      %add3A_1079 = arith.addi %rem3A_1070, %select_n3A_1069 : i32
      %select_n3A_1080 = arith.select %and3A_1078, %add3A_1079, %rem3A_1070 : i32
      %mul3A_1081 = arith.constant 16 : i32
      %mul3A_1082 = arith.muli %select_n3A_1080, %mul3A_1081 : i32
      %get3A_1083 = arith.index_cast %select_n3A_1064 : i32 to index
      %get3A_1084 = arith.index_cast %mul3A_1082 : i32 to index
      %get3A_1085 = tpu.vector_load %arg8[%get3A_1083, %get3A_1084] {strides = array<i32>} : memref<40x128xf32, #tpu.memory_space<vmem>>, vector<16xf32>,
      %convert_element_type3A_1086 = arith.fptosi %get3A_1085 : vector<16xf32> to vector<16xi32>
      %gather3A_1087 = tpu.vector_load_idx %arg5[%convert_element_type3A_1086] : memref<100352xf32, #tpu.memory_space<vmem>>[vector<16xi32>], vector<16xf32>,
      %jit3A_1088 = arith.constant 64 : i32
      %div3A_1089 = arith.divsi %scan3A_1040, %jit3A_1088 : i32
      %sign3A_1090 = arith.constant 0 : i32
      %sign3A_1091 = arith.cmpi sgt, %scan3A_1040, %sign3A_1090 : i32
      %sign3A_1092 = arith.extui %sign3A_1091 : i1 to i32
      %sign3A_1093 = arith.constant 0 : i32
      %sign3A_1094 = arith.cmpi slt, %scan3A_1040, %sign3A_1093 : i32
      %sign3A_1095 = arith.extui %sign3A_1094 : i1 to i32
      %sign3A_1096 = arith.subi %sign3A_1092, %sign3A_1095 : i32
      %sign3A_1097 = arith.constant 0 : i32
      %sign3A_1098 = arith.cmpi sgt, %jit3A_1088, %sign3A_1097 : i32
      %sign3A_1099 = arith.extui %sign3A_1098 : i1 to i32
      %sign3A_1100 = arith.constant 0 : i32
      %sign3A_1101 = arith.cmpi slt, %jit3A_1088, %sign3A_1100 : i32
      %sign3A_1102 = arith.extui %sign3A_1101 : i1 to i32
      %sign3A_1103 = arith.subi %sign3A_1099, %sign3A_1102 : i32
      %ne3A_1104 = arith.cmpi ne, %sign3A_1096, %sign3A_1103 : i32
      %rem3A_1105 = arith.remsi %scan3A_1040, %jit3A_1088 : i32
      %ne3A_1106 = arith.constant 0 : i32
      %ne3A_1107 = arith.cmpi ne, %rem3A_1105, %ne3A_1106 : i32
      %and3A_1108 = arith.andi %ne3A_1104, %ne3A_1107 : i1
      %sub3A_1109 = arith.constant 1 : i32
      %sub3A_1110 = arith.subi %div3A_1089, %sub3A_1109 : i32
      %select_n3A_1111 = arith.select %and3A_1108, %sub3A_1110, %div3A_1089 : i32
      %jit3A_1112 = arith.constant 8 : i32
      %div3A_1113 = arith.divsi %scan3A_1040, %jit3A_1112 : i32
      %sign3A_1114 = arith.constant 0 : i32
      %sign3A_1115 = arith.cmpi sgt, %scan3A_1040, %sign3A_1114 : i32
      %sign3A_1116 = arith.extui %sign3A_1115 : i1 to i32
      %sign3A_1117 = arith.constant 0 : i32
      %sign3A_1118 = arith.cmpi slt, %scan3A_1040, %sign3A_1117 : i32
      %sign3A_1119 = arith.extui %sign3A_1118 : i1 to i32
      %sign3A_1120 = arith.subi %sign3A_1116, %sign3A_1119 : i32
      %sign3A_1121 = arith.constant 0 : i32
      %sign3A_1122 = arith.cmpi sgt, %jit3A_1112, %sign3A_1121 : i32
      %sign3A_1123 = arith.extui %sign3A_1122 : i1 to i32
      %sign3A_1124 = arith.constant 0 : i32
      %sign3A_1125 = arith.cmpi slt, %jit3A_1112, %sign3A_1124 : i32
      %sign3A_1126 = arith.extui %sign3A_1125 : i1 to i32
      %sign3A_1127 = arith.subi %sign3A_1123, %sign3A_1126 : i32
      %ne3A_1128 = arith.cmpi ne, %sign3A_1120, %sign3A_1127 : i32
      %rem3A_1129 = arith.remsi %scan3A_1040, %jit3A_1112 : i32
      %ne3A_1130 = arith.constant 0 : i32
      %ne3A_1131 = arith.cmpi ne, %rem3A_1129, %ne3A_1130 : i32
      %and3A_1132 = arith.andi %ne3A_1128, %ne3A_1131 : i1
      %sub3A_1133 = arith.constant 1 : i32
      %sub3A_1134 = arith.subi %div3A_1113, %sub3A_1133 : i32
      %select_n3A_1135 = arith.select %and3A_1132, %sub3A_1134, %div3A_1113 : i32
      %jit3A_1136 = arith.constant 8 : i32
      %eq3A_1137 = arith.constant 0 : i32
      %eq3A_1138 = arith.cmpi eq, %jit3A_1136, %eq3A_1137 : i32
      %jit3A_1139 = arith.constant 1 : i32
      %select_n3A_1140 = arith.select %eq3A_1138, %jit3A_1139, %jit3A_1136 : i32
      %rem3A_1141 = arith.remsi %select_n3A_1135, %select_n3A_1140 : i32
      %ne3A_1142 = arith.constant 0 : i32
      %ne3A_1143 = arith.cmpi ne, %rem3A_1141, %ne3A_1142 : i32
      %lt3A_1144 = arith.constant 0 : i32
      %lt3A_1145 = arith.cmpi slt, %rem3A_1141, %lt3A_1144 : i32
      %lt3A_1146 = arith.constant 0 : i32
      %lt3A_1147 = arith.cmpi slt, %select_n3A_1140, %lt3A_1146 : i32
      %ne3A_1148 = arith.xori %lt3A_1145, %lt3A_1147 : i1
      %and3A_1149 = arith.andi %ne3A_1148, %ne3A_1143 : i1
      %add3A_1150 = arith.addi %rem3A_1141, %select_n3A_1140 : i32
      %select_n3A_1151 = arith.select %and3A_1149, %add3A_1150, %rem3A_1141 : i32
      %swap3A_1152 = arith.index_cast %select_n3A_1111 : i32 to index
      %swap3A_1153 = arith.index_cast %select_n3A_1151 : i32 to index
      %swap3A_1154 = arith.index_cast %mul3A_1082 : i32 to index
      %swap3A_1155 = tpu.vector_load %arg10[%swap3A_1152, %swap3A_1153, %swap3A_1154] {strides = array<i32>} : memref<5x8x128xf32, #tpu.memory_space<vmem>>, vector<16xf32>,
      tpu.vector_store %arg10[%swap3A_1152, %swap3A_1153, %swap3A_1154], %gather3A_1087 {strides = array<i32>} : memref<5x8x128xf32, #tpu.memory_space<vmem>>, vector<16xf32>,
      %scan3A_1156 = arith.constant 0 : i32
      scf.yield %scan3A_1156 : i32
    }
    %scan3A_158 = arith.constant 320 : i32
    %dma_start3A_159 = arith.constant 15 : i32
    %dma_start3A_160 = arith.constant 0 : i32
    %dma_start3A_161 = arith.constant 0 : i32
    %dma_start3A_162 = tpu.memref_slice %arg4[%dma_start3A_159, %add3A, %dma_start3A_160, %dma_start3A_161] : memref<25x32x8x128xf32, #tpu.memory_space<hbm>> -> memref<5x1x8x128xf32, #tpu.memory_space<hbm>>
    %dma_start3A_163 = tpu.memref_squeeze %dma_start3A_162 : memref<5x1x8x128xf32, #tpu.memory_space<hbm>> -> memref<5x8x128xf32, #tpu.memory_space<hbm>>
    %dma_start3A_164 = arith.constant 15 : i32
    %dma_start3A_165 = arith.constant 0 : i32
    %dma_start3A_166 = arith.constant 0 : i32
    %dma_start3A_167 = tpu.memref_slice %arg4[%dma_start3A_164, %add3A, %dma_start3A_165, %dma_start3A_166] : memref<25x32x8x128xf32, #tpu.memory_space<hbm>> -> memref<5x1x8x128xf32, #tpu.memory_space<hbm>>
    %dma_start3A_168 = tpu.memref_squeeze %dma_start3A_167 : memref<5x1x8x128xf32, #tpu.memory_space<hbm>> -> memref<5x8x128xf32, #tpu.memory_space<hbm>>
    tpu.enqueue_dma source(%arg10 : memref<5x8x128xf32, #tpu.memory_space<vmem>>) target(%dma_start3A_168 : memref<5x8x128xf32, #tpu.memory_space<hbm>>) target_semaphore(%arg15 : memref<!tpu.dma_semaphore, #tpu.memory_space<semaphore_mem>>)
    %dma_wait3A_169 = arith.constant 0 : i32
    %dma_wait3A_170 = arith.constant 160 : i32
    %dma_wait3A_171 = arith.constant 0 : i32
    %dma_wait3A_172 = tpu.memref_slice %arg2[%dma_wait3A_170, %add3A, %dma_wait3A_169, %dma_wait3A_171] : memref<200x32x8x128xf32, #tpu.memory_space<hbm>> -> memref<40x1x1x128xf32, #tpu.memory_space<hbm>>
    %dma_wait3A_173 = tpu.memref_squeeze %dma_wait3A_172 : memref<40x1x1x128xf32, #tpu.memory_space<hbm>> -> memref<40x128xf32, #tpu.memory_space<hbm>>
    %dma_wait3A_174 = arith.constant 160 : i32
    %dma_wait3A_175 = arith.constant 0 : i32
    %dma_wait3A_176 = tpu.memref_slice %arg2[%dma_wait3A_174, %add3A, %dma_wait3A_169, %dma_wait3A_175] : memref<200x32x8x128xf32, #tpu.memory_space<hbm>> -> memref<40x1x1x128xf32, #tpu.memory_space<hbm>>
    %dma_wait3A_177 = tpu.memref_squeeze %dma_wait3A_176 : memref<40x1x1x128xf32, #tpu.memory_space<hbm>> -> memref<40x128xf32, #tpu.memory_space<hbm>>
    tpu.wait_dma2 semaphore(%arg12 : memref<!tpu.dma_semaphore, #tpu.memory_space<semaphore_mem>>) src(%dma_wait3A_177 : memref<40x128xf32, #tpu.memory_space<hbm>>) dst(%arg7 : memref<40x128xf32, #tpu.memory_space<vmem>>)
    %dma_wait3A_178 = arith.constant 10 : i32
    %dma_wait3A_179 = arith.constant 0 : i32
    %dma_wait3A_180 = arith.constant 0 : i32
    %dma_wait3A_181 = tpu.memref_slice %arg4[%dma_wait3A_178, %add3A, %dma_wait3A_179, %dma_wait3A_180] : memref<25x32x8x128xf32, #tpu.memory_space<hbm>> -> memref<5x1x8x128xf32, #tpu.memory_space<hbm>>
    %dma_wait3A_182 = tpu.memref_squeeze %dma_wait3A_181 : memref<5x1x8x128xf32, #tpu.memory_space<hbm>> -> memref<5x8x128xf32, #tpu.memory_space<hbm>>
    %dma_wait3A_183 = arith.constant 10 : i32
    %dma_wait3A_184 = arith.constant 0 : i32
    %dma_wait3A_185 = arith.constant 0 : i32
    %dma_wait3A_186 = tpu.memref_slice %arg4[%dma_wait3A_183, %add3A, %dma_wait3A_184, %dma_wait3A_185] : memref<25x32x8x128xf32, #tpu.memory_space<hbm>> -> memref<5x1x8x128xf32, #tpu.memory_space<hbm>>
    %dma_wait3A_187 = tpu.memref_squeeze %dma_wait3A_186 : memref<5x1x8x128xf32, #tpu.memory_space<hbm>> -> memref<5x8x128xf32, #tpu.memory_space<hbm>>
    tpu.wait_dma2 semaphore(%arg14 : memref<!tpu.dma_semaphore, #tpu.memory_space<semaphore_mem>>) src(%arg9 : memref<5x8x128xf32, #tpu.memory_space<vmem>>) dst(%dma_wait3A_187 : memref<5x8x128xf32, #tpu.memory_space<hbm>>)
    %scan3A_188 = arith.constant 0 : i32
    %scan3A_189 = arith.constant 0 : i32
    %scan3A_190 = arith.constant 320 : i32
    %scan3A_191 = arith.addi %scan3A_189, %scan3A_190 : i32
    %scan3A_192 = arith.constant 8 : i32
    %scan3A_193 = scf.for %scan3A_225 = %scan3A_189 to %scan3A_191 step %scan3A_192 iter_args(%scan3A_226 = %scan3A_188) -> (i32)  : i32 {
      %jit3A = arith.constant 8 : i32
      %div3A = arith.divsi %scan3A_225, %jit3A : i32
      %sign3A = arith.constant 0 : i32
      %sign3A_227 = arith.cmpi sgt, %scan3A_225, %sign3A : i32
      %sign3A_228 = arith.extui %sign3A_227 : i1 to i32
      %sign3A_229 = arith.constant 0 : i32
      %sign3A_230 = arith.cmpi slt, %scan3A_225, %sign3A_229 : i32
      %sign3A_231 = arith.extui %sign3A_230 : i1 to i32
      %sign3A_232 = arith.subi %sign3A_228, %sign3A_231 : i32
      %sign3A_233 = arith.constant 0 : i32
      %sign3A_234 = arith.cmpi sgt, %jit3A, %sign3A_233 : i32
      %sign3A_235 = arith.extui %sign3A_234 : i1 to i32
      %sign3A_236 = arith.constant 0 : i32
      %sign3A_237 = arith.cmpi slt, %jit3A, %sign3A_236 : i32
      %sign3A_238 = arith.extui %sign3A_237 : i1 to i32
      %sign3A_239 = arith.subi %sign3A_235, %sign3A_238 : i32
      %ne3A = arith.cmpi ne, %sign3A_232, %sign3A_239 : i32
      %rem3A = arith.remsi %scan3A_225, %jit3A : i32
      %ne3A_240 = arith.constant 0 : i32
      %ne3A_241 = arith.cmpi ne, %rem3A, %ne3A_240 : i32
      %and3A = arith.andi %ne3A, %ne3A_241 : i1
      %sub3A = arith.constant 1 : i32
      %sub3A_242 = arith.subi %div3A, %sub3A : i32
      %select_n3A = arith.select %and3A, %sub3A_242, %div3A : i32
      %jit3A_243 = arith.constant 8 : i32
      %eq3A_244 = arith.constant 0 : i32
      %eq3A_245 = arith.cmpi eq, %jit3A_243, %eq3A_244 : i32
      %jit3A_246 = arith.constant 1 : i32
      %select_n3A_247 = arith.select %eq3A_245, %jit3A_246, %jit3A_243 : i32
      %rem3A_248 = arith.remsi %scan3A_225, %select_n3A_247 : i32
      %ne3A_249 = arith.constant 0 : i32
      %ne3A_250 = arith.cmpi ne, %rem3A_248, %ne3A_249 : i32
      %lt3A = arith.constant 0 : i32
      %lt3A_251 = arith.cmpi slt, %rem3A_248, %lt3A : i32
      %lt3A_252 = arith.constant 0 : i32
      %lt3A_253 = arith.cmpi slt, %select_n3A_247, %lt3A_252 : i32
      %ne3A_254 = arith.xori %lt3A_251, %lt3A_253 : i1
      %and3A_255 = arith.andi %ne3A_254, %ne3A_250 : i1
      %add3A_256 = arith.addi %rem3A_248, %select_n3A_247 : i32
      %select_n3A_257 = arith.select %and3A_255, %add3A_256, %rem3A_248 : i32
      %mul3A_258 = arith.constant 16 : i32
      %mul3A_259 = arith.muli %select_n3A_257, %mul3A_258 : i32
      %get3A = arith.index_cast %select_n3A : i32 to index
      %get3A_260 = arith.index_cast %mul3A_259 : i32 to index
      %get3A_261 = tpu.vector_load %arg7[%get3A, %get3A_260] {strides = array<i32>} : memref<40x128xf32, #tpu.memory_space<vmem>>, vector<16xf32>,
      %convert_element_type3A_262 = arith.fptosi %get3A_261 : vector<16xf32> to vector<16xi32>
      %gather3A = tpu.vector_load_idx %arg5[%convert_element_type3A_262] : memref<100352xf32, #tpu.memory_space<vmem>>[vector<16xi32>], vector<16xf32>,
      %jit3A_263 = arith.constant 64 : i32
      %div3A_264 = arith.divsi %scan3A_225, %jit3A_263 : i32
      %sign3A_265 = arith.constant 0 : i32
      %sign3A_266 = arith.cmpi sgt, %scan3A_225, %sign3A_265 : i32
      %sign3A_267 = arith.extui %sign3A_266 : i1 to i32
      %sign3A_268 = arith.constant 0 : i32
      %sign3A_269 = arith.cmpi slt, %scan3A_225, %sign3A_268 : i32
      %sign3A_270 = arith.extui %sign3A_269 : i1 to i32
      %sign3A_271 = arith.subi %sign3A_267, %sign3A_270 : i32
      %sign3A_272 = arith.constant 0 : i32
      %sign3A_273 = arith.cmpi sgt, %jit3A_263, %sign3A_272 : i32
      %sign3A_274 = arith.extui %sign3A_273 : i1 to i32
      %sign3A_275 = arith.constant 0 : i32
      %sign3A_276 = arith.cmpi slt, %jit3A_263, %sign3A_275 : i32
      %sign3A_277 = arith.extui %sign3A_276 : i1 to i32
      %sign3A_278 = arith.subi %sign3A_274, %sign3A_277 : i32
      %ne3A_279 = arith.cmpi ne, %sign3A_271, %sign3A_278 : i32
      %rem3A_280 = arith.remsi %scan3A_225, %jit3A_263 : i32
      %ne3A_281 = arith.constant 0 : i32
      %ne3A_282 = arith.cmpi ne, %rem3A_280, %ne3A_281 : i32
      %and3A_283 = arith.andi %ne3A_279, %ne3A_282 : i1
      %sub3A_284 = arith.constant 1 : i32
      %sub3A_285 = arith.subi %div3A_264, %sub3A_284 : i32
      %select_n3A_286 = arith.select %and3A_283, %sub3A_285, %div3A_264 : i32
      %jit3A_287 = arith.constant 8 : i32
      %div3A_288 = arith.divsi %scan3A_225, %jit3A_287 : i32
      %sign3A_289 = arith.constant 0 : i32
      %sign3A_290 = arith.cmpi sgt, %scan3A_225, %sign3A_289 : i32
      %sign3A_291 = arith.extui %sign3A_290 : i1 to i32
      %sign3A_292 = arith.constant 0 : i32
      %sign3A_293 = arith.cmpi slt, %scan3A_225, %sign3A_292 : i32
      %sign3A_294 = arith.extui %sign3A_293 : i1 to i32
      %sign3A_295 = arith.subi %sign3A_291, %sign3A_294 : i32
      %sign3A_296 = arith.constant 0 : i32
      %sign3A_297 = arith.cmpi sgt, %jit3A_287, %sign3A_296 : i32
      %sign3A_298 = arith.extui %sign3A_297 : i1 to i32
      %sign3A_299 = arith.constant 0 : i32
      %sign3A_300 = arith.cmpi slt, %jit3A_287, %sign3A_299 : i32
      %sign3A_301 = arith.extui %sign3A_300 : i1 to i32
      %sign3A_302 = arith.subi %sign3A_298, %sign3A_301 : i32
      %ne3A_303 = arith.cmpi ne, %sign3A_295, %sign3A_302 : i32
      %rem3A_304 = arith.remsi %scan3A_225, %jit3A_287 : i32
      %ne3A_305 = arith.constant 0 : i32
      %ne3A_306 = arith.cmpi ne, %rem3A_304, %ne3A_305 : i32
      %and3A_307 = arith.andi %ne3A_303, %ne3A_306 : i1
      %sub3A_308 = arith.constant 1 : i32
      %sub3A_309 = arith.subi %div3A_288, %sub3A_308 : i32
      %select_n3A_310 = arith.select %and3A_307, %sub3A_309, %div3A_288 : i32
      %jit3A_311 = arith.constant 8 : i32
      %eq3A_312 = arith.constant 0 : i32
      %eq3A_313 = arith.cmpi eq, %jit3A_311, %eq3A_312 : i32
      %jit3A_314 = arith.constant 1 : i32
      %select_n3A_315 = arith.select %eq3A_313, %jit3A_314, %jit3A_311 : i32
      %rem3A_316 = arith.remsi %select_n3A_310, %select_n3A_315 : i32
      %ne3A_317 = arith.constant 0 : i32
      %ne3A_318 = arith.cmpi ne, %rem3A_316, %ne3A_317 : i32
      %lt3A_319 = arith.constant 0 : i32
      %lt3A_320 = arith.cmpi slt, %rem3A_316, %lt3A_319 : i32
      %lt3A_321 = arith.constant 0 : i32
      %lt3A_322 = arith.cmpi slt, %select_n3A_315, %lt3A_321 : i32
      %ne3A_323 = arith.xori %lt3A_320, %lt3A_322 : i1
      %and3A_324 = arith.andi %ne3A_323, %ne3A_318 : i1
      %add3A_325 = arith.addi %rem3A_316, %select_n3A_315 : i32
      %select_n3A_326 = arith.select %and3A_324, %add3A_325, %rem3A_316 : i32
      %swap3A = arith.index_cast %select_n3A_286 : i32 to index
      %swap3A_327 = arith.index_cast %select_n3A_326 : i32 to index
      %swap3A_328 = arith.index_cast %mul3A_259 : i32 to index
      %swap3A_329 = tpu.vector_load %arg9[%swap3A, %swap3A_327, %swap3A_328] {strides = array<i32>} : memref<5x8x128xf32, #tpu.memory_space<vmem>>, vector<16xf32>,
      tpu.vector_store %arg9[%swap3A, %swap3A_327, %swap3A_328], %gather3A {strides = array<i32>} : memref<5x8x128xf32, #tpu.memory_space<vmem>>, vector<16xf32>,
      %scan3A_330 = arith.constant 0 : i32
      %scan3A_331 = arith.constant 1 : i32
      %scan3A_332 = arith.addi %scan3A_225, %scan3A_331 : i32
      %jit3A_333 = arith.constant 8 : i32
      %div3A_334 = arith.divsi %scan3A_332, %jit3A_333 : i32
      %sign3A_335 = arith.constant 0 : i32
      %sign3A_336 = arith.cmpi sgt, %scan3A_332, %sign3A_335 : i32
      %sign3A_337 = arith.extui %sign3A_336 : i1 to i32
      %sign3A_338 = arith.constant 0 : i32
      %sign3A_339 = arith.cmpi slt, %scan3A_332, %sign3A_338 : i32
      %sign3A_340 = arith.extui %sign3A_339 : i1 to i32
      %sign3A_341 = arith.subi %sign3A_337, %sign3A_340 : i32
      %sign3A_342 = arith.constant 0 : i32
      %sign3A_343 = arith.cmpi sgt, %jit3A_333, %sign3A_342 : i32
      %sign3A_344 = arith.extui %sign3A_343 : i1 to i32
      %sign3A_345 = arith.constant 0 : i32
      %sign3A_346 = arith.cmpi slt, %jit3A_333, %sign3A_345 : i32
      %sign3A_347 = arith.extui %sign3A_346 : i1 to i32
      %sign3A_348 = arith.subi %sign3A_344, %sign3A_347 : i32
      %ne3A_349 = arith.cmpi ne, %sign3A_341, %sign3A_348 : i32
      %rem3A_350 = arith.remsi %scan3A_332, %jit3A_333 : i32
      %ne3A_351 = arith.constant 0 : i32
      %ne3A_352 = arith.cmpi ne, %rem3A_350, %ne3A_351 : i32
      %and3A_353 = arith.andi %ne3A_349, %ne3A_352 : i1
      %sub3A_354 = arith.constant 1 : i32
      %sub3A_355 = arith.subi %div3A_334, %sub3A_354 : i32
      %select_n3A_356 = arith.select %and3A_353, %sub3A_355, %div3A_334 : i32
      %jit3A_357 = arith.constant 8 : i32
      %eq3A_358 = arith.constant 0 : i32
      %eq3A_359 = arith.cmpi eq, %jit3A_357, %eq3A_358 : i32
      %jit3A_360 = arith.constant 1 : i32
      %select_n3A_361 = arith.select %eq3A_359, %jit3A_360, %jit3A_357 : i32
      %rem3A_362 = arith.remsi %scan3A_332, %select_n3A_361 : i32
      %ne3A_363 = arith.constant 0 : i32
      %ne3A_364 = arith.cmpi ne, %rem3A_362, %ne3A_363 : i32
      %lt3A_365 = arith.constant 0 : i32
      %lt3A_366 = arith.cmpi slt, %rem3A_362, %lt3A_365 : i32
      %lt3A_367 = arith.constant 0 : i32
      %lt3A_368 = arith.cmpi slt, %select_n3A_361, %lt3A_367 : i32
      %ne3A_369 = arith.xori %lt3A_366, %lt3A_368 : i1
      %and3A_370 = arith.andi %ne3A_369, %ne3A_364 : i1
      %add3A_371 = arith.addi %rem3A_362, %select_n3A_361 : i32
      %select_n3A_372 = arith.select %and3A_370, %add3A_371, %rem3A_362 : i32
      %mul3A_373 = arith.constant 16 : i32
      %mul3A_374 = arith.muli %select_n3A_372, %mul3A_373 : i32
      %get3A_375 = arith.index_cast %select_n3A_356 : i32 to index
      %get3A_376 = arith.index_cast %mul3A_374 : i32 to index
      %get3A_377 = tpu.vector_load %arg7[%get3A_375, %get3A_376] {strides = array<i32>} : memref<40x128xf32, #tpu.memory_space<vmem>>, vector<16xf32>,
      %convert_element_type3A_378 = arith.fptosi %get3A_377 : vector<16xf32> to vector<16xi32>
      %gather3A_379 = tpu.vector_load_idx %arg5[%convert_element_type3A_378] : memref<100352xf32, #tpu.memory_space<vmem>>[vector<16xi32>], vector<16xf32>,
      %jit3A_380 = arith.constant 64 : i32
      %div3A_381 = arith.divsi %scan3A_332, %jit3A_380 : i32
      %sign3A_382 = arith.constant 0 : i32
      %sign3A_383 = arith.cmpi sgt, %scan3A_332, %sign3A_382 : i32
      %sign3A_384 = arith.extui %sign3A_383 : i1 to i32
      %sign3A_385 = arith.constant 0 : i32
      %sign3A_386 = arith.cmpi slt, %scan3A_332, %sign3A_385 : i32
      %sign3A_387 = arith.extui %sign3A_386 : i1 to i32
      %sign3A_388 = arith.subi %sign3A_384, %sign3A_387 : i32
      %sign3A_389 = arith.constant 0 : i32
      %sign3A_390 = arith.cmpi sgt, %jit3A_380, %sign3A_389 : i32
      %sign3A_391 = arith.extui %sign3A_390 : i1 to i32
      %sign3A_392 = arith.constant 0 : i32
      %sign3A_393 = arith.cmpi slt, %jit3A_380, %sign3A_392 : i32
      %sign3A_394 = arith.extui %sign3A_393 : i1 to i32
      %sign3A_395 = arith.subi %sign3A_391, %sign3A_394 : i32
      %ne3A_396 = arith.cmpi ne, %sign3A_388, %sign3A_395 : i32
      %rem3A_397 = arith.remsi %scan3A_332, %jit3A_380 : i32
      %ne3A_398 = arith.constant 0 : i32
      %ne3A_399 = arith.cmpi ne, %rem3A_397, %ne3A_398 : i32
      %and3A_400 = arith.andi %ne3A_396, %ne3A_399 : i1
      %sub3A_401 = arith.constant 1 : i32
      %sub3A_402 = arith.subi %div3A_381, %sub3A_401 : i32
      %select_n3A_403 = arith.select %and3A_400, %sub3A_402, %div3A_381 : i32
      %jit3A_404 = arith.constant 8 : i32
      %div3A_405 = arith.divsi %scan3A_332, %jit3A_404 : i32
      %sign3A_406 = arith.constant 0 : i32
      %sign3A_407 = arith.cmpi sgt, %scan3A_332, %sign3A_406 : i32
      %sign3A_408 = arith.extui %sign3A_407 : i1 to i32
      %sign3A_409 = arith.constant 0 : i32
      %sign3A_410 = arith.cmpi slt, %scan3A_332, %sign3A_409 : i32
      %sign3A_411 = arith.extui %sign3A_410 : i1 to i32
      %sign3A_412 = arith.subi %sign3A_408, %sign3A_411 : i32
      %sign3A_413 = arith.constant 0 : i32
      %sign3A_414 = arith.cmpi sgt, %jit3A_404, %sign3A_413 : i32
      %sign3A_415 = arith.extui %sign3A_414 : i1 to i32
      %sign3A_416 = arith.constant 0 : i32
      %sign3A_417 = arith.cmpi slt, %jit3A_404, %sign3A_416 : i32
      %sign3A_418 = arith.extui %sign3A_417 : i1 to i32
      %sign3A_419 = arith.subi %sign3A_415, %sign3A_418 : i32
      %ne3A_420 = arith.cmpi ne, %sign3A_412, %sign3A_419 : i32
      %rem3A_421 = arith.remsi %scan3A_332, %jit3A_404 : i32
      %ne3A_422 = arith.constant 0 : i32
      %ne3A_423 = arith.cmpi ne, %rem3A_421, %ne3A_422 : i32
      %and3A_424 = arith.andi %ne3A_420, %ne3A_423 : i1
      %sub3A_425 = arith.constant 1 : i32
      %sub3A_426 = arith.subi %div3A_405, %sub3A_425 : i32
      %select_n3A_427 = arith.select %and3A_424, %sub3A_426, %div3A_405 : i32
      %jit3A_428 = arith.constant 8 : i32
      %eq3A_429 = arith.constant 0 : i32
      %eq3A_430 = arith.cmpi eq, %jit3A_428, %eq3A_429 : i32
      %jit3A_431 = arith.constant 1 : i32
      %select_n3A_432 = arith.select %eq3A_430, %jit3A_431, %jit3A_428 : i32
      %rem3A_433 = arith.remsi %select_n3A_427, %select_n3A_432 : i32
      %ne3A_434 = arith.constant 0 : i32
      %ne3A_435 = arith.cmpi ne, %rem3A_433, %ne3A_434 : i32
      %lt3A_436 = arith.constant 0 : i32
      %lt3A_437 = arith.cmpi slt, %rem3A_433, %lt3A_436 : i32
      %lt3A_438 = arith.constant 0 : i32
      %lt3A_439 = arith.cmpi slt, %select_n3A_432, %lt3A_438 : i32
      %ne3A_440 = arith.xori %lt3A_437, %lt3A_439 : i1
      %and3A_441 = arith.andi %ne3A_440, %ne3A_435 : i1
      %add3A_442 = arith.addi %rem3A_433, %select_n3A_432 : i32
      %select_n3A_443 = arith.select %and3A_441, %add3A_442, %rem3A_433 : i32
      %swap3A_444 = arith.index_cast %select_n3A_403 : i32 to index
      %swap3A_445 = arith.index_cast %select_n3A_443 : i32 to index
      %swap3A_446 = arith.index_cast %mul3A_374 : i32 to index
      %swap3A_447 = tpu.vector_load %arg9[%swap3A_444, %swap3A_445, %swap3A_446] {strides = array<i32>} : memref<5x8x128xf32, #tpu.memory_space<vmem>>, vector<16xf32>,
      tpu.vector_store %arg9[%swap3A_444, %swap3A_445, %swap3A_446], %gather3A_379 {strides = array<i32>} : memref<5x8x128xf32, #tpu.memory_space<vmem>>, vector<16xf32>,
      %scan3A_448 = arith.constant 0 : i32
      %scan3A_449 = arith.constant 2 : i32
      %scan3A_450 = arith.addi %scan3A_225, %scan3A_449 : i32
      %jit3A_451 = arith.constant 8 : i32
      %div3A_452 = arith.divsi %scan3A_450, %jit3A_451 : i32
      %sign3A_453 = arith.constant 0 : i32
      %sign3A_454 = arith.cmpi sgt, %scan3A_450, %sign3A_453 : i32
      %sign3A_455 = arith.extui %sign3A_454 : i1 to i32
      %sign3A_456 = arith.constant 0 : i32
      %sign3A_457 = arith.cmpi slt, %scan3A_450, %sign3A_456 : i32
      %sign3A_458 = arith.extui %sign3A_457 : i1 to i32
      %sign3A_459 = arith.subi %sign3A_455, %sign3A_458 : i32
      %sign3A_460 = arith.constant 0 : i32
      %sign3A_461 = arith.cmpi sgt, %jit3A_451, %sign3A_460 : i32
      %sign3A_462 = arith.extui %sign3A_461 : i1 to i32
      %sign3A_463 = arith.constant 0 : i32
      %sign3A_464 = arith.cmpi slt, %jit3A_451, %sign3A_463 : i32
      %sign3A_465 = arith.extui %sign3A_464 : i1 to i32
      %sign3A_466 = arith.subi %sign3A_462, %sign3A_465 : i32
      %ne3A_467 = arith.cmpi ne, %sign3A_459, %sign3A_466 : i32
      %rem3A_468 = arith.remsi %scan3A_450, %jit3A_451 : i32
      %ne3A_469 = arith.constant 0 : i32
      %ne3A_470 = arith.cmpi ne, %rem3A_468, %ne3A_469 : i32
      %and3A_471 = arith.andi %ne3A_467, %ne3A_470 : i1
      %sub3A_472 = arith.constant 1 : i32
      %sub3A_473 = arith.subi %div3A_452, %sub3A_472 : i32
      %select_n3A_474 = arith.select %and3A_471, %sub3A_473, %div3A_452 : i32
      %jit3A_475 = arith.constant 8 : i32
      %eq3A_476 = arith.constant 0 : i32
      %eq3A_477 = arith.cmpi eq, %jit3A_475, %eq3A_476 : i32
      %jit3A_478 = arith.constant 1 : i32
      %select_n3A_479 = arith.select %eq3A_477, %jit3A_478, %jit3A_475 : i32
      %rem3A_480 = arith.remsi %scan3A_450, %select_n3A_479 : i32
      %ne3A_481 = arith.constant 0 : i32
      %ne3A_482 = arith.cmpi ne, %rem3A_480, %ne3A_481 : i32
      %lt3A_483 = arith.constant 0 : i32
      %lt3A_484 = arith.cmpi slt, %rem3A_480, %lt3A_483 : i32
      %lt3A_485 = arith.constant 0 : i32
      %lt3A_486 = arith.cmpi slt, %select_n3A_479, %lt3A_485 : i32
      %ne3A_487 = arith.xori %lt3A_484, %lt3A_486 : i1
      %and3A_488 = arith.andi %ne3A_487, %ne3A_482 : i1
      %add3A_489 = arith.addi %rem3A_480, %select_n3A_479 : i32
      %select_n3A_490 = arith.select %and3A_488, %add3A_489, %rem3A_480 : i32
      %mul3A_491 = arith.constant 16 : i32
      %mul3A_492 = arith.muli %select_n3A_490, %mul3A_491 : i32
      %get3A_493 = arith.index_cast %select_n3A_474 : i32 to index
      %get3A_494 = arith.index_cast %mul3A_492 : i32 to index
      %get3A_495 = tpu.vector_load %arg7[%get3A_493, %get3A_494] {strides = array<i32>} : memref<40x128xf32, #tpu.memory_space<vmem>>, vector<16xf32>,
      %convert_element_type3A_496 = arith.fptosi %get3A_495 : vector<16xf32> to vector<16xi32>
      %gather3A_497 = tpu.vector_load_idx %arg5[%convert_element_type3A_496] : memref<100352xf32, #tpu.memory_space<vmem>>[vector<16xi32>], vector<16xf32>,
      %jit3A_498 = arith.constant 64 : i32
      %div3A_499 = arith.divsi %scan3A_450, %jit3A_498 : i32
      %sign3A_500 = arith.constant 0 : i32
      %sign3A_501 = arith.cmpi sgt, %scan3A_450, %sign3A_500 : i32
      %sign3A_502 = arith.extui %sign3A_501 : i1 to i32
      %sign3A_503 = arith.constant 0 : i32
      %sign3A_504 = arith.cmpi slt, %scan3A_450, %sign3A_503 : i32
      %sign3A_505 = arith.extui %sign3A_504 : i1 to i32
      %sign3A_506 = arith.subi %sign3A_502, %sign3A_505 : i32
      %sign3A_507 = arith.constant 0 : i32
      %sign3A_508 = arith.cmpi sgt, %jit3A_498, %sign3A_507 : i32
      %sign3A_509 = arith.extui %sign3A_508 : i1 to i32
      %sign3A_510 = arith.constant 0 : i32
      %sign3A_511 = arith.cmpi slt, %jit3A_498, %sign3A_510 : i32
      %sign3A_512 = arith.extui %sign3A_511 : i1 to i32
      %sign3A_513 = arith.subi %sign3A_509, %sign3A_512 : i32
      %ne3A_514 = arith.cmpi ne, %sign3A_506, %sign3A_513 : i32
      %rem3A_515 = arith.remsi %scan3A_450, %jit3A_498 : i32
      %ne3A_516 = arith.constant 0 : i32
      %ne3A_517 = arith.cmpi ne, %rem3A_515, %ne3A_516 : i32
      %and3A_518 = arith.andi %ne3A_514, %ne3A_517 : i1
      %sub3A_519 = arith.constant 1 : i32
      %sub3A_520 = arith.subi %div3A_499, %sub3A_519 : i32
      %select_n3A_521 = arith.select %and3A_518, %sub3A_520, %div3A_499 : i32
      %jit3A_522 = arith.constant 8 : i32
      %div3A_523 = arith.divsi %scan3A_450, %jit3A_522 : i32
      %sign3A_524 = arith.constant 0 : i32
      %sign3A_525 = arith.cmpi sgt, %scan3A_450, %sign3A_524 : i32
      %sign3A_526 = arith.extui %sign3A_525 : i1 to i32
      %sign3A_527 = arith.constant 0 : i32
      %sign3A_528 = arith.cmpi slt, %scan3A_450, %sign3A_527 : i32
      %sign3A_529 = arith.extui %sign3A_528 : i1 to i32
      %sign3A_530 = arith.subi %sign3A_526, %sign3A_529 : i32
      %sign3A_531 = arith.constant 0 : i32
      %sign3A_532 = arith.cmpi sgt, %jit3A_522, %sign3A_531 : i32
      %sign3A_533 = arith.extui %sign3A_532 : i1 to i32
      %sign3A_534 = arith.constant 0 : i32
      %sign3A_535 = arith.cmpi slt, %jit3A_522, %sign3A_534 : i32
      %sign3A_536 = arith.extui %sign3A_535 : i1 to i32
      %sign3A_537 = arith.subi %sign3A_533, %sign3A_536 : i32
      %ne3A_538 = arith.cmpi ne, %sign3A_530, %sign3A_537 : i32
      %rem3A_539 = arith.remsi %scan3A_450, %jit3A_522 : i32
      %ne3A_540 = arith.constant 0 : i32
      %ne3A_541 = arith.cmpi ne, %rem3A_539, %ne3A_540 : i32
      %and3A_542 = arith.andi %ne3A_538, %ne3A_541 : i1
      %sub3A_543 = arith.constant 1 : i32
      %sub3A_544 = arith.subi %div3A_523, %sub3A_543 : i32
      %select_n3A_545 = arith.select %and3A_542, %sub3A_544, %div3A_523 : i32
      %jit3A_546 = arith.constant 8 : i32
      %eq3A_547 = arith.constant 0 : i32
      %eq3A_548 = arith.cmpi eq, %jit3A_546, %eq3A_547 : i32
      %jit3A_549 = arith.constant 1 : i32
      %select_n3A_550 = arith.select %eq3A_548, %jit3A_549, %jit3A_546 : i32
      %rem3A_551 = arith.remsi %select_n3A_545, %select_n3A_550 : i32
      %ne3A_552 = arith.constant 0 : i32
      %ne3A_553 = arith.cmpi ne, %rem3A_551, %ne3A_552 : i32
      %lt3A_554 = arith.constant 0 : i32
      %lt3A_555 = arith.cmpi slt, %rem3A_551, %lt3A_554 : i32
      %lt3A_556 = arith.constant 0 : i32
      %lt3A_557 = arith.cmpi slt, %select_n3A_550, %lt3A_556 : i32
      %ne3A_558 = arith.xori %lt3A_555, %lt3A_557 : i1
      %and3A_559 = arith.andi %ne3A_558, %ne3A_553 : i1
      %add3A_560 = arith.addi %rem3A_551, %select_n3A_550 : i32
      %select_n3A_561 = arith.select %and3A_559, %add3A_560, %rem3A_551 : i32
      %swap3A_562 = arith.index_cast %select_n3A_521 : i32 to index
      %swap3A_563 = arith.index_cast %select_n3A_561 : i32 to index
      %swap3A_564 = arith.index_cast %mul3A_492 : i32 to index
      %swap3A_565 = tpu.vector_load %arg9[%swap3A_562, %swap3A_563, %swap3A_564] {strides = array<i32>} : memref<5x8x128xf32, #tpu.memory_space<vmem>>, vector<16xf32>,
      tpu.vector_store %arg9[%swap3A_562, %swap3A_563, %swap3A_564], %gather3A_497 {strides = array<i32>} : memref<5x8x128xf32, #tpu.memory_space<vmem>>, vector<16xf32>,
      %scan3A_566 = arith.constant 0 : i32
      %scan3A_567 = arith.constant 3 : i32
      %scan3A_568 = arith.addi %scan3A_225, %scan3A_567 : i32
      %jit3A_569 = arith.constant 8 : i32
      %div3A_570 = arith.divsi %scan3A_568, %jit3A_569 : i32
      %sign3A_571 = arith.constant 0 : i32
      %sign3A_572 = arith.cmpi sgt, %scan3A_568, %sign3A_571 : i32
      %sign3A_573 = arith.extui %sign3A_572 : i1 to i32
      %sign3A_574 = arith.constant 0 : i32
      %sign3A_575 = arith.cmpi slt, %scan3A_568, %sign3A_574 : i32
      %sign3A_576 = arith.extui %sign3A_575 : i1 to i32
      %sign3A_577 = arith.subi %sign3A_573, %sign3A_576 : i32
      %sign3A_578 = arith.constant 0 : i32
      %sign3A_579 = arith.cmpi sgt, %jit3A_569, %sign3A_578 : i32
      %sign3A_580 = arith.extui %sign3A_579 : i1 to i32
      %sign3A_581 = arith.constant 0 : i32
      %sign3A_582 = arith.cmpi slt, %jit3A_569, %sign3A_581 : i32
      %sign3A_583 = arith.extui %sign3A_582 : i1 to i32
      %sign3A_584 = arith.subi %sign3A_580, %sign3A_583 : i32
      %ne3A_585 = arith.cmpi ne, %sign3A_577, %sign3A_584 : i32
      %rem3A_586 = arith.remsi %scan3A_568, %jit3A_569 : i32
      %ne3A_587 = arith.constant 0 : i32
      %ne3A_588 = arith.cmpi ne, %rem3A_586, %ne3A_587 : i32
      %and3A_589 = arith.andi %ne3A_585, %ne3A_588 : i1
      %sub3A_590 = arith.constant 1 : i32
      %sub3A_591 = arith.subi %div3A_570, %sub3A_590 : i32
      %select_n3A_592 = arith.select %and3A_589, %sub3A_591, %div3A_570 : i32
      %jit3A_593 = arith.constant 8 : i32
      %eq3A_594 = arith.constant 0 : i32
      %eq3A_595 = arith.cmpi eq, %jit3A_593, %eq3A_594 : i32
      %jit3A_596 = arith.constant 1 : i32
      %select_n3A_597 = arith.select %eq3A_595, %jit3A_596, %jit3A_593 : i32
      %rem3A_598 = arith.remsi %scan3A_568, %select_n3A_597 : i32
      %ne3A_599 = arith.constant 0 : i32
      %ne3A_600 = arith.cmpi ne, %rem3A_598, %ne3A_599 : i32
      %lt3A_601 = arith.constant 0 : i32
      %lt3A_602 = arith.cmpi slt, %rem3A_598, %lt3A_601 : i32
      %lt3A_603 = arith.constant 0 : i32
      %lt3A_604 = arith.cmpi slt, %select_n3A_597, %lt3A_603 : i32
      %ne3A_605 = arith.xori %lt3A_602, %lt3A_604 : i1
      %and3A_606 = arith.andi %ne3A_605, %ne3A_600 : i1
      %add3A_607 = arith.addi %rem3A_598, %select_n3A_597 : i32
      %select_n3A_608 = arith.select %and3A_606, %add3A_607, %rem3A_598 : i32
      %mul3A_609 = arith.constant 16 : i32
      %mul3A_610 = arith.muli %select_n3A_608, %mul3A_609 : i32
      %get3A_611 = arith.index_cast %select_n3A_592 : i32 to index
      %get3A_612 = arith.index_cast %mul3A_610 : i32 to index
      %get3A_613 = tpu.vector_load %arg7[%get3A_611, %get3A_612] {strides = array<i32>} : memref<40x128xf32, #tpu.memory_space<vmem>>, vector<16xf32>,
      %convert_element_type3A_614 = arith.fptosi %get3A_613 : vector<16xf32> to vector<16xi32>
      %gather3A_615 = tpu.vector_load_idx %arg5[%convert_element_type3A_614] : memref<100352xf32, #tpu.memory_space<vmem>>[vector<16xi32>], vector<16xf32>,
      %jit3A_616 = arith.constant 64 : i32
      %div3A_617 = arith.divsi %scan3A_568, %jit3A_616 : i32
      %sign3A_618 = arith.constant 0 : i32
      %sign3A_619 = arith.cmpi sgt, %scan3A_568, %sign3A_618 : i32
      %sign3A_620 = arith.extui %sign3A_619 : i1 to i32
      %sign3A_621 = arith.constant 0 : i32
      %sign3A_622 = arith.cmpi slt, %scan3A_568, %sign3A_621 : i32
      %sign3A_623 = arith.extui %sign3A_622 : i1 to i32
      %sign3A_624 = arith.subi %sign3A_620, %sign3A_623 : i32
      %sign3A_625 = arith.constant 0 : i32
      %sign3A_626 = arith.cmpi sgt, %jit3A_616, %sign3A_625 : i32
      %sign3A_627 = arith.extui %sign3A_626 : i1 to i32
      %sign3A_628 = arith.constant 0 : i32
      %sign3A_629 = arith.cmpi slt, %jit3A_616, %sign3A_628 : i32
      %sign3A_630 = arith.extui %sign3A_629 : i1 to i32
      %sign3A_631 = arith.subi %sign3A_627, %sign3A_630 : i32
      %ne3A_632 = arith.cmpi ne, %sign3A_624, %sign3A_631 : i32
      %rem3A_633 = arith.remsi %scan3A_568, %jit3A_616 : i32
      %ne3A_634 = arith.constant 0 : i32
      %ne3A_635 = arith.cmpi ne, %rem3A_633, %ne3A_634 : i32
      %and3A_636 = arith.andi %ne3A_632, %ne3A_635 : i1
      %sub3A_637 = arith.constant 1 : i32
      %sub3A_638 = arith.subi %div3A_617, %sub3A_637 : i32
      %select_n3A_639 = arith.select %and3A_636, %sub3A_638, %div3A_617 : i32
      %jit3A_640 = arith.constant 8 : i32
      %div3A_641 = arith.divsi %scan3A_568, %jit3A_640 : i32
      %sign3A_642 = arith.constant 0 : i32
      %sign3A_643 = arith.cmpi sgt, %scan3A_568, %sign3A_642 : i32
      %sign3A_644 = arith.extui %sign3A_643 : i1 to i32
      %sign3A_645 = arith.constant 0 : i32
      %sign3A_646 = arith.cmpi slt, %scan3A_568, %sign3A_645 : i32
      %sign3A_647 = arith.extui %sign3A_646 : i1 to i32
      %sign3A_648 = arith.subi %sign3A_644, %sign3A_647 : i32
      %sign3A_649 = arith.constant 0 : i32
      %sign3A_650 = arith.cmpi sgt, %jit3A_640, %sign3A_649 : i32
      %sign3A_651 = arith.extui %sign3A_650 : i1 to i32
      %sign3A_652 = arith.constant 0 : i32
      %sign3A_653 = arith.cmpi slt, %jit3A_640, %sign3A_652 : i32
      %sign3A_654 = arith.extui %sign3A_653 : i1 to i32
      %sign3A_655 = arith.subi %sign3A_651, %sign3A_654 : i32
      %ne3A_656 = arith.cmpi ne, %sign3A_648, %sign3A_655 : i32
      %rem3A_657 = arith.remsi %scan3A_568, %jit3A_640 : i32
      %ne3A_658 = arith.constant 0 : i32
      %ne3A_659 = arith.cmpi ne, %rem3A_657, %ne3A_658 : i32
      %and3A_660 = arith.andi %ne3A_656, %ne3A_659 : i1
      %sub3A_661 = arith.constant 1 : i32
      %sub3A_662 = arith.subi %div3A_641, %sub3A_661 : i32
      %select_n3A_663 = arith.select %and3A_660, %sub3A_662, %div3A_641 : i32
      %jit3A_664 = arith.constant 8 : i32
      %eq3A_665 = arith.constant 0 : i32
      %eq3A_666 = arith.cmpi eq, %jit3A_664, %eq3A_665 : i32
      %jit3A_667 = arith.constant 1 : i32
      %select_n3A_668 = arith.select %eq3A_666, %jit3A_667, %jit3A_664 : i32
      %rem3A_669 = arith.remsi %select_n3A_663, %select_n3A_668 : i32
      %ne3A_670 = arith.constant 0 : i32
      %ne3A_671 = arith.cmpi ne, %rem3A_669, %ne3A_670 : i32
      %lt3A_672 = arith.constant 0 : i32
      %lt3A_673 = arith.cmpi slt, %rem3A_669, %lt3A_672 : i32
      %lt3A_674 = arith.constant 0 : i32
      %lt3A_675 = arith.cmpi slt, %select_n3A_668, %lt3A_674 : i32
      %ne3A_676 = arith.xori %lt3A_673, %lt3A_675 : i1
      %and3A_677 = arith.andi %ne3A_676, %ne3A_671 : i1
      %add3A_678 = arith.addi %rem3A_669, %select_n3A_668 : i32
      %select_n3A_679 = arith.select %and3A_677, %add3A_678, %rem3A_669 : i32
      %swap3A_680 = arith.index_cast %select_n3A_639 : i32 to index
      %swap3A_681 = arith.index_cast %select_n3A_679 : i32 to index
      %swap3A_682 = arith.index_cast %mul3A_610 : i32 to index
      %swap3A_683 = tpu.vector_load %arg9[%swap3A_680, %swap3A_681, %swap3A_682] {strides = array<i32>} : memref<5x8x128xf32, #tpu.memory_space<vmem>>, vector<16xf32>,
      tpu.vector_store %arg9[%swap3A_680, %swap3A_681, %swap3A_682], %gather3A_615 {strides = array<i32>} : memref<5x8x128xf32, #tpu.memory_space<vmem>>, vector<16xf32>,
      %scan3A_684 = arith.constant 0 : i32
      %scan3A_685 = arith.constant 4 : i32
      %scan3A_686 = arith.addi %scan3A_225, %scan3A_685 : i32
      %jit3A_687 = arith.constant 8 : i32
      %div3A_688 = arith.divsi %scan3A_686, %jit3A_687 : i32
      %sign3A_689 = arith.constant 0 : i32
      %sign3A_690 = arith.cmpi sgt, %scan3A_686, %sign3A_689 : i32
      %sign3A_691 = arith.extui %sign3A_690 : i1 to i32
      %sign3A_692 = arith.constant 0 : i32
      %sign3A_693 = arith.cmpi slt, %scan3A_686, %sign3A_692 : i32
      %sign3A_694 = arith.extui %sign3A_693 : i1 to i32
      %sign3A_695 = arith.subi %sign3A_691, %sign3A_694 : i32
      %sign3A_696 = arith.constant 0 : i32
      %sign3A_697 = arith.cmpi sgt, %jit3A_687, %sign3A_696 : i32
      %sign3A_698 = arith.extui %sign3A_697 : i1 to i32
      %sign3A_699 = arith.constant 0 : i32
      %sign3A_700 = arith.cmpi slt, %jit3A_687, %sign3A_699 : i32
      %sign3A_701 = arith.extui %sign3A_700 : i1 to i32
      %sign3A_702 = arith.subi %sign3A_698, %sign3A_701 : i32
      %ne3A_703 = arith.cmpi ne, %sign3A_695, %sign3A_702 : i32
      %rem3A_704 = arith.remsi %scan3A_686, %jit3A_687 : i32
      %ne3A_705 = arith.constant 0 : i32
      %ne3A_706 = arith.cmpi ne, %rem3A_704, %ne3A_705 : i32
      %and3A_707 = arith.andi %ne3A_703, %ne3A_706 : i1
      %sub3A_708 = arith.constant 1 : i32
      %sub3A_709 = arith.subi %div3A_688, %sub3A_708 : i32
      %select_n3A_710 = arith.select %and3A_707, %sub3A_709, %div3A_688 : i32
      %jit3A_711 = arith.constant 8 : i32
      %eq3A_712 = arith.constant 0 : i32
      %eq3A_713 = arith.cmpi eq, %jit3A_711, %eq3A_712 : i32
      %jit3A_714 = arith.constant 1 : i32
      %select_n3A_715 = arith.select %eq3A_713, %jit3A_714, %jit3A_711 : i32
      %rem3A_716 = arith.remsi %scan3A_686, %select_n3A_715 : i32
      %ne3A_717 = arith.constant 0 : i32
      %ne3A_718 = arith.cmpi ne, %rem3A_716, %ne3A_717 : i32
      %lt3A_719 = arith.constant 0 : i32
      %lt3A_720 = arith.cmpi slt, %rem3A_716, %lt3A_719 : i32
      %lt3A_721 = arith.constant 0 : i32
      %lt3A_722 = arith.cmpi slt, %select_n3A_715, %lt3A_721 : i32
      %ne3A_723 = arith.xori %lt3A_720, %lt3A_722 : i1
      %and3A_724 = arith.andi %ne3A_723, %ne3A_718 : i1
      %add3A_725 = arith.addi %rem3A_716, %select_n3A_715 : i32
      %select_n3A_726 = arith.select %and3A_724, %add3A_725, %rem3A_716 : i32
      %mul3A_727 = arith.constant 16 : i32
      %mul3A_728 = arith.muli %select_n3A_726, %mul3A_727 : i32
      %get3A_729 = arith.index_cast %select_n3A_710 : i32 to index
      %get3A_730 = arith.index_cast %mul3A_728 : i32 to index
      %get3A_731 = tpu.vector_load %arg7[%get3A_729, %get3A_730] {strides = array<i32>} : memref<40x128xf32, #tpu.memory_space<vmem>>, vector<16xf32>,
      %convert_element_type3A_732 = arith.fptosi %get3A_731 : vector<16xf32> to vector<16xi32>
      %gather3A_733 = tpu.vector_load_idx %arg5[%convert_element_type3A_732] : memref<100352xf32, #tpu.memory_space<vmem>>[vector<16xi32>], vector<16xf32>,
      %jit3A_734 = arith.constant 64 : i32
      %div3A_735 = arith.divsi %scan3A_686, %jit3A_734 : i32
      %sign3A_736 = arith.constant 0 : i32
      %sign3A_737 = arith.cmpi sgt, %scan3A_686, %sign3A_736 : i32
      %sign3A_738 = arith.extui %sign3A_737 : i1 to i32
      %sign3A_739 = arith.constant 0 : i32
      %sign3A_740 = arith.cmpi slt, %scan3A_686, %sign3A_739 : i32
      %sign3A_741 = arith.extui %sign3A_740 : i1 to i32
      %sign3A_742 = arith.subi %sign3A_738, %sign3A_741 : i32
      %sign3A_743 = arith.constant 0 : i32
      %sign3A_744 = arith.cmpi sgt, %jit3A_734, %sign3A_743 : i32
      %sign3A_745 = arith.extui %sign3A_744 : i1 to i32
      %sign3A_746 = arith.constant 0 : i32
      %sign3A_747 = arith.cmpi slt, %jit3A_734, %sign3A_746 : i32
      %sign3A_748 = arith.extui %sign3A_747 : i1 to i32
      %sign3A_749 = arith.subi %sign3A_745, %sign3A_748 : i32
      %ne3A_750 = arith.cmpi ne, %sign3A_742, %sign3A_749 : i32
      %rem3A_751 = arith.remsi %scan3A_686, %jit3A_734 : i32
      %ne3A_752 = arith.constant 0 : i32
      %ne3A_753 = arith.cmpi ne, %rem3A_751, %ne3A_752 : i32
      %and3A_754 = arith.andi %ne3A_750, %ne3A_753 : i1
      %sub3A_755 = arith.constant 1 : i32
      %sub3A_756 = arith.subi %div3A_735, %sub3A_755 : i32
      %select_n3A_757 = arith.select %and3A_754, %sub3A_756, %div3A_735 : i32
      %jit3A_758 = arith.constant 8 : i32
      %div3A_759 = arith.divsi %scan3A_686, %jit3A_758 : i32
      %sign3A_760 = arith.constant 0 : i32
      %sign3A_761 = arith.cmpi sgt, %scan3A_686, %sign3A_760 : i32
      %sign3A_762 = arith.extui %sign3A_761 : i1 to i32
      %sign3A_763 = arith.constant 0 : i32
      %sign3A_764 = arith.cmpi slt, %scan3A_686, %sign3A_763 : i32
      %sign3A_765 = arith.extui %sign3A_764 : i1 to i32
      %sign3A_766 = arith.subi %sign3A_762, %sign3A_765 : i32
      %sign3A_767 = arith.constant 0 : i32
      %sign3A_768 = arith.cmpi sgt, %jit3A_758, %sign3A_767 : i32
      %sign3A_769 = arith.extui %sign3A_768 : i1 to i32
      %sign3A_770 = arith.constant 0 : i32
      %sign3A_771 = arith.cmpi slt, %jit3A_758, %sign3A_770 : i32
      %sign3A_772 = arith.extui %sign3A_771 : i1 to i32
      %sign3A_773 = arith.subi %sign3A_769, %sign3A_772 : i32
      %ne3A_774 = arith.cmpi ne, %sign3A_766, %sign3A_773 : i32
      %rem3A_775 = arith.remsi %scan3A_686, %jit3A_758 : i32
      %ne3A_776 = arith.constant 0 : i32
      %ne3A_777 = arith.cmpi ne, %rem3A_775, %ne3A_776 : i32
      %and3A_778 = arith.andi %ne3A_774, %ne3A_777 : i1
      %sub3A_779 = arith.constant 1 : i32
      %sub3A_780 = arith.subi %div3A_759, %sub3A_779 : i32
      %select_n3A_781 = arith.select %and3A_778, %sub3A_780, %div3A_759 : i32
      %jit3A_782 = arith.constant 8 : i32
      %eq3A_783 = arith.constant 0 : i32
      %eq3A_784 = arith.cmpi eq, %jit3A_782, %eq3A_783 : i32
      %jit3A_785 = arith.constant 1 : i32
      %select_n3A_786 = arith.select %eq3A_784, %jit3A_785, %jit3A_782 : i32
      %rem3A_787 = arith.remsi %select_n3A_781, %select_n3A_786 : i32
      %ne3A_788 = arith.constant 0 : i32
      %ne3A_789 = arith.cmpi ne, %rem3A_787, %ne3A_788 : i32
      %lt3A_790 = arith.constant 0 : i32
      %lt3A_791 = arith.cmpi slt, %rem3A_787, %lt3A_790 : i32
      %lt3A_792 = arith.constant 0 : i32
      %lt3A_793 = arith.cmpi slt, %select_n3A_786, %lt3A_792 : i32
      %ne3A_794 = arith.xori %lt3A_791, %lt3A_793 : i1
      %and3A_795 = arith.andi %ne3A_794, %ne3A_789 : i1
      %add3A_796 = arith.addi %rem3A_787, %select_n3A_786 : i32
      %select_n3A_797 = arith.select %and3A_795, %add3A_796, %rem3A_787 : i32
      %swap3A_798 = arith.index_cast %select_n3A_757 : i32 to index
      %swap3A_799 = arith.index_cast %select_n3A_797 : i32 to index
      %swap3A_800 = arith.index_cast %mul3A_728 : i32 to index
      %swap3A_801 = tpu.vector_load %arg9[%swap3A_798, %swap3A_799, %swap3A_800] {strides = array<i32>} : memref<5x8x128xf32, #tpu.memory_space<vmem>>, vector<16xf32>,
      tpu.vector_store %arg9[%swap3A_798, %swap3A_799, %swap3A_800], %gather3A_733 {strides = array<i32>} : memref<5x8x128xf32, #tpu.memory_space<vmem>>, vector<16xf32>,
      %scan3A_802 = arith.constant 0 : i32
      %scan3A_803 = arith.constant 5 : i32
      %scan3A_804 = arith.addi %scan3A_225, %scan3A_803 : i32
      %jit3A_805 = arith.constant 8 : i32
      %div3A_806 = arith.divsi %scan3A_804, %jit3A_805 : i32
      %sign3A_807 = arith.constant 0 : i32
      %sign3A_808 = arith.cmpi sgt, %scan3A_804, %sign3A_807 : i32
      %sign3A_809 = arith.extui %sign3A_808 : i1 to i32
      %sign3A_810 = arith.constant 0 : i32
      %sign3A_811 = arith.cmpi slt, %scan3A_804, %sign3A_810 : i32
      %sign3A_812 = arith.extui %sign3A_811 : i1 to i32
      %sign3A_813 = arith.subi %sign3A_809, %sign3A_812 : i32
      %sign3A_814 = arith.constant 0 : i32
      %sign3A_815 = arith.cmpi sgt, %jit3A_805, %sign3A_814 : i32
      %sign3A_816 = arith.extui %sign3A_815 : i1 to i32
      %sign3A_817 = arith.constant 0 : i32
      %sign3A_818 = arith.cmpi slt, %jit3A_805, %sign3A_817 : i32
      %sign3A_819 = arith.extui %sign3A_818 : i1 to i32
      %sign3A_820 = arith.subi %sign3A_816, %sign3A_819 : i32
      %ne3A_821 = arith.cmpi ne, %sign3A_813, %sign3A_820 : i32
      %rem3A_822 = arith.remsi %scan3A_804, %jit3A_805 : i32
      %ne3A_823 = arith.constant 0 : i32
      %ne3A_824 = arith.cmpi ne, %rem3A_822, %ne3A_823 : i32
      %and3A_825 = arith.andi %ne3A_821, %ne3A_824 : i1
      %sub3A_826 = arith.constant 1 : i32
      %sub3A_827 = arith.subi %div3A_806, %sub3A_826 : i32
      %select_n3A_828 = arith.select %and3A_825, %sub3A_827, %div3A_806 : i32
      %jit3A_829 = arith.constant 8 : i32
      %eq3A_830 = arith.constant 0 : i32
      %eq3A_831 = arith.cmpi eq, %jit3A_829, %eq3A_830 : i32
      %jit3A_832 = arith.constant 1 : i32
      %select_n3A_833 = arith.select %eq3A_831, %jit3A_832, %jit3A_829 : i32
      %rem3A_834 = arith.remsi %scan3A_804, %select_n3A_833 : i32
      %ne3A_835 = arith.constant 0 : i32
      %ne3A_836 = arith.cmpi ne, %rem3A_834, %ne3A_835 : i32
      %lt3A_837 = arith.constant 0 : i32
      %lt3A_838 = arith.cmpi slt, %rem3A_834, %lt3A_837 : i32
      %lt3A_839 = arith.constant 0 : i32
      %lt3A_840 = arith.cmpi slt, %select_n3A_833, %lt3A_839 : i32
      %ne3A_841 = arith.xori %lt3A_838, %lt3A_840 : i1
      %and3A_842 = arith.andi %ne3A_841, %ne3A_836 : i1
      %add3A_843 = arith.addi %rem3A_834, %select_n3A_833 : i32
      %select_n3A_844 = arith.select %and3A_842, %add3A_843, %rem3A_834 : i32
      %mul3A_845 = arith.constant 16 : i32
      %mul3A_846 = arith.muli %select_n3A_844, %mul3A_845 : i32
      %get3A_847 = arith.index_cast %select_n3A_828 : i32 to index
      %get3A_848 = arith.index_cast %mul3A_846 : i32 to index
      %get3A_849 = tpu.vector_load %arg7[%get3A_847, %get3A_848] {strides = array<i32>} : memref<40x128xf32, #tpu.memory_space<vmem>>, vector<16xf32>,
      %convert_element_type3A_850 = arith.fptosi %get3A_849 : vector<16xf32> to vector<16xi32>
      %gather3A_851 = tpu.vector_load_idx %arg5[%convert_element_type3A_850] : memref<100352xf32, #tpu.memory_space<vmem>>[vector<16xi32>], vector<16xf32>,
      %jit3A_852 = arith.constant 64 : i32
      %div3A_853 = arith.divsi %scan3A_804, %jit3A_852 : i32
      %sign3A_854 = arith.constant 0 : i32
      %sign3A_855 = arith.cmpi sgt, %scan3A_804, %sign3A_854 : i32
      %sign3A_856 = arith.extui %sign3A_855 : i1 to i32
      %sign3A_857 = arith.constant 0 : i32
      %sign3A_858 = arith.cmpi slt, %scan3A_804, %sign3A_857 : i32
      %sign3A_859 = arith.extui %sign3A_858 : i1 to i32
      %sign3A_860 = arith.subi %sign3A_856, %sign3A_859 : i32
      %sign3A_861 = arith.constant 0 : i32
      %sign3A_862 = arith.cmpi sgt, %jit3A_852, %sign3A_861 : i32
      %sign3A_863 = arith.extui %sign3A_862 : i1 to i32
      %sign3A_864 = arith.constant 0 : i32
      %sign3A_865 = arith.cmpi slt, %jit3A_852, %sign3A_864 : i32
      %sign3A_866 = arith.extui %sign3A_865 : i1 to i32
      %sign3A_867 = arith.subi %sign3A_863, %sign3A_866 : i32
      %ne3A_868 = arith.cmpi ne, %sign3A_860, %sign3A_867 : i32
      %rem3A_869 = arith.remsi %scan3A_804, %jit3A_852 : i32
      %ne3A_870 = arith.constant 0 : i32
      %ne3A_871 = arith.cmpi ne, %rem3A_869, %ne3A_870 : i32
      %and3A_872 = arith.andi %ne3A_868, %ne3A_871 : i1
      %sub3A_873 = arith.constant 1 : i32
      %sub3A_874 = arith.subi %div3A_853, %sub3A_873 : i32
      %select_n3A_875 = arith.select %and3A_872, %sub3A_874, %div3A_853 : i32
      %jit3A_876 = arith.constant 8 : i32
      %div3A_877 = arith.divsi %scan3A_804, %jit3A_876 : i32
      %sign3A_878 = arith.constant 0 : i32
      %sign3A_879 = arith.cmpi sgt, %scan3A_804, %sign3A_878 : i32
      %sign3A_880 = arith.extui %sign3A_879 : i1 to i32
      %sign3A_881 = arith.constant 0 : i32
      %sign3A_882 = arith.cmpi slt, %scan3A_804, %sign3A_881 : i32
      %sign3A_883 = arith.extui %sign3A_882 : i1 to i32
      %sign3A_884 = arith.subi %sign3A_880, %sign3A_883 : i32
      %sign3A_885 = arith.constant 0 : i32
      %sign3A_886 = arith.cmpi sgt, %jit3A_876, %sign3A_885 : i32
      %sign3A_887 = arith.extui %sign3A_886 : i1 to i32
      %sign3A_888 = arith.constant 0 : i32
      %sign3A_889 = arith.cmpi slt, %jit3A_876, %sign3A_888 : i32
      %sign3A_890 = arith.extui %sign3A_889 : i1 to i32
      %sign3A_891 = arith.subi %sign3A_887, %sign3A_890 : i32
      %ne3A_892 = arith.cmpi ne, %sign3A_884, %sign3A_891 : i32
      %rem3A_893 = arith.remsi %scan3A_804, %jit3A_876 : i32
      %ne3A_894 = arith.constant 0 : i32
      %ne3A_895 = arith.cmpi ne, %rem3A_893, %ne3A_894 : i32
      %and3A_896 = arith.andi %ne3A_892, %ne3A_895 : i1
      %sub3A_897 = arith.constant 1 : i32
      %sub3A_898 = arith.subi %div3A_877, %sub3A_897 : i32
      %select_n3A_899 = arith.select %and3A_896, %sub3A_898, %div3A_877 : i32
      %jit3A_900 = arith.constant 8 : i32
      %eq3A_901 = arith.constant 0 : i32
      %eq3A_902 = arith.cmpi eq, %jit3A_900, %eq3A_901 : i32
      %jit3A_903 = arith.constant 1 : i32
      %select_n3A_904 = arith.select %eq3A_902, %jit3A_903, %jit3A_900 : i32
      %rem3A_905 = arith.remsi %select_n3A_899, %select_n3A_904 : i32
      %ne3A_906 = arith.constant 0 : i32
      %ne3A_907 = arith.cmpi ne, %rem3A_905, %ne3A_906 : i32
      %lt3A_908 = arith.constant 0 : i32
      %lt3A_909 = arith.cmpi slt, %rem3A_905, %lt3A_908 : i32
      %lt3A_910 = arith.constant 0 : i32
      %lt3A_911 = arith.cmpi slt, %select_n3A_904, %lt3A_910 : i32
      %ne3A_912 = arith.xori %lt3A_909, %lt3A_911 : i1
      %and3A_913 = arith.andi %ne3A_912, %ne3A_907 : i1
      %add3A_914 = arith.addi %rem3A_905, %select_n3A_904 : i32
      %select_n3A_915 = arith.select %and3A_913, %add3A_914, %rem3A_905 : i32
      %swap3A_916 = arith.index_cast %select_n3A_875 : i32 to index
      %swap3A_917 = arith.index_cast %select_n3A_915 : i32 to index
      %swap3A_918 = arith.index_cast %mul3A_846 : i32 to index
      %swap3A_919 = tpu.vector_load %arg9[%swap3A_916, %swap3A_917, %swap3A_918] {strides = array<i32>} : memref<5x8x128xf32, #tpu.memory_space<vmem>>, vector<16xf32>,
      tpu.vector_store %arg9[%swap3A_916, %swap3A_917, %swap3A_918], %gather3A_851 {strides = array<i32>} : memref<5x8x128xf32, #tpu.memory_space<vmem>>, vector<16xf32>,
      %scan3A_920 = arith.constant 0 : i32
      %scan3A_921 = arith.constant 6 : i32
      %scan3A_922 = arith.addi %scan3A_225, %scan3A_921 : i32
      %jit3A_923 = arith.constant 8 : i32
      %div3A_924 = arith.divsi %scan3A_922, %jit3A_923 : i32
      %sign3A_925 = arith.constant 0 : i32
      %sign3A_926 = arith.cmpi sgt, %scan3A_922, %sign3A_925 : i32
      %sign3A_927 = arith.extui %sign3A_926 : i1 to i32
      %sign3A_928 = arith.constant 0 : i32
      %sign3A_929 = arith.cmpi slt, %scan3A_922, %sign3A_928 : i32
      %sign3A_930 = arith.extui %sign3A_929 : i1 to i32
      %sign3A_931 = arith.subi %sign3A_927, %sign3A_930 : i32
      %sign3A_932 = arith.constant 0 : i32
      %sign3A_933 = arith.cmpi sgt, %jit3A_923, %sign3A_932 : i32
      %sign3A_934 = arith.extui %sign3A_933 : i1 to i32
      %sign3A_935 = arith.constant 0 : i32
      %sign3A_936 = arith.cmpi slt, %jit3A_923, %sign3A_935 : i32
      %sign3A_937 = arith.extui %sign3A_936 : i1 to i32
      %sign3A_938 = arith.subi %sign3A_934, %sign3A_937 : i32
      %ne3A_939 = arith.cmpi ne, %sign3A_931, %sign3A_938 : i32
      %rem3A_940 = arith.remsi %scan3A_922, %jit3A_923 : i32
      %ne3A_941 = arith.constant 0 : i32
      %ne3A_942 = arith.cmpi ne, %rem3A_940, %ne3A_941 : i32
      %and3A_943 = arith.andi %ne3A_939, %ne3A_942 : i1
      %sub3A_944 = arith.constant 1 : i32
      %sub3A_945 = arith.subi %div3A_924, %sub3A_944 : i32
      %select_n3A_946 = arith.select %and3A_943, %sub3A_945, %div3A_924 : i32
      %jit3A_947 = arith.constant 8 : i32
      %eq3A_948 = arith.constant 0 : i32
      %eq3A_949 = arith.cmpi eq, %jit3A_947, %eq3A_948 : i32
      %jit3A_950 = arith.constant 1 : i32
      %select_n3A_951 = arith.select %eq3A_949, %jit3A_950, %jit3A_947 : i32
      %rem3A_952 = arith.remsi %scan3A_922, %select_n3A_951 : i32
      %ne3A_953 = arith.constant 0 : i32
      %ne3A_954 = arith.cmpi ne, %rem3A_952, %ne3A_953 : i32
      %lt3A_955 = arith.constant 0 : i32
      %lt3A_956 = arith.cmpi slt, %rem3A_952, %lt3A_955 : i32
      %lt3A_957 = arith.constant 0 : i32
      %lt3A_958 = arith.cmpi slt, %select_n3A_951, %lt3A_957 : i32
      %ne3A_959 = arith.xori %lt3A_956, %lt3A_958 : i1
      %and3A_960 = arith.andi %ne3A_959, %ne3A_954 : i1
      %add3A_961 = arith.addi %rem3A_952, %select_n3A_951 : i32
      %select_n3A_962 = arith.select %and3A_960, %add3A_961, %rem3A_952 : i32
      %mul3A_963 = arith.constant 16 : i32
      %mul3A_964 = arith.muli %select_n3A_962, %mul3A_963 : i32
      %get3A_965 = arith.index_cast %select_n3A_946 : i32 to index
      %get3A_966 = arith.index_cast %mul3A_964 : i32 to index
      %get3A_967 = tpu.vector_load %arg7[%get3A_965, %get3A_966] {strides = array<i32>} : memref<40x128xf32, #tpu.memory_space<vmem>>, vector<16xf32>,
      %convert_element_type3A_968 = arith.fptosi %get3A_967 : vector<16xf32> to vector<16xi32>
      %gather3A_969 = tpu.vector_load_idx %arg5[%convert_element_type3A_968] : memref<100352xf32, #tpu.memory_space<vmem>>[vector<16xi32>], vector<16xf32>,
      %jit3A_970 = arith.constant 64 : i32
      %div3A_971 = arith.divsi %scan3A_922, %jit3A_970 : i32
      %sign3A_972 = arith.constant 0 : i32
      %sign3A_973 = arith.cmpi sgt, %scan3A_922, %sign3A_972 : i32
      %sign3A_974 = arith.extui %sign3A_973 : i1 to i32
      %sign3A_975 = arith.constant 0 : i32
      %sign3A_976 = arith.cmpi slt, %scan3A_922, %sign3A_975 : i32
      %sign3A_977 = arith.extui %sign3A_976 : i1 to i32
      %sign3A_978 = arith.subi %sign3A_974, %sign3A_977 : i32
      %sign3A_979 = arith.constant 0 : i32
      %sign3A_980 = arith.cmpi sgt, %jit3A_970, %sign3A_979 : i32
      %sign3A_981 = arith.extui %sign3A_980 : i1 to i32
      %sign3A_982 = arith.constant 0 : i32
      %sign3A_983 = arith.cmpi slt, %jit3A_970, %sign3A_982 : i32
      %sign3A_984 = arith.extui %sign3A_983 : i1 to i32
      %sign3A_985 = arith.subi %sign3A_981, %sign3A_984 : i32
      %ne3A_986 = arith.cmpi ne, %sign3A_978, %sign3A_985 : i32
      %rem3A_987 = arith.remsi %scan3A_922, %jit3A_970 : i32
      %ne3A_988 = arith.constant 0 : i32
      %ne3A_989 = arith.cmpi ne, %rem3A_987, %ne3A_988 : i32
      %and3A_990 = arith.andi %ne3A_986, %ne3A_989 : i1
      %sub3A_991 = arith.constant 1 : i32
      %sub3A_992 = arith.subi %div3A_971, %sub3A_991 : i32
      %select_n3A_993 = arith.select %and3A_990, %sub3A_992, %div3A_971 : i32
      %jit3A_994 = arith.constant 8 : i32
      %div3A_995 = arith.divsi %scan3A_922, %jit3A_994 : i32
      %sign3A_996 = arith.constant 0 : i32
      %sign3A_997 = arith.cmpi sgt, %scan3A_922, %sign3A_996 : i32
      %sign3A_998 = arith.extui %sign3A_997 : i1 to i32
      %sign3A_999 = arith.constant 0 : i32
      %sign3A_1000 = arith.cmpi slt, %scan3A_922, %sign3A_999 : i32
      %sign3A_1001 = arith.extui %sign3A_1000 : i1 to i32
      %sign3A_1002 = arith.subi %sign3A_998, %sign3A_1001 : i32
      %sign3A_1003 = arith.constant 0 : i32
      %sign3A_1004 = arith.cmpi sgt, %jit3A_994, %sign3A_1003 : i32
      %sign3A_1005 = arith.extui %sign3A_1004 : i1 to i32
      %sign3A_1006 = arith.constant 0 : i32
      %sign3A_1007 = arith.cmpi slt, %jit3A_994, %sign3A_1006 : i32
      %sign3A_1008 = arith.extui %sign3A_1007 : i1 to i32
      %sign3A_1009 = arith.subi %sign3A_1005, %sign3A_1008 : i32
      %ne3A_1010 = arith.cmpi ne, %sign3A_1002, %sign3A_1009 : i32
      %rem3A_1011 = arith.remsi %scan3A_922, %jit3A_994 : i32
      %ne3A_1012 = arith.constant 0 : i32
      %ne3A_1013 = arith.cmpi ne, %rem3A_1011, %ne3A_1012 : i32
      %and3A_1014 = arith.andi %ne3A_1010, %ne3A_1013 : i1
      %sub3A_1015 = arith.constant 1 : i32
      %sub3A_1016 = arith.subi %div3A_995, %sub3A_1015 : i32
      %select_n3A_1017 = arith.select %and3A_1014, %sub3A_1016, %div3A_995 : i32
      %jit3A_1018 = arith.constant 8 : i32
      %eq3A_1019 = arith.constant 0 : i32
      %eq3A_1020 = arith.cmpi eq, %jit3A_1018, %eq3A_1019 : i32
      %jit3A_1021 = arith.constant 1 : i32
      %select_n3A_1022 = arith.select %eq3A_1020, %jit3A_1021, %jit3A_1018 : i32
      %rem3A_1023 = arith.remsi %select_n3A_1017, %select_n3A_1022 : i32
      %ne3A_1024 = arith.constant 0 : i32
      %ne3A_1025 = arith.cmpi ne, %rem3A_1023, %ne3A_1024 : i32
      %lt3A_1026 = arith.constant 0 : i32
      %lt3A_1027 = arith.cmpi slt, %rem3A_1023, %lt3A_1026 : i32
      %lt3A_1028 = arith.constant 0 : i32
      %lt3A_1029 = arith.cmpi slt, %select_n3A_1022, %lt3A_1028 : i32
      %ne3A_1030 = arith.xori %lt3A_1027, %lt3A_1029 : i1
      %and3A_1031 = arith.andi %ne3A_1030, %ne3A_1025 : i1
      %add3A_1032 = arith.addi %rem3A_1023, %select_n3A_1022 : i32
      %select_n3A_1033 = arith.select %and3A_1031, %add3A_1032, %rem3A_1023 : i32
      %swap3A_1034 = arith.index_cast %select_n3A_993 : i32 to index
      %swap3A_1035 = arith.index_cast %select_n3A_1033 : i32 to index
      %swap3A_1036 = arith.index_cast %mul3A_964 : i32 to index
      %swap3A_1037 = tpu.vector_load %arg9[%swap3A_1034, %swap3A_1035, %swap3A_1036] {strides = array<i32>} : memref<5x8x128xf32, #tpu.memory_space<vmem>>, vector<16xf32>,
      tpu.vector_store %arg9[%swap3A_1034, %swap3A_1035, %swap3A_1036], %gather3A_969 {strides = array<i32>} : memref<5x8x128xf32, #tpu.memory_space<vmem>>, vector<16xf32>,
      %scan3A_1038 = arith.constant 0 : i32
      %scan3A_1039 = arith.constant 7 : i32
      %scan3A_1040 = arith.addi %scan3A_225, %scan3A_1039 : i32
      %jit3A_1041 = arith.constant 8 : i32
      %div3A_1042 = arith.divsi %scan3A_1040, %jit3A_1041 : i32
      %sign3A_1043 = arith.constant 0 : i32
      %sign3A_1044 = arith.cmpi sgt, %scan3A_1040, %sign3A_1043 : i32
      %sign3A_1045 = arith.extui %sign3A_1044 : i1 to i32
      %sign3A_1046 = arith.constant 0 : i32
      %sign3A_1047 = arith.cmpi slt, %scan3A_1040, %sign3A_1046 : i32
      %sign3A_1048 = arith.extui %sign3A_1047 : i1 to i32
      %sign3A_1049 = arith.subi %sign3A_1045, %sign3A_1048 : i32
      %sign3A_1050 = arith.constant 0 : i32
      %sign3A_1051 = arith.cmpi sgt, %jit3A_1041, %sign3A_1050 : i32
      %sign3A_1052 = arith.extui %sign3A_1051 : i1 to i32
      %sign3A_1053 = arith.constant 0 : i32
      %sign3A_1054 = arith.cmpi slt, %jit3A_1041, %sign3A_1053 : i32
      %sign3A_1055 = arith.extui %sign3A_1054 : i1 to i32
      %sign3A_1056 = arith.subi %sign3A_1052, %sign3A_1055 : i32
      %ne3A_1057 = arith.cmpi ne, %sign3A_1049, %sign3A_1056 : i32
      %rem3A_1058 = arith.remsi %scan3A_1040, %jit3A_1041 : i32
      %ne3A_1059 = arith.constant 0 : i32
      %ne3A_1060 = arith.cmpi ne, %rem3A_1058, %ne3A_1059 : i32
      %and3A_1061 = arith.andi %ne3A_1057, %ne3A_1060 : i1
      %sub3A_1062 = arith.constant 1 : i32
      %sub3A_1063 = arith.subi %div3A_1042, %sub3A_1062 : i32
      %select_n3A_1064 = arith.select %and3A_1061, %sub3A_1063, %div3A_1042 : i32
      %jit3A_1065 = arith.constant 8 : i32
      %eq3A_1066 = arith.constant 0 : i32
      %eq3A_1067 = arith.cmpi eq, %jit3A_1065, %eq3A_1066 : i32
      %jit3A_1068 = arith.constant 1 : i32
      %select_n3A_1069 = arith.select %eq3A_1067, %jit3A_1068, %jit3A_1065 : i32
      %rem3A_1070 = arith.remsi %scan3A_1040, %select_n3A_1069 : i32
      %ne3A_1071 = arith.constant 0 : i32
      %ne3A_1072 = arith.cmpi ne, %rem3A_1070, %ne3A_1071 : i32
      %lt3A_1073 = arith.constant 0 : i32
      %lt3A_1074 = arith.cmpi slt, %rem3A_1070, %lt3A_1073 : i32
      %lt3A_1075 = arith.constant 0 : i32
      %lt3A_1076 = arith.cmpi slt, %select_n3A_1069, %lt3A_1075 : i32
      %ne3A_1077 = arith.xori %lt3A_1074, %lt3A_1076 : i1
      %and3A_1078 = arith.andi %ne3A_1077, %ne3A_1072 : i1
      %add3A_1079 = arith.addi %rem3A_1070, %select_n3A_1069 : i32
      %select_n3A_1080 = arith.select %and3A_1078, %add3A_1079, %rem3A_1070 : i32
      %mul3A_1081 = arith.constant 16 : i32
      %mul3A_1082 = arith.muli %select_n3A_1080, %mul3A_1081 : i32
      %get3A_1083 = arith.index_cast %select_n3A_1064 : i32 to index
      %get3A_1084 = arith.index_cast %mul3A_1082 : i32 to index
      %get3A_1085 = tpu.vector_load %arg7[%get3A_1083, %get3A_1084] {strides = array<i32>} : memref<40x128xf32, #tpu.memory_space<vmem>>, vector<16xf32>,
      %convert_element_type3A_1086 = arith.fptosi %get3A_1085 : vector<16xf32> to vector<16xi32>
      %gather3A_1087 = tpu.vector_load_idx %arg5[%convert_element_type3A_1086] : memref<100352xf32, #tpu.memory_space<vmem>>[vector<16xi32>], vector<16xf32>,
      %jit3A_1088 = arith.constant 64 : i32
      %div3A_1089 = arith.divsi %scan3A_1040, %jit3A_1088 : i32
      %sign3A_1090 = arith.constant 0 : i32
      %sign3A_1091 = arith.cmpi sgt, %scan3A_1040, %sign3A_1090 : i32
      %sign3A_1092 = arith.extui %sign3A_1091 : i1 to i32
      %sign3A_1093 = arith.constant 0 : i32
      %sign3A_1094 = arith.cmpi slt, %scan3A_1040, %sign3A_1093 : i32
      %sign3A_1095 = arith.extui %sign3A_1094 : i1 to i32
      %sign3A_1096 = arith.subi %sign3A_1092, %sign3A_1095 : i32
      %sign3A_1097 = arith.constant 0 : i32
      %sign3A_1098 = arith.cmpi sgt, %jit3A_1088, %sign3A_1097 : i32
      %sign3A_1099 = arith.extui %sign3A_1098 : i1 to i32
      %sign3A_1100 = arith.constant 0 : i32
      %sign3A_1101 = arith.cmpi slt, %jit3A_1088, %sign3A_1100 : i32
      %sign3A_1102 = arith.extui %sign3A_1101 : i1 to i32
      %sign3A_1103 = arith.subi %sign3A_1099, %sign3A_1102 : i32
      %ne3A_1104 = arith.cmpi ne, %sign3A_1096, %sign3A_1103 : i32
      %rem3A_1105 = arith.remsi %scan3A_1040, %jit3A_1088 : i32
      %ne3A_1106 = arith.constant 0 : i32
      %ne3A_1107 = arith.cmpi ne, %rem3A_1105, %ne3A_1106 : i32
      %and3A_1108 = arith.andi %ne3A_1104, %ne3A_1107 : i1
      %sub3A_1109 = arith.constant 1 : i32
      %sub3A_1110 = arith.subi %div3A_1089, %sub3A_1109 : i32
      %select_n3A_1111 = arith.select %and3A_1108, %sub3A_1110, %div3A_1089 : i32
      %jit3A_1112 = arith.constant 8 : i32
      %div3A_1113 = arith.divsi %scan3A_1040, %jit3A_1112 : i32
      %sign3A_1114 = arith.constant 0 : i32
      %sign3A_1115 = arith.cmpi sgt, %scan3A_1040, %sign3A_1114 : i32
      %sign3A_1116 = arith.extui %sign3A_1115 : i1 to i32
      %sign3A_1117 = arith.constant 0 : i32
      %sign3A_1118 = arith.cmpi slt, %scan3A_1040, %sign3A_1117 : i32
      %sign3A_1119 = arith.extui %sign3A_1118 : i1 to i32
      %sign3A_1120 = arith.subi %sign3A_1116, %sign3A_1119 : i32
      %sign3A_1121 = arith.constant 0 : i32
      %sign3A_1122 = arith.cmpi sgt, %jit3A_1112, %sign3A_1121 : i32
      %sign3A_1123 = arith.extui %sign3A_1122 : i1 to i32
      %sign3A_1124 = arith.constant 0 : i32
      %sign3A_1125 = arith.cmpi slt, %jit3A_1112, %sign3A_1124 : i32
      %sign3A_1126 = arith.extui %sign3A_1125 : i1 to i32
      %sign3A_1127 = arith.subi %sign3A_1123, %sign3A_1126 : i32
      %ne3A_1128 = arith.cmpi ne, %sign3A_1120, %sign3A_1127 : i32
      %rem3A_1129 = arith.remsi %scan3A_1040, %jit3A_1112 : i32
      %ne3A_1130 = arith.constant 0 : i32
      %ne3A_1131 = arith.cmpi ne, %rem3A_1129, %ne3A_1130 : i32
      %and3A_1132 = arith.andi %ne3A_1128, %ne3A_1131 : i1
      %sub3A_1133 = arith.constant 1 : i32
      %sub3A_1134 = arith.subi %div3A_1113, %sub3A_1133 : i32
      %select_n3A_1135 = arith.select %and3A_1132, %sub3A_1134, %div3A_1113 : i32
      %jit3A_1136 = arith.constant 8 : i32
      %eq3A_1137 = arith.constant 0 : i32
      %eq3A_1138 = arith.cmpi eq, %jit3A_1136, %eq3A_1137 : i32
      %jit3A_1139 = arith.constant 1 : i32
      %select_n3A_1140 = arith.select %eq3A_1138, %jit3A_1139, %jit3A_1136 : i32
      %rem3A_1141 = arith.remsi %select_n3A_1135, %select_n3A_1140 : i32
      %ne3A_1142 = arith.constant 0 : i32
      %ne3A_1143 = arith.cmpi ne, %rem3A_1141, %ne3A_1142 : i32
      %lt3A_1144 = arith.constant 0 : i32
      %lt3A_1145 = arith.cmpi slt, %rem3A_1141, %lt3A_1144 : i32
      %lt3A_1146 = arith.constant 0 : i32
      %lt3A_1147 = arith.cmpi slt, %select_n3A_1140, %lt3A_1146 : i32
      %ne3A_1148 = arith.xori %lt3A_1145, %lt3A_1147 : i1
      %and3A_1149 = arith.andi %ne3A_1148, %ne3A_1143 : i1
      %add3A_1150 = arith.addi %rem3A_1141, %select_n3A_1140 : i32
      %select_n3A_1151 = arith.select %and3A_1149, %add3A_1150, %rem3A_1141 : i32
      %swap3A_1152 = arith.index_cast %select_n3A_1111 : i32 to index
      %swap3A_1153 = arith.index_cast %select_n3A_1151 : i32 to index
      %swap3A_1154 = arith.index_cast %mul3A_1082 : i32 to index
      %swap3A_1155 = tpu.vector_load %arg9[%swap3A_1152, %swap3A_1153, %swap3A_1154] {strides = array<i32>} : memref<5x8x128xf32, #tpu.memory_space<vmem>>, vector<16xf32>,
      tpu.vector_store %arg9[%swap3A_1152, %swap3A_1153, %swap3A_1154], %gather3A_1087 {strides = array<i32>} : memref<5x8x128xf32, #tpu.memory_space<vmem>>, vector<16xf32>,
      %scan3A_1156 = arith.constant 0 : i32
      scf.yield %scan3A_1156 : i32
    }
    %scan3A_194 = arith.constant 320 : i32
    %dma_start3A_195 = arith.constant 20 : i32
    %dma_start3A_196 = arith.constant 0 : i32
    %dma_start3A_197 = arith.constant 0 : i32
    %dma_start3A_198 = tpu.memref_slice %arg4[%dma_start3A_195, %add3A, %dma_start3A_196, %dma_start3A_197] : memref<25x32x8x128xf32, #tpu.memory_space<hbm>> -> memref<5x1x8x128xf32, #tpu.memory_space<hbm>>
    %dma_start3A_199 = tpu.memref_squeeze %dma_start3A_198 : memref<5x1x8x128xf32, #tpu.memory_space<hbm>> -> memref<5x8x128xf32, #tpu.memory_space<hbm>>
    %dma_start3A_200 = arith.constant 20 : i32
    %dma_start3A_201 = arith.constant 0 : i32
    %dma_start3A_202 = arith.constant 0 : i32
    %dma_start3A_203 = tpu.memref_slice %arg4[%dma_start3A_200, %add3A, %dma_start3A_201, %dma_start3A_202] : memref<25x32x8x128xf32, #tpu.memory_space<hbm>> -> memref<5x1x8x128xf32, #tpu.memory_space<hbm>>
    %dma_start3A_204 = tpu.memref_squeeze %dma_start3A_203 : memref<5x1x8x128xf32, #tpu.memory_space<hbm>> -> memref<5x8x128xf32, #tpu.memory_space<hbm>>
    tpu.enqueue_dma source(%arg9 : memref<5x8x128xf32, #tpu.memory_space<vmem>>) target(%dma_start3A_204 : memref<5x8x128xf32, #tpu.memory_space<hbm>>) target_semaphore(%arg14 : memref<!tpu.dma_semaphore, #tpu.memory_space<semaphore_mem>>)
    %dma_wait3A_205 = arith.constant 20 : i32
    %dma_wait3A_206 = arith.constant 0 : i32
    %dma_wait3A_207 = arith.constant 0 : i32
    %dma_wait3A_208 = tpu.memref_slice %arg4[%dma_wait3A_205, %add3A, %dma_wait3A_206, %dma_wait3A_207] : memref<25x32x8x128xf32, #tpu.memory_space<hbm>> -> memref<5x1x8x128xf32, #tpu.memory_space<hbm>>
    %dma_wait3A_209 = tpu.memref_squeeze %dma_wait3A_208 : memref<5x1x8x128xf32, #tpu.memory_space<hbm>> -> memref<5x8x128xf32, #tpu.memory_space<hbm>>
    %dma_wait3A_210 = arith.constant 20 : i32
    %dma_wait3A_211 = arith.constant 0 : i32
    %dma_wait3A_212 = arith.constant 0 : i32
    %dma_wait3A_213 = tpu.memref_slice %arg4[%dma_wait3A_210, %add3A, %dma_wait3A_211, %dma_wait3A_212] : memref<25x32x8x128xf32, #tpu.memory_space<hbm>> -> memref<5x1x8x128xf32, #tpu.memory_space<hbm>>
    %dma_wait3A_214 = tpu.memref_squeeze %dma_wait3A_213 : memref<5x1x8x128xf32, #tpu.memory_space<hbm>> -> memref<5x8x128xf32, #tpu.memory_space<hbm>>
    tpu.wait_dma2 semaphore(%arg14 : memref<!tpu.dma_semaphore, #tpu.memory_space<semaphore_mem>>) src(%arg9 : memref<5x8x128xf32, #tpu.memory_space<vmem>>) dst(%dma_wait3A_214 : memref<5x8x128xf32, #tpu.memory_space<hbm>>)
    %dma_wait3A_215 = arith.constant 15 : i32
    %dma_wait3A_216 = arith.constant 0 : i32
    %dma_wait3A_217 = arith.constant 0 : i32
    %dma_wait3A_218 = tpu.memref_slice %arg4[%dma_wait3A_215, %add3A, %dma_wait3A_216, %dma_wait3A_217] : memref<25x32x8x128xf32, #tpu.memory_space<hbm>> -> memref<5x1x8x128xf32, #tpu.memory_space<hbm>>
    %dma_wait3A_219 = tpu.memref_squeeze %dma_wait3A_218 : memref<5x1x8x128xf32, #tpu.memory_space<hbm>> -> memref<5x8x128xf32, #tpu.memory_space<hbm>>
    %dma_wait3A_220 = arith.constant 15 : i32
    %dma_wait3A_221 = arith.constant 0 : i32
    %dma_wait3A_222 = arith.constant 0 : i32
    %dma_wait3A_223 = tpu.memref_slice %arg4[%dma_wait3A_220, %add3A, %dma_wait3A_221, %dma_wait3A_222] : memref<25x32x8x128xf32, #tpu.memory_space<hbm>> -> memref<5x1x8x128xf32, #tpu.memory_space<hbm>>
    %dma_wait3A_224 = tpu.memref_squeeze %dma_wait3A_223 : memref<5x1x8x128xf32, #tpu.memory_space<hbm>> -> memref<5x8x128xf32, #tpu.memory_space<hbm>>
    tpu.wait_dma2 semaphore(%arg15 : memref<!tpu.dma_semaphore, #tpu.memory_space<semaphore_mem>>) src(%arg10 : memref<5x8x128xf32, #tpu.memory_space<vmem>>) dst(%dma_wait3A_224 : memref<5x8x128xf32, #tpu.memory_space<hbm>>)
    return
  }
}

module attributes {stable_mosaic.version = 14 : i64} {
  func.func @_softmax_body(%arg0: memref<784x128xf32, #tpu.memory_space<vmem>>, %arg1: memref<784x128xf32, #tpu.memory_space<vmem>>) attributes {dimension_semantics = [], scalar_prefetch = 0 : i64, scratch_operands = 0 : i64, tpu.core_type = #tpu.core_type<tc>} {
    %get3A = arith.constant 0 : index
    %get3A_0 = arith.constant 0 : index
    %get3A_1 = vector.load %arg0[%get3A, %get3A_0] : memref<784x128xf32, #tpu.memory_space<vmem>>, vector<784x128xf32>
    %reduce_max3A = vector.shape_cast %get3A_1 : vector<784x128xf32> to vector<1x784x128xf32>
    %reduce_max3A_2 = arith.constant dense<0xFF800000> : vector<1xf32>
    %reduce_max3A_3 = vector.multi_reduction <maximumf>, %reduce_max3A, %reduce_max3A_2 [1, 2] : vector<1x784x128xf32> to vector<1xf32>
    %reduce_max3A_4 = vector.shape_cast %reduce_max3A_3 : vector<1xf32> to vector<1x1x1xf32>
    %reduce_max3A_5 = vector.extract %reduce_max3A_4[0, 0, 0] : f32 from vector<1x1x1xf32>
    %sub3A = vector.broadcast %reduce_max3A_5 : f32 to vector<784x128xf32>
    %sub3A_6 = arith.subf %get3A_1, %sub3A : vector<784x128xf32>
    %exp3A = math.exp %sub3A_6 : vector<784x128xf32>
    %reduce_sum3A = vector.shape_cast %exp3A : vector<784x128xf32> to vector<1x784x128xf32>
    %reduce_sum3A_7 = arith.constant dense<0.000000e+00> : vector<1xf32>
    %reduce_sum3A_8 = vector.multi_reduction <add>, %reduce_sum3A, %reduce_sum3A_7 [1, 2] : vector<1x784x128xf32> to vector<1xf32>
    %reduce_sum3A_9 = vector.shape_cast %reduce_sum3A_8 : vector<1xf32> to vector<1x1x1xf32>
    %reduce_sum3A_10 = vector.extract %reduce_sum3A_9[0, 0, 0] : f32 from vector<1x1x1xf32>
    %div3A = arith.constant 1.000000e+00 : f32
    %div3A_11 = arith.divf %div3A, %reduce_sum3A_10 : f32
    %mul3A = vector.broadcast %div3A_11 : f32 to vector<784x128xf32>
    %mul3A_12 = arith.mulf %exp3A, %mul3A : vector<784x128xf32>
    %swap3A = arith.constant 0 : index
    %swap3A_13 = arith.constant 0 : index
    %swap3A_14 = vector.load %arg1[%swap3A, %swap3A_13] : memref<784x128xf32, #tpu.memory_space<vmem>>, vector<784x128xf32>
    tpu.vector_store %arg1[%swap3A, %swap3A_13], %mul3A_12 {strides = array<i32>} : memref<784x128xf32, #tpu.memory_space<vmem>>, vector<784x128xf32>,
    return
  }
}

</mosaic_0001>

<sc_bundles>
// kernel: kernel.4.cloned.1.call-start
scs
__scs_entry_jumppad:
0x0: {  	(pc) =	sbr.rel $0x88, $3  }
0x1: {  	(tag) =	ssettag $0x0;
	lr =	simm.s32 $0x1  }
0x2: {  	[smem:$0x3F9F] =	sst lr;
	_ =	strace $0xD0000000  }
0x3: {  	_ = 	snop  }
0x4: {  	_ = 	snop  }
0x5: {  	_ = 	snop  }
0x6: {  	_ = 	snop  }
0x7: {  	_ = 	snop  }
__scs_overlays_trampoline_lowered:
0x8: {  	[smem:$0x3FAE] =	sst s0  }
0x9: {  	[smem:$0x3FAF] =	sst s1  }
0xa: {  	[smem:$0x3FB0] =	sst s2  }
0xb: {  	[smem:$0x3FB1] =	sst s3  }
0xc: {  	[smem:$0x3FB2] =	sst s4  }
0xd: {  	[smem:$0x3FB3] =	sst s5  }
0xe: {  	[smem:$0x3FB4] =	sst s6  }
0xf: {  	[smem:$0x3FB5] =	sst s7  }
0x10: {  	[smem:$0x3FB6] =	sst s8  }
0x11: {  	[smem:$0x3FB7] =	sst s9;
	s0 =	simm.s32 @!p0 $0x0  }
0x12: {  	s1 =	sld [smem:$0x3F9D];
	s0 =	simm.s32 @p0 $0x1  }
0x13: {  	[smem:$0x3FB8] =	sst s0;
	s0 =	simm.s32 @!p1 $0x0  }
0x14: {  	s2 =	sld [smem:$0x3F9C];
	s0 =	simm.s32 @p1 $0x1  }
0x15: {  	[smem:$0x3FB9] =	sst s0;
	s0 =	simm.s32 @!p2 $0x0  }
0x16: {  	s3 =	sld [smem:$0x3FDB];
	s0 =	simm.s32 @p2 $0x1  }
0x17: {  	s4 =	simm.s32 $0x1BF5;
	[smem:$0x3FBB] =	sst s0  }
0x18: {  	s0 =	sld [smem:$0x3F9E];
	_ =	swait.ge [sflag:s4], $0x0  }
0x19: {  	s7 =	sld [smem:$0x3F9F]  }
0x1a: {  	s8 =	sadd.s32 $0xFFFFE003, lr  }
0x1b: {  	s9 =	sadd.s32 $0xFFFFFEF7, lr;
	s5 =	simm.s32 $0xFFFFFFFF;
	p2 =	slt.u32 s8, $0xFFFFF086  }
0x1c: {  	p1 =	slt.u32 s9, $0xF7A;
	s5 =	simm.s32 @!p2 $0x0  }
0x1d: {  	s5 =	simm.s32 @p1 $0x1;
	p0 =	seq.s32 s7, s2  }
0x1e: {  	s7 =	smul.u32 @!p0 $0xF7A, s2;
	p2 =	seq.s32 @!p0 s5, $0x0  }
0x1f: {  	s9 =	smul.u32 $0xF7A, s1;
	s8 =	simm.s32 @!p0 $0x1BF5;
	p2 =	por !p2, p0  }
0x20: {  	[sflag:s8] =	ssyncset.s32 @!p0 $0xFFFFF086;
	s6 =	sadd.s32 @!p0 s3, s7;
	s7 =	simm.s32 @!p0 $0x108  }
0x21: {  	s3 =	sadd.s32 s3, s9;
	s6 =	sadd.s32 @!p0 $0x88, s6;
	s7 =	simm.s32 @p2 $0x1082  }
0x22: {  	[simem:s7], [sflag:s8] =	dma.local @!p0 [hbm:s6], $0xF7A  }
0x23: {  	s9 =	sor.u32 $0xD0000000, s2;
	s6 =	simm.s32 $0x108;
	_ =	swait.ge @!p0 [sflag:s8], $0x0  }
0x24: {  	s3 =	sadd.s32 $0x88, s3;
	s6 =	simm.s32 @!p1 $0x1082;
	[sflag:s4] =	ssyncset.s32 $0xFFFFF086  }
0x25: {  	[simem:s6], [sflag:s4] =	dma.local [hbm:s3], $0xF7A  }
0x26: {  	[smem:$0x3F9F] =	sst s1;
	(tag) =	ssettag s2;
	_ =	strace s9  }
0x27: {  	s1 =	sld [smem:$0x3FAF]  }
0x28: {  	s2 =	sld [smem:$0x3FB0]  }
0x29: {  	s4 =	sld [smem:$0x3FB2]  }
0x2a: {  	p0 =	seq.s32 s5, $0x0;
	s5 =	sld [smem:$0x3FB3]  }
0x2b: {  	s6 =	sld [smem:$0x3FB4]  }
0x2c: {  	s7 =	sld [smem:$0x3FB5]  }
0x2d: {  	s3 =	simm.s32 $0x108;
	s8 =	sld [smem:$0x3FB6]  }
0x2e: {  	s3 =	simm.s32 @!p0 $0x1082;
	s9 =	sld [smem:$0x3FB7]  }
0x2f: {  	lr =	sadd.s32 s0, s3;
	s0 =	sld [smem:$0x3FAE]  }
0x30: {  	s3 =	sld [smem:$0x3FB1]  }
0x31: {  	[smem:$0x3FBA] =	sst s10  }
0x32: {  	s10 =	sld [smem:$0x3FB8];
	_ =	sdelay $0x3  }
0x33: {  	p0 =	seq.s32 s10, $0x1;
	s10 =	sld [smem:$0x3FBA];
	_ =	sdelay $0x3  }
0x34: {  	[smem:$0x3FBA] =	sst s10  }
0x35: {  	s10 =	sld [smem:$0x3FB9];
	_ =	sdelay $0x3  }
0x36: {  	p1 =	seq.s32 s10, $0x1;
	s10 =	sld [smem:$0x3FBA];
	_ =	sdelay $0x3  }
0x37: {  	[smem:$0x3FBA] =	sst s10  }
0x38: {  	s10 =	sld [smem:$0x3FBB]  }
0x39: {  	_ = 	snop;
	(pc) =	sbr.ind lr, $3  }
0x3a: {  	_ = 	snop  }
0x3b: {  	_ = 	snop  }
0x3c: {  	p2 =	seq.s32 s10, $0x1;
	s10 =	sld [smem:$0x3FBA]  }
0x3d: {  	_ =	shalt  }
0x3e: {  	_ =	shalt  }
0x3f: {  	_ =	shalt  }
0x40: {  	_ =	shalt  }
0x41: {  	_ =	shalt  }
0x42: {  	_ =	shalt  }
0x43: {  	_ =	shalt  }
0x44: {  	_ =	shalt  }
0x45: {  	_ =	shalt  }
0x46: {  	_ =	shalt  }
0x47: {  	_ =	shalt  }
0x48: {  	_ =	shalt  }
0x49: {  	_ =	shalt  }
0x4a: {  	_ =	shalt  }
0x4b: {  	_ =	shalt  }
0x4c: {  	_ =	shalt  }
0x4d: {  	_ =	shalt  }
0x4e: {  	_ =	shalt  }
0x4f: {  	_ =	shalt  }
0x50: {  	_ =	shalt  }
0x51: {  	_ =	shalt  }
0x52: {  	_ =	shalt  }
0x53: {  	_ =	shalt  }
0x54: {  	_ =	shalt  }
0x55: {  	_ =	shalt  }
0x56: {  	_ =	shalt  }
0x57: {  	_ =	shalt  }
0x58: {  	_ =	shalt  }
0x59: {  	_ =	shalt  }
0x5a: {  	_ =	shalt  }
0x5b: {  	_ =	shalt  }
0x5c: {  	_ =	shalt  }
0x5d: {  	_ =	shalt  }
0x5e: {  	_ =	shalt  }
0x5f: {  	_ =	shalt  }
0x60: {  	_ =	shalt  }
0x61: {  	_ =	shalt  }
0x62: {  	_ =	shalt  }
0x63: {  	_ =	shalt  }
0x64: {  	_ =	shalt  }
0x65: {  	_ =	shalt  }
0x66: {  	_ =	shalt  }
0x67: {  	_ =	shalt  }
0x68: {  	_ =	shalt  }
0x69: {  	_ =	shalt  }
0x6a: {  	_ =	shalt  }
0x6b: {  	_ =	shalt  }
0x6c: {  	_ =	shalt  }
0x6d: {  	_ =	shalt  }
0x6e: {  	_ =	shalt  }
0x6f: {  	_ =	shalt  }
0x70: {  	_ =	shalt  }
0x71: {  	_ =	shalt  }
0x72: {  	_ =	shalt  }
0x73: {  	_ =	shalt  }
0x74: {  	_ =	shalt  }
0x75: {  	_ =	shalt  }
0x76: {  	_ =	shalt  }
0x77: {  	_ =	shalt  }
0x78: {  	_ =	shalt  }
0x79: {  	_ =	shalt  }
0x7a: {  	_ =	shalt  }
0x7b: {  	_ =	shalt  }
0x7c: {  	_ =	shalt  }
0x7d: {  	_ =	shalt  }
0x7e: {  	_ =	shalt  }
0x7f: {  	_ =	shalt  }
0x80: {  	_ =	shalt  }
0x81: {  	_ =	shalt  }
0x82: {  	_ =	shalt  }
0x83: {  	_ =	shalt  }
0x84: {  	_ =	shalt  }
0x85: {  	_ =	shalt  }
0x86: {  	_ =	shalt  }
0x87: {  	_ =	shalt  }
.Lfunc_end0:
.L_simem_size_0:
called_computation_lowered:
.L_overlay_start_0:
0x88: {  	s2 =	sld [smem:$0x3FD9]  }
0x89: {  	s3 =	sld [smem:$0x3FFE];
	_ =	sdelay $0x1  }
0x8a: {  	s1 =	srdreg.scid  }
0x8b: {  	s0 =	sand.u32 $0x1, s1  }
0x8c: {  	s17 =	sshll.u32 s0, $0xA;
	s2 =	sadd.s32 s3, s2  }
0x8d: {  	s2 =	sadd.s32 s2, s17  }
0x8e: {  	[smem:$0x3FC6] =	sst s2  }
0x8f: {  	_ = 	snop  }
0x90: {  	s2 =	sld [smem:$0x3FC9]  }
0x91: {  	s18 =	sld [smem:$0x3FD0];
	(tm) =	ssettm $0x1  }
0x92: {  	s4 =	sld [smem:$0x3FFB];
	_ =	sdelay $0x3  }
0x93: {  	_ =	strace s4  }
0x94: {  	s4 =	sld [smem:$0x3FFC];
	_ =	sdelay $0x3  }
0x95: {  	_ =	strace s4  }
0x96: {  	s4 =	sld [smem:$0x3FFD];
	_ =	sdelay $0x3  }
0x97: {  	_ =	strace s4  }
0x98: {  	_ =	strace $0x8FFFFFFF  }
0x99: {  	s19 =	sld [smem:$0x3FDB];
	_ =	sdelay $0x1  }
0x9a: {  	s5 =	simm.s32 $_scs_section_size  }
0x9b: {  	s6 =	simm.s32 $_size__tile_overlayer_lowered;
	s7 =	simm.s32 $_tile_overlayer_lowered  }
0x9c: {  	s22 =	simm.s32 $0x1BFF;
	s21 =	sshll.u32 s7, $0x1;
	s4 =	sadd.s32 s5, s19  }
0x9d: {  	s8 =	simm.s32 $0x0;
	s20 =	sshll.u32 s6, $0x1;
	s6 =	sadd.s32 s21, s4  }
0x9e: {  	[timem:s8], [sflag:s22] =	dma.local [hbm:s6], s20  }
0x9f: {  	_ =	swait.ge [sflag:s22], s20  }
0xa0: {  	s5 =	ssub.s32 $0x0, s20;
	[sflag:s22] =	ssyncset.done $0x0  }
0xa1: {  	[sflag:s22] =	ssyncadd.s32 s5;
	_ =	sdelay $0x1  }
0xa2: {  	s23 =	simm.s32 $0x1B8B  }
0xa3: {  	_ =	swait.ge [sflag:s23], $0x1  }
0xa4: {  	[sflag:s23] =	ssyncset.done $0x0  }
0xa5: {  	s25 =	simm.s32 $0x1B8E;
	s24 =	sld [smem:$0x3FFE];
	[sflag:s23] =	ssyncadd.s32 $0xFFFFFFFF  }
0xa6: {  	s26 =	simm.s32 $execute0_lowered;
	[smem:$0x3FD2] =	sst s25  }
0xa7: {  	s6 =	sshll.u32 s26, $0x1;
	_ =	strace $0x80000046;
	[dreg:$0x1] =	wrdreg $0xFFFFFFFF  }
0xa8: {  	s28 =	simm.s32 $_size_execute0_lowered;
	s4 =	sadd.s32 s4, s6;
	[dreg:$0x0] =	wrdreg $0x0  }
0xa9: {  	s6 =	sshll.u32 s28, $0x1;
	[dreg:$0x2] =	wrdreg s4  }
0xaa: {  	[dreg:$0x3] =	wrdreg s6  }
0xab: {  	[dreg:$0x4] =	wrdreg $0xC0  }
0xac: {  	_ =	task [dreg:s8], $0x5FFFF  }
0xad: {  	[dreg:$0x1] =	wrdreg $0xFFFFFFFF  }
0xae: {  	[dreg:$0x0] =	wrdreg $0x60  }
0xaf: {  	[dreg:$0x2] =	wrdreg s2  }
0xb0: {  	[dreg:$0x3] =	wrdreg s24  }
0xb1: {  	[dreg:$0x4] =	wrdreg s18  }
0xb2: {  	[dreg:$0x5] =	wrdreg $0x188000  }
0xb3: {  	[dreg:$0x6] =	wrdreg $0x9  }
0xb4: {  	_ =	task.clear_ibuf [dreg:s8], $0x7FFFF;
	_ =	strace $0x90000046  }
0xb5: {  	s29 =	simm.s32 $0x9;
	_ =	strace $0x80000048  }
0xb6: {  	_ =	swait.ge [sflag:s29], $0x1  }
0xb7: {  	[sflag:s29] =	ssyncadd.s32 $0xFFFFFFFF  }
0xb8: {  	_ =	strace $0x90000048  }
0xb9: {  	_ =	sfence  }
0xba: {  	s30 =	sld [smem:$0x0];
	_ =	sdelay $0x2  }
0xbb: {  	s31 =	sshll.u32 s1, $0xD;
	s1 =	sshrl.u32 s1, $0x2  }
0xbc: {  	s3 =	sand.u32 $0x4000, s31;
	s1 =	sadd.s32 s1, s30  }
0xbd: {  	s0 =	sor.u32 s3, s0;
	s1 =	sshll.u32 s1, $0x11  }
0xbe: {  	s0 =	sor.u32 s1, s0  }
0xbf: {  	s0 =	sadd.s32 $0x8F2B, s0  }
0xc0: {  	[sflag:s0] =	ssyncadd.remote.s32 $0x1  }
0xc1: {  	_ =	sfence.sel $0xFFFF  }
0xc2: {  	[dreg:$0x0] =	wrdreg $0xFFFFFFFF;
	(pc) =	sbr.abs _section_cstart, $3  }
0xc3: {  	[dreg:$0x1] =	wrdreg $0xFFFFFFFF  }
0xc4: {  	_ =	task.clear_ibuf [dreg:s8], $0x2FFFF;
	_ =	strace $0x9FFFFFFF  }
0xc5: {  	(tm) =	ssettm $0x7FFFFFFF  }
tec
execute0_lowered:
.L_overlay_start_1:
0x0: {  	(tag) =	ssettag $0x1  }
0x1: {  	s0 =	rddreg [dreg:$0x0]  }
0x2: {  	s3 =	rddreg [dreg:$0x1]  }
0x3: {  	s5 =	rddreg [dreg:$0x2]  }
0x4: {  	s1 =	rddreg [dreg:$0x3];
	s2 =	simm.s32 $0x0;
	s4 =	srdreg.scid  }
0x5: {  	s15 =	stileid.u32;
	s16 =	simm.s32 $0x8000;
	s17 =	simm.s32 $0x1A080  }
0x6: {  	s19 =	simm.s32 $0x1;
	s20 =	simm.s32 $0x1B480;
	s21 =	simm.s32 $0x2  }
0x7: {  	s22 =	simm.s32 $0x400;
	s23 =	simm.s32 $0x1C880;
	s24 =	simm.s32 $0x3  }
0x8: {  	s25 =	simm.s32 $0x1DC80;
	s26 =	simm.s32 $0x4;
	s28 =	simm.s32 $0x5  }
0x9: {  	s29 =	simm.s32 $0x0;
	[smem:$0x7FF] =	sst s2;
	s4 =	sand.u32 $0x1, s4  }
0xa: {  	s7 =	sshll.u32 s15, $0x7;
	s3 =	sadd.s32 $0x600, s3;
	p0 =	sne.s32 s15, $0x0  }
0xb: {  	s15 =	simm.s32 $0x80;
	s6 =	ssub.s32 $0x2, s4;
	s4 =	sshll.u32 s4, $0xB  }
0xc: {  	_ =	strace $0x80000047;
	[dreg:$0x5] =	wrdreg s3;
	s7 =	sor.u32 s7, s4  }
0xd: {  	s18 =	sshrl.u32 @!p0 s1, $0x3;
	s8 =	sshrl.u32 s6, $0x1;
	s4 =	sadd.s32 s0, s7  }
0xe: {  	s14 =	ssub.s32 s6, s8;
	s5 =	sadd.s32 s5, s7;
	s0 =	sadd.s32 $0x28000, s4  }
0xf: {  	s7 =	sadd.s32 $0x50000, s4;
	s8 =	sadd.s32 $0x5000, s5;
	s9 =	sadd.s32 $0x78000, s4  }
0x10: {  	s10 =	sadd.s32 $0xA000, s5;
	s11 =	sadd.s32 $0xA0000, s4;
	s12 =	sadd.s32 $0xF000, s5  }
0x11: {  	s13 =	sadd.s32 $0x14000, s5;
	s14 =	smax.u32 s14, $0x1;
	[dreg:$0x6] =	wrdreg s0  }
.LBB2_1:
0x12: {  	[tilespmem:s17], [sflag:$0x2] =	stream.strided.gather [hbm4b:s4+s15], $0x1400, s16, s15, $0x38;
	[tilespmem:$0x1F080] =	vst v63  }
0x13: {  	s0 =	simm.s32 @!p0 $0x1C01;
	s1 =	rddreg [dreg:$0x5]  }
0x14: {  	[spmem:s18], [sflag:s0] =	dma.local @!p0 [hbm:s1], $0x3100  }
0x15: {  	s0 =	simm.s32 @!p0 $0x1  }
0x16: {  	_ =	swait.ge @!p0 [sflag:s0], $0x3100  }
0x17: {  	[sflag:s0] =	ssyncset.done @!p0 $0x0  }
0x18: {  	[sflag:s0] =	ssyncadd.s32 @!p0 $0xFFFFCF00  }
0x19: {  	[bflag:$0x0] =	sbarrier.arrive $0xFFFF  }
0x1a: {  	s3 =	rddreg [dreg:$0x3]  }
0x1b: {  	[tilespmem:s2], [sflag:$0x1] =	stream.linear.gather [spmem:s3], $0x18800, $0x38;
	[tilespmem:$0x1F080] =	vst v63  }
0x1c: {  	_ =	swait.ge [sflag:s19], $0x18800  }
0x1d: {  	[sflag:s19] =	ssyncset.done $0x0  }
0x1e: {  	s6 =	rddreg [dreg:$0x6];
	[sflag:s19] =	ssyncadd.s32 $0xFFFE7800  }
0x1f: {  	[tilespmem:s20], [sflag:$0x3] =	stream.strided.gather [hbm4b:s6+s15], $0x1400, s16, s15, $0x38;
	[tilespmem:$0x1F080] =	vst v63  }
0x20: {  	_ =	swait.ge [sflag:s21], $0x1400  }
0x21: {  	s30 =	simm.s32 $0xFFFFFFF8;
	[sflag:s21] =	ssyncset.done $0x0  }
0x22: {  	s31 =	simm.s32 $0x0;
	s0 =	simm.s32 $0x0;
	[sflag:s21] =	ssyncadd.s32 $0xFFFFEC00  }
.LBB2_2:
0x23: {  	s1 =	sshra.s32 s31, $0x2  }
0x24: {  	v0 =	vld [tilespmem:s1+$0x1A080];
	_ =	sdelay $0x4  }
0x25: {  	v0 =	vtrunc.f32 v0  }
0x26: {  	v0 =	vcvt.f32.s32 v0;
	_ =	sdelay $0x5  }
0x27: {  	v0 =	vld.idx.msk [tilespmem:v0+s2+$0x0], $0xffff;
	_ =	sdelay $0x1  }
0x28: {  	s3 =	sand.u32 $0x7000, s31  }
0x29: {  	s6 =	sand.u32 $0x380, s0;
	s3 =	sshrl.u32 s3, $0x2  }
0x2a: {  	s3 =	sor.u32 s6, s3  }
0x2b: {  	[tilespmem:s3+$0x1C880] =	vst v0  }
0x2c: {  	v0 =	vld [tilespmem:s1+$0x1A090];
	_ =	sdelay $0x4  }
0x2d: {  	v0 =	vtrunc.f32 v0  }
0x2e: {  	v0 =	vcvt.f32.s32 v0;
	_ =	sdelay $0x5  }
0x2f: {  	v0 =	vld.idx.msk [tilespmem:v0+s2+$0x0], $0xffff;
	_ =	sdelay $0x3  }
0x30: {  	s3 =	sadd.s32 $0x1C880, s3  }
0x31: {  	[tilespmem:s3+$0x10] =	vst v0  }
0x32: {  	v0 =	vld [tilespmem:s1+$0x1A0A0];
	_ =	sdelay $0x4  }
0x33: {  	v0 =	vtrunc.f32 v0  }
0x34: {  	v0 =	vcvt.f32.s32 v0;
	_ =	sdelay $0x5  }
0x35: {  	v0 =	vld.idx.msk [tilespmem:v0+s2+$0x0], $0xffff;
	_ =	sdelay $0x4  }
0x36: {  	[tilespmem:s3+$0x20] =	vst v0  }
0x37: {  	v0 =	vld [tilespmem:s1+$0x1A0B0];
	_ =	sdelay $0x4  }
0x38: {  	v0 =	vtrunc.f32 v0  }
0x39: {  	v0 =	vcvt.f32.s32 v0;
	_ =	sdelay $0x5  }
0x3a: {  	v0 =	vld.idx.msk [tilespmem:v0+s2+$0x0], $0xffff;
	_ =	sdelay $0x4  }
0x3b: {  	[tilespmem:s3+$0x30] =	vst v0  }
0x3c: {  	v0 =	vld [tilespmem:s1+$0x1A0C0];
	_ =	sdelay $0x4  }
0x3d: {  	v0 =	vtrunc.f32 v0  }
0x3e: {  	v0 =	vcvt.f32.s32 v0;
	_ =	sdelay $0x5  }
0x3f: {  	v0 =	vld.idx.msk [tilespmem:v0+s2+$0x0], $0xffff;
	_ =	sdelay $0x4  }
0x40: {  	[tilespmem:s3+$0x40] =	vst v0  }
0x41: {  	v0 =	vld [tilespmem:s1+$0x1A0D0];
	_ =	sdelay $0x4  }
0x42: {  	v0 =	vtrunc.f32 v0  }
0x43: {  	v0 =	vcvt.f32.s32 v0;
	_ =	sdelay $0x5  }
0x44: {  	v0 =	vld.idx.msk [tilespmem:v0+s2+$0x0], $0xffff;
	_ =	sdelay $0x4  }
0x45: {  	[tilespmem:s3+$0x50] =	vst v0  }
0x46: {  	v0 =	vld [tilespmem:s1+$0x1A0E0];
	_ =	sdelay $0x4  }
0x47: {  	v0 =	vtrunc.f32 v0  }
0x48: {  	v0 =	vcvt.f32.s32 v0;
	_ =	sdelay $0x5  }
0x49: {  	v0 =	vld.idx.msk [tilespmem:v0+s2+$0x0], $0xffff;
	_ =	sdelay $0x4  }
0x4a: {  	[tilespmem:s3+$0x60] =	vst v0  }
0x4b: {  	v0 =	vld [tilespmem:s1+$0x1A0F0];
	_ =	sdelay $0x4  }
0x4c: {  	v0 =	vtrunc.f32 v0  }
0x4d: {  	v0 =	vcvt.f32.s32 v0;
	_ =	sdelay $0x4  }
0x4e: {  	s30 =	sadd.s32 $0x8, s30  }
0x4f: {  	p1 =	slt.u32 s30, $0x138;
	v0 =	vld.idx.msk [tilespmem:v0+s2+$0x0], $0xffff  }
.Ltmp0:
0x50: {  	_ = 	snop;
	(pc) =	sbr.rel @p1 .LBB2_2-.Ltmp0, $2  }
0x51: {  	_ =	sdelay $0x2  }
0x52: {  	s0 =	sadd.s32 $0x80, s0;
	s31 =	sadd.s32 $0x200, s31;
	[tilespmem:s3+$0x70] =	vst v0  }
0x53: {  	[hbm4b:s5+s22] =	stream.strided.scatter [tilespmem:s23], [sflag:$0x4], $0x1400, s16, s22, $0x38;
	[tilespmem:$0x1F080] =	vst v63  }
0x54: {  	_ = 	snop  }
0x55: {  	[tilespmem:s17], [sflag:$0x2] =	stream.strided.gather [hbm4b:s7+s15], $0x1400, s16, s15, $0x38;
	[tilespmem:$0x1F080] =	vst v63  }
0x56: {  	_ =	swait.ge [sflag:s24], $0x1400  }
0x57: {  	s30 =	simm.s32 $0xFFFFFFF8;
	[sflag:s24] =	ssyncset.done $0x0  }
0x58: {  	s31 =	simm.s32 $0x0;
	s0 =	simm.s32 $0x0;
	[sflag:s24] =	ssyncadd.s32 $0xFFFFEC00  }
.LBB2_4:
0x59: {  	s1 =	sshra.s32 s31, $0x2  }
0x5a: {  	v0 =	vld [tilespmem:s1+$0x1B480];
	_ =	sdelay $0x4  }
0x5b: {  	v0 =	vtrunc.f32 v0  }
0x5c: {  	v0 =	vcvt.f32.s32 v0;
	_ =	sdelay $0x5  }
0x5d: {  	v0 =	vld.idx.msk [tilespmem:v0+s2+$0x0], $0xffff;
	_ =	sdelay $0x1  }
0x5e: {  	s3 =	sand.u32 $0x7000, s31  }
0x5f: {  	s6 =	sand.u32 $0x380, s0;
	s3 =	sshrl.u32 s3, $0x2  }
0x60: {  	s3 =	sor.u32 s6, s3  }
0x61: {  	[tilespmem:s3+$0x1DC80] =	vst v0  }
0x62: {  	v0 =	vld [tilespmem:s1+$0x1B490];
	_ =	sdelay $0x4  }
0x63: {  	v0 =	vtrunc.f32 v0  }
0x64: {  	v0 =	vcvt.f32.s32 v0;
	_ =	sdelay $0x5  }
0x65: {  	v0 =	vld.idx.msk [tilespmem:v0+s2+$0x0], $0xffff;
	_ =	sdelay $0x3  }
0x66: {  	s3 =	sadd.s32 $0x1DC80, s3  }
0x67: {  	[tilespmem:s3+$0x10] =	vst v0  }
0x68: {  	v0 =	vld [tilespmem:s1+$0x1B4A0];
	_ =	sdelay $0x4  }
0x69: {  	v0 =	vtrunc.f32 v0  }
0x6a: {  	v0 =	vcvt.f32.s32 v0;
	_ =	sdelay $0x5  }
0x6b: {  	v0 =	vld.idx.msk [tilespmem:v0+s2+$0x0], $0xffff;
	_ =	sdelay $0x4  }
0x6c: {  	[tilespmem:s3+$0x20] =	vst v0  }
0x6d: {  	v0 =	vld [tilespmem:s1+$0x1B4B0];
	_ =	sdelay $0x4  }
0x6e: {  	v0 =	vtrunc.f32 v0  }
0x6f: {  	v0 =	vcvt.f32.s32 v0;
	_ =	sdelay $0x5  }
0x70: {  	v0 =	vld.idx.msk [tilespmem:v0+s2+$0x0], $0xffff;
	_ =	sdelay $0x4  }
0x71: {  	[tilespmem:s3+$0x30] =	vst v0  }
0x72: {  	v0 =	vld [tilespmem:s1+$0x1B4C0];
	_ =	sdelay $0x4  }
0x73: {  	v0 =	vtrunc.f32 v0  }
0x74: {  	v0 =	vcvt.f32.s32 v0;
	_ =	sdelay $0x5  }
0x75: {  	v0 =	vld.idx.msk [tilespmem:v0+s2+$0x0], $0xffff;
	_ =	sdelay $0x4  }
0x76: {  	[tilespmem:s3+$0x40] =	vst v0  }
0x77: {  	v0 =	vld [tilespmem:s1+$0x1B4D0];
	_ =	sdelay $0x4  }
0x78: {  	v0 =	vtrunc.f32 v0  }
0x79: {  	v0 =	vcvt.f32.s32 v0;
	_ =	sdelay $0x5  }
0x7a: {  	v0 =	vld.idx.msk [tilespmem:v0+s2+$0x0], $0xffff;
	_ =	sdelay $0x4  }
0x7b: {  	[tilespmem:s3+$0x50] =	vst v0  }
0x7c: {  	v0 =	vld [tilespmem:s1+$0x1B4E0];
	_ =	sdelay $0x4  }
0x7d: {  	v0 =	vtrunc.f32 v0  }
0x7e: {  	v0 =	vcvt.f32.s32 v0;
	_ =	sdelay $0x5  }
0x7f: {  	v0 =	vld.idx.msk [tilespmem:v0+s2+$0x0], $0xffff;
	_ =	sdelay $0x4  }
0x80: {  	[tilespmem:s3+$0x60] =	vst v0  }
0x81: {  	v0 =	vld [tilespmem:s1+$0x1B4F0];
	_ =	sdelay $0x4  }
0x82: {  	v0 =	vtrunc.f32 v0  }
0x83: {  	v0 =	vcvt.f32.s32 v0;
	_ =	sdelay $0x4  }
0x84: {  	s30 =	sadd.s32 $0x8, s30  }
0x85: {  	p1 =	slt.u32 s30, $0x138;
	v0 =	vld.idx.msk [tilespmem:v0+s2+$0x0], $0xffff  }
.Ltmp1:
0x86: {  	_ = 	snop;
	(pc) =	sbr.rel @p1 .LBB2_4-.Ltmp1, $2  }
0x87: {  	_ =	sdelay $0x2  }
0x88: {  	s0 =	sadd.s32 $0x80, s0;
	s31 =	sadd.s32 $0x200, s31;
	[tilespmem:s3+$0x70] =	vst v0  }
0x89: {  	[hbm4b:s8+s22] =	stream.strided.scatter [tilespmem:s25], [sflag:$0x5], $0x1400, s16, s22, $0x38;
	[tilespmem:$0x1F080] =	vst v63  }
0x8a: {  	_ = 	snop  }
0x8b: {  	[tilespmem:s20], [sflag:$0x3] =	stream.strided.gather [hbm4b:s9+s15], $0x1400, s16, s15, $0x38;
	[tilespmem:$0x1F080] =	vst v63  }
0x8c: {  	_ =	swait.ge [sflag:s21], $0x1400  }
0x8d: {  	[sflag:s21] =	ssyncset.done $0x0  }
0x8e: {  	[sflag:s21] =	ssyncadd.s32 $0xFFFFEC00  }
0x8f: {  	_ =	swait.ge [sflag:s26], $0x1400  }
0x90: {  	s30 =	simm.s32 $0xFFFFFFF8;
	[sflag:s26] =	ssyncset.done $0x0  }
0x91: {  	s31 =	simm.s32 $0x0;
	s0 =	simm.s32 $0x0;
	[sflag:s26] =	ssyncadd.s32 $0xFFFFEC00  }
.LBB2_6:
0x92: {  	s1 =	sshra.s32 s31, $0x2  }
0x93: {  	v0 =	vld [tilespmem:s1+$0x1A080];
	_ =	sdelay $0x4  }
0x94: {  	v0 =	vtrunc.f32 v0  }
0x95: {  	v0 =	vcvt.f32.s32 v0;
	_ =	sdelay $0x5  }
0x96: {  	v0 =	vld.idx.msk [tilespmem:v0+s2+$0x0], $0xffff;
	_ =	sdelay $0x1  }
0x97: {  	s3 =	sand.u32 $0x7000, s31  }
0x98: {  	s6 =	sand.u32 $0x380, s0;
	s3 =	sshrl.u32 s3, $0x2  }
0x99: {  	s3 =	sor.u32 s6, s3  }
0x9a: {  	[tilespmem:s3+$0x1C880] =	vst v0  }
0x9b: {  	v0 =	vld [tilespmem:s1+$0x1A090];
	_ =	sdelay $0x4  }
0x9c: {  	v0 =	vtrunc.f32 v0  }
0x9d: {  	v0 =	vcvt.f32.s32 v0;
	_ =	sdelay $0x5  }
0x9e: {  	v0 =	vld.idx.msk [tilespmem:v0+s2+$0x0], $0xffff;
	_ =	sdelay $0x3  }
0x9f: {  	s3 =	sadd.s32 $0x1C880, s3  }
0xa0: {  	[tilespmem:s3+$0x10] =	vst v0  }
0xa1: {  	v0 =	vld [tilespmem:s1+$0x1A0A0];
	_ =	sdelay $0x4  }
0xa2: {  	v0 =	vtrunc.f32 v0  }
0xa3: {  	v0 =	vcvt.f32.s32 v0;
	_ =	sdelay $0x5  }
0xa4: {  	v0 =	vld.idx.msk [tilespmem:v0+s2+$0x0], $0xffff;
	_ =	sdelay $0x4  }
0xa5: {  	[tilespmem:s3+$0x20] =	vst v0  }
0xa6: {  	v0 =	vld [tilespmem:s1+$0x1A0B0];
	_ =	sdelay $0x4  }
0xa7: {  	v0 =	vtrunc.f32 v0  }
0xa8: {  	v0 =	vcvt.f32.s32 v0;
	_ =	sdelay $0x5  }
0xa9: {  	v0 =	vld.idx.msk [tilespmem:v0+s2+$0x0], $0xffff;
	_ =	sdelay $0x4  }
0xaa: {  	[tilespmem:s3+$0x30] =	vst v0  }
0xab: {  	v0 =	vld [tilespmem:s1+$0x1A0C0];
	_ =	sdelay $0x4  }
0xac: {  	v0 =	vtrunc.f32 v0  }
0xad: {  	v0 =	vcvt.f32.s32 v0;
	_ =	sdelay $0x5  }
0xae: {  	v0 =	vld.idx.msk [tilespmem:v0+s2+$0x0], $0xffff;
	_ =	sdelay $0x4  }
0xaf: {  	[tilespmem:s3+$0x40] =	vst v0  }
0xb0: {  	v0 =	vld [tilespmem:s1+$0x1A0D0];
	_ =	sdelay $0x4  }
0xb1: {  	v0 =	vtrunc.f32 v0  }
0xb2: {  	v0 =	vcvt.f32.s32 v0;
	_ =	sdelay $0x5  }
0xb3: {  	v0 =	vld.idx.msk [tilespmem:v0+s2+$0x0], $0xffff;
	_ =	sdelay $0x4  }
0xb4: {  	[tilespmem:s3+$0x50] =	vst v0  }
0xb5: {  	v0 =	vld [tilespmem:s1+$0x1A0E0];
	_ =	sdelay $0x4  }
0xb6: {  	v0 =	vtrunc.f32 v0  }
0xb7: {  	v0 =	vcvt.f32.s32 v0;
	_ =	sdelay $0x5  }
0xb8: {  	v0 =	vld.idx.msk [tilespmem:v0+s2+$0x0], $0xffff;
	_ =	sdelay $0x4  }
0xb9: {  	[tilespmem:s3+$0x60] =	vst v0  }
0xba: {  	v0 =	vld [tilespmem:s1+$0x1A0F0];
	_ =	sdelay $0x4  }
0xbb: {  	v0 =	vtrunc.f32 v0  }
0xbc: {  	v0 =	vcvt.f32.s32 v0;
	_ =	sdelay $0x4  }
0xbd: {  	s30 =	sadd.s32 $0x8, s30  }
0xbe: {  	p1 =	slt.u32 s30, $0x138;
	v0 =	vld.idx.msk [tilespmem:v0+s2+$0x0], $0xffff  }
.Ltmp2:
0xbf: {  	_ = 	snop;
	(pc) =	sbr.rel @p1 .LBB2_6-.Ltmp2, $2  }
0xc0: {  	_ =	sdelay $0x2  }
0xc1: {  	s0 =	sadd.s32 $0x80, s0;
	s31 =	sadd.s32 $0x200, s31;
	[tilespmem:s3+$0x70] =	vst v0  }
0xc2: {  	[hbm4b:s10+s22] =	stream.strided.scatter [tilespmem:s23], [sflag:$0x4], $0x1400, s16, s22, $0x38;
	[tilespmem:$0x1F080] =	vst v63  }
0xc3: {  	_ = 	snop  }
0xc4: {  	[tilespmem:s17], [sflag:$0x2] =	stream.strided.gather [hbm4b:s11+s15], $0x1400, s16, s15, $0x38;
	[tilespmem:$0x1F080] =	vst v63  }
0xc5: {  	_ =	swait.ge [sflag:s24], $0x1400  }
0xc6: {  	[sflag:s24] =	ssyncset.done $0x0  }
0xc7: {  	[sflag:s24] =	ssyncadd.s32 $0xFFFFEC00  }
0xc8: {  	_ =	swait.ge [sflag:s28], $0x1400  }
0xc9: {  	s30 =	simm.s32 $0xFFFFFFF8;
	[sflag:s28] =	ssyncset.done $0x0  }
0xca: {  	s31 =	simm.s32 $0x0;
	s0 =	simm.s32 $0x0;
	[sflag:s28] =	ssyncadd.s32 $0xFFFFEC00  }
.LBB2_8:
0xcb: {  	s1 =	sshra.s32 s31, $0x2  }
0xcc: {  	v0 =	vld [tilespmem:s1+$0x1B480];
	_ =	sdelay $0x4  }
0xcd: {  	v0 =	vtrunc.f32 v0  }
0xce: {  	v0 =	vcvt.f32.s32 v0;
	_ =	sdelay $0x5  }
0xcf: {  	v0 =	vld.idx.msk [tilespmem:v0+s2+$0x0], $0xffff;
	_ =	sdelay $0x1  }
0xd0: {  	s3 =	sand.u32 $0x7000, s31  }
0xd1: {  	s6 =	sand.u32 $0x380, s0;
	s3 =	sshrl.u32 s3, $0x2  }
0xd2: {  	s3 =	sor.u32 s6, s3  }
0xd3: {  	[tilespmem:s3+$0x1DC80] =	vst v0  }
0xd4: {  	v0 =	vld [tilespmem:s1+$0x1B490];
	_ =	sdelay $0x4  }
0xd5: {  	v0 =	vtrunc.f32 v0  }
0xd6: {  	v0 =	vcvt.f32.s32 v0;
	_ =	sdelay $0x5  }
0xd7: {  	v0 =	vld.idx.msk [tilespmem:v0+s2+$0x0], $0xffff;
	_ =	sdelay $0x3  }
0xd8: {  	s3 =	sadd.s32 $0x1DC80, s3  }
0xd9: {  	[tilespmem:s3+$0x10] =	vst v0  }
0xda: {  	v0 =	vld [tilespmem:s1+$0x1B4A0];
	_ =	sdelay $0x4  }
0xdb: {  	v0 =	vtrunc.f32 v0  }
0xdc: {  	v0 =	vcvt.f32.s32 v0;
	_ =	sdelay $0x5  }
0xdd: {  	v0 =	vld.idx.msk [tilespmem:v0+s2+$0x0], $0xffff;
	_ =	sdelay $0x4  }
0xde: {  	[tilespmem:s3+$0x20] =	vst v0  }
0xdf: {  	v0 =	vld [tilespmem:s1+$0x1B4B0];
	_ =	sdelay $0x4  }
0xe0: {  	v0 =	vtrunc.f32 v0  }
0xe1: {  	v0 =	vcvt.f32.s32 v0;
	_ =	sdelay $0x5  }
0xe2: {  	v0 =	vld.idx.msk [tilespmem:v0+s2+$0x0], $0xffff;
	_ =	sdelay $0x4  }
0xe3: {  	[tilespmem:s3+$0x30] =	vst v0  }
0xe4: {  	v0 =	vld [tilespmem:s1+$0x1B4C0];
	_ =	sdelay $0x4  }
0xe5: {  	v0 =	vtrunc.f32 v0  }
0xe6: {  	v0 =	vcvt.f32.s32 v0;
	_ =	sdelay $0x5  }
0xe7: {  	v0 =	vld.idx.msk [tilespmem:v0+s2+$0x0], $0xffff;
	_ =	sdelay $0x4  }
0xe8: {  	[tilespmem:s3+$0x40] =	vst v0  }
0xe9: {  	v0 =	vld [tilespmem:s1+$0x1B4D0];
	_ =	sdelay $0x4  }
0xea: {  	v0 =	vtrunc.f32 v0  }
0xeb: {  	v0 =	vcvt.f32.s32 v0;
	_ =	sdelay $0x5  }
0xec: {  	v0 =	vld.idx.msk [tilespmem:v0+s2+$0x0], $0xffff;
	_ =	sdelay $0x4  }
0xed: {  	[tilespmem:s3+$0x50] =	vst v0  }
0xee: {  	v0 =	vld [tilespmem:s1+$0x1B4E0];
	_ =	sdelay $0x4  }
0xef: {  	v0 =	vtrunc.f32 v0  }
0xf0: {  	v0 =	vcvt.f32.s32 v0;
	_ =	sdelay $0x5  }
0xf1: {  	v0 =	vld.idx.msk [tilespmem:v0+s2+$0x0], $0xffff;
	_ =	sdelay $0x4  }
0xf2: {  	[tilespmem:s3+$0x60] =	vst v0  }
0xf3: {  	v0 =	vld [tilespmem:s1+$0x1B4F0];
	_ =	sdelay $0x4  }
0xf4: {  	v0 =	vtrunc.f32 v0  }
0xf5: {  	v0 =	vcvt.f32.s32 v0;
	_ =	sdelay $0x4  }
0xf6: {  	s30 =	sadd.s32 $0x8, s30  }
0xf7: {  	p1 =	slt.u32 s30, $0x138;
	v0 =	vld.idx.msk [tilespmem:v0+s2+$0x0], $0xffff  }
.Ltmp3:
0xf8: {  	_ = 	snop;
	(pc) =	sbr.rel @p1 .LBB2_8-.Ltmp3, $2  }
0xf9: {  	_ =	sdelay $0x2  }
0xfa: {  	s0 =	sadd.s32 $0x80, s0;
	s31 =	sadd.s32 $0x200, s31;
	[tilespmem:s3+$0x70] =	vst v0  }
0xfb: {  	[hbm4b:s12+s22] =	stream.strided.scatter [tilespmem:s25], [sflag:$0x5], $0x1400, s16, s22, $0x38;
	[tilespmem:$0x1F080] =	vst v63  }
0xfc: {  	_ =	swait.ge [sflag:s21], $0x1400  }
0xfd: {  	[sflag:s21] =	ssyncset.done $0x0  }
0xfe: {  	[sflag:s21] =	ssyncadd.s32 $0xFFFFEC00  }
0xff: {  	_ =	swait.ge [sflag:s26], $0x1400  }
0x100: {  	s30 =	simm.s32 $0xFFFFFFF8;
	[sflag:s26] =	ssyncset.done $0x0  }
0x101: {  	s31 =	simm.s32 $0x0;
	s0 =	simm.s32 $0x0;
	[sflag:s26] =	ssyncadd.s32 $0xFFFFEC00  }
.LBB2_10:
0x102: {  	s1 =	sshra.s32 s31, $0x2  }
0x103: {  	v0 =	vld [tilespmem:s1+$0x1A080];
	_ =	sdelay $0x4  }
0x104: {  	v0 =	vtrunc.f32 v0  }
0x105: {  	v0 =	vcvt.f32.s32 v0;
	_ =	sdelay $0x5  }
0x106: {  	v0 =	vld.idx.msk [tilespmem:v0+s2+$0x0], $0xffff;
	_ =	sdelay $0x1  }
0x107: {  	s3 =	sand.u32 $0x7000, s31  }
0x108: {  	s6 =	sand.u32 $0x380, s0;
	s3 =	sshrl.u32 s3, $0x2  }
0x109: {  	s3 =	sor.u32 s6, s3  }
0x10a: {  	[tilespmem:s3+$0x1C880] =	vst v0  }
0x10b: {  	v0 =	vld [tilespmem:s1+$0x1A090];
	_ =	sdelay $0x4  }
0x10c: {  	v0 =	vtrunc.f32 v0  }
0x10d: {  	v0 =	vcvt.f32.s32 v0;
	_ =	sdelay $0x5  }
0x10e: {  	v0 =	vld.idx.msk [tilespmem:v0+s2+$0x0], $0xffff;
	_ =	sdelay $0x3  }
0x10f: {  	s3 =	sadd.s32 $0x1C880, s3  }
0x110: {  	[tilespmem:s3+$0x10] =	vst v0  }
0x111: {  	v0 =	vld [tilespmem:s1+$0x1A0A0];
	_ =	sdelay $0x4  }
0x112: {  	v0 =	vtrunc.f32 v0  }
0x113: {  	v0 =	vcvt.f32.s32 v0;
	_ =	sdelay $0x5  }
0x114: {  	v0 =	vld.idx.msk [tilespmem:v0+s2+$0x0], $0xffff;
	_ =	sdelay $0x4  }
0x115: {  	[tilespmem:s3+$0x20] =	vst v0  }
0x116: {  	v0 =	vld [tilespmem:s1+$0x1A0B0];
	_ =	sdelay $0x4  }
0x117: {  	v0 =	vtrunc.f32 v0  }
0x118: {  	v0 =	vcvt.f32.s32 v0;
	_ =	sdelay $0x5  }
0x119: {  	v0 =	vld.idx.msk [tilespmem:v0+s2+$0x0], $0xffff;
	_ =	sdelay $0x4  }
0x11a: {  	[tilespmem:s3+$0x30] =	vst v0  }
0x11b: {  	v0 =	vld [tilespmem:s1+$0x1A0C0];
	_ =	sdelay $0x4  }
0x11c: {  	v0 =	vtrunc.f32 v0  }
0x11d: {  	v0 =	vcvt.f32.s32 v0;
	_ =	sdelay $0x5  }
0x11e: {  	v0 =	vld.idx.msk [tilespmem:v0+s2+$0x0], $0xffff;
	_ =	sdelay $0x4  }
0x11f: {  	[tilespmem:s3+$0x40] =	vst v0  }
0x120: {  	v0 =	vld [tilespmem:s1+$0x1A0D0];
	_ =	sdelay $0x4  }
0x121: {  	v0 =	vtrunc.f32 v0  }
0x122: {  	v0 =	vcvt.f32.s32 v0;
	_ =	sdelay $0x5  }
0x123: {  	v0 =	vld.idx.msk [tilespmem:v0+s2+$0x0], $0xffff;
	_ =	sdelay $0x4  }
0x124: {  	[tilespmem:s3+$0x50] =	vst v0  }
0x125: {  	v0 =	vld [tilespmem:s1+$0x1A0E0];
	_ =	sdelay $0x4  }
0x126: {  	v0 =	vtrunc.f32 v0  }
0x127: {  	v0 =	vcvt.f32.s32 v0;
	_ =	sdelay $0x5  }
0x128: {  	v0 =	vld.idx.msk [tilespmem:v0+s2+$0x0], $0xffff;
	_ =	sdelay $0x4  }
0x129: {  	[tilespmem:s3+$0x60] =	vst v0  }
0x12a: {  	v0 =	vld [tilespmem:s1+$0x1A0F0];
	_ =	sdelay $0x4  }
0x12b: {  	v0 =	vtrunc.f32 v0  }
0x12c: {  	v0 =	vcvt.f32.s32 v0;
	_ =	sdelay $0x4  }
0x12d: {  	s30 =	sadd.s32 $0x8, s30  }
0x12e: {  	p1 =	slt.u32 s30, $0x138;
	v0 =	vld.idx.msk [tilespmem:v0+s2+$0x0], $0xffff  }
.Ltmp4:
0x12f: {  	_ = 	snop;
	(pc) =	sbr.rel @p1 .LBB2_10-.Ltmp4, $2  }
0x130: {  	_ =	sdelay $0x2  }
0x131: {  	s0 =	sadd.s32 $0x80, s0;
	s31 =	sadd.s32 $0x200, s31;
	[tilespmem:s3+$0x70] =	vst v0  }
0x132: {  	[hbm4b:s13+s22] =	stream.strided.scatter [tilespmem:s23], [sflag:$0x4], $0x1400, s16, s22, $0x38;
	[tilespmem:$0x1F080] =	vst v63  }
0x133: {  	s29 =	sadd.s32 $0x1, s29  }
0x134: {  	_ =	swait.ge [sflag:s26], $0x1400;
	p1 =	sne.s32 s29, s14  }
.Ltmp5:
0x135: {  	[sflag:s26] =	ssyncset.done $0x0;
	(pc) =	sbr.rel @p1 .LBB2_1-.Ltmp5, $4  }
0x136: {  	[sflag:s26] =	ssyncadd.s32 $0xFFFFEC00  }
0x137: {  	_ =	swait.ge [sflag:s28], $0x1400  }
0x138: {  	[sflag:s28] =	ssyncset.done $0x0  }
0x139: {  	[sflag:s28] =	ssyncadd.s32 $0xFFFFEC00  }
0x13a: {  	_ =	sfence.sel $0x180000  }
0x13b: {  	[bflag:$0x0] =	sbarrier.arrive $0xFFFF  }
0x13c: {  	_ =	strace $0x90000047  }
0x13d: {  	[bflag:$0x2] =	sbarrier.arrive $0xFFFF  }
0x13e: {  	s0 =	rddreg [dreg:$0x4]  }
0x13f: {  	s0 =	sadd.s32 @!p0 $0x100000, s0  }
0x140: {  	[sflag:s0] =	ssyncadd.tile.s32 @!p0 $0x1;
	_ =	shalt  }
.Lfunc_end2:
_tile_overlayer_lowered:
.L_overlay_start_2:
0x141: {  	(tag) =	ssettag $0x2  }
0x142: {  	s0 =	rddreg [dreg:$0x0];
	s2 =	stileid.u32  }
0x143: {  	s1 =	rddreg [dreg:$0x1];
	p0 =	sne.s32 s2, $0x0  }
0x144: {  	s3 =	rddreg [dreg:$0x2];
	[bflag:$0x3] =	sbarrier.arrive $0xFFFF;
	s2 =	simm.s32 @!p0 $0x1C06  }
0x145: {  	[timem:s3], [sflag:s2] =	dma.local @!p0 [hbm:s0], s1  }
0x146: {  	s0 =	simm.s32 @!p0 $0x6  }
0x147: {  	_ =	swait.ge @!p0 [sflag:s0], s1  }
0x148: {  	s1 =	ssub.s32 @!p0 $0x0, s1;
	[sflag:s0] =	ssyncset.done @!p0 $0x0  }
0x149: {  	[sflag:s0] =	ssyncadd.s32 @!p0 s1  }
0x14a: {  	[bflag:$0x3] =	sbarrier.arrive $0xFFFF  }
0x14b: {  	_ =	shalt  }

</sc_bundles>
